<compile_context>
chip_gen: v7x
topology: tpu7x:2x2x1
jax: 0.10.2.dev20260603
libtpu: 0.0.44.dev20260713+nightly
codegen_flags: <defaults>
</compile_context>

<pallas_src>
import jax
import jax.numpy as jnp
from jax import lax
from jax.experimental import pallas as pl
from jax.experimental.pallas import tpu as pltpu
from jax.experimental.pallas import tpu_sc as plsc

N = 10000
NPAD = 10240
NB = 1024
E = 320000
NC = 2
NS = 16
CH = 125
GRP = 10
ZB = 32
RPT = NPAD // NS
HR = NPAD // 128
HRT = HR // NS
F32 = jnp.float32



_MESH = dict(core_axis_name="c", subcore_axis_name="s")
_SC_PARAMS = pltpu.CompilerParams(needs_layout_passes=False)
_EPT_DEG = E // (NC * NS)


def _deg_body(dst_hbm, out_hbm, idx_v, hist_v, iv, acc_sh):
    c = lax.axis_index("c")
    s = lax.axis_index("s")
    wid = c * NS + s
    pltpu.sync_copy(dst_hbm.at[wid], idx_v)

    def zrow(r, carry):
        def zcol(k, carry2):
            hist_v[r, pl.ds(k * 16, 16)] = jnp.zeros((16,), F32)
            return carry2

        return lax.fori_loop(0, 8, zcol, carry)

    lax.fori_loop(0, HR, zrow, 0)

    def fill(j, carry):
        iv[0, pl.ds(j * 16, 16)] = lax.iota(jnp.int32, 16) + j * 16
        return carry

    lax.fori_loop(0, HR // 16, fill, 0)
    pltpu.sync_copy(hist_v.at[pl.ds(0, HRT)], acc_sh.at[pl.ds(s * HRT, HRT)])
    plsc.subcore_barrier()

    ones = jnp.ones((16,), F32)

    def acc(i, carry):
        idx = idx_v[0, pl.ds(i * 16, 16)]
        rows = lax.shift_right_logical(idx, 7)
        lanes = lax.bitwise_and(idx, 127)
        plsc.addupdate_scatter(hist_v, [rows, lanes], ones)
        return carry

    lax.fori_loop(0, _EPT_DEG // 16, acc, 0)

    pltpu.sync_copy(hist_v, acc_sh.at[iv.at[0]], add=True)
    plsc.subcore_barrier()
    pltpu.sync_copy(acc_sh.at[pl.ds(s * HRT, HRT)], hist_v.at[pl.ds(0, HRT)])
    pltpu.sync_copy(hist_v.at[pl.ds(0, HRT)], out_hbm.at[c, s])


def _deg(dst32):
    k = pl.kernel(
        _deg_body,
        out_type=jax.ShapeDtypeStruct((NC, NS, HRT, 128), F32),
        mesh=plsc.VectorSubcoreMesh(**_MESH),
        compiler_params=_SC_PARAMS,
        scratch_types=[
            pltpu.VMEM((1, _EPT_DEG), jnp.int32),
            pltpu.VMEM((HR, 128), F32),
            pltpu.VMEM((1, HR), jnp.int32),
            pltpu.VMEM_SHARED((HR, 128), F32),
        ],
    )
    return k(dst32.reshape(NC * NS, 1, _EPT_DEG))


def _make_prop(n_chunks, feat_split):

    NG = n_chunks // GRP

    def body(table, src_hbm, dst_hbm, out_hbm, sva, dva, svb, dvb, g0, g1,
             zb, acc_sh, sem0, sem1, isem):
        c = lax.axis_index("c")
        s = lax.axis_index("s")
        tc = c if feat_split else 0

        def load_idx(g, sv, dv):
            if feat_split:
                pltpu.async_copy(src_hbm.at[s, g], sv, isem)
                pltpu.async_copy(dst_hbm.at[s, g], dv, isem)
            else:
                pltpu.async_copy(src_hbm.at[c, s, g], sv, isem)
                pltpu.async_copy(dst_hbm.at[c, s, g], dv, isem)

        def wait_idx(g, sv, dv):
            if feat_split:
                pltpu.make_async_copy(src_hbm.at[s, g], sv, isem).wait()
                pltpu.make_async_copy(dst_hbm.at[s, g], dv, isem).wait()
            else:
                pltpu.make_async_copy(src_hbm.at[c, s, g], sv, isem).wait()
                pltpu.make_async_copy(dst_hbm.at[c, s, g], dv, isem).wait()

        def zrow(r, carry):
            def zcol(k, carry2):
                zb[r, pl.ds(k * 16, 16)] = jnp.zeros((16,), F32)
                return carry2

            return lax.fori_loop(0, 8, zcol, carry)

        lax.fori_loop(0, ZB, zrow, 0)
        load_idx(0, sva, dva)

        def zcp(j, carry):
            pltpu.async_copy(zb, acc_sh.at[pl.ds(s * RPT + j * ZB, ZB)], sem0)
            return carry

        lax.fori_loop(0, RPT // ZB, zcp, 0)

        def zwt(j, carry):
            pltpu.make_async_copy(
                zb, acc_sh.at[pl.ds(s * RPT + j * ZB, ZB)], sem0).wait()
            return carry

        lax.fori_loop(0, RPT // ZB, zwt, 0)
        wait_idx(0, sva, dva)
        pltpu.async_copy(table.at[tc].at[sva.at[0]], g0, sem0)
        plsc.subcore_barrier()

        def do_pair(sv, dv, j0, pf):
            j1 = j0 + 1
            pltpu.async_copy(table.at[tc].at[sv.at[j1]], g1, sem1)
            pltpu.make_async_copy(table.at[tc].at[sv.at[j0]], g0, sem0).wait()
            pltpu.sync_copy(g0, acc_sh.at[dv.at[j0]], add=True)
            if pf is not None:
                pltpu.async_copy(table.at[tc].at[pf[0].at[pf[1]]], g0, sem0)
            pltpu.make_async_copy(table.at[tc].at[sv.at[j1]], g1, sem1).wait()
            pltpu.sync_copy(g1, acc_sh.at[dv.at[j1]], add=True)

        def mid_pairs(sv, dv):
            def pp(p, carry2):
                do_pair(sv, dv, p * 2, (sv, p * 2 + 2))
                return carry2

            lax.fori_loop(0, GRP // 2 - 1, pp, 0)

        def two_groups(k, carry):
            gb = 2 * k + 1
            gn = jnp.minimum(gb + 1, NG - 1)
            load_idx(gb, svb, dvb)
            mid_pairs(sva, dva)
            wait_idx(gb, svb, dvb)
            do_pair(sva, dva, GRP - 2, (svb, 0))
            load_idx(gn, sva, dva)
            mid_pairs(svb, dvb)
            wait_idx(gn, sva, dva)
            do_pair(svb, dvb, GRP - 2, (sva, 0))
            return carry

        lax.fori_loop(0, NG // 2 - 1, two_groups, 0)
        load_idx(NG - 1, svb, dvb)
        mid_pairs(sva, dva)
        wait_idx(NG - 1, svb, dvb)
        do_pair(sva, dva, GRP - 2, (svb, 0))
        mid_pairs(svb, dvb)
        do_pair(svb, dvb, GRP - 2, None)
        plsc.subcore_barrier()

        pltpu.sync_copy(acc_sh.at[pl.ds(s * RPT, RPT)],
                        out_hbm.at[c, pl.ds(s * RPT, RPT)])

    return pl.kernel(
        body,
        out_type=jax.ShapeDtypeStruct((NC, NPAD, 128), F32),
        mesh=plsc.VectorSubcoreMesh(**_MESH),
        compiler_params=_SC_PARAMS,
        scratch_types=[
            pltpu.VMEM((GRP, CH), jnp.int32),
            pltpu.VMEM((GRP, CH), jnp.int32),
            pltpu.VMEM((GRP, CH), jnp.int32),
            pltpu.VMEM((GRP, CH), jnp.int32),
            pltpu.VMEM((CH, 128), F32),
            pltpu.VMEM((CH, 128), F32),
            pltpu.VMEM((ZB, 128), F32),
            pltpu.VMEM_SHARED((NPAD, 128), F32),
            pltpu.SemaphoreType.DMA,
            pltpu.SemaphoreType.DMA,
            pltpu.SemaphoreType.DMA,
        ],
    )




def _dinv_of(dT_blk):
    return lax.rsqrt(jnp.sum(dT_blk, axis=1, keepdims=True) + 1.0)


def _tc1_body(x_ref, w_ref, dT_ref, y_ref):
    dinv = _dinv_of(dT_ref[...])
    xw = jnp.dot(x_ref[...], w_ref[...], preferred_element_type=F32)
    y = xw * dinv
    y_ref[0] = y[:, :128]
    y_ref[1] = y[:, 128:]


def _tc1(x, W1, degT, interpret=False):
    return pl.pallas_call(
        _tc1_body,
        grid=(NPAD // NB,),
        in_specs=[
            pl.BlockSpec((NB, 128), lambda i: (i, 0)),
            pl.BlockSpec((128, 256), lambda i: (0, 0)),
            pl.BlockSpec((NB, NC), lambda i: (i, 0)),
        ],
        out_specs=pl.BlockSpec((2, NB, 128), lambda i: (0, i, 0)),
        out_shape=jax.ShapeDtypeStruct((2, NPAD, 128), F32),
        interpret=interpret,
    )(x, W1, degT)


def _tc2_body(a_ref, y_ref, dT_ref, w2_ref, b1_ref, o_ref):
    dinv = _dinv_of(dT_ref[...])
    h = jnp.concatenate([a_ref[0] + y_ref[0], a_ref[1] + y_ref[1]], axis=1)
    h = jnp.maximum(h * dinv + b1_ref[...], 0.0)
    o_ref[...] = jnp.dot(h, w2_ref[...], preferred_element_type=F32) * dinv


def _tc2(acc1, y1, degT, W2, b1r, interpret=False):
    return pl.pallas_call(
        _tc2_body,
        grid=(NPAD // NB,),
        in_specs=[
            pl.BlockSpec((2, NB, 128), lambda i: (0, i, 0)),
            pl.BlockSpec((2, NB, 128), lambda i: (0, i, 0)),
            pl.BlockSpec((NB, NC), lambda i: (i, 0)),
            pl.BlockSpec((256, 128), lambda i: (0, 0)),
            pl.BlockSpec((1, 256), lambda i: (0, 0)),
        ],
        out_specs=pl.BlockSpec((NB, 128), lambda i: (i, 0)),
        out_shape=jax.ShapeDtypeStruct((NPAD, 128), F32),
        interpret=interpret,
    )(acc1, y1, degT, W2, b1r)


def _tc3_body(a_ref, y_ref, dT_ref, b2_ref, wc_ref, bc_ref, o_ref):
    dinv = _dinv_of(dT_ref[...])
    h = jnp.maximum((a_ref[0] + a_ref[1] + y_ref[...]) * dinv + b2_ref[...], 0.0)
    logits = jnp.dot(h, wc_ref[...], preferred_element_type=F32) + bc_ref[...]
    m = jnp.max(logits, axis=1, keepdims=True)
    lse = jnp.log(jnp.sum(jnp.exp(logits - m), axis=1, keepdims=True))
    o_ref[...] = logits - m - lse


def _tc3(acc2, y2, degT, b2r, Wc, bcr, interpret=False):
    return pl.pallas_call(
        _tc3_body,
        grid=(NPAD // NB,),
        in_specs=[
            pl.BlockSpec((2, NB, 128), lambda i: (0, i, 0)),
            pl.BlockSpec((NB, 128), lambda i: (i, 0)),
            pl.BlockSpec((NB, NC), lambda i: (i, 0)),
            pl.BlockSpec((1, 128), lambda i: (0, 0)),
            pl.BlockSpec((128, 10), lambda i: (0, 0)),
            pl.BlockSpec((1, 10), lambda i: (0, 0)),
        ],
        out_specs=pl.BlockSpec((NB, 10), lambda i: (i, 0)),
        out_shape=jax.ShapeDtypeStruct((N, 10), F32),
        interpret=interpret,
    )(acc2, y2, degT, b2r, Wc, bcr)




def kernel(x, edge_index, W1, b1, W2, b2, Wc, bc):
    ei = edge_index.astype(jnp.int32)
    src = ei[0]
    dst = ei[1]

    degp = _deg(dst).reshape(NC, NPAD)
    degT = degp.T

    y1 = _tc1(x, W1, degT)

    nch1 = E // (NS * CH)
    src1 = src.reshape(NS, nch1 // GRP, GRP, CH)
    dst1 = dst.reshape(NS, nch1 // GRP, GRP, CH)
    acc1 = _make_prop(nch1, True)(y1, src1, dst1)

    y2 = _tc2(acc1, y1, degT, W2, b1.reshape(1, 256))

    nch2 = E // (NC * NS * CH)
    src2 = src.reshape(NC, NS, nch2 // GRP, GRP, CH)
    dst2 = dst.reshape(NC, NS, nch2 // GRP, GRP, CH)
    acc2 = _make_prop(nch2, False)(y2.reshape(1, NPAD, 128), src2, dst2)

    return _tc3(acc2, y2, degT, b2.reshape(1, 128), Wc, bc.reshape(1, 10))

# --- scband reference (transcript-rebuilt; emitter-appended) ---
"""Pipeline reference for scband-mo-gcn-89223650607679 (READ-ONLY COPY).

The authoritative reference and input builder live on the scoring server;
editing this copy changes nothing except your own understanding.
"""

import jax, jax.numpy as jnp
import numpy as np

N_NODES = 10000


def gcn_conv(x, edge_index, W, b):
    # Linear transform
    xw = x @ W
    src = edge_index[0]
    dst = edge_index[1]
    # Add self loops (PyG GCNConv default add_self_loops=True)
    loop = jnp.arange(N_NODES, dtype=src.dtype)
    src = jnp.concatenate([src, loop])
    dst = jnp.concatenate([dst, loop])
    # Symmetric normalization: deg computed on dst (in-degree incl. self loops)
    deg = jnp.zeros((N_NODES,), dtype=x.dtype).at[dst].add(1.0)
    dinv = jnp.where(deg > 0, deg ** -0.5, 0.0)
    norm = dinv[src] * dinv[dst]
    msg = xw[src] * norm[:, None]
    out = jax.ops.segment_sum(msg, dst, num_segments=N_NODES)
    return out + b


def setup_inputs(seed: int = 0) -> dict:
    key = jax.random.key(seed)
    ks = jax.random.split(key, 8)
    input_dim, hidden_dim, output_dim = 128, 256, 10
    x = jax.random.normal(ks[0], (N_NODES, input_dim), dtype=jnp.float32)
    edge_index = jax.random.randint(ks[1], (2, 320000), 0, N_NODES, dtype=jnp.int64)
    s1 = 1.0 / np.sqrt(input_dim)
    s2 = 1.0 / np.sqrt(hidden_dim)
    s3 = 1.0 / np.sqrt(hidden_dim // 2)
    W1 = jax.random.uniform(ks[2], (input_dim, hidden_dim), minval=-s1, maxval=s1, dtype=jnp.float32)
    b1 = jnp.zeros((hidden_dim,), dtype=jnp.float32)
    W2 = jax.random.uniform(ks[3], (hidden_dim, hidden_dim // 2), minval=-s2, maxval=s2, dtype=jnp.float32)
    b2 = jnp.zeros((hidden_dim // 2,), dtype=jnp.float32)
    Wc = jax.random.uniform(ks[4], (hidden_dim // 2, output_dim), minval=-s3, maxval=s3, dtype=jnp.float32)
    bc = jax.random.uniform(ks[5], (output_dim,), minval=-s3, maxval=s3, dtype=jnp.float32)
    return {"x": x, "edge_index": edge_index, "W1": W1, "b1": b1, "W2": W2, "b2": b2, "Wc": Wc, "bc": bc}


def reference(x, edge_index, W1, b1, W2, b2, Wc, bc):
    h = gcn_conv(x, edge_index, W1, b1)
    h = jax.nn.relu(h)
    # dropout p=0.2 is identity in eval mode
    h = gcn_conv(h, edge_index, W2, b2)
    h = jax.nn.relu(h)
    logits = h @ Wc + bc
    return jax.nn.log_softmax(logits, axis=1)

if __name__ == "__main__":
    import jax
    _d = setup_inputs()
    print(jax.jit(kernel)(*tuple(_d.values())))

</pallas_src>

<mosaic_0001>
#map = affine_map<(d0, d1) -> (0, 0, 0)>
#map1 = affine_map<(d0, d1) -> (0, 0, 0, 0)>
module attributes {stable_mosaic.version = 14 : i64} {
  func.func @_deg_body(%arg0: i32, %arg1: i32, %arg2: memref<32x1x10000xi32, #tpu.memory_space<hbm>>, %arg3: memref<2x16x5x128xf32, #tpu.memory_space<hbm>>, %arg4: memref<1x10000xi32, #tpu.memory_space<vmem>>, %arg5: memref<80x128xf32, #tpu.memory_space<vmem>>, %arg6: memref<1x80xi32, #tpu.memory_space<vmem>>, %arg7: memref<80x128xf32, #tpu.memory_space<vmem_shared>>) attributes {dimension_semantics = [#tpu.dimension_semantics<core_parallel>, #tpu.dimension_semantics<subcore_parallel>], iteration_bounds = array<i64: 2, 16>, scalar_prefetch = 0 : i64, scratch_operands = 4 : i64, tpu.core_type = #tpu.core_type<sc_vector_subcore>, window_params = [{transform_indices = #map}, {transform_indices = #map1}]} {
    %mul3A = arith.constant 16 : i32
    %mul3A_0 = arith.muli %arg0, %mul3A : i32
    %add3A = arith.addi %mul3A_0, %arg1 : i32
    "tpu.region"() ({
      %run_scoped3A_24 = tpu.sem_alloc : memref<!tpu.dma_semaphore, #tpu.memory_space<semaphore_mem>>
      %dma_start3A = arith.constant 0 : i32
      %dma_start3A_25 = arith.constant 0 : i32
      %dma_start3A_26 = tpu.memref_slice %arg2[%add3A, %dma_start3A, %dma_start3A_25] : memref<32x1x10000xi32, #tpu.memory_space<hbm>> -> memref<1x1x10000xi32, #tpu.memory_space<hbm>>
      %dma_start3A_27 = tpu.memref_squeeze %dma_start3A_26 : memref<1x1x10000xi32, #tpu.memory_space<hbm>> -> memref<1x10000xi32, #tpu.memory_space<hbm>>
      %dma_start3A_28 = arith.constant 0 : i32
      %dma_start3A_29 = arith.constant 0 : i32
      %dma_start3A_30 = tpu.memref_slice %arg2[%add3A, %dma_start3A_28, %dma_start3A_29] : memref<32x1x10000xi32, #tpu.memory_space<hbm>> -> memref<1x1x10000xi32, #tpu.memory_space<hbm>>
      %dma_start3A_31 = tpu.memref_squeeze %dma_start3A_30 : memref<1x1x10000xi32, #tpu.memory_space<hbm>> -> memref<1x10000xi32, #tpu.memory_space<hbm>>
      tpu.enqueue_dma source(%dma_start3A_31 : memref<1x10000xi32, #tpu.memory_space<hbm>>) target(%arg4 : memref<1x10000xi32, #tpu.memory_space<vmem>>) target_semaphore(%run_scoped3A_24 : memref<!tpu.dma_semaphore, #tpu.memory_space<semaphore_mem>>)
      %dma_wait3A = arith.constant 0 : i32
      %dma_wait3A_32 = arith.constant 0 : i32
      %dma_wait3A_33 = tpu.memref_slice %arg2[%add3A, %dma_wait3A, %dma_wait3A_32] : memref<32x1x10000xi32, #tpu.memory_space<hbm>> -> memref<1x1x10000xi32, #tpu.memory_space<hbm>>
      %dma_wait3A_34 = tpu.memref_squeeze %dma_wait3A_33 : memref<1x1x10000xi32, #tpu.memory_space<hbm>> -> memref<1x10000xi32, #tpu.memory_space<hbm>>
      %dma_wait3A_35 = arith.constant 0 : i32
      %dma_wait3A_36 = arith.constant 0 : i32
      %dma_wait3A_37 = tpu.memref_slice %arg2[%add3A, %dma_wait3A_35, %dma_wait3A_36] : memref<32x1x10000xi32, #tpu.memory_space<hbm>> -> memref<1x1x10000xi32, #tpu.memory_space<hbm>>
      %dma_wait3A_38 = tpu.memref_squeeze %dma_wait3A_37 : memref<1x1x10000xi32, #tpu.memory_space<hbm>> -> memref<1x10000xi32, #tpu.memory_space<hbm>>
      tpu.wait_dma2 semaphore(%run_scoped3A_24 : memref<!tpu.dma_semaphore, #tpu.memory_space<semaphore_mem>>) src(%dma_wait3A_38 : memref<1x10000xi32, #tpu.memory_space<hbm>>) dst(%arg4 : memref<1x10000xi32, #tpu.memory_space<vmem>>)
      tpu.yield
    }) : () -> ()
    %scan3A = arith.constant 0 : i32
    %scan3A_1 = arith.constant 0 : i32
    %scan3A_2 = arith.constant 80 : i32
    %scan3A_3 = arith.addi %scan3A_1, %scan3A_2 : i32
    %scan3A_4 = arith.constant 1 : i32
    scf.for %scan3A_24 = %scan3A_1 to %scan3A_3 step %scan3A_4  : i32 {
      %scan3A_25 = arith.constant 0 : i32
      %scan3A_26 = arith.constant 8 : i32
      %scan3A_27 = arith.addi %scan3A_25, %scan3A_26 : i32
      %scan3A_28 = arith.constant 1 : i32
      scf.for %scan3A_30 = %scan3A_25 to %scan3A_27 step %scan3A_28  : i32 {
        %broadcast_in_dim3A_31 = arith.constant 0.000000e+00 : f32
        %broadcast_in_dim3A_32 = vector.broadcast %broadcast_in_dim3A_31 : f32 to vector<16xf32>
        %mul3A_33 = arith.constant 16 : i32
        %mul3A_34 = arith.muli %scan3A_30, %mul3A_33 : i32
        %swap3A = arith.index_cast %scan3A_24 : i32 to index
        %swap3A_35 = arith.index_cast %mul3A_34 : i32 to index
        %swap3A_36 = tpu.vector_load %arg5[%swap3A, %swap3A_35] {strides = array<i32>} : memref<80x128xf32, #tpu.memory_space<vmem>>, vector<16xf32>,
        tpu.vector_store %arg5[%swap3A, %swap3A_35], %broadcast_in_dim3A_32 {strides = array<i32>} : memref<80x128xf32, #tpu.memory_space<vmem>>, vector<16xf32>,
      }
      %scan3A_29 = arith.constant 8 : i32
    }
    %scan3A_5 = arith.constant 80 : i32
    %scan3A_6 = arith.constant 0 : i32
    %scan3A_7 = arith.constant 0 : i32
    %scan3A_8 = arith.constant 5 : i32
    %scan3A_9 = arith.addi %scan3A_7, %scan3A_8 : i32
    %scan3A_10 = arith.constant 1 : i32
    scf.for %scan3A_24 = %scan3A_7 to %scan3A_9 step %scan3A_10  : i32 {
      %iota3A = tpu.iota {dimensions = array<i32: 0>} : vector<16xi32>
      %mul3A_25 = arith.constant 16 : i32
      %mul3A_26 = arith.muli %scan3A_24, %mul3A_25 : i32
      %add3A_27 = vector.broadcast %mul3A_26 : i32 to vector<16xi32>
      %add3A_28 = arith.addi %iota3A, %add3A_27 : vector<16xi32>
      %mul3A_29 = arith.constant 16 : i32
      %mul3A_30 = arith.muli %scan3A_24, %mul3A_29 : i32
      %swap3A = arith.constant 0 : i32
      %swap3A_31 = arith.index_cast %swap3A : i32 to index
      %swap3A_32 = arith.index_cast %mul3A_30 : i32 to index
      %swap3A_33 = tpu.vector_load %arg6[%swap3A_31, %swap3A_32] {strides = array<i32>} : memref<1x80xi32, #tpu.memory_space<vmem>>, vector<16xi32>,
      tpu.vector_store %arg6[%swap3A_31, %swap3A_32], %add3A_28 {strides = array<i32>} : memref<1x80xi32, #tpu.memory_space<vmem>>, vector<16xi32>,
    }
    %scan3A_11 = arith.constant 5 : i32
    %mul3A_12 = arith.constant 5 : i32
    %mul3A_13 = arith.muli %arg1, %mul3A_12 : i32
    "tpu.region"() ({
      %run_scoped3A_24 = tpu.sem_alloc : memref<!tpu.dma_semaphore, #tpu.memory_space<semaphore_mem>>
      %dma_start3A = arith.constant 0 : i32
      %dma_start3A_25 = arith.constant 0 : i32
      %dma_start3A_26 = tpu.memref_slice %arg5[%dma_start3A, %dma_start3A_25] : memref<80x128xf32, #tpu.memory_space<vmem>> -> memref<5x128xf32, #tpu.memory_space<vmem>>
      %dma_start3A_27 = arith.constant 0 : i32
      %dma_start3A_28 = tpu.memref_slice %arg7[%mul3A_13, %dma_start3A_27] : memref<80x128xf32, #tpu.memory_space<vmem_shared>> -> memref<5x128xf32, #tpu.memory_space<vmem_shared>>
      %dma_start3A_29 = arith.constant 0 : i32
      %dma_start3A_30 = tpu.memref_slice %arg7[%mul3A_13, %dma_start3A_29] : memref<80x128xf32, #tpu.memory_space<vmem_shared>> -> memref<5x128xf32, #tpu.memory_space<vmem_shared>>
      %dma_start3A_31 = arith.constant 0 : i32
      %dma_start3A_32 = arith.constant 0 : i32
      %dma_start3A_33 = tpu.memref_slice %arg5[%dma_start3A_31, %dma_start3A_32] : memref<80x128xf32, #tpu.memory_space<vmem>> -> memref<5x128xf32, #tpu.memory_space<vmem>>
      tpu.enqueue_dma source(%dma_start3A_33 : memref<5x128xf32, #tpu.memory_space<vmem>>) target(%dma_start3A_30 : memref<5x128xf32, #tpu.memory_space<vmem_shared>>) target_semaphore(%run_scoped3A_24 : memref<!tpu.dma_semaphore, #tpu.memory_space<semaphore_mem>>)
      %dma_wait3A = arith.constant 0 : i32
      %dma_wait3A_34 = arith.constant 0 : i32
      %dma_wait3A_35 = tpu.memref_slice %arg5[%dma_wait3A, %dma_wait3A_34] : memref<80x128xf32, #tpu.memory_space<vmem>> -> memref<5x128xf32, #tpu.memory_space<vmem>>
      %dma_wait3A_36 = arith.constant 0 : i32
      %dma_wait3A_37 = tpu.memref_slice %arg7[%mul3A_13, %dma_wait3A_36] : memref<80x128xf32, #tpu.memory_space<vmem_shared>> -> memref<5x128xf32, #tpu.memory_space<vmem_shared>>
      %dma_wait3A_38 = arith.constant 0 : i32
      %dma_wait3A_39 = tpu.memref_slice %arg7[%mul3A_13, %dma_wait3A_38] : memref<80x128xf32, #tpu.memory_space<vmem_shared>> -> memref<5x128xf32, #tpu.memory_space<vmem_shared>>
      %dma_wait3A_40 = arith.constant 0 : i32
      %dma_wait3A_41 = arith.constant 0 : i32
      %dma_wait3A_42 = tpu.memref_slice %arg5[%dma_wait3A_40, %dma_wait3A_41] : memref<80x128xf32, #tpu.memory_space<vmem>> -> memref<5x128xf32, #tpu.memory_space<vmem>>
      tpu.wait_dma2 semaphore(%run_scoped3A_24 : memref<!tpu.dma_semaphore, #tpu.memory_space<semaphore_mem>>) src(%dma_wait3A_42 : memref<5x128xf32, #tpu.memory_space<vmem>>) dst(%dma_wait3A_39 : memref<5x128xf32, #tpu.memory_space<vmem_shared>>)
      tpu.yield
    }) : () -> ()
    %barrier3A = arith.constant 0 : index
    tpu.barrier barrier_id(%barrier3A)
    %broadcast_in_dim3A = arith.constant 1.000000e+00 : f32
    %broadcast_in_dim3A_14 = vector.broadcast %broadcast_in_dim3A : f32 to vector<16xf32>
    %scan3A_15 = arith.constant 0 : i32
    %scan3A_16 = arith.constant 0 : i32
    %scan3A_17 = arith.constant 625 : i32
    %scan3A_18 = arith.addi %scan3A_16, %scan3A_17 : i32
    %scan3A_19 = arith.constant 1 : i32
    scf.for %scan3A_24 = %scan3A_16 to %scan3A_18 step %scan3A_19  : i32 {
      %mul3A_25 = arith.constant 16 : i32
      %mul3A_26 = arith.muli %scan3A_24, %mul3A_25 : i32
      %get3A = arith.constant 0 : i32
      %get3A_27 = arith.index_cast %get3A : i32 to index
      %get3A_28 = arith.index_cast %mul3A_26 : i32 to index
      %get3A_29 = tpu.vector_load %arg4[%get3A_27, %get3A_28] {strides = array<i32>} : memref<1x10000xi32, #tpu.memory_space<vmem>>, vector<16xi32>,
      %shift_right_logical3A = arith.constant 7 : i32
      %shift_right_logical3A_30 = vector.broadcast %shift_right_logical3A : i32 to vector<16xi32>
      %shift_right_logical3A_31 = arith.shrui %get3A_29, %shift_right_logical3A_30 : vector<16xi32>
      %and3A = arith.constant 127 : i32
      %and3A_32 = vector.broadcast %and3A : i32 to vector<16xi32>
      %and3A_33 = arith.andi %get3A_29, %and3A_32 : vector<16xi32>
      tpu.vector_store_idx %arg5[%shift_right_logical3A_31, %and3A_33], %broadcast_in_dim3A_14 {add = true} : memref<80x128xf32, #tpu.memory_space<vmem>>[vector<16xi32>, vector<16xi32>], vector<16xf32>,
    }
    %scan3A_20 = arith.constant 625 : i32
    %run_scoped3A = arith.constant 0 : i32
    "tpu.region"() ({
      %run_scoped3A_24 = tpu.sem_alloc : memref<!tpu.dma_semaphore, #tpu.memory_space<semaphore_mem>>
      %dma_start3A = arith.constant 0 : i32
      %dma_start3A_25 = tpu.memref_slice %arg6[%run_scoped3A, %dma_start3A] : memref<1x80xi32, #tpu.memory_space<vmem>> -> memref<1x80xi32, #tpu.memory_space<vmem>>
      %dma_start3A_26 = tpu.memref_squeeze %dma_start3A_25 : memref<1x80xi32, #tpu.memory_space<vmem>> -> memref<80xi32, #tpu.memory_space<vmem>>
      %dma_start3A_27 = arith.constant 0 : i32
      %dma_start3A_28 = arith.constant 0 : i32
      %dma_start3A_29 = tpu.memref_slice %arg7[%dma_start3A_27, %dma_start3A_28] : memref<80x128xf32, #tpu.memory_space<vmem_shared>> -> memref<80x128xf32, #tpu.memory_space<vmem_shared>>
      tpu.enqueue_indirect_dma source(%arg5 : memref<80x128xf32, #tpu.memory_space<vmem>>) target(%dma_start3A_29 : memref<80x128xf32, #tpu.memory_space<vmem_shared>>) offsets(%dma_start3A_26 : memref<80xi32, #tpu.memory_space<vmem>>) semaphore(%run_scoped3A_24 : memref<!tpu.dma_semaphore, #tpu.memory_space<semaphore_mem>>) {add = true}
      %dma_wait3A = arith.constant 0 : i32
      %dma_wait3A_30 = tpu.memref_slice %arg6[%run_scoped3A, %dma_wait3A] : memref<1x80xi32, #tpu.memory_space<vmem>> -> memref<1x80xi32, #tpu.memory_space<vmem>>
      %dma_wait3A_31 = tpu.memref_squeeze %dma_wait3A_30 : memref<1x80xi32, #tpu.memory_space<vmem>> -> memref<80xi32, #tpu.memory_space<vmem>>
      %dma_wait3A_32 = arith.constant 0 : i32
      %dma_wait3A_33 = arith.constant 0 : i32
      %dma_wait3A_34 = tpu.memref_slice %arg7[%dma_wait3A_32, %dma_wait3A_33] : memref<80x128xf32, #tpu.memory_space<vmem_shared>> -> memref<80x128xf32, #tpu.memory_space<vmem_shared>>
      tpu.wait_indirect_dma semaphore(%run_scoped3A_24 : memref<!tpu.dma_semaphore, #tpu.memory_space<semaphore_mem>>) src(%arg5 : memref<80x128xf32, #tpu.memory_space<vmem>>) dst(%dma_wait3A_34 : memref<80x128xf32, #tpu.memory_space<vmem_shared>>)
      tpu.yield
    }) : () -> ()
    %barrier3A_21 = arith.constant 0 : index
    tpu.barrier barrier_id(%barrier3A_21)
    %mul3A_22 = arith.constant 5 : i32
    %mul3A_23 = arith.muli %arg1, %mul3A_22 : i32
    "tpu.region"() ({
      %run_scoped3A_24 = tpu.sem_alloc : memref<!tpu.dma_semaphore, #tpu.memory_space<semaphore_mem>>
      %dma_start3A = arith.constant 0 : i32
      %dma_start3A_25 = arith.constant 0 : i32
      %dma_start3A_26 = tpu.memref_slice %arg5[%dma_start3A, %dma_start3A_25] : memref<80x128xf32, #tpu.memory_space<vmem>> -> memref<5x128xf32, #tpu.memory_space<vmem>>
      %dma_start3A_27 = arith.constant 0 : i32
      %dma_start3A_28 = tpu.memref_slice %arg7[%mul3A_23, %dma_start3A_27] : memref<80x128xf32, #tpu.memory_space<vmem_shared>> -> memref<5x128xf32, #tpu.memory_space<vmem_shared>>
      %dma_start3A_29 = arith.constant 0 : i32
      %dma_start3A_30 = arith.constant 0 : i32
      %dma_start3A_31 = tpu.memref_slice %arg5[%dma_start3A_29, %dma_start3A_30] : memref<80x128xf32, #tpu.memory_space<vmem>> -> memref<5x128xf32, #tpu.memory_space<vmem>>
      %dma_start3A_32 = arith.constant 0 : i32
      %dma_start3A_33 = tpu.memref_slice %arg7[%mul3A_23, %dma_start3A_32] : memref<80x128xf32, #tpu.memory_space<vmem_shared>> -> memref<5x128xf32, #tpu.memory_space<vmem_shared>>
      tpu.enqueue_dma source(%dma_start3A_33 : memref<5x128xf32, #tpu.memory_space<vmem_shared>>) target(%dma_start3A_31 : memref<5x128xf32, #tpu.memory_space<vmem>>) target_semaphore(%run_scoped3A_24 : memref<!tpu.dma_semaphore, #tpu.memory_space<semaphore_mem>>)
      %dma_wait3A = arith.constant 0 : i32
      %dma_wait3A_34 = arith.constant 0 : i32
      %dma_wait3A_35 = tpu.memref_slice %arg5[%dma_wait3A, %dma_wait3A_34] : memref<80x128xf32, #tpu.memory_space<vmem>> -> memref<5x128xf32, #tpu.memory_space<vmem>>
      %dma_wait3A_36 = arith.constant 0 : i32
      %dma_wait3A_37 = tpu.memref_slice %arg7[%mul3A_23, %dma_wait3A_36] : memref<80x128xf32, #tpu.memory_space<vmem_shared>> -> memref<5x128xf32, #tpu.memory_space<vmem_shared>>
      %dma_wait3A_38 = arith.constant 0 : i32
      %dma_wait3A_39 = arith.constant 0 : i32
      %dma_wait3A_40 = tpu.memref_slice %arg5[%dma_wait3A_38, %dma_wait3A_39] : memref<80x128xf32, #tpu.memory_space<vmem>> -> memref<5x128xf32, #tpu.memory_space<vmem>>
      %dma_wait3A_41 = arith.constant 0 : i32
      %dma_wait3A_42 = tpu.memref_slice %arg7[%mul3A_23, %dma_wait3A_41] : memref<80x128xf32, #tpu.memory_space<vmem_shared>> -> memref<5x128xf32, #tpu.memory_space<vmem_shared>>
      tpu.wait_dma2 semaphore(%run_scoped3A_24 : memref<!tpu.dma_semaphore, #tpu.memory_space<semaphore_mem>>) src(%dma_wait3A_42 : memref<5x128xf32, #tpu.memory_space<vmem_shared>>) dst(%dma_wait3A_40 : memref<5x128xf32, #tpu.memory_space<vmem>>)
      tpu.yield
    }) : () -> ()
    "tpu.region"() ({
      %run_scoped3A_24 = tpu.sem_alloc : memref<!tpu.dma_semaphore, #tpu.memory_space<semaphore_mem>>
      %dma_start3A = arith.constant 0 : i32
      %dma_start3A_25 = arith.constant 0 : i32
      %dma_start3A_26 = tpu.memref_slice %arg5[%dma_start3A, %dma_start3A_25] : memref<80x128xf32, #tpu.memory_space<vmem>> -> memref<5x128xf32, #tpu.memory_space<vmem>>
      %dma_start3A_27 = arith.constant 0 : i32
      %dma_start3A_28 = arith.constant 0 : i32
      %dma_start3A_29 = tpu.memref_slice %arg3[%arg0, %arg1, %dma_start3A_27, %dma_start3A_28] : memref<2x16x5x128xf32, #tpu.memory_space<hbm>> -> memref<1x1x5x128xf32, #tpu.memory_space<hbm>>
      %dma_start3A_30 = tpu.memref_squeeze %dma_start3A_29 : memref<1x1x5x128xf32, #tpu.memory_space<hbm>> -> memref<5x128xf32, #tpu.memory_space<hbm>>
      %dma_start3A_31 = arith.constant 0 : i32
      %dma_start3A_32 = arith.constant 0 : i32
      %dma_start3A_33 = tpu.memref_slice %arg3[%arg0, %arg1, %dma_start3A_31, %dma_start3A_32] : memref<2x16x5x128xf32, #tpu.memory_space<hbm>> -> memref<1x1x5x128xf32, #tpu.memory_space<hbm>>
      %dma_start3A_34 = tpu.memref_squeeze %dma_start3A_33 : memref<1x1x5x128xf32, #tpu.memory_space<hbm>> -> memref<5x128xf32, #tpu.memory_space<hbm>>
      %dma_start3A_35 = arith.constant 0 : i32
      %dma_start3A_36 = arith.constant 0 : i32
      %dma_start3A_37 = tpu.memref_slice %arg5[%dma_start3A_35, %dma_start3A_36] : memref<80x128xf32, #tpu.memory_space<vmem>> -> memref<5x128xf32, #tpu.memory_space<vmem>>
      tpu.enqueue_dma source(%dma_start3A_37 : memref<5x128xf32, #tpu.memory_space<vmem>>) target(%dma_start3A_34 : memref<5x128xf32, #tpu.memory_space<hbm>>) target_semaphore(%run_scoped3A_24 : memref<!tpu.dma_semaphore, #tpu.memory_space<semaphore_mem>>)
      %dma_wait3A = arith.constant 0 : i32
      %dma_wait3A_38 = arith.constant 0 : i32
      %dma_wait3A_39 = tpu.memref_slice %arg5[%dma_wait3A, %dma_wait3A_38] : memref<80x128xf32, #tpu.memory_space<vmem>> -> memref<5x128xf32, #tpu.memory_space<vmem>>
      %dma_wait3A_40 = arith.constant 0 : i32
      %dma_wait3A_41 = arith.constant 0 : i32
      %dma_wait3A_42 = tpu.memref_slice %arg3[%arg0, %arg1, %dma_wait3A_40, %dma_wait3A_41] : memref<2x16x5x128xf32, #tpu.memory_space<hbm>> -> memref<1x1x5x128xf32, #tpu.memory_space<hbm>>
      %dma_wait3A_43 = tpu.memref_squeeze %dma_wait3A_42 : memref<1x1x5x128xf32, #tpu.memory_space<hbm>> -> memref<5x128xf32, #tpu.memory_space<hbm>>
      %dma_wait3A_44 = arith.constant 0 : i32
      %dma_wait3A_45 = arith.constant 0 : i32
      %dma_wait3A_46 = tpu.memref_slice %arg3[%arg0, %arg1, %dma_wait3A_44, %dma_wait3A_45] : memref<2x16x5x128xf32, #tpu.memory_space<hbm>> -> memref<1x1x5x128xf32, #tpu.memory_space<hbm>>
      %dma_wait3A_47 = tpu.memref_squeeze %dma_wait3A_46 : memref<1x1x5x128xf32, #tpu.memory_space<hbm>> -> memref<5x128xf32, #tpu.memory_space<hbm>>
      %dma_wait3A_48 = arith.constant 0 : i32
      %dma_wait3A_49 = arith.constant 0 : i32
      %dma_wait3A_50 = tpu.memref_slice %arg5[%dma_wait3A_48, %dma_wait3A_49] : memref<80x128xf32, #tpu.memory_space<vmem>> -> memref<5x128xf32, #tpu.memory_space<vmem>>
      tpu.wait_dma2 semaphore(%run_scoped3A_24 : memref<!tpu.dma_semaphore, #tpu.memory_space<semaphore_mem>>) src(%dma_wait3A_50 : memref<5x128xf32, #tpu.memory_space<vmem>>) dst(%dma_wait3A_47 : memref<5x128xf32, #tpu.memory_space<hbm>>)
      tpu.yield
    }) : () -> ()
    return
  }
}

#map = affine_map<(d0, d1) -> (0, 0, 0)>
#map1 = affine_map<(d0, d1) -> (0, 0, 0, 0)>
module attributes {stable_mosaic.version = 14 : i64} {
  func.func @body(%arg0: i32, %arg1: i32, %arg2: memref<2x10240x128xf32, #tpu.memory_space<hbm>>, %arg3: memref<16x16x10x125xi32, #tpu.memory_space<hbm>>, %arg4: memref<16x16x10x125xi32, #tpu.memory_space<hbm>>, %arg5: memref<2x10240x128xf32, #tpu.memory_space<hbm>>, %arg6: memref<10x125xi32, #tpu.memory_space<vmem>>, %arg7: memref<10x125xi32, #tpu.memory_space<vmem>>, %arg8: memref<10x125xi32, #tpu.memory_space<vmem>>, %arg9: memref<10x125xi32, #tpu.memory_space<vmem>>, %arg10: memref<125x128xf32, #tpu.memory_space<vmem>>, %arg11: memref<125x128xf32, #tpu.memory_space<vmem>>, %arg12: memref<32x128xf32, #tpu.memory_space<vmem>>, %arg13: memref<10240x128xf32, #tpu.memory_space<vmem_shared>>, %arg14: memref<!tpu.dma_semaphore, #tpu.memory_space<semaphore_mem>>, %arg15: memref<!tpu.dma_semaphore, #tpu.memory_space<semaphore_mem>>, %arg16: memref<!tpu.dma_semaphore, #tpu.memory_space<semaphore_mem>>) attributes {dimension_semantics = [#tpu.dimension_semantics<core_parallel>, #tpu.dimension_semantics<subcore_parallel>], iteration_bounds = array<i64: 2, 16>, scalar_prefetch = 0 : i64, scratch_operands = 11 : i64, tpu.core_type = #tpu.core_type<sc_vector_subcore>, window_params = [{transform_indices = #map}, {transform_indices = #map1}, {transform_indices = #map1}, {transform_indices = #map}]} {
    %scan3A = arith.constant 0 : i32
    %scan3A_0 = arith.constant 0 : i32
    %scan3A_1 = arith.constant 32 : i32
    %scan3A_2 = arith.addi %scan3A_0, %scan3A_1 : i32
    %scan3A_3 = arith.constant 1 : i32
    scf.for %scan3A_200 = %scan3A_0 to %scan3A_2 step %scan3A_3  : i32 {
      %scan3A_201 = arith.constant 0 : i32
      %scan3A_202 = arith.constant 8 : i32
      %scan3A_203 = arith.addi %scan3A_201, %scan3A_202 : i32
      %scan3A_204 = arith.constant 1 : i32
      scf.for %scan3A_206 = %scan3A_201 to %scan3A_203 step %scan3A_204  : i32 {
        %broadcast_in_dim3A = arith.constant 0.000000e+00 : f32
        %broadcast_in_dim3A_207 = vector.broadcast %broadcast_in_dim3A : f32 to vector<16xf32>
        %mul3A_208 = arith.constant 16 : i32
        %mul3A_209 = arith.muli %scan3A_206, %mul3A_208 : i32
        %swap3A = arith.index_cast %scan3A_200 : i32 to index
        %swap3A_210 = arith.index_cast %mul3A_209 : i32 to index
        %swap3A_211 = tpu.vector_load %arg12[%swap3A, %swap3A_210] {strides = array<i32>} : memref<32x128xf32, #tpu.memory_space<vmem>>, vector<16xf32>,
        tpu.vector_store %arg12[%swap3A, %swap3A_210], %broadcast_in_dim3A_207 {strides = array<i32>} : memref<32x128xf32, #tpu.memory_space<vmem>>, vector<16xf32>,
      }
      %scan3A_205 = arith.constant 8 : i32
    }
    %scan3A_4 = arith.constant 32 : i32
    %dma_start3A = arith.constant 0 : i32
    %dma_start3A_5 = arith.constant 0 : i32
    %dma_start3A_6 = arith.constant 0 : i32
    %dma_start3A_7 = tpu.memref_slice %arg3[%arg1, %dma_start3A, %dma_start3A_5, %dma_start3A_6] : memref<16x16x10x125xi32, #tpu.memory_space<hbm>> -> memref<1x1x10x125xi32, #tpu.memory_space<hbm>>
    %dma_start3A_8 = tpu.memref_squeeze %dma_start3A_7 : memref<1x1x10x125xi32, #tpu.memory_space<hbm>> -> memref<10x125xi32, #tpu.memory_space<hbm>>
    %dma_start3A_9 = arith.constant 0 : i32
    %dma_start3A_10 = arith.constant 0 : i32
    %dma_start3A_11 = tpu.memref_slice %arg3[%arg1, %dma_start3A, %dma_start3A_9, %dma_start3A_10] : memref<16x16x10x125xi32, #tpu.memory_space<hbm>> -> memref<1x1x10x125xi32, #tpu.memory_space<hbm>>
    %dma_start3A_12 = tpu.memref_squeeze %dma_start3A_11 : memref<1x1x10x125xi32, #tpu.memory_space<hbm>> -> memref<10x125xi32, #tpu.memory_space<hbm>>
    tpu.enqueue_dma source(%dma_start3A_12 : memref<10x125xi32, #tpu.memory_space<hbm>>) target(%arg6 : memref<10x125xi32, #tpu.memory_space<vmem>>) target_semaphore(%arg16 : memref<!tpu.dma_semaphore, #tpu.memory_space<semaphore_mem>>)
    %dma_start3A_13 = arith.constant 0 : i32
    %dma_start3A_14 = arith.constant 0 : i32
    %dma_start3A_15 = arith.constant 0 : i32
    %dma_start3A_16 = tpu.memref_slice %arg4[%arg1, %dma_start3A_13, %dma_start3A_14, %dma_start3A_15] : memref<16x16x10x125xi32, #tpu.memory_space<hbm>> -> memref<1x1x10x125xi32, #tpu.memory_space<hbm>>
    %dma_start3A_17 = tpu.memref_squeeze %dma_start3A_16 : memref<1x1x10x125xi32, #tpu.memory_space<hbm>> -> memref<10x125xi32, #tpu.memory_space<hbm>>
    %dma_start3A_18 = arith.constant 0 : i32
    %dma_start3A_19 = arith.constant 0 : i32
    %dma_start3A_20 = tpu.memref_slice %arg4[%arg1, %dma_start3A_13, %dma_start3A_18, %dma_start3A_19] : memref<16x16x10x125xi32, #tpu.memory_space<hbm>> -> memref<1x1x10x125xi32, #tpu.memory_space<hbm>>
    %dma_start3A_21 = tpu.memref_squeeze %dma_start3A_20 : memref<1x1x10x125xi32, #tpu.memory_space<hbm>> -> memref<10x125xi32, #tpu.memory_space<hbm>>
    tpu.enqueue_dma source(%dma_start3A_21 : memref<10x125xi32, #tpu.memory_space<hbm>>) target(%arg7 : memref<10x125xi32, #tpu.memory_space<vmem>>) target_semaphore(%arg16 : memref<!tpu.dma_semaphore, #tpu.memory_space<semaphore_mem>>)
    %scan3A_22 = arith.constant 0 : i32
    %scan3A_23 = arith.constant 0 : i32
    %scan3A_24 = arith.constant 20 : i32
    %scan3A_25 = arith.addi %scan3A_23, %scan3A_24 : i32
    %scan3A_26 = arith.constant 1 : i32
    scf.for %scan3A_200 = %scan3A_23 to %scan3A_25 step %scan3A_26  : i32 {
      %mul3A_201 = arith.constant 640 : i32
      %mul3A_202 = arith.muli %arg1, %mul3A_201 : i32
      %mul3A_203 = arith.constant 32 : i32
      %mul3A_204 = arith.muli %scan3A_200, %mul3A_203 : i32
      %add3A = arith.addi %mul3A_202, %mul3A_204 : i32
      %dma_start3A_205 = arith.constant 0 : i32
      %dma_start3A_206 = tpu.memref_slice %arg13[%add3A, %dma_start3A_205] : memref<10240x128xf32, #tpu.memory_space<vmem_shared>> -> memref<32x128xf32, #tpu.memory_space<vmem_shared>>
      %dma_start3A_207 = arith.constant 0 : i32
      %dma_start3A_208 = tpu.memref_slice %arg13[%add3A, %dma_start3A_207] : memref<10240x128xf32, #tpu.memory_space<vmem_shared>> -> memref<32x128xf32, #tpu.memory_space<vmem_shared>>
      tpu.enqueue_dma source(%arg12 : memref<32x128xf32, #tpu.memory_space<vmem>>) target(%dma_start3A_208 : memref<32x128xf32, #tpu.memory_space<vmem_shared>>) target_semaphore(%arg14 : memref<!tpu.dma_semaphore, #tpu.memory_space<semaphore_mem>>)
    }
    %scan3A_27 = arith.constant 20 : i32
    %scan3A_28 = arith.constant 0 : i32
    %scan3A_29 = arith.constant 0 : i32
    %scan3A_30 = arith.constant 20 : i32
    %scan3A_31 = arith.addi %scan3A_29, %scan3A_30 : i32
    %scan3A_32 = arith.constant 1 : i32
    scf.for %scan3A_200 = %scan3A_29 to %scan3A_31 step %scan3A_32  : i32 {
      %mul3A_201 = arith.constant 640 : i32
      %mul3A_202 = arith.muli %arg1, %mul3A_201 : i32
      %mul3A_203 = arith.constant 32 : i32
      %mul3A_204 = arith.muli %scan3A_200, %mul3A_203 : i32
      %add3A = arith.addi %mul3A_202, %mul3A_204 : i32
      %dma_wait3A_205 = arith.constant 0 : i32
      %dma_wait3A_206 = tpu.memref_slice %arg13[%add3A, %dma_wait3A_205] : memref<10240x128xf32, #tpu.memory_space<vmem_shared>> -> memref<32x128xf32, #tpu.memory_space<vmem_shared>>
      %dma_wait3A_207 = arith.constant 0 : i32
      %dma_wait3A_208 = tpu.memref_slice %arg13[%add3A, %dma_wait3A_207] : memref<10240x128xf32, #tpu.memory_space<vmem_shared>> -> memref<32x128xf32, #tpu.memory_space<vmem_shared>>
      tpu.wait_dma2 semaphore(%arg14 : memref<!tpu.dma_semaphore, #tpu.memory_space<semaphore_mem>>) src(%arg12 : memref<32x128xf32, #tpu.memory_space<vmem>>) dst(%dma_wait3A_208 : memref<32x128xf32, #tpu.memory_space<vmem_shared>>)
    }
    %scan3A_33 = arith.constant 20 : i32
    %dma_wait3A = arith.constant 0 : i32
    %dma_wait3A_34 = arith.constant 0 : i32
    %dma_wait3A_35 = arith.constant 0 : i32
    %dma_wait3A_36 = tpu.memref_slice %arg3[%arg1, %dma_wait3A, %dma_wait3A_34, %dma_wait3A_35] : memref<16x16x10x125xi32, #tpu.memory_space<hbm>> -> memref<1x1x10x125xi32, #tpu.memory_space<hbm>>
    %dma_wait3A_37 = tpu.memref_squeeze %dma_wait3A_36 : memref<1x1x10x125xi32, #tpu.memory_space<hbm>> -> memref<10x125xi32, #tpu.memory_space<hbm>>
    %dma_wait3A_38 = arith.constant 0 : i32
    %dma_wait3A_39 = arith.constant 0 : i32
    %dma_wait3A_40 = tpu.memref_slice %arg3[%arg1, %dma_wait3A, %dma_wait3A_38, %dma_wait3A_39] : memref<16x16x10x125xi32, #tpu.memory_space<hbm>> -> memref<1x1x10x125xi32, #tpu.memory_space<hbm>>
    %dma_wait3A_41 = tpu.memref_squeeze %dma_wait3A_40 : memref<1x1x10x125xi32, #tpu.memory_space<hbm>> -> memref<10x125xi32, #tpu.memory_space<hbm>>
    tpu.wait_dma2 semaphore(%arg16 : memref<!tpu.dma_semaphore, #tpu.memory_space<semaphore_mem>>) src(%dma_wait3A_41 : memref<10x125xi32, #tpu.memory_space<hbm>>) dst(%arg6 : memref<10x125xi32, #tpu.memory_space<vmem>>)
    %dma_wait3A_42 = arith.constant 0 : i32
    %dma_wait3A_43 = arith.constant 0 : i32
    %dma_wait3A_44 = arith.constant 0 : i32
    %dma_wait3A_45 = tpu.memref_slice %arg4[%arg1, %dma_wait3A_42, %dma_wait3A_43, %dma_wait3A_44] : memref<16x16x10x125xi32, #tpu.memory_space<hbm>> -> memref<1x1x10x125xi32, #tpu.memory_space<hbm>>
    %dma_wait3A_46 = tpu.memref_squeeze %dma_wait3A_45 : memref<1x1x10x125xi32, #tpu.memory_space<hbm>> -> memref<10x125xi32, #tpu.memory_space<hbm>>
    %dma_wait3A_47 = arith.constant 0 : i32
    %dma_wait3A_48 = arith.constant 0 : i32
    %dma_wait3A_49 = tpu.memref_slice %arg4[%arg1, %dma_wait3A_42, %dma_wait3A_47, %dma_wait3A_48] : memref<16x16x10x125xi32, #tpu.memory_space<hbm>> -> memref<1x1x10x125xi32, #tpu.memory_space<hbm>>
    %dma_wait3A_50 = tpu.memref_squeeze %dma_wait3A_49 : memref<1x1x10x125xi32, #tpu.memory_space<hbm>> -> memref<10x125xi32, #tpu.memory_space<hbm>>
    tpu.wait_dma2 semaphore(%arg16 : memref<!tpu.dma_semaphore, #tpu.memory_space<semaphore_mem>>) src(%dma_wait3A_50 : memref<10x125xi32, #tpu.memory_space<hbm>>) dst(%arg7 : memref<10x125xi32, #tpu.memory_space<vmem>>)
    %dma_start3A_51 = arith.constant 0 : i32
    %dma_start3A_52 = arith.constant 0 : i32
    %dma_start3A_53 = tpu.memref_slice %arg6[%dma_start3A_51, %dma_start3A_52] : memref<10x125xi32, #tpu.memory_space<vmem>> -> memref<1x125xi32, #tpu.memory_space<vmem>>
    %dma_start3A_54 = tpu.memref_squeeze %dma_start3A_53 : memref<1x125xi32, #tpu.memory_space<vmem>> -> memref<125xi32, #tpu.memory_space<vmem>>
    %dma_start3A_55 = arith.constant 0 : i32
    %dma_start3A_56 = arith.constant 0 : i32
    %dma_start3A_57 = tpu.memref_slice %arg2[%arg0, %dma_start3A_55, %dma_start3A_56] : memref<2x10240x128xf32, #tpu.memory_space<hbm>> -> memref<1x10240x128xf32, #tpu.memory_space<hbm>>
    %dma_start3A_58 = tpu.memref_squeeze %dma_start3A_57 : memref<1x10240x128xf32, #tpu.memory_space<hbm>> -> memref<10240x128xf32, #tpu.memory_space<hbm>>
    %dma_start3A_59 = arith.constant 0 : i32
    %dma_start3A_60 = arith.constant 0 : i32
    %dma_start3A_61 = tpu.memref_slice %dma_start3A_58[%dma_start3A_59, %dma_start3A_60] : memref<10240x128xf32, #tpu.memory_space<hbm>> -> memref<10240x128xf32, #tpu.memory_space<hbm>>
    tpu.enqueue_indirect_dma source(%dma_start3A_61 : memref<10240x128xf32, #tpu.memory_space<hbm>>) target(%arg10 : memref<125x128xf32, #tpu.memory_space<vmem>>) offsets(%dma_start3A_54 : memref<125xi32, #tpu.memory_space<vmem>>) semaphore(%arg14 : memref<!tpu.dma_semaphore, #tpu.memory_space<semaphore_mem>>)
    %barrier3A = arith.constant 0 : index
    tpu.barrier barrier_id(%barrier3A)
    %scan3A_62 = arith.constant 0 : i32
    %scan3A_63 = arith.constant 0 : i32
    %scan3A_64 = arith.constant 7 : i32
    %scan3A_65 = arith.addi %scan3A_63, %scan3A_64 : i32
    %scan3A_66 = arith.constant 1 : i32
    scf.for %scan3A_200 = %scan3A_63 to %scan3A_65 step %scan3A_66  : i32 {
      %mul3A_201 = arith.constant 2 : i32
      %mul3A_202 = arith.muli %mul3A_201, %scan3A_200 : i32
      %add3A = arith.constant 1 : i32
      %add3A_203 = arith.addi %mul3A_202, %add3A : i32
      %add3A_204 = arith.constant 1 : i32
      %add3A_205 = arith.addi %add3A_203, %add3A_204 : i32
      %min3A = arith.constant 15 : i32
      %min3A_206 = arith.minsi %add3A_205, %min3A : i32
      %dma_start3A_207 = arith.constant 0 : i32
      %dma_start3A_208 = arith.constant 0 : i32
      %dma_start3A_209 = tpu.memref_slice %arg3[%arg1, %add3A_203, %dma_start3A_207, %dma_start3A_208] : memref<16x16x10x125xi32, #tpu.memory_space<hbm>> -> memref<1x1x10x125xi32, #tpu.memory_space<hbm>>
      %dma_start3A_210 = tpu.memref_squeeze %dma_start3A_209 : memref<1x1x10x125xi32, #tpu.memory_space<hbm>> -> memref<10x125xi32, #tpu.memory_space<hbm>>
      %dma_start3A_211 = arith.constant 0 : i32
      %dma_start3A_212 = arith.constant 0 : i32
      %dma_start3A_213 = tpu.memref_slice %arg3[%arg1, %add3A_203, %dma_start3A_211, %dma_start3A_212] : memref<16x16x10x125xi32, #tpu.memory_space<hbm>> -> memref<1x1x10x125xi32, #tpu.memory_space<hbm>>
      %dma_start3A_214 = tpu.memref_squeeze %dma_start3A_213 : memref<1x1x10x125xi32, #tpu.memory_space<hbm>> -> memref<10x125xi32, #tpu.memory_space<hbm>>
      tpu.enqueue_dma source(%dma_start3A_214 : memref<10x125xi32, #tpu.memory_space<hbm>>) target(%arg8 : memref<10x125xi32, #tpu.memory_space<vmem>>) target_semaphore(%arg16 : memref<!tpu.dma_semaphore, #tpu.memory_space<semaphore_mem>>)
      %dma_start3A_215 = arith.constant 0 : i32
      %dma_start3A_216 = arith.constant 0 : i32
      %dma_start3A_217 = tpu.memref_slice %arg4[%arg1, %add3A_203, %dma_start3A_215, %dma_start3A_216] : memref<16x16x10x125xi32, #tpu.memory_space<hbm>> -> memref<1x1x10x125xi32, #tpu.memory_space<hbm>>
      %dma_start3A_218 = tpu.memref_squeeze %dma_start3A_217 : memref<1x1x10x125xi32, #tpu.memory_space<hbm>> -> memref<10x125xi32, #tpu.memory_space<hbm>>
      %dma_start3A_219 = arith.constant 0 : i32
      %dma_start3A_220 = arith.constant 0 : i32
      %dma_start3A_221 = tpu.memref_slice %arg4[%arg1, %add3A_203, %dma_start3A_219, %dma_start3A_220] : memref<16x16x10x125xi32, #tpu.memory_space<hbm>> -> memref<1x1x10x125xi32, #tpu.memory_space<hbm>>
      %dma_start3A_222 = tpu.memref_squeeze %dma_start3A_221 : memref<1x1x10x125xi32, #tpu.memory_space<hbm>> -> memref<10x125xi32, #tpu.memory_space<hbm>>
      tpu.enqueue_dma source(%dma_start3A_222 : memref<10x125xi32, #tpu.memory_space<hbm>>) target(%arg9 : memref<10x125xi32, #tpu.memory_space<vmem>>) target_semaphore(%arg16 : memref<!tpu.dma_semaphore, #tpu.memory_space<semaphore_mem>>)
      %scan3A_223 = arith.constant 0 : i32
      %scan3A_224 = arith.constant 0 : i32
      %scan3A_225 = arith.constant 4 : i32
      %scan3A_226 = arith.addi %scan3A_224, %scan3A_225 : i32
      %scan3A_227 = arith.constant 1 : i32
      scf.for %scan3A_375 = %scan3A_224 to %scan3A_226 step %scan3A_227  : i32 {
        %mul3A_376 = arith.constant 2 : i32
        %mul3A_377 = arith.muli %scan3A_375, %mul3A_376 : i32
        %mul3A_378 = arith.constant 2 : i32
        %mul3A_379 = arith.muli %scan3A_375, %mul3A_378 : i32
        %add3A_380 = arith.constant 2 : i32
        %add3A_381 = arith.addi %mul3A_379, %add3A_380 : i32
        %add3A_382 = arith.constant 1 : i32
        %add3A_383 = arith.addi %mul3A_377, %add3A_382 : i32
        %dma_start3A_384 = arith.constant 0 : i32
        %dma_start3A_385 = tpu.memref_slice %arg6[%add3A_383, %dma_start3A_384] : memref<10x125xi32, #tpu.memory_space<vmem>> -> memref<1x125xi32, #tpu.memory_space<vmem>>
        %dma_start3A_386 = tpu.memref_squeeze %dma_start3A_385 : memref<1x125xi32, #tpu.memory_space<vmem>> -> memref<125xi32, #tpu.memory_space<vmem>>
        %dma_start3A_387 = arith.constant 0 : i32
        %dma_start3A_388 = arith.constant 0 : i32
        %dma_start3A_389 = tpu.memref_slice %arg2[%arg0, %dma_start3A_387, %dma_start3A_388] : memref<2x10240x128xf32, #tpu.memory_space<hbm>> -> memref<1x10240x128xf32, #tpu.memory_space<hbm>>
        %dma_start3A_390 = tpu.memref_squeeze %dma_start3A_389 : memref<1x10240x128xf32, #tpu.memory_space<hbm>> -> memref<10240x128xf32, #tpu.memory_space<hbm>>
        %dma_start3A_391 = arith.constant 0 : i32
        %dma_start3A_392 = arith.constant 0 : i32
        %dma_start3A_393 = tpu.memref_slice %dma_start3A_390[%dma_start3A_391, %dma_start3A_392] : memref<10240x128xf32, #tpu.memory_space<hbm>> -> memref<10240x128xf32, #tpu.memory_space<hbm>>
        tpu.enqueue_indirect_dma source(%dma_start3A_393 : memref<10240x128xf32, #tpu.memory_space<hbm>>) target(%arg11 : memref<125x128xf32, #tpu.memory_space<vmem>>) offsets(%dma_start3A_386 : memref<125xi32, #tpu.memory_space<vmem>>) semaphore(%arg15 : memref<!tpu.dma_semaphore, #tpu.memory_space<semaphore_mem>>)
        %dma_wait3A_394 = arith.constant 0 : i32
        %dma_wait3A_395 = tpu.memref_slice %arg6[%mul3A_377, %dma_wait3A_394] : memref<10x125xi32, #tpu.memory_space<vmem>> -> memref<1x125xi32, #tpu.memory_space<vmem>>
        %dma_wait3A_396 = tpu.memref_squeeze %dma_wait3A_395 : memref<1x125xi32, #tpu.memory_space<vmem>> -> memref<125xi32, #tpu.memory_space<vmem>>
        %dma_wait3A_397 = arith.constant 0 : i32
        %dma_wait3A_398 = arith.constant 0 : i32
        %dma_wait3A_399 = tpu.memref_slice %arg2[%arg0, %dma_wait3A_397, %dma_wait3A_398] : memref<2x10240x128xf32, #tpu.memory_space<hbm>> -> memref<1x10240x128xf32, #tpu.memory_space<hbm>>
        %dma_wait3A_400 = tpu.memref_squeeze %dma_wait3A_399 : memref<1x10240x128xf32, #tpu.memory_space<hbm>> -> memref<10240x128xf32, #tpu.memory_space<hbm>>
        %dma_wait3A_401 = arith.constant 0 : i32
        %dma_wait3A_402 = arith.constant 0 : i32
        %dma_wait3A_403 = tpu.memref_slice %dma_wait3A_400[%dma_wait3A_401, %dma_wait3A_402] : memref<10240x128xf32, #tpu.memory_space<hbm>> -> memref<10240x128xf32, #tpu.memory_space<hbm>>
        tpu.wait_indirect_dma semaphore(%arg14 : memref<!tpu.dma_semaphore, #tpu.memory_space<semaphore_mem>>) src(%dma_wait3A_403 : memref<10240x128xf32, #tpu.memory_space<hbm>>) dst(%arg10 : memref<125x128xf32, #tpu.memory_space<vmem>>)
        "tpu.region"() ({
          %run_scoped3A_424 = tpu.sem_alloc : memref<!tpu.dma_semaphore, #tpu.memory_space<semaphore_mem>>
          %dma_start3A_425 = arith.constant 0 : i32
          %dma_start3A_426 = tpu.memref_slice %arg7[%mul3A_377, %dma_start3A_425] : memref<10x125xi32, #tpu.memory_space<vmem>> -> memref<1x125xi32, #tpu.memory_space<vmem>>
          %dma_start3A_427 = tpu.memref_squeeze %dma_start3A_426 : memref<1x125xi32, #tpu.memory_space<vmem>> -> memref<125xi32, #tpu.memory_space<vmem>>
          %dma_start3A_428 = arith.constant 0 : i32
          %dma_start3A_429 = arith.constant 0 : i32
          %dma_start3A_430 = tpu.memref_slice %arg13[%dma_start3A_428, %dma_start3A_429] : memref<10240x128xf32, #tpu.memory_space<vmem_shared>> -> memref<10240x128xf32, #tpu.memory_space<vmem_shared>>
          tpu.enqueue_indirect_dma source(%arg10 : memref<125x128xf32, #tpu.memory_space<vmem>>) target(%dma_start3A_430 : memref<10240x128xf32, #tpu.memory_space<vmem_shared>>) offsets(%dma_start3A_427 : memref<125xi32, #tpu.memory_space<vmem>>) semaphore(%run_scoped3A_424 : memref<!tpu.dma_semaphore, #tpu.memory_space<semaphore_mem>>) {add = true}
          %dma_wait3A_431 = arith.constant 0 : i32
          %dma_wait3A_432 = tpu.memref_slice %arg7[%mul3A_377, %dma_wait3A_431] : memref<10x125xi32, #tpu.memory_space<vmem>> -> memref<1x125xi32, #tpu.memory_space<vmem>>
          %dma_wait3A_433 = tpu.memref_squeeze %dma_wait3A_432 : memref<1x125xi32, #tpu.memory_space<vmem>> -> memref<125xi32, #tpu.memory_space<vmem>>
          %dma_wait3A_434 = arith.constant 0 : i32
          %dma_wait3A_435 = arith.constant 0 : i32
          %dma_wait3A_436 = tpu.memref_slice %arg13[%dma_wait3A_434, %dma_wait3A_435] : memref<10240x128xf32, #tpu.memory_space<vmem_shared>> -> memref<10240x128xf32, #tpu.memory_space<vmem_shared>>
          tpu.wait_indirect_dma semaphore(%run_scoped3A_424 : memref<!tpu.dma_semaphore, #tpu.memory_space<semaphore_mem>>) src(%arg10 : memref<125x128xf32, #tpu.memory_space<vmem>>) dst(%dma_wait3A_436 : memref<10240x128xf32, #tpu.memory_space<vmem_shared>>)
          tpu.yield
        }) : () -> ()
        %dma_start3A_404 = arith.constant 0 : i32
        %dma_start3A_405 = tpu.memref_slice %arg6[%add3A_381, %dma_start3A_404] : memref<10x125xi32, #tpu.memory_space<vmem>> -> memref<1x125xi32, #tpu.memory_space<vmem>>
        %dma_start3A_406 = tpu.memref_squeeze %dma_start3A_405 : memref<1x125xi32, #tpu.memory_space<vmem>> -> memref<125xi32, #tpu.memory_space<vmem>>
        %dma_start3A_407 = arith.constant 0 : i32
        %dma_start3A_408 = arith.constant 0 : i32
        %dma_start3A_409 = tpu.memref_slice %arg2[%arg0, %dma_start3A_407, %dma_start3A_408] : memref<2x10240x128xf32, #tpu.memory_space<hbm>> -> memref<1x10240x128xf32, #tpu.memory_space<hbm>>
        %dma_start3A_410 = tpu.memref_squeeze %dma_start3A_409 : memref<1x10240x128xf32, #tpu.memory_space<hbm>> -> memref<10240x128xf32, #tpu.memory_space<hbm>>
        %dma_start3A_411 = arith.constant 0 : i32
        %dma_start3A_412 = arith.constant 0 : i32
        %dma_start3A_413 = tpu.memref_slice %dma_start3A_410[%dma_start3A_411, %dma_start3A_412] : memref<10240x128xf32, #tpu.memory_space<hbm>> -> memref<10240x128xf32, #tpu.memory_space<hbm>>
        tpu.enqueue_indirect_dma source(%dma_start3A_413 : memref<10240x128xf32, #tpu.memory_space<hbm>>) target(%arg10 : memref<125x128xf32, #tpu.memory_space<vmem>>) offsets(%dma_start3A_406 : memref<125xi32, #tpu.memory_space<vmem>>) semaphore(%arg14 : memref<!tpu.dma_semaphore, #tpu.memory_space<semaphore_mem>>)
        %dma_wait3A_414 = arith.constant 0 : i32
        %dma_wait3A_415 = tpu.memref_slice %arg6[%add3A_383, %dma_wait3A_414] : memref<10x125xi32, #tpu.memory_space<vmem>> -> memref<1x125xi32, #tpu.memory_space<vmem>>
        %dma_wait3A_416 = tpu.memref_squeeze %dma_wait3A_415 : memref<1x125xi32, #tpu.memory_space<vmem>> -> memref<125xi32, #tpu.memory_space<vmem>>
        %dma_wait3A_417 = arith.constant 0 : i32
        %dma_wait3A_418 = arith.constant 0 : i32
        %dma_wait3A_419 = tpu.memref_slice %arg2[%arg0, %dma_wait3A_417, %dma_wait3A_418] : memref<2x10240x128xf32, #tpu.memory_space<hbm>> -> memref<1x10240x128xf32, #tpu.memory_space<hbm>>
        %dma_wait3A_420 = tpu.memref_squeeze %dma_wait3A_419 : memref<1x10240x128xf32, #tpu.memory_space<hbm>> -> memref<10240x128xf32, #tpu.memory_space<hbm>>
        %dma_wait3A_421 = arith.constant 0 : i32
        %dma_wait3A_422 = arith.constant 0 : i32
        %dma_wait3A_423 = tpu.memref_slice %dma_wait3A_420[%dma_wait3A_421, %dma_wait3A_422] : memref<10240x128xf32, #tpu.memory_space<hbm>> -> memref<10240x128xf32, #tpu.memory_space<hbm>>
        tpu.wait_indirect_dma semaphore(%arg15 : memref<!tpu.dma_semaphore, #tpu.memory_space<semaphore_mem>>) src(%dma_wait3A_423 : memref<10240x128xf32, #tpu.memory_space<hbm>>) dst(%arg11 : memref<125x128xf32, #tpu.memory_space<vmem>>)
        "tpu.region"() ({
          %run_scoped3A_424 = tpu.sem_alloc : memref<!tpu.dma_semaphore, #tpu.memory_space<semaphore_mem>>
          %dma_start3A_425 = arith.constant 0 : i32
          %dma_start3A_426 = tpu.memref_slice %arg7[%add3A_383, %dma_start3A_425] : memref<10x125xi32, #tpu.memory_space<vmem>> -> memref<1x125xi32, #tpu.memory_space<vmem>>
          %dma_start3A_427 = tpu.memref_squeeze %dma_start3A_426 : memref<1x125xi32, #tpu.memory_space<vmem>> -> memref<125xi32, #tpu.memory_space<vmem>>
          %dma_start3A_428 = arith.constant 0 : i32
          %dma_start3A_429 = arith.constant 0 : i32
          %dma_start3A_430 = tpu.memref_slice %arg13[%dma_start3A_428, %dma_start3A_429] : memref<10240x128xf32, #tpu.memory_space<vmem_shared>> -> memref<10240x128xf32, #tpu.memory_space<vmem_shared>>
          tpu.enqueue_indirect_dma source(%arg11 : memref<125x128xf32, #tpu.memory_space<vmem>>) target(%dma_start3A_430 : memref<10240x128xf32, #tpu.memory_space<vmem_shared>>) offsets(%dma_start3A_427 : memref<125xi32, #tpu.memory_space<vmem>>) semaphore(%run_scoped3A_424 : memref<!tpu.dma_semaphore, #tpu.memory_space<semaphore_mem>>) {add = true}
          %dma_wait3A_431 = arith.constant 0 : i32
          %dma_wait3A_432 = tpu.memref_slice %arg7[%add3A_383, %dma_wait3A_431] : memref<10x125xi32, #tpu.memory_space<vmem>> -> memref<1x125xi32, #tpu.memory_space<vmem>>
          %dma_wait3A_433 = tpu.memref_squeeze %dma_wait3A_432 : memref<1x125xi32, #tpu.memory_space<vmem>> -> memref<125xi32, #tpu.memory_space<vmem>>
          %dma_wait3A_434 = arith.constant 0 : i32
          %dma_wait3A_435 = arith.constant 0 : i32
          %dma_wait3A_436 = tpu.memref_slice %arg13[%dma_wait3A_434, %dma_wait3A_435] : memref<10240x128xf32, #tpu.memory_space<vmem_shared>> -> memref<10240x128xf32, #tpu.memory_space<vmem_shared>>
          tpu.wait_indirect_dma semaphore(%run_scoped3A_424 : memref<!tpu.dma_semaphore, #tpu.memory_space<semaphore_mem>>) src(%arg11 : memref<125x128xf32, #tpu.memory_space<vmem>>) dst(%dma_wait3A_436 : memref<10240x128xf32, #tpu.memory_space<vmem_shared>>)
          tpu.yield
        }) : () -> ()
      }
      %scan3A_228 = arith.constant 4 : i32
      %dma_wait3A_229 = arith.constant 0 : i32
      %dma_wait3A_230 = arith.constant 0 : i32
      %dma_wait3A_231 = tpu.memref_slice %arg3[%arg1, %add3A_203, %dma_wait3A_229, %dma_wait3A_230] : memref<16x16x10x125xi32, #tpu.memory_space<hbm>> -> memref<1x1x10x125xi32, #tpu.memory_space<hbm>>
      %dma_wait3A_232 = tpu.memref_squeeze %dma_wait3A_231 : memref<1x1x10x125xi32, #tpu.memory_space<hbm>> -> memref<10x125xi32, #tpu.memory_space<hbm>>
      %dma_wait3A_233 = arith.constant 0 : i32
      %dma_wait3A_234 = arith.constant 0 : i32
      %dma_wait3A_235 = tpu.memref_slice %arg3[%arg1, %add3A_203, %dma_wait3A_233, %dma_wait3A_234] : memref<16x16x10x125xi32, #tpu.memory_space<hbm>> -> memref<1x1x10x125xi32, #tpu.memory_space<hbm>>
      %dma_wait3A_236 = tpu.memref_squeeze %dma_wait3A_235 : memref<1x1x10x125xi32, #tpu.memory_space<hbm>> -> memref<10x125xi32, #tpu.memory_space<hbm>>
      tpu.wait_dma2 semaphore(%arg16 : memref<!tpu.dma_semaphore, #tpu.memory_space<semaphore_mem>>) src(%dma_wait3A_236 : memref<10x125xi32, #tpu.memory_space<hbm>>) dst(%arg8 : memref<10x125xi32, #tpu.memory_space<vmem>>)
      %dma_wait3A_237 = arith.constant 0 : i32
      %dma_wait3A_238 = arith.constant 0 : i32
      %dma_wait3A_239 = tpu.memref_slice %arg4[%arg1, %add3A_203, %dma_wait3A_237, %dma_wait3A_238] : memref<16x16x10x125xi32, #tpu.memory_space<hbm>> -> memref<1x1x10x125xi32, #tpu.memory_space<hbm>>
      %dma_wait3A_240 = tpu.memref_squeeze %dma_wait3A_239 : memref<1x1x10x125xi32, #tpu.memory_space<hbm>> -> memref<10x125xi32, #tpu.memory_space<hbm>>
      %dma_wait3A_241 = arith.constant 0 : i32
      %dma_wait3A_242 = arith.constant 0 : i32
      %dma_wait3A_243 = tpu.memref_slice %arg4[%arg1, %add3A_203, %dma_wait3A_241, %dma_wait3A_242] : memref<16x16x10x125xi32, #tpu.memory_space<hbm>> -> memref<1x1x10x125xi32, #tpu.memory_space<hbm>>
      %dma_wait3A_244 = tpu.memref_squeeze %dma_wait3A_243 : memref<1x1x10x125xi32, #tpu.memory_space<hbm>> -> memref<10x125xi32, #tpu.memory_space<hbm>>
      tpu.wait_dma2 semaphore(%arg16 : memref<!tpu.dma_semaphore, #tpu.memory_space<semaphore_mem>>) src(%dma_wait3A_244 : memref<10x125xi32, #tpu.memory_space<hbm>>) dst(%arg9 : memref<10x125xi32, #tpu.memory_space<vmem>>)
      %dma_start3A_245 = arith.constant 9 : i32
      %dma_start3A_246 = arith.constant 0 : i32
      %dma_start3A_247 = tpu.memref_slice %arg6[%dma_start3A_245, %dma_start3A_246] : memref<10x125xi32, #tpu.memory_space<vmem>> -> memref<1x125xi32, #tpu.memory_space<vmem>>
      %dma_start3A_248 = tpu.memref_squeeze %dma_start3A_247 : memref<1x125xi32, #tpu.memory_space<vmem>> -> memref<125xi32, #tpu.memory_space<vmem>>
      %dma_start3A_249 = arith.constant 0 : i32
      %dma_start3A_250 = arith.constant 0 : i32
      %dma_start3A_251 = tpu.memref_slice %arg2[%arg0, %dma_start3A_249, %dma_start3A_250] : memref<2x10240x128xf32, #tpu.memory_space<hbm>> -> memref<1x10240x128xf32, #tpu.memory_space<hbm>>
      %dma_start3A_252 = tpu.memref_squeeze %dma_start3A_251 : memref<1x10240x128xf32, #tpu.memory_space<hbm>> -> memref<10240x128xf32, #tpu.memory_space<hbm>>
      %dma_start3A_253 = arith.constant 0 : i32
      %dma_start3A_254 = arith.constant 0 : i32
      %dma_start3A_255 = tpu.memref_slice %dma_start3A_252[%dma_start3A_253, %dma_start3A_254] : memref<10240x128xf32, #tpu.memory_space<hbm>> -> memref<10240x128xf32, #tpu.memory_space<hbm>>
      tpu.enqueue_indirect_dma source(%dma_start3A_255 : memref<10240x128xf32, #tpu.memory_space<hbm>>) target(%arg11 : memref<125x128xf32, #tpu.memory_space<vmem>>) offsets(%dma_start3A_248 : memref<125xi32, #tpu.memory_space<vmem>>) semaphore(%arg15 : memref<!tpu.dma_semaphore, #tpu.memory_space<semaphore_mem>>)
      %dma_wait3A_256 = arith.constant 8 : i32
      %dma_wait3A_257 = arith.constant 0 : i32
      %dma_wait3A_258 = tpu.memref_slice %arg6[%dma_wait3A_256, %dma_wait3A_257] : memref<10x125xi32, #tpu.memory_space<vmem>> -> memref<1x125xi32, #tpu.memory_space<vmem>>
      %dma_wait3A_259 = tpu.memref_squeeze %dma_wait3A_258 : memref<1x125xi32, #tpu.memory_space<vmem>> -> memref<125xi32, #tpu.memory_space<vmem>>
      %dma_wait3A_260 = arith.constant 0 : i32
      %dma_wait3A_261 = arith.constant 0 : i32
      %dma_wait3A_262 = tpu.memref_slice %arg2[%arg0, %dma_wait3A_260, %dma_wait3A_261] : memref<2x10240x128xf32, #tpu.memory_space<hbm>> -> memref<1x10240x128xf32, #tpu.memory_space<hbm>>
      %dma_wait3A_263 = tpu.memref_squeeze %dma_wait3A_262 : memref<1x10240x128xf32, #tpu.memory_space<hbm>> -> memref<10240x128xf32, #tpu.memory_space<hbm>>
      %dma_wait3A_264 = arith.constant 0 : i32
      %dma_wait3A_265 = arith.constant 0 : i32
      %dma_wait3A_266 = tpu.memref_slice %dma_wait3A_263[%dma_wait3A_264, %dma_wait3A_265] : memref<10240x128xf32, #tpu.memory_space<hbm>> -> memref<10240x128xf32, #tpu.memory_space<hbm>>
      tpu.wait_indirect_dma semaphore(%arg14 : memref<!tpu.dma_semaphore, #tpu.memory_space<semaphore_mem>>) src(%dma_wait3A_266 : memref<10240x128xf32, #tpu.memory_space<hbm>>) dst(%arg10 : memref<125x128xf32, #tpu.memory_space<vmem>>)
      %run_scoped3A_267 = arith.constant 8 : i32
      "tpu.region"() ({
        %run_scoped3A_375 = tpu.sem_alloc : memref<!tpu.dma_semaphore, #tpu.memory_space<semaphore_mem>>
        %dma_start3A_376 = arith.constant 0 : i32
        %dma_start3A_377 = tpu.memref_slice %arg7[%run_scoped3A_267, %dma_start3A_376] : memref<10x125xi32, #tpu.memory_space<vmem>> -> memref<1x125xi32, #tpu.memory_space<vmem>>
        %dma_start3A_378 = tpu.memref_squeeze %dma_start3A_377 : memref<1x125xi32, #tpu.memory_space<vmem>> -> memref<125xi32, #tpu.memory_space<vmem>>
        %dma_start3A_379 = arith.constant 0 : i32
        %dma_start3A_380 = arith.constant 0 : i32
        %dma_start3A_381 = tpu.memref_slice %arg13[%dma_start3A_379, %dma_start3A_380] : memref<10240x128xf32, #tpu.memory_space<vmem_shared>> -> memref<10240x128xf32, #tpu.memory_space<vmem_shared>>
        tpu.enqueue_indirect_dma source(%arg10 : memref<125x128xf32, #tpu.memory_space<vmem>>) target(%dma_start3A_381 : memref<10240x128xf32, #tpu.memory_space<vmem_shared>>) offsets(%dma_start3A_378 : memref<125xi32, #tpu.memory_space<vmem>>) semaphore(%run_scoped3A_375 : memref<!tpu.dma_semaphore, #tpu.memory_space<semaphore_mem>>) {add = true}
        %dma_wait3A_382 = arith.constant 0 : i32
        %dma_wait3A_383 = tpu.memref_slice %arg7[%run_scoped3A_267, %dma_wait3A_382] : memref<10x125xi32, #tpu.memory_space<vmem>> -> memref<1x125xi32, #tpu.memory_space<vmem>>
        %dma_wait3A_384 = tpu.memref_squeeze %dma_wait3A_383 : memref<1x125xi32, #tpu.memory_space<vmem>> -> memref<125xi32, #tpu.memory_space<vmem>>
        %dma_wait3A_385 = arith.constant 0 : i32
        %dma_wait3A_386 = arith.constant 0 : i32
        %dma_wait3A_387 = tpu.memref_slice %arg13[%dma_wait3A_385, %dma_wait3A_386] : memref<10240x128xf32, #tpu.memory_space<vmem_shared>> -> memref<10240x128xf32, #tpu.memory_space<vmem_shared>>
        tpu.wait_indirect_dma semaphore(%run_scoped3A_375 : memref<!tpu.dma_semaphore, #tpu.memory_space<semaphore_mem>>) src(%arg10 : memref<125x128xf32, #tpu.memory_space<vmem>>) dst(%dma_wait3A_387 : memref<10240x128xf32, #tpu.memory_space<vmem_shared>>)
        tpu.yield
      }) : () -> ()
      %dma_start3A_268 = arith.constant 0 : i32
      %dma_start3A_269 = arith.constant 0 : i32
      %dma_start3A_270 = tpu.memref_slice %arg8[%dma_start3A_268, %dma_start3A_269] : memref<10x125xi32, #tpu.memory_space<vmem>> -> memref<1x125xi32, #tpu.memory_space<vmem>>
      %dma_start3A_271 = tpu.memref_squeeze %dma_start3A_270 : memref<1x125xi32, #tpu.memory_space<vmem>> -> memref<125xi32, #tpu.memory_space<vmem>>
      %dma_start3A_272 = arith.constant 0 : i32
      %dma_start3A_273 = arith.constant 0 : i32
      %dma_start3A_274 = tpu.memref_slice %arg2[%arg0, %dma_start3A_272, %dma_start3A_273] : memref<2x10240x128xf32, #tpu.memory_space<hbm>> -> memref<1x10240x128xf32, #tpu.memory_space<hbm>>
      %dma_start3A_275 = tpu.memref_squeeze %dma_start3A_274 : memref<1x10240x128xf32, #tpu.memory_space<hbm>> -> memref<10240x128xf32, #tpu.memory_space<hbm>>
      %dma_start3A_276 = arith.constant 0 : i32
      %dma_start3A_277 = arith.constant 0 : i32
      %dma_start3A_278 = tpu.memref_slice %dma_start3A_275[%dma_start3A_276, %dma_start3A_277] : memref<10240x128xf32, #tpu.memory_space<hbm>> -> memref<10240x128xf32, #tpu.memory_space<hbm>>
      tpu.enqueue_indirect_dma source(%dma_start3A_278 : memref<10240x128xf32, #tpu.memory_space<hbm>>) target(%arg10 : memref<125x128xf32, #tpu.memory_space<vmem>>) offsets(%dma_start3A_271 : memref<125xi32, #tpu.memory_space<vmem>>) semaphore(%arg14 : memref<!tpu.dma_semaphore, #tpu.memory_space<semaphore_mem>>)
      %dma_wait3A_279 = arith.constant 9 : i32
      %dma_wait3A_280 = arith.constant 0 : i32
      %dma_wait3A_281 = tpu.memref_slice %arg6[%dma_wait3A_279, %dma_wait3A_280] : memref<10x125xi32, #tpu.memory_space<vmem>> -> memref<1x125xi32, #tpu.memory_space<vmem>>
      %dma_wait3A_282 = tpu.memref_squeeze %dma_wait3A_281 : memref<1x125xi32, #tpu.memory_space<vmem>> -> memref<125xi32, #tpu.memory_space<vmem>>
      %dma_wait3A_283 = arith.constant 0 : i32
      %dma_wait3A_284 = arith.constant 0 : i32
      %dma_wait3A_285 = tpu.memref_slice %arg2[%arg0, %dma_wait3A_283, %dma_wait3A_284] : memref<2x10240x128xf32, #tpu.memory_space<hbm>> -> memref<1x10240x128xf32, #tpu.memory_space<hbm>>
      %dma_wait3A_286 = tpu.memref_squeeze %dma_wait3A_285 : memref<1x10240x128xf32, #tpu.memory_space<hbm>> -> memref<10240x128xf32, #tpu.memory_space<hbm>>
      %dma_wait3A_287 = arith.constant 0 : i32
      %dma_wait3A_288 = arith.constant 0 : i32
      %dma_wait3A_289 = tpu.memref_slice %dma_wait3A_286[%dma_wait3A_287, %dma_wait3A_288] : memref<10240x128xf32, #tpu.memory_space<hbm>> -> memref<10240x128xf32, #tpu.memory_space<hbm>>
      tpu.wait_indirect_dma semaphore(%arg15 : memref<!tpu.dma_semaphore, #tpu.memory_space<semaphore_mem>>) src(%dma_wait3A_289 : memref<10240x128xf32, #tpu.memory_space<hbm>>) dst(%arg11 : memref<125x128xf32, #tpu.memory_space<vmem>>)
      %run_scoped3A_290 = arith.constant 9 : i32
      "tpu.region"() ({
        %run_scoped3A_375 = tpu.sem_alloc : memref<!tpu.dma_semaphore, #tpu.memory_space<semaphore_mem>>
        %dma_start3A_376 = arith.constant 0 : i32
        %dma_start3A_377 = tpu.memref_slice %arg7[%run_scoped3A_290, %dma_start3A_376] : memref<10x125xi32, #tpu.memory_space<vmem>> -> memref<1x125xi32, #tpu.memory_space<vmem>>
        %dma_start3A_378 = tpu.memref_squeeze %dma_start3A_377 : memref<1x125xi32, #tpu.memory_space<vmem>> -> memref<125xi32, #tpu.memory_space<vmem>>
        %dma_start3A_379 = arith.constant 0 : i32
        %dma_start3A_380 = arith.constant 0 : i32
        %dma_start3A_381 = tpu.memref_slice %arg13[%dma_start3A_379, %dma_start3A_380] : memref<10240x128xf32, #tpu.memory_space<vmem_shared>> -> memref<10240x128xf32, #tpu.memory_space<vmem_shared>>
        tpu.enqueue_indirect_dma source(%arg11 : memref<125x128xf32, #tpu.memory_space<vmem>>) target(%dma_start3A_381 : memref<10240x128xf32, #tpu.memory_space<vmem_shared>>) offsets(%dma_start3A_378 : memref<125xi32, #tpu.memory_space<vmem>>) semaphore(%run_scoped3A_375 : memref<!tpu.dma_semaphore, #tpu.memory_space<semaphore_mem>>) {add = true}
        %dma_wait3A_382 = arith.constant 0 : i32
        %dma_wait3A_383 = tpu.memref_slice %arg7[%run_scoped3A_290, %dma_wait3A_382] : memref<10x125xi32, #tpu.memory_space<vmem>> -> memref<1x125xi32, #tpu.memory_space<vmem>>
        %dma_wait3A_384 = tpu.memref_squeeze %dma_wait3A_383 : memref<1x125xi32, #tpu.memory_space<vmem>> -> memref<125xi32, #tpu.memory_space<vmem>>
        %dma_wait3A_385 = arith.constant 0 : i32
        %dma_wait3A_386 = arith.constant 0 : i32
        %dma_wait3A_387 = tpu.memref_slice %arg13[%dma_wait3A_385, %dma_wait3A_386] : memref<10240x128xf32, #tpu.memory_space<vmem_shared>> -> memref<10240x128xf32, #tpu.memory_space<vmem_shared>>
        tpu.wait_indirect_dma semaphore(%run_scoped3A_375 : memref<!tpu.dma_semaphore, #tpu.memory_space<semaphore_mem>>) src(%arg11 : memref<125x128xf32, #tpu.memory_space<vmem>>) dst(%dma_wait3A_387 : memref<10240x128xf32, #tpu.memory_space<vmem_shared>>)
        tpu.yield
      }) : () -> ()
      %dma_start3A_291 = arith.constant 0 : i32
      %dma_start3A_292 = arith.constant 0 : i32
      %dma_start3A_293 = tpu.memref_slice %arg3[%arg1, %min3A_206, %dma_start3A_291, %dma_start3A_292] : memref<16x16x10x125xi32, #tpu.memory_space<hbm>> -> memref<1x1x10x125xi32, #tpu.memory_space<hbm>>
      %dma_start3A_294 = tpu.memref_squeeze %dma_start3A_293 : memref<1x1x10x125xi32, #tpu.memory_space<hbm>> -> memref<10x125xi32, #tpu.memory_space<hbm>>
      %dma_start3A_295 = arith.constant 0 : i32
      %dma_start3A_296 = arith.constant 0 : i32
      %dma_start3A_297 = tpu.memref_slice %arg3[%arg1, %min3A_206, %dma_start3A_295, %dma_start3A_296] : memref<16x16x10x125xi32, #tpu.memory_space<hbm>> -> memref<1x1x10x125xi32, #tpu.memory_space<hbm>>
      %dma_start3A_298 = tpu.memref_squeeze %dma_start3A_297 : memref<1x1x10x125xi32, #tpu.memory_space<hbm>> -> memref<10x125xi32, #tpu.memory_space<hbm>>
      tpu.enqueue_dma source(%dma_start3A_298 : memref<10x125xi32, #tpu.memory_space<hbm>>) target(%arg6 : memref<10x125xi32, #tpu.memory_space<vmem>>) target_semaphore(%arg16 : memref<!tpu.dma_semaphore, #tpu.memory_space<semaphore_mem>>)
      %dma_start3A_299 = arith.constant 0 : i32
      %dma_start3A_300 = arith.constant 0 : i32
      %dma_start3A_301 = tpu.memref_slice %arg4[%arg1, %min3A_206, %dma_start3A_299, %dma_start3A_300] : memref<16x16x10x125xi32, #tpu.memory_space<hbm>> -> memref<1x1x10x125xi32, #tpu.memory_space<hbm>>
      %dma_start3A_302 = tpu.memref_squeeze %dma_start3A_301 : memref<1x1x10x125xi32, #tpu.memory_space<hbm>> -> memref<10x125xi32, #tpu.memory_space<hbm>>
      %dma_start3A_303 = arith.constant 0 : i32
      %dma_start3A_304 = arith.constant 0 : i32
      %dma_start3A_305 = tpu.memref_slice %arg4[%arg1, %min3A_206, %dma_start3A_303, %dma_start3A_304] : memref<16x16x10x125xi32, #tpu.memory_space<hbm>> -> memref<1x1x10x125xi32, #tpu.memory_space<hbm>>
      %dma_start3A_306 = tpu.memref_squeeze %dma_start3A_305 : memref<1x1x10x125xi32, #tpu.memory_space<hbm>> -> memref<10x125xi32, #tpu.memory_space<hbm>>
      tpu.enqueue_dma source(%dma_start3A_306 : memref<10x125xi32, #tpu.memory_space<hbm>>) target(%arg7 : memref<10x125xi32, #tpu.memory_space<vmem>>) target_semaphore(%arg16 : memref<!tpu.dma_semaphore, #tpu.memory_space<semaphore_mem>>)
      %scan3A_307 = arith.constant 0 : i32
      %scan3A_308 = arith.constant 0 : i32
      %scan3A_309 = arith.constant 4 : i32
      %scan3A_310 = arith.addi %scan3A_308, %scan3A_309 : i32
      %scan3A_311 = arith.constant 1 : i32
      scf.for %scan3A_375 = %scan3A_308 to %scan3A_310 step %scan3A_311  : i32 {
        %mul3A_376 = arith.constant 2 : i32
        %mul3A_377 = arith.muli %scan3A_375, %mul3A_376 : i32
        %mul3A_378 = arith.constant 2 : i32
        %mul3A_379 = arith.muli %scan3A_375, %mul3A_378 : i32
        %add3A_380 = arith.constant 2 : i32
        %add3A_381 = arith.addi %mul3A_379, %add3A_380 : i32
        %add3A_382 = arith.constant 1 : i32
        %add3A_383 = arith.addi %mul3A_377, %add3A_382 : i32
        %dma_start3A_384 = arith.constant 0 : i32
        %dma_start3A_385 = tpu.memref_slice %arg8[%add3A_383, %dma_start3A_384] : memref<10x125xi32, #tpu.memory_space<vmem>> -> memref<1x125xi32, #tpu.memory_space<vmem>>
        %dma_start3A_386 = tpu.memref_squeeze %dma_start3A_385 : memref<1x125xi32, #tpu.memory_space<vmem>> -> memref<125xi32, #tpu.memory_space<vmem>>
        %dma_start3A_387 = arith.constant 0 : i32
        %dma_start3A_388 = arith.constant 0 : i32
        %dma_start3A_389 = tpu.memref_slice %arg2[%arg0, %dma_start3A_387, %dma_start3A_388] : memref<2x10240x128xf32, #tpu.memory_space<hbm>> -> memref<1x10240x128xf32, #tpu.memory_space<hbm>>
        %dma_start3A_390 = tpu.memref_squeeze %dma_start3A_389 : memref<1x10240x128xf32, #tpu.memory_space<hbm>> -> memref<10240x128xf32, #tpu.memory_space<hbm>>
        %dma_start3A_391 = arith.constant 0 : i32
        %dma_start3A_392 = arith.constant 0 : i32
        %dma_start3A_393 = tpu.memref_slice %dma_start3A_390[%dma_start3A_391, %dma_start3A_392] : memref<10240x128xf32, #tpu.memory_space<hbm>> -> memref<10240x128xf32, #tpu.memory_space<hbm>>
        tpu.enqueue_indirect_dma source(%dma_start3A_393 : memref<10240x128xf32, #tpu.memory_space<hbm>>) target(%arg11 : memref<125x128xf32, #tpu.memory_space<vmem>>) offsets(%dma_start3A_386 : memref<125xi32, #tpu.memory_space<vmem>>) semaphore(%arg15 : memref<!tpu.dma_semaphore, #tpu.memory_space<semaphore_mem>>)
        %dma_wait3A_394 = arith.constant 0 : i32
        %dma_wait3A_395 = tpu.memref_slice %arg8[%mul3A_377, %dma_wait3A_394] : memref<10x125xi32, #tpu.memory_space<vmem>> -> memref<1x125xi32, #tpu.memory_space<vmem>>
        %dma_wait3A_396 = tpu.memref_squeeze %dma_wait3A_395 : memref<1x125xi32, #tpu.memory_space<vmem>> -> memref<125xi32, #tpu.memory_space<vmem>>
        %dma_wait3A_397 = arith.constant 0 : i32
        %dma_wait3A_398 = arith.constant 0 : i32
        %dma_wait3A_399 = tpu.memref_slice %arg2[%arg0, %dma_wait3A_397, %dma_wait3A_398] : memref<2x10240x128xf32, #tpu.memory_space<hbm>> -> memref<1x10240x128xf32, #tpu.memory_space<hbm>>
        %dma_wait3A_400 = tpu.memref_squeeze %dma_wait3A_399 : memref<1x10240x128xf32, #tpu.memory_space<hbm>> -> memref<10240x128xf32, #tpu.memory_space<hbm>>
        %dma_wait3A_401 = arith.constant 0 : i32
        %dma_wait3A_402 = arith.constant 0 : i32
        %dma_wait3A_403 = tpu.memref_slice %dma_wait3A_400[%dma_wait3A_401, %dma_wait3A_402] : memref<10240x128xf32, #tpu.memory_space<hbm>> -> memref<10240x128xf32, #tpu.memory_space<hbm>>
        tpu.wait_indirect_dma semaphore(%arg14 : memref<!tpu.dma_semaphore, #tpu.memory_space<semaphore_mem>>) src(%dma_wait3A_403 : memref<10240x128xf32, #tpu.memory_space<hbm>>) dst(%arg10 : memref<125x128xf32, #tpu.memory_space<vmem>>)
        "tpu.region"() ({
          %run_scoped3A_424 = tpu.sem_alloc : memref<!tpu.dma_semaphore, #tpu.memory_space<semaphore_mem>>
          %dma_start3A_425 = arith.constant 0 : i32
          %dma_start3A_426 = tpu.memref_slice %arg9[%mul3A_377, %dma_start3A_425] : memref<10x125xi32, #tpu.memory_space<vmem>> -> memref<1x125xi32, #tpu.memory_space<vmem>>
          %dma_start3A_427 = tpu.memref_squeeze %dma_start3A_426 : memref<1x125xi32, #tpu.memory_space<vmem>> -> memref<125xi32, #tpu.memory_space<vmem>>
          %dma_start3A_428 = arith.constant 0 : i32
          %dma_start3A_429 = arith.constant 0 : i32
          %dma_start3A_430 = tpu.memref_slice %arg13[%dma_start3A_428, %dma_start3A_429] : memref<10240x128xf32, #tpu.memory_space<vmem_shared>> -> memref<10240x128xf32, #tpu.memory_space<vmem_shared>>
          tpu.enqueue_indirect_dma source(%arg10 : memref<125x128xf32, #tpu.memory_space<vmem>>) target(%dma_start3A_430 : memref<10240x128xf32, #tpu.memory_space<vmem_shared>>) offsets(%dma_start3A_427 : memref<125xi32, #tpu.memory_space<vmem>>) semaphore(%run_scoped3A_424 : memref<!tpu.dma_semaphore, #tpu.memory_space<semaphore_mem>>) {add = true}
          %dma_wait3A_431 = arith.constant 0 : i32
          %dma_wait3A_432 = tpu.memref_slice %arg9[%mul3A_377, %dma_wait3A_431] : memref<10x125xi32, #tpu.memory_space<vmem>> -> memref<1x125xi32, #tpu.memory_space<vmem>>
          %dma_wait3A_433 = tpu.memref_squeeze %dma_wait3A_432 : memref<1x125xi32, #tpu.memory_space<vmem>> -> memref<125xi32, #tpu.memory_space<vmem>>
          %dma_wait3A_434 = arith.constant 0 : i32
          %dma_wait3A_435 = arith.constant 0 : i32
          %dma_wait3A_436 = tpu.memref_slice %arg13[%dma_wait3A_434, %dma_wait3A_435] : memref<10240x128xf32, #tpu.memory_space<vmem_shared>> -> memref<10240x128xf32, #tpu.memory_space<vmem_shared>>
          tpu.wait_indirect_dma semaphore(%run_scoped3A_424 : memref<!tpu.dma_semaphore, #tpu.memory_space<semaphore_mem>>) src(%arg10 : memref<125x128xf32, #tpu.memory_space<vmem>>) dst(%dma_wait3A_436 : memref<10240x128xf32, #tpu.memory_space<vmem_shared>>)
          tpu.yield
        }) : () -> ()
        %dma_start3A_404 = arith.constant 0 : i32
        %dma_start3A_405 = tpu.memref_slice %arg8[%add3A_381, %dma_start3A_404] : memref<10x125xi32, #tpu.memory_space<vmem>> -> memref<1x125xi32, #tpu.memory_space<vmem>>
        %dma_start3A_406 = tpu.memref_squeeze %dma_start3A_405 : memref<1x125xi32, #tpu.memory_space<vmem>> -> memref<125xi32, #tpu.memory_space<vmem>>
        %dma_start3A_407 = arith.constant 0 : i32
        %dma_start3A_408 = arith.constant 0 : i32
        %dma_start3A_409 = tpu.memref_slice %arg2[%arg0, %dma_start3A_407, %dma_start3A_408] : memref<2x10240x128xf32, #tpu.memory_space<hbm>> -> memref<1x10240x128xf32, #tpu.memory_space<hbm>>
        %dma_start3A_410 = tpu.memref_squeeze %dma_start3A_409 : memref<1x10240x128xf32, #tpu.memory_space<hbm>> -> memref<10240x128xf32, #tpu.memory_space<hbm>>
        %dma_start3A_411 = arith.constant 0 : i32
        %dma_start3A_412 = arith.constant 0 : i32
        %dma_start3A_413 = tpu.memref_slice %dma_start3A_410[%dma_start3A_411, %dma_start3A_412] : memref<10240x128xf32, #tpu.memory_space<hbm>> -> memref<10240x128xf32, #tpu.memory_space<hbm>>
        tpu.enqueue_indirect_dma source(%dma_start3A_413 : memref<10240x128xf32, #tpu.memory_space<hbm>>) target(%arg10 : memref<125x128xf32, #tpu.memory_space<vmem>>) offsets(%dma_start3A_406 : memref<125xi32, #tpu.memory_space<vmem>>) semaphore(%arg14 : memref<!tpu.dma_semaphore, #tpu.memory_space<semaphore_mem>>)
        %dma_wait3A_414 = arith.constant 0 : i32
        %dma_wait3A_415 = tpu.memref_slice %arg8[%add3A_383, %dma_wait3A_414] : memref<10x125xi32, #tpu.memory_space<vmem>> -> memref<1x125xi32, #tpu.memory_space<vmem>>
        %dma_wait3A_416 = tpu.memref_squeeze %dma_wait3A_415 : memref<1x125xi32, #tpu.memory_space<vmem>> -> memref<125xi32, #tpu.memory_space<vmem>>
        %dma_wait3A_417 = arith.constant 0 : i32
        %dma_wait3A_418 = arith.constant 0 : i32
        %dma_wait3A_419 = tpu.memref_slice %arg2[%arg0, %dma_wait3A_417, %dma_wait3A_418] : memref<2x10240x128xf32, #tpu.memory_space<hbm>> -> memref<1x10240x128xf32, #tpu.memory_space<hbm>>
        %dma_wait3A_420 = tpu.memref_squeeze %dma_wait3A_419 : memref<1x10240x128xf32, #tpu.memory_space<hbm>> -> memref<10240x128xf32, #tpu.memory_space<hbm>>
        %dma_wait3A_421 = arith.constant 0 : i32
        %dma_wait3A_422 = arith.constant 0 : i32
        %dma_wait3A_423 = tpu.memref_slice %dma_wait3A_420[%dma_wait3A_421, %dma_wait3A_422] : memref<10240x128xf32, #tpu.memory_space<hbm>> -> memref<10240x128xf32, #tpu.memory_space<hbm>>
        tpu.wait_indirect_dma semaphore(%arg15 : memref<!tpu.dma_semaphore, #tpu.memory_space<semaphore_mem>>) src(%dma_wait3A_423 : memref<10240x128xf32, #tpu.memory_space<hbm>>) dst(%arg11 : memref<125x128xf32, #tpu.memory_space<vmem>>)
        "tpu.region"() ({
          %run_scoped3A_424 = tpu.sem_alloc : memref<!tpu.dma_semaphore, #tpu.memory_space<semaphore_mem>>
          %dma_start3A_425 = arith.constant 0 : i32
          %dma_start3A_426 = tpu.memref_slice %arg9[%add3A_383, %dma_start3A_425] : memref<10x125xi32, #tpu.memory_space<vmem>> -> memref<1x125xi32, #tpu.memory_space<vmem>>
          %dma_start3A_427 = tpu.memref_squeeze %dma_start3A_426 : memref<1x125xi32, #tpu.memory_space<vmem>> -> memref<125xi32, #tpu.memory_space<vmem>>
          %dma_start3A_428 = arith.constant 0 : i32
          %dma_start3A_429 = arith.constant 0 : i32
          %dma_start3A_430 = tpu.memref_slice %arg13[%dma_start3A_428, %dma_start3A_429] : memref<10240x128xf32, #tpu.memory_space<vmem_shared>> -> memref<10240x128xf32, #tpu.memory_space<vmem_shared>>
          tpu.enqueue_indirect_dma source(%arg11 : memref<125x128xf32, #tpu.memory_space<vmem>>) target(%dma_start3A_430 : memref<10240x128xf32, #tpu.memory_space<vmem_shared>>) offsets(%dma_start3A_427 : memref<125xi32, #tpu.memory_space<vmem>>) semaphore(%run_scoped3A_424 : memref<!tpu.dma_semaphore, #tpu.memory_space<semaphore_mem>>) {add = true}
          %dma_wait3A_431 = arith.constant 0 : i32
          %dma_wait3A_432 = tpu.memref_slice %arg9[%add3A_383, %dma_wait3A_431] : memref<10x125xi32, #tpu.memory_space<vmem>> -> memref<1x125xi32, #tpu.memory_space<vmem>>
          %dma_wait3A_433 = tpu.memref_squeeze %dma_wait3A_432 : memref<1x125xi32, #tpu.memory_space<vmem>> -> memref<125xi32, #tpu.memory_space<vmem>>
          %dma_wait3A_434 = arith.constant 0 : i32
          %dma_wait3A_435 = arith.constant 0 : i32
          %dma_wait3A_436 = tpu.memref_slice %arg13[%dma_wait3A_434, %dma_wait3A_435] : memref<10240x128xf32, #tpu.memory_space<vmem_shared>> -> memref<10240x128xf32, #tpu.memory_space<vmem_shared>>
          tpu.wait_indirect_dma semaphore(%run_scoped3A_424 : memref<!tpu.dma_semaphore, #tpu.memory_space<semaphore_mem>>) src(%arg11 : memref<125x128xf32, #tpu.memory_space<vmem>>) dst(%dma_wait3A_436 : memref<10240x128xf32, #tpu.memory_space<vmem_shared>>)
          tpu.yield
        }) : () -> ()
      }
      %scan3A_312 = arith.constant 4 : i32
      %dma_wait3A_313 = arith.constant 0 : i32
      %dma_wait3A_314 = arith.constant 0 : i32
      %dma_wait3A_315 = tpu.memref_slice %arg3[%arg1, %min3A_206, %dma_wait3A_313, %dma_wait3A_314] : memref<16x16x10x125xi32, #tpu.memory_space<hbm>> -> memref<1x1x10x125xi32, #tpu.memory_space<hbm>>
      %dma_wait3A_316 = tpu.memref_squeeze %dma_wait3A_315 : memref<1x1x10x125xi32, #tpu.memory_space<hbm>> -> memref<10x125xi32, #tpu.memory_space<hbm>>
      %dma_wait3A_317 = arith.constant 0 : i32
      %dma_wait3A_318 = arith.constant 0 : i32
      %dma_wait3A_319 = tpu.memref_slice %arg3[%arg1, %min3A_206, %dma_wait3A_317, %dma_wait3A_318] : memref<16x16x10x125xi32, #tpu.memory_space<hbm>> -> memref<1x1x10x125xi32, #tpu.memory_space<hbm>>
      %dma_wait3A_320 = tpu.memref_squeeze %dma_wait3A_319 : memref<1x1x10x125xi32, #tpu.memory_space<hbm>> -> memref<10x125xi32, #tpu.memory_space<hbm>>
      tpu.wait_dma2 semaphore(%arg16 : memref<!tpu.dma_semaphore, #tpu.memory_space<semaphore_mem>>) src(%dma_wait3A_320 : memref<10x125xi32, #tpu.memory_space<hbm>>) dst(%arg6 : memref<10x125xi32, #tpu.memory_space<vmem>>)
      %dma_wait3A_321 = arith.constant 0 : i32
      %dma_wait3A_322 = arith.constant 0 : i32
      %dma_wait3A_323 = tpu.memref_slice %arg4[%arg1, %min3A_206, %dma_wait3A_321, %dma_wait3A_322] : memref<16x16x10x125xi32, #tpu.memory_space<hbm>> -> memref<1x1x10x125xi32, #tpu.memory_space<hbm>>
      %dma_wait3A_324 = tpu.memref_squeeze %dma_wait3A_323 : memref<1x1x10x125xi32, #tpu.memory_space<hbm>> -> memref<10x125xi32, #tpu.memory_space<hbm>>
      %dma_wait3A_325 = arith.constant 0 : i32
      %dma_wait3A_326 = arith.constant 0 : i32
      %dma_wait3A_327 = tpu.memref_slice %arg4[%arg1, %min3A_206, %dma_wait3A_325, %dma_wait3A_326] : memref<16x16x10x125xi32, #tpu.memory_space<hbm>> -> memref<1x1x10x125xi32, #tpu.memory_space<hbm>>
      %dma_wait3A_328 = tpu.memref_squeeze %dma_wait3A_327 : memref<1x1x10x125xi32, #tpu.memory_space<hbm>> -> memref<10x125xi32, #tpu.memory_space<hbm>>
      tpu.wait_dma2 semaphore(%arg16 : memref<!tpu.dma_semaphore, #tpu.memory_space<semaphore_mem>>) src(%dma_wait3A_328 : memref<10x125xi32, #tpu.memory_space<hbm>>) dst(%arg7 : memref<10x125xi32, #tpu.memory_space<vmem>>)
      %dma_start3A_329 = arith.constant 9 : i32
      %dma_start3A_330 = arith.constant 0 : i32
      %dma_start3A_331 = tpu.memref_slice %arg8[%dma_start3A_329, %dma_start3A_330] : memref<10x125xi32, #tpu.memory_space<vmem>> -> memref<1x125xi32, #tpu.memory_space<vmem>>
      %dma_start3A_332 = tpu.memref_squeeze %dma_start3A_331 : memref<1x125xi32, #tpu.memory_space<vmem>> -> memref<125xi32, #tpu.memory_space<vmem>>
      %dma_start3A_333 = arith.constant 0 : i32
      %dma_start3A_334 = arith.constant 0 : i32
      %dma_start3A_335 = tpu.memref_slice %arg2[%arg0, %dma_start3A_333, %dma_start3A_334] : memref<2x10240x128xf32, #tpu.memory_space<hbm>> -> memref<1x10240x128xf32, #tpu.memory_space<hbm>>
      %dma_start3A_336 = tpu.memref_squeeze %dma_start3A_335 : memref<1x10240x128xf32, #tpu.memory_space<hbm>> -> memref<10240x128xf32, #tpu.memory_space<hbm>>
      %dma_start3A_337 = arith.constant 0 : i32
      %dma_start3A_338 = arith.constant 0 : i32
      %dma_start3A_339 = tpu.memref_slice %dma_start3A_336[%dma_start3A_337, %dma_start3A_338] : memref<10240x128xf32, #tpu.memory_space<hbm>> -> memref<10240x128xf32, #tpu.memory_space<hbm>>
      tpu.enqueue_indirect_dma source(%dma_start3A_339 : memref<10240x128xf32, #tpu.memory_space<hbm>>) target(%arg11 : memref<125x128xf32, #tpu.memory_space<vmem>>) offsets(%dma_start3A_332 : memref<125xi32, #tpu.memory_space<vmem>>) semaphore(%arg15 : memref<!tpu.dma_semaphore, #tpu.memory_space<semaphore_mem>>)
      %dma_wait3A_340 = arith.constant 8 : i32
      %dma_wait3A_341 = arith.constant 0 : i32
      %dma_wait3A_342 = tpu.memref_slice %arg8[%dma_wait3A_340, %dma_wait3A_341] : memref<10x125xi32, #tpu.memory_space<vmem>> -> memref<1x125xi32, #tpu.memory_space<vmem>>
      %dma_wait3A_343 = tpu.memref_squeeze %dma_wait3A_342 : memref<1x125xi32, #tpu.memory_space<vmem>> -> memref<125xi32, #tpu.memory_space<vmem>>
      %dma_wait3A_344 = arith.constant 0 : i32
      %dma_wait3A_345 = arith.constant 0 : i32
      %dma_wait3A_346 = tpu.memref_slice %arg2[%arg0, %dma_wait3A_344, %dma_wait3A_345] : memref<2x10240x128xf32, #tpu.memory_space<hbm>> -> memref<1x10240x128xf32, #tpu.memory_space<hbm>>
      %dma_wait3A_347 = tpu.memref_squeeze %dma_wait3A_346 : memref<1x10240x128xf32, #tpu.memory_space<hbm>> -> memref<10240x128xf32, #tpu.memory_space<hbm>>
      %dma_wait3A_348 = arith.constant 0 : i32
      %dma_wait3A_349 = arith.constant 0 : i32
      %dma_wait3A_350 = tpu.memref_slice %dma_wait3A_347[%dma_wait3A_348, %dma_wait3A_349] : memref<10240x128xf32, #tpu.memory_space<hbm>> -> memref<10240x128xf32, #tpu.memory_space<hbm>>
      tpu.wait_indirect_dma semaphore(%arg14 : memref<!tpu.dma_semaphore, #tpu.memory_space<semaphore_mem>>) src(%dma_wait3A_350 : memref<10240x128xf32, #tpu.memory_space<hbm>>) dst(%arg10 : memref<125x128xf32, #tpu.memory_space<vmem>>)
      %run_scoped3A_351 = arith.constant 8 : i32
      "tpu.region"() ({
        %run_scoped3A_375 = tpu.sem_alloc : memref<!tpu.dma_semaphore, #tpu.memory_space<semaphore_mem>>
        %dma_start3A_376 = arith.constant 0 : i32
        %dma_start3A_377 = tpu.memref_slice %arg9[%run_scoped3A_351, %dma_start3A_376] : memref<10x125xi32, #tpu.memory_space<vmem>> -> memref<1x125xi32, #tpu.memory_space<vmem>>
        %dma_start3A_378 = tpu.memref_squeeze %dma_start3A_377 : memref<1x125xi32, #tpu.memory_space<vmem>> -> memref<125xi32, #tpu.memory_space<vmem>>
        %dma_start3A_379 = arith.constant 0 : i32
        %dma_start3A_380 = arith.constant 0 : i32
        %dma_start3A_381 = tpu.memref_slice %arg13[%dma_start3A_379, %dma_start3A_380] : memref<10240x128xf32, #tpu.memory_space<vmem_shared>> -> memref<10240x128xf32, #tpu.memory_space<vmem_shared>>
        tpu.enqueue_indirect_dma source(%arg10 : memref<125x128xf32, #tpu.memory_space<vmem>>) target(%dma_start3A_381 : memref<10240x128xf32, #tpu.memory_space<vmem_shared>>) offsets(%dma_start3A_378 : memref<125xi32, #tpu.memory_space<vmem>>) semaphore(%run_scoped3A_375 : memref<!tpu.dma_semaphore, #tpu.memory_space<semaphore_mem>>) {add = true}
        %dma_wait3A_382 = arith.constant 0 : i32
        %dma_wait3A_383 = tpu.memref_slice %arg9[%run_scoped3A_351, %dma_wait3A_382] : memref<10x125xi32, #tpu.memory_space<vmem>> -> memref<1x125xi32, #tpu.memory_space<vmem>>
        %dma_wait3A_384 = tpu.memref_squeeze %dma_wait3A_383 : memref<1x125xi32, #tpu.memory_space<vmem>> -> memref<125xi32, #tpu.memory_space<vmem>>
        %dma_wait3A_385 = arith.constant 0 : i32
        %dma_wait3A_386 = arith.constant 0 : i32
        %dma_wait3A_387 = tpu.memref_slice %arg13[%dma_wait3A_385, %dma_wait3A_386] : memref<10240x128xf32, #tpu.memory_space<vmem_shared>> -> memref<10240x128xf32, #tpu.memory_space<vmem_shared>>
        tpu.wait_indirect_dma semaphore(%run_scoped3A_375 : memref<!tpu.dma_semaphore, #tpu.memory_space<semaphore_mem>>) src(%arg10 : memref<125x128xf32, #tpu.memory_space<vmem>>) dst(%dma_wait3A_387 : memref<10240x128xf32, #tpu.memory_space<vmem_shared>>)
        tpu.yield
      }) : () -> ()
      %dma_start3A_352 = arith.constant 0 : i32
      %dma_start3A_353 = arith.constant 0 : i32
      %dma_start3A_354 = tpu.memref_slice %arg6[%dma_start3A_352, %dma_start3A_353] : memref<10x125xi32, #tpu.memory_space<vmem>> -> memref<1x125xi32, #tpu.memory_space<vmem>>
      %dma_start3A_355 = tpu.memref_squeeze %dma_start3A_354 : memref<1x125xi32, #tpu.memory_space<vmem>> -> memref<125xi32, #tpu.memory_space<vmem>>
      %dma_start3A_356 = arith.constant 0 : i32
      %dma_start3A_357 = arith.constant 0 : i32
      %dma_start3A_358 = tpu.memref_slice %arg2[%arg0, %dma_start3A_356, %dma_start3A_357] : memref<2x10240x128xf32, #tpu.memory_space<hbm>> -> memref<1x10240x128xf32, #tpu.memory_space<hbm>>
      %dma_start3A_359 = tpu.memref_squeeze %dma_start3A_358 : memref<1x10240x128xf32, #tpu.memory_space<hbm>> -> memref<10240x128xf32, #tpu.memory_space<hbm>>
      %dma_start3A_360 = arith.constant 0 : i32
      %dma_start3A_361 = arith.constant 0 : i32
      %dma_start3A_362 = tpu.memref_slice %dma_start3A_359[%dma_start3A_360, %dma_start3A_361] : memref<10240x128xf32, #tpu.memory_space<hbm>> -> memref<10240x128xf32, #tpu.memory_space<hbm>>
      tpu.enqueue_indirect_dma source(%dma_start3A_362 : memref<10240x128xf32, #tpu.memory_space<hbm>>) target(%arg10 : memref<125x128xf32, #tpu.memory_space<vmem>>) offsets(%dma_start3A_355 : memref<125xi32, #tpu.memory_space<vmem>>) semaphore(%arg14 : memref<!tpu.dma_semaphore, #tpu.memory_space<semaphore_mem>>)
      %dma_wait3A_363 = arith.constant 9 : i32
      %dma_wait3A_364 = arith.constant 0 : i32
      %dma_wait3A_365 = tpu.memref_slice %arg8[%dma_wait3A_363, %dma_wait3A_364] : memref<10x125xi32, #tpu.memory_space<vmem>> -> memref<1x125xi32, #tpu.memory_space<vmem>>
      %dma_wait3A_366 = tpu.memref_squeeze %dma_wait3A_365 : memref<1x125xi32, #tpu.memory_space<vmem>> -> memref<125xi32, #tpu.memory_space<vmem>>
      %dma_wait3A_367 = arith.constant 0 : i32
      %dma_wait3A_368 = arith.constant 0 : i32
      %dma_wait3A_369 = tpu.memref_slice %arg2[%arg0, %dma_wait3A_367, %dma_wait3A_368] : memref<2x10240x128xf32, #tpu.memory_space<hbm>> -> memref<1x10240x128xf32, #tpu.memory_space<hbm>>
      %dma_wait3A_370 = tpu.memref_squeeze %dma_wait3A_369 : memref<1x10240x128xf32, #tpu.memory_space<hbm>> -> memref<10240x128xf32, #tpu.memory_space<hbm>>
      %dma_wait3A_371 = arith.constant 0 : i32
      %dma_wait3A_372 = arith.constant 0 : i32
      %dma_wait3A_373 = tpu.memref_slice %dma_wait3A_370[%dma_wait3A_371, %dma_wait3A_372] : memref<10240x128xf32, #tpu.memory_space<hbm>> -> memref<10240x128xf32, #tpu.memory_space<hbm>>
      tpu.wait_indirect_dma semaphore(%arg15 : memref<!tpu.dma_semaphore, #tpu.memory_space<semaphore_mem>>) src(%dma_wait3A_373 : memref<10240x128xf32, #tpu.memory_space<hbm>>) dst(%arg11 : memref<125x128xf32, #tpu.memory_space<vmem>>)
      %run_scoped3A_374 = arith.constant 9 : i32
      "tpu.region"() ({
        %run_scoped3A_375 = tpu.sem_alloc : memref<!tpu.dma_semaphore, #tpu.memory_space<semaphore_mem>>
        %dma_start3A_376 = arith.constant 0 : i32
        %dma_start3A_377 = tpu.memref_slice %arg9[%run_scoped3A_374, %dma_start3A_376] : memref<10x125xi32, #tpu.memory_space<vmem>> -> memref<1x125xi32, #tpu.memory_space<vmem>>
        %dma_start3A_378 = tpu.memref_squeeze %dma_start3A_377 : memref<1x125xi32, #tpu.memory_space<vmem>> -> memref<125xi32, #tpu.memory_space<vmem>>
        %dma_start3A_379 = arith.constant 0 : i32
        %dma_start3A_380 = arith.constant 0 : i32
        %dma_start3A_381 = tpu.memref_slice %arg13[%dma_start3A_379, %dma_start3A_380] : memref<10240x128xf32, #tpu.memory_space<vmem_shared>> -> memref<10240x128xf32, #tpu.memory_space<vmem_shared>>
        tpu.enqueue_indirect_dma source(%arg11 : memref<125x128xf32, #tpu.memory_space<vmem>>) target(%dma_start3A_381 : memref<10240x128xf32, #tpu.memory_space<vmem_shared>>) offsets(%dma_start3A_378 : memref<125xi32, #tpu.memory_space<vmem>>) semaphore(%run_scoped3A_375 : memref<!tpu.dma_semaphore, #tpu.memory_space<semaphore_mem>>) {add = true}
        %dma_wait3A_382 = arith.constant 0 : i32
        %dma_wait3A_383 = tpu.memref_slice %arg9[%run_scoped3A_374, %dma_wait3A_382] : memref<10x125xi32, #tpu.memory_space<vmem>> -> memref<1x125xi32, #tpu.memory_space<vmem>>
        %dma_wait3A_384 = tpu.memref_squeeze %dma_wait3A_383 : memref<1x125xi32, #tpu.memory_space<vmem>> -> memref<125xi32, #tpu.memory_space<vmem>>
        %dma_wait3A_385 = arith.constant 0 : i32
        %dma_wait3A_386 = arith.constant 0 : i32
        %dma_wait3A_387 = tpu.memref_slice %arg13[%dma_wait3A_385, %dma_wait3A_386] : memref<10240x128xf32, #tpu.memory_space<vmem_shared>> -> memref<10240x128xf32, #tpu.memory_space<vmem_shared>>
        tpu.wait_indirect_dma semaphore(%run_scoped3A_375 : memref<!tpu.dma_semaphore, #tpu.memory_space<semaphore_mem>>) src(%arg11 : memref<125x128xf32, #tpu.memory_space<vmem>>) dst(%dma_wait3A_387 : memref<10240x128xf32, #tpu.memory_space<vmem_shared>>)
        tpu.yield
      }) : () -> ()
    }
    %scan3A_67 = arith.constant 7 : i32
    %dma_start3A_68 = arith.constant 15 : i32
    %dma_start3A_69 = arith.constant 0 : i32
    %dma_start3A_70 = arith.constant 0 : i32
    %dma_start3A_71 = tpu.memref_slice %arg3[%arg1, %dma_start3A_68, %dma_start3A_69, %dma_start3A_70] : memref<16x16x10x125xi32, #tpu.memory_space<hbm>> -> memref<1x1x10x125xi32, #tpu.memory_space<hbm>>
    %dma_start3A_72 = tpu.memref_squeeze %dma_start3A_71 : memref<1x1x10x125xi32, #tpu.memory_space<hbm>> -> memref<10x125xi32, #tpu.memory_space<hbm>>
    %dma_start3A_73 = arith.constant 0 : i32
    %dma_start3A_74 = arith.constant 0 : i32
    %dma_start3A_75 = tpu.memref_slice %arg3[%arg1, %dma_start3A_68, %dma_start3A_73, %dma_start3A_74] : memref<16x16x10x125xi32, #tpu.memory_space<hbm>> -> memref<1x1x10x125xi32, #tpu.memory_space<hbm>>
    %dma_start3A_76 = tpu.memref_squeeze %dma_start3A_75 : memref<1x1x10x125xi32, #tpu.memory_space<hbm>> -> memref<10x125xi32, #tpu.memory_space<hbm>>
    tpu.enqueue_dma source(%dma_start3A_76 : memref<10x125xi32, #tpu.memory_space<hbm>>) target(%arg8 : memref<10x125xi32, #tpu.memory_space<vmem>>) target_semaphore(%arg16 : memref<!tpu.dma_semaphore, #tpu.memory_space<semaphore_mem>>)
    %dma_start3A_77 = arith.constant 15 : i32
    %dma_start3A_78 = arith.constant 0 : i32
    %dma_start3A_79 = arith.constant 0 : i32
    %dma_start3A_80 = tpu.memref_slice %arg4[%arg1, %dma_start3A_77, %dma_start3A_78, %dma_start3A_79] : memref<16x16x10x125xi32, #tpu.memory_space<hbm>> -> memref<1x1x10x125xi32, #tpu.memory_space<hbm>>
    %dma_start3A_81 = tpu.memref_squeeze %dma_start3A_80 : memref<1x1x10x125xi32, #tpu.memory_space<hbm>> -> memref<10x125xi32, #tpu.memory_space<hbm>>
    %dma_start3A_82 = arith.constant 0 : i32
    %dma_start3A_83 = arith.constant 0 : i32
    %dma_start3A_84 = tpu.memref_slice %arg4[%arg1, %dma_start3A_77, %dma_start3A_82, %dma_start3A_83] : memref<16x16x10x125xi32, #tpu.memory_space<hbm>> -> memref<1x1x10x125xi32, #tpu.memory_space<hbm>>
    %dma_start3A_85 = tpu.memref_squeeze %dma_start3A_84 : memref<1x1x10x125xi32, #tpu.memory_space<hbm>> -> memref<10x125xi32, #tpu.memory_space<hbm>>
    tpu.enqueue_dma source(%dma_start3A_85 : memref<10x125xi32, #tpu.memory_space<hbm>>) target(%arg9 : memref<10x125xi32, #tpu.memory_space<vmem>>) target_semaphore(%arg16 : memref<!tpu.dma_semaphore, #tpu.memory_space<semaphore_mem>>)
    %scan3A_86 = arith.constant 0 : i32
    %scan3A_87 = arith.constant 0 : i32
    %scan3A_88 = arith.constant 4 : i32
    %scan3A_89 = arith.addi %scan3A_87, %scan3A_88 : i32
    %scan3A_90 = arith.constant 1 : i32
    scf.for %scan3A_200 = %scan3A_87 to %scan3A_89 step %scan3A_90  : i32 {
      %mul3A_201 = arith.constant 2 : i32
      %mul3A_202 = arith.muli %scan3A_200, %mul3A_201 : i32
      %mul3A_203 = arith.constant 2 : i32
      %mul3A_204 = arith.muli %scan3A_200, %mul3A_203 : i32
      %add3A = arith.constant 2 : i32
      %add3A_205 = arith.addi %mul3A_204, %add3A : i32
      %add3A_206 = arith.constant 1 : i32
      %add3A_207 = arith.addi %mul3A_202, %add3A_206 : i32
      %dma_start3A_208 = arith.constant 0 : i32
      %dma_start3A_209 = tpu.memref_slice %arg6[%add3A_207, %dma_start3A_208] : memref<10x125xi32, #tpu.memory_space<vmem>> -> memref<1x125xi32, #tpu.memory_space<vmem>>
      %dma_start3A_210 = tpu.memref_squeeze %dma_start3A_209 : memref<1x125xi32, #tpu.memory_space<vmem>> -> memref<125xi32, #tpu.memory_space<vmem>>
      %dma_start3A_211 = arith.constant 0 : i32
      %dma_start3A_212 = arith.constant 0 : i32
      %dma_start3A_213 = tpu.memref_slice %arg2[%arg0, %dma_start3A_211, %dma_start3A_212] : memref<2x10240x128xf32, #tpu.memory_space<hbm>> -> memref<1x10240x128xf32, #tpu.memory_space<hbm>>
      %dma_start3A_214 = tpu.memref_squeeze %dma_start3A_213 : memref<1x10240x128xf32, #tpu.memory_space<hbm>> -> memref<10240x128xf32, #tpu.memory_space<hbm>>
      %dma_start3A_215 = arith.constant 0 : i32
      %dma_start3A_216 = arith.constant 0 : i32
      %dma_start3A_217 = tpu.memref_slice %dma_start3A_214[%dma_start3A_215, %dma_start3A_216] : memref<10240x128xf32, #tpu.memory_space<hbm>> -> memref<10240x128xf32, #tpu.memory_space<hbm>>
      tpu.enqueue_indirect_dma source(%dma_start3A_217 : memref<10240x128xf32, #tpu.memory_space<hbm>>) target(%arg11 : memref<125x128xf32, #tpu.memory_space<vmem>>) offsets(%dma_start3A_210 : memref<125xi32, #tpu.memory_space<vmem>>) semaphore(%arg15 : memref<!tpu.dma_semaphore, #tpu.memory_space<semaphore_mem>>)
      %dma_wait3A_218 = arith.constant 0 : i32
      %dma_wait3A_219 = tpu.memref_slice %arg6[%mul3A_202, %dma_wait3A_218] : memref<10x125xi32, #tpu.memory_space<vmem>> -> memref<1x125xi32, #tpu.memory_space<vmem>>
      %dma_wait3A_220 = tpu.memref_squeeze %dma_wait3A_219 : memref<1x125xi32, #tpu.memory_space<vmem>> -> memref<125xi32, #tpu.memory_space<vmem>>
      %dma_wait3A_221 = arith.constant 0 : i32
      %dma_wait3A_222 = arith.constant 0 : i32
      %dma_wait3A_223 = tpu.memref_slice %arg2[%arg0, %dma_wait3A_221, %dma_wait3A_222] : memref<2x10240x128xf32, #tpu.memory_space<hbm>> -> memref<1x10240x128xf32, #tpu.memory_space<hbm>>
      %dma_wait3A_224 = tpu.memref_squeeze %dma_wait3A_223 : memref<1x10240x128xf32, #tpu.memory_space<hbm>> -> memref<10240x128xf32, #tpu.memory_space<hbm>>
      %dma_wait3A_225 = arith.constant 0 : i32
      %dma_wait3A_226 = arith.constant 0 : i32
      %dma_wait3A_227 = tpu.memref_slice %dma_wait3A_224[%dma_wait3A_225, %dma_wait3A_226] : memref<10240x128xf32, #tpu.memory_space<hbm>> -> memref<10240x128xf32, #tpu.memory_space<hbm>>
      tpu.wait_indirect_dma semaphore(%arg14 : memref<!tpu.dma_semaphore, #tpu.memory_space<semaphore_mem>>) src(%dma_wait3A_227 : memref<10240x128xf32, #tpu.memory_space<hbm>>) dst(%arg10 : memref<125x128xf32, #tpu.memory_space<vmem>>)
      "tpu.region"() ({
        %run_scoped3A_248 = tpu.sem_alloc : memref<!tpu.dma_semaphore, #tpu.memory_space<semaphore_mem>>
        %dma_start3A_249 = arith.constant 0 : i32
        %dma_start3A_250 = tpu.memref_slice %arg7[%mul3A_202, %dma_start3A_249] : memref<10x125xi32, #tpu.memory_space<vmem>> -> memref<1x125xi32, #tpu.memory_space<vmem>>
        %dma_start3A_251 = tpu.memref_squeeze %dma_start3A_250 : memref<1x125xi32, #tpu.memory_space<vmem>> -> memref<125xi32, #tpu.memory_space<vmem>>
        %dma_start3A_252 = arith.constant 0 : i32
        %dma_start3A_253 = arith.constant 0 : i32
        %dma_start3A_254 = tpu.memref_slice %arg13[%dma_start3A_252, %dma_start3A_253] : memref<10240x128xf32, #tpu.memory_space<vmem_shared>> -> memref<10240x128xf32, #tpu.memory_space<vmem_shared>>
        tpu.enqueue_indirect_dma source(%arg10 : memref<125x128xf32, #tpu.memory_space<vmem>>) target(%dma_start3A_254 : memref<10240x128xf32, #tpu.memory_space<vmem_shared>>) offsets(%dma_start3A_251 : memref<125xi32, #tpu.memory_space<vmem>>) semaphore(%run_scoped3A_248 : memref<!tpu.dma_semaphore, #tpu.memory_space<semaphore_mem>>) {add = true}
        %dma_wait3A_255 = arith.constant 0 : i32
        %dma_wait3A_256 = tpu.memref_slice %arg7[%mul3A_202, %dma_wait3A_255] : memref<10x125xi32, #tpu.memory_space<vmem>> -> memref<1x125xi32, #tpu.memory_space<vmem>>
        %dma_wait3A_257 = tpu.memref_squeeze %dma_wait3A_256 : memref<1x125xi32, #tpu.memory_space<vmem>> -> memref<125xi32, #tpu.memory_space<vmem>>
        %dma_wait3A_258 = arith.constant 0 : i32
        %dma_wait3A_259 = arith.constant 0 : i32
        %dma_wait3A_260 = tpu.memref_slice %arg13[%dma_wait3A_258, %dma_wait3A_259] : memref<10240x128xf32, #tpu.memory_space<vmem_shared>> -> memref<10240x128xf32, #tpu.memory_space<vmem_shared>>
        tpu.wait_indirect_dma semaphore(%run_scoped3A_248 : memref<!tpu.dma_semaphore, #tpu.memory_space<semaphore_mem>>) src(%arg10 : memref<125x128xf32, #tpu.memory_space<vmem>>) dst(%dma_wait3A_260 : memref<10240x128xf32, #tpu.memory_space<vmem_shared>>)
        tpu.yield
      }) : () -> ()
      %dma_start3A_228 = arith.constant 0 : i32
      %dma_start3A_229 = tpu.memref_slice %arg6[%add3A_205, %dma_start3A_228] : memref<10x125xi32, #tpu.memory_space<vmem>> -> memref<1x125xi32, #tpu.memory_space<vmem>>
      %dma_start3A_230 = tpu.memref_squeeze %dma_start3A_229 : memref<1x125xi32, #tpu.memory_space<vmem>> -> memref<125xi32, #tpu.memory_space<vmem>>
      %dma_start3A_231 = arith.constant 0 : i32
      %dma_start3A_232 = arith.constant 0 : i32
      %dma_start3A_233 = tpu.memref_slice %arg2[%arg0, %dma_start3A_231, %dma_start3A_232] : memref<2x10240x128xf32, #tpu.memory_space<hbm>> -> memref<1x10240x128xf32, #tpu.memory_space<hbm>>
      %dma_start3A_234 = tpu.memref_squeeze %dma_start3A_233 : memref<1x10240x128xf32, #tpu.memory_space<hbm>> -> memref<10240x128xf32, #tpu.memory_space<hbm>>
      %dma_start3A_235 = arith.constant 0 : i32
      %dma_start3A_236 = arith.constant 0 : i32
      %dma_start3A_237 = tpu.memref_slice %dma_start3A_234[%dma_start3A_235, %dma_start3A_236] : memref<10240x128xf32, #tpu.memory_space<hbm>> -> memref<10240x128xf32, #tpu.memory_space<hbm>>
      tpu.enqueue_indirect_dma source(%dma_start3A_237 : memref<10240x128xf32, #tpu.memory_space<hbm>>) target(%arg10 : memref<125x128xf32, #tpu.memory_space<vmem>>) offsets(%dma_start3A_230 : memref<125xi32, #tpu.memory_space<vmem>>) semaphore(%arg14 : memref<!tpu.dma_semaphore, #tpu.memory_space<semaphore_mem>>)
      %dma_wait3A_238 = arith.constant 0 : i32
      %dma_wait3A_239 = tpu.memref_slice %arg6[%add3A_207, %dma_wait3A_238] : memref<10x125xi32, #tpu.memory_space<vmem>> -> memref<1x125xi32, #tpu.memory_space<vmem>>
      %dma_wait3A_240 = tpu.memref_squeeze %dma_wait3A_239 : memref<1x125xi32, #tpu.memory_space<vmem>> -> memref<125xi32, #tpu.memory_space<vmem>>
      %dma_wait3A_241 = arith.constant 0 : i32
      %dma_wait3A_242 = arith.constant 0 : i32
      %dma_wait3A_243 = tpu.memref_slice %arg2[%arg0, %dma_wait3A_241, %dma_wait3A_242] : memref<2x10240x128xf32, #tpu.memory_space<hbm>> -> memref<1x10240x128xf32, #tpu.memory_space<hbm>>
      %dma_wait3A_244 = tpu.memref_squeeze %dma_wait3A_243 : memref<1x10240x128xf32, #tpu.memory_space<hbm>> -> memref<10240x128xf32, #tpu.memory_space<hbm>>
      %dma_wait3A_245 = arith.constant 0 : i32
      %dma_wait3A_246 = arith.constant 0 : i32
      %dma_wait3A_247 = tpu.memref_slice %dma_wait3A_244[%dma_wait3A_245, %dma_wait3A_246] : memref<10240x128xf32, #tpu.memory_space<hbm>> -> memref<10240x128xf32, #tpu.memory_space<hbm>>
      tpu.wait_indirect_dma semaphore(%arg15 : memref<!tpu.dma_semaphore, #tpu.memory_space<semaphore_mem>>) src(%dma_wait3A_247 : memref<10240x128xf32, #tpu.memory_space<hbm>>) dst(%arg11 : memref<125x128xf32, #tpu.memory_space<vmem>>)
      "tpu.region"() ({
        %run_scoped3A_248 = tpu.sem_alloc : memref<!tpu.dma_semaphore, #tpu.memory_space<semaphore_mem>>
        %dma_start3A_249 = arith.constant 0 : i32
        %dma_start3A_250 = tpu.memref_slice %arg7[%add3A_207, %dma_start3A_249] : memref<10x125xi32, #tpu.memory_space<vmem>> -> memref<1x125xi32, #tpu.memory_space<vmem>>
        %dma_start3A_251 = tpu.memref_squeeze %dma_start3A_250 : memref<1x125xi32, #tpu.memory_space<vmem>> -> memref<125xi32, #tpu.memory_space<vmem>>
        %dma_start3A_252 = arith.constant 0 : i32
        %dma_start3A_253 = arith.constant 0 : i32
        %dma_start3A_254 = tpu.memref_slice %arg13[%dma_start3A_252, %dma_start3A_253] : memref<10240x128xf32, #tpu.memory_space<vmem_shared>> -> memref<10240x128xf32, #tpu.memory_space<vmem_shared>>
        tpu.enqueue_indirect_dma source(%arg11 : memref<125x128xf32, #tpu.memory_space<vmem>>) target(%dma_start3A_254 : memref<10240x128xf32, #tpu.memory_space<vmem_shared>>) offsets(%dma_start3A_251 : memref<125xi32, #tpu.memory_space<vmem>>) semaphore(%run_scoped3A_248 : memref<!tpu.dma_semaphore, #tpu.memory_space<semaphore_mem>>) {add = true}
        %dma_wait3A_255 = arith.constant 0 : i32
        %dma_wait3A_256 = tpu.memref_slice %arg7[%add3A_207, %dma_wait3A_255] : memref<10x125xi32, #tpu.memory_space<vmem>> -> memref<1x125xi32, #tpu.memory_space<vmem>>
        %dma_wait3A_257 = tpu.memref_squeeze %dma_wait3A_256 : memref<1x125xi32, #tpu.memory_space<vmem>> -> memref<125xi32, #tpu.memory_space<vmem>>
        %dma_wait3A_258 = arith.constant 0 : i32
        %dma_wait3A_259 = arith.constant 0 : i32
        %dma_wait3A_260 = tpu.memref_slice %arg13[%dma_wait3A_258, %dma_wait3A_259] : memref<10240x128xf32, #tpu.memory_space<vmem_shared>> -> memref<10240x128xf32, #tpu.memory_space<vmem_shared>>
        tpu.wait_indirect_dma semaphore(%run_scoped3A_248 : memref<!tpu.dma_semaphore, #tpu.memory_space<semaphore_mem>>) src(%arg11 : memref<125x128xf32, #tpu.memory_space<vmem>>) dst(%dma_wait3A_260 : memref<10240x128xf32, #tpu.memory_space<vmem_shared>>)
        tpu.yield
      }) : () -> ()
    }
    %scan3A_91 = arith.constant 4 : i32
    %dma_wait3A_92 = arith.constant 15 : i32
    %dma_wait3A_93 = arith.constant 0 : i32
    %dma_wait3A_94 = arith.constant 0 : i32
    %dma_wait3A_95 = tpu.memref_slice %arg3[%arg1, %dma_wait3A_92, %dma_wait3A_93, %dma_wait3A_94] : memref<16x16x10x125xi32, #tpu.memory_space<hbm>> -> memref<1x1x10x125xi32, #tpu.memory_space<hbm>>
    %dma_wait3A_96 = tpu.memref_squeeze %dma_wait3A_95 : memref<1x1x10x125xi32, #tpu.memory_space<hbm>> -> memref<10x125xi32, #tpu.memory_space<hbm>>
    %dma_wait3A_97 = arith.constant 0 : i32
    %dma_wait3A_98 = arith.constant 0 : i32
    %dma_wait3A_99 = tpu.memref_slice %arg3[%arg1, %dma_wait3A_92, %dma_wait3A_97, %dma_wait3A_98] : memref<16x16x10x125xi32, #tpu.memory_space<hbm>> -> memref<1x1x10x125xi32, #tpu.memory_space<hbm>>
    %dma_wait3A_100 = tpu.memref_squeeze %dma_wait3A_99 : memref<1x1x10x125xi32, #tpu.memory_space<hbm>> -> memref<10x125xi32, #tpu.memory_space<hbm>>
    tpu.wait_dma2 semaphore(%arg16 : memref<!tpu.dma_semaphore, #tpu.memory_space<semaphore_mem>>) src(%dma_wait3A_100 : memref<10x125xi32, #tpu.memory_space<hbm>>) dst(%arg8 : memref<10x125xi32, #tpu.memory_space<vmem>>)
    %dma_wait3A_101 = arith.constant 15 : i32
    %dma_wait3A_102 = arith.constant 0 : i32
    %dma_wait3A_103 = arith.constant 0 : i32
    %dma_wait3A_104 = tpu.memref_slice %arg4[%arg1, %dma_wait3A_101, %dma_wait3A_102, %dma_wait3A_103] : memref<16x16x10x125xi32, #tpu.memory_space<hbm>> -> memref<1x1x10x125xi32, #tpu.memory_space<hbm>>
    %dma_wait3A_105 = tpu.memref_squeeze %dma_wait3A_104 : memref<1x1x10x125xi32, #tpu.memory_space<hbm>> -> memref<10x125xi32, #tpu.memory_space<hbm>>
    %dma_wait3A_106 = arith.constant 0 : i32
    %dma_wait3A_107 = arith.constant 0 : i32
    %dma_wait3A_108 = tpu.memref_slice %arg4[%arg1, %dma_wait3A_101, %dma_wait3A_106, %dma_wait3A_107] : memref<16x16x10x125xi32, #tpu.memory_space<hbm>> -> memref<1x1x10x125xi32, #tpu.memory_space<hbm>>
    %dma_wait3A_109 = tpu.memref_squeeze %dma_wait3A_108 : memref<1x1x10x125xi32, #tpu.memory_space<hbm>> -> memref<10x125xi32, #tpu.memory_space<hbm>>
    tpu.wait_dma2 semaphore(%arg16 : memref<!tpu.dma_semaphore, #tpu.memory_space<semaphore_mem>>) src(%dma_wait3A_109 : memref<10x125xi32, #tpu.memory_space<hbm>>) dst(%arg9 : memref<10x125xi32, #tpu.memory_space<vmem>>)
    %dma_start3A_110 = arith.constant 9 : i32
    %dma_start3A_111 = arith.constant 0 : i32
    %dma_start3A_112 = tpu.memref_slice %arg6[%dma_start3A_110, %dma_start3A_111] : memref<10x125xi32, #tpu.memory_space<vmem>> -> memref<1x125xi32, #tpu.memory_space<vmem>>
    %dma_start3A_113 = tpu.memref_squeeze %dma_start3A_112 : memref<1x125xi32, #tpu.memory_space<vmem>> -> memref<125xi32, #tpu.memory_space<vmem>>
    %dma_start3A_114 = arith.constant 0 : i32
    %dma_start3A_115 = arith.constant 0 : i32
    %dma_start3A_116 = tpu.memref_slice %arg2[%arg0, %dma_start3A_114, %dma_start3A_115] : memref<2x10240x128xf32, #tpu.memory_space<hbm>> -> memref<1x10240x128xf32, #tpu.memory_space<hbm>>
    %dma_start3A_117 = tpu.memref_squeeze %dma_start3A_116 : memref<1x10240x128xf32, #tpu.memory_space<hbm>> -> memref<10240x128xf32, #tpu.memory_space<hbm>>
    %dma_start3A_118 = arith.constant 0 : i32
    %dma_start3A_119 = arith.constant 0 : i32
    %dma_start3A_120 = tpu.memref_slice %dma_start3A_117[%dma_start3A_118, %dma_start3A_119] : memref<10240x128xf32, #tpu.memory_space<hbm>> -> memref<10240x128xf32, #tpu.memory_space<hbm>>
    tpu.enqueue_indirect_dma source(%dma_start3A_120 : memref<10240x128xf32, #tpu.memory_space<hbm>>) target(%arg11 : memref<125x128xf32, #tpu.memory_space<vmem>>) offsets(%dma_start3A_113 : memref<125xi32, #tpu.memory_space<vmem>>) semaphore(%arg15 : memref<!tpu.dma_semaphore, #tpu.memory_space<semaphore_mem>>)
    %dma_wait3A_121 = arith.constant 8 : i32
    %dma_wait3A_122 = arith.constant 0 : i32
    %dma_wait3A_123 = tpu.memref_slice %arg6[%dma_wait3A_121, %dma_wait3A_122] : memref<10x125xi32, #tpu.memory_space<vmem>> -> memref<1x125xi32, #tpu.memory_space<vmem>>
    %dma_wait3A_124 = tpu.memref_squeeze %dma_wait3A_123 : memref<1x125xi32, #tpu.memory_space<vmem>> -> memref<125xi32, #tpu.memory_space<vmem>>
    %dma_wait3A_125 = arith.constant 0 : i32
    %dma_wait3A_126 = arith.constant 0 : i32
    %dma_wait3A_127 = tpu.memref_slice %arg2[%arg0, %dma_wait3A_125, %dma_wait3A_126] : memref<2x10240x128xf32, #tpu.memory_space<hbm>> -> memref<1x10240x128xf32, #tpu.memory_space<hbm>>
    %dma_wait3A_128 = tpu.memref_squeeze %dma_wait3A_127 : memref<1x10240x128xf32, #tpu.memory_space<hbm>> -> memref<10240x128xf32, #tpu.memory_space<hbm>>
    %dma_wait3A_129 = arith.constant 0 : i32
    %dma_wait3A_130 = arith.constant 0 : i32
    %dma_wait3A_131 = tpu.memref_slice %dma_wait3A_128[%dma_wait3A_129, %dma_wait3A_130] : memref<10240x128xf32, #tpu.memory_space<hbm>> -> memref<10240x128xf32, #tpu.memory_space<hbm>>
    tpu.wait_indirect_dma semaphore(%arg14 : memref<!tpu.dma_semaphore, #tpu.memory_space<semaphore_mem>>) src(%dma_wait3A_131 : memref<10240x128xf32, #tpu.memory_space<hbm>>) dst(%arg10 : memref<125x128xf32, #tpu.memory_space<vmem>>)
    %run_scoped3A = arith.constant 8 : i32
    "tpu.region"() ({
      %run_scoped3A_200 = tpu.sem_alloc : memref<!tpu.dma_semaphore, #tpu.memory_space<semaphore_mem>>
      %dma_start3A_201 = arith.constant 0 : i32
      %dma_start3A_202 = tpu.memref_slice %arg7[%run_scoped3A, %dma_start3A_201] : memref<10x125xi32, #tpu.memory_space<vmem>> -> memref<1x125xi32, #tpu.memory_space<vmem>>
      %dma_start3A_203 = tpu.memref_squeeze %dma_start3A_202 : memref<1x125xi32, #tpu.memory_space<vmem>> -> memref<125xi32, #tpu.memory_space<vmem>>
      %dma_start3A_204 = arith.constant 0 : i32
      %dma_start3A_205 = arith.constant 0 : i32
      %dma_start3A_206 = tpu.memref_slice %arg13[%dma_start3A_204, %dma_start3A_205] : memref<10240x128xf32, #tpu.memory_space<vmem_shared>> -> memref<10240x128xf32, #tpu.memory_space<vmem_shared>>
      tpu.enqueue_indirect_dma source(%arg10 : memref<125x128xf32, #tpu.memory_space<vmem>>) target(%dma_start3A_206 : memref<10240x128xf32, #tpu.memory_space<vmem_shared>>) offsets(%dma_start3A_203 : memref<125xi32, #tpu.memory_space<vmem>>) semaphore(%run_scoped3A_200 : memref<!tpu.dma_semaphore, #tpu.memory_space<semaphore_mem>>) {add = true}
      %dma_wait3A_207 = arith.constant 0 : i32
      %dma_wait3A_208 = tpu.memref_slice %arg7[%run_scoped3A, %dma_wait3A_207] : memref<10x125xi32, #tpu.memory_space<vmem>> -> memref<1x125xi32, #tpu.memory_space<vmem>>
      %dma_wait3A_209 = tpu.memref_squeeze %dma_wait3A_208 : memref<1x125xi32, #tpu.memory_space<vmem>> -> memref<125xi32, #tpu.memory_space<vmem>>
      %dma_wait3A_210 = arith.constant 0 : i32
      %dma_wait3A_211 = arith.constant 0 : i32
      %dma_wait3A_212 = tpu.memref_slice %arg13[%dma_wait3A_210, %dma_wait3A_211] : memref<10240x128xf32, #tpu.memory_space<vmem_shared>> -> memref<10240x128xf32, #tpu.memory_space<vmem_shared>>
      tpu.wait_indirect_dma semaphore(%run_scoped3A_200 : memref<!tpu.dma_semaphore, #tpu.memory_space<semaphore_mem>>) src(%arg10 : memref<125x128xf32, #tpu.memory_space<vmem>>) dst(%dma_wait3A_212 : memref<10240x128xf32, #tpu.memory_space<vmem_shared>>)
      tpu.yield
    }) : () -> ()
    %dma_start3A_132 = arith.constant 0 : i32
    %dma_start3A_133 = arith.constant 0 : i32
    %dma_start3A_134 = tpu.memref_slice %arg8[%dma_start3A_132, %dma_start3A_133] : memref<10x125xi32, #tpu.memory_space<vmem>> -> memref<1x125xi32, #tpu.memory_space<vmem>>
    %dma_start3A_135 = tpu.memref_squeeze %dma_start3A_134 : memref<1x125xi32, #tpu.memory_space<vmem>> -> memref<125xi32, #tpu.memory_space<vmem>>
    %dma_start3A_136 = arith.constant 0 : i32
    %dma_start3A_137 = arith.constant 0 : i32
    %dma_start3A_138 = tpu.memref_slice %arg2[%arg0, %dma_start3A_136, %dma_start3A_137] : memref<2x10240x128xf32, #tpu.memory_space<hbm>> -> memref<1x10240x128xf32, #tpu.memory_space<hbm>>
    %dma_start3A_139 = tpu.memref_squeeze %dma_start3A_138 : memref<1x10240x128xf32, #tpu.memory_space<hbm>> -> memref<10240x128xf32, #tpu.memory_space<hbm>>
    %dma_start3A_140 = arith.constant 0 : i32
    %dma_start3A_141 = arith.constant 0 : i32
    %dma_start3A_142 = tpu.memref_slice %dma_start3A_139[%dma_start3A_140, %dma_start3A_141] : memref<10240x128xf32, #tpu.memory_space<hbm>> -> memref<10240x128xf32, #tpu.memory_space<hbm>>
    tpu.enqueue_indirect_dma source(%dma_start3A_142 : memref<10240x128xf32, #tpu.memory_space<hbm>>) target(%arg10 : memref<125x128xf32, #tpu.memory_space<vmem>>) offsets(%dma_start3A_135 : memref<125xi32, #tpu.memory_space<vmem>>) semaphore(%arg14 : memref<!tpu.dma_semaphore, #tpu.memory_space<semaphore_mem>>)
    %dma_wait3A_143 = arith.constant 9 : i32
    %dma_wait3A_144 = arith.constant 0 : i32
    %dma_wait3A_145 = tpu.memref_slice %arg6[%dma_wait3A_143, %dma_wait3A_144] : memref<10x125xi32, #tpu.memory_space<vmem>> -> memref<1x125xi32, #tpu.memory_space<vmem>>
    %dma_wait3A_146 = tpu.memref_squeeze %dma_wait3A_145 : memref<1x125xi32, #tpu.memory_space<vmem>> -> memref<125xi32, #tpu.memory_space<vmem>>
    %dma_wait3A_147 = arith.constant 0 : i32
    %dma_wait3A_148 = arith.constant 0 : i32
    %dma_wait3A_149 = tpu.memref_slice %arg2[%arg0, %dma_wait3A_147, %dma_wait3A_148] : memref<2x10240x128xf32, #tpu.memory_space<hbm>> -> memref<1x10240x128xf32, #tpu.memory_space<hbm>>
    %dma_wait3A_150 = tpu.memref_squeeze %dma_wait3A_149 : memref<1x10240x128xf32, #tpu.memory_space<hbm>> -> memref<10240x128xf32, #tpu.memory_space<hbm>>
    %dma_wait3A_151 = arith.constant 0 : i32
    %dma_wait3A_152 = arith.constant 0 : i32
    %dma_wait3A_153 = tpu.memref_slice %dma_wait3A_150[%dma_wait3A_151, %dma_wait3A_152] : memref<10240x128xf32, #tpu.memory_space<hbm>> -> memref<10240x128xf32, #tpu.memory_space<hbm>>
    tpu.wait_indirect_dma semaphore(%arg15 : memref<!tpu.dma_semaphore, #tpu.memory_space<semaphore_mem>>) src(%dma_wait3A_153 : memref<10240x128xf32, #tpu.memory_space<hbm>>) dst(%arg11 : memref<125x128xf32, #tpu.memory_space<vmem>>)
    %run_scoped3A_154 = arith.constant 9 : i32
    "tpu.region"() ({
      %run_scoped3A_200 = tpu.sem_alloc : memref<!tpu.dma_semaphore, #tpu.memory_space<semaphore_mem>>
      %dma_start3A_201 = arith.constant 0 : i32
      %dma_start3A_202 = tpu.memref_slice %arg7[%run_scoped3A_154, %dma_start3A_201] : memref<10x125xi32, #tpu.memory_space<vmem>> -> memref<1x125xi32, #tpu.memory_space<vmem>>
      %dma_start3A_203 = tpu.memref_squeeze %dma_start3A_202 : memref<1x125xi32, #tpu.memory_space<vmem>> -> memref<125xi32, #tpu.memory_space<vmem>>
      %dma_start3A_204 = arith.constant 0 : i32
      %dma_start3A_205 = arith.constant 0 : i32
      %dma_start3A_206 = tpu.memref_slice %arg13[%dma_start3A_204, %dma_start3A_205] : memref<10240x128xf32, #tpu.memory_space<vmem_shared>> -> memref<10240x128xf32, #tpu.memory_space<vmem_shared>>
      tpu.enqueue_indirect_dma source(%arg11 : memref<125x128xf32, #tpu.memory_space<vmem>>) target(%dma_start3A_206 : memref<10240x128xf32, #tpu.memory_space<vmem_shared>>) offsets(%dma_start3A_203 : memref<125xi32, #tpu.memory_space<vmem>>) semaphore(%run_scoped3A_200 : memref<!tpu.dma_semaphore, #tpu.memory_space<semaphore_mem>>) {add = true}
      %dma_wait3A_207 = arith.constant 0 : i32
      %dma_wait3A_208 = tpu.memref_slice %arg7[%run_scoped3A_154, %dma_wait3A_207] : memref<10x125xi32, #tpu.memory_space<vmem>> -> memref<1x125xi32, #tpu.memory_space<vmem>>
      %dma_wait3A_209 = tpu.memref_squeeze %dma_wait3A_208 : memref<1x125xi32, #tpu.memory_space<vmem>> -> memref<125xi32, #tpu.memory_space<vmem>>
      %dma_wait3A_210 = arith.constant 0 : i32
      %dma_wait3A_211 = arith.constant 0 : i32
      %dma_wait3A_212 = tpu.memref_slice %arg13[%dma_wait3A_210, %dma_wait3A_211] : memref<10240x128xf32, #tpu.memory_space<vmem_shared>> -> memref<10240x128xf32, #tpu.memory_space<vmem_shared>>
      tpu.wait_indirect_dma semaphore(%run_scoped3A_200 : memref<!tpu.dma_semaphore, #tpu.memory_space<semaphore_mem>>) src(%arg11 : memref<125x128xf32, #tpu.memory_space<vmem>>) dst(%dma_wait3A_212 : memref<10240x128xf32, #tpu.memory_space<vmem_shared>>)
      tpu.yield
    }) : () -> ()
    %scan3A_155 = arith.constant 0 : i32
    %scan3A_156 = arith.constant 0 : i32
    %scan3A_157 = arith.constant 4 : i32
    %scan3A_158 = arith.addi %scan3A_156, %scan3A_157 : i32
    %scan3A_159 = arith.constant 1 : i32
    scf.for %scan3A_200 = %scan3A_156 to %scan3A_158 step %scan3A_159  : i32 {
      %mul3A_201 = arith.constant 2 : i32
      %mul3A_202 = arith.muli %scan3A_200, %mul3A_201 : i32
      %mul3A_203 = arith.constant 2 : i32
      %mul3A_204 = arith.muli %scan3A_200, %mul3A_203 : i32
      %add3A = arith.constant 2 : i32
      %add3A_205 = arith.addi %mul3A_204, %add3A : i32
      %add3A_206 = arith.constant 1 : i32
      %add3A_207 = arith.addi %mul3A_202, %add3A_206 : i32
      %dma_start3A_208 = arith.constant 0 : i32
      %dma_start3A_209 = tpu.memref_slice %arg8[%add3A_207, %dma_start3A_208] : memref<10x125xi32, #tpu.memory_space<vmem>> -> memref<1x125xi32, #tpu.memory_space<vmem>>
      %dma_start3A_210 = tpu.memref_squeeze %dma_start3A_209 : memref<1x125xi32, #tpu.memory_space<vmem>> -> memref<125xi32, #tpu.memory_space<vmem>>
      %dma_start3A_211 = arith.constant 0 : i32
      %dma_start3A_212 = arith.constant 0 : i32
      %dma_start3A_213 = tpu.memref_slice %arg2[%arg0, %dma_start3A_211, %dma_start3A_212] : memref<2x10240x128xf32, #tpu.memory_space<hbm>> -> memref<1x10240x128xf32, #tpu.memory_space<hbm>>
      %dma_start3A_214 = tpu.memref_squeeze %dma_start3A_213 : memref<1x10240x128xf32, #tpu.memory_space<hbm>> -> memref<10240x128xf32, #tpu.memory_space<hbm>>
      %dma_start3A_215 = arith.constant 0 : i32
      %dma_start3A_216 = arith.constant 0 : i32
      %dma_start3A_217 = tpu.memref_slice %dma_start3A_214[%dma_start3A_215, %dma_start3A_216] : memref<10240x128xf32, #tpu.memory_space<hbm>> -> memref<10240x128xf32, #tpu.memory_space<hbm>>
      tpu.enqueue_indirect_dma source(%dma_start3A_217 : memref<10240x128xf32, #tpu.memory_space<hbm>>) target(%arg11 : memref<125x128xf32, #tpu.memory_space<vmem>>) offsets(%dma_start3A_210 : memref<125xi32, #tpu.memory_space<vmem>>) semaphore(%arg15 : memref<!tpu.dma_semaphore, #tpu.memory_space<semaphore_mem>>)
      %dma_wait3A_218 = arith.constant 0 : i32
      %dma_wait3A_219 = tpu.memref_slice %arg8[%mul3A_202, %dma_wait3A_218] : memref<10x125xi32, #tpu.memory_space<vmem>> -> memref<1x125xi32, #tpu.memory_space<vmem>>
      %dma_wait3A_220 = tpu.memref_squeeze %dma_wait3A_219 : memref<1x125xi32, #tpu.memory_space<vmem>> -> memref<125xi32, #tpu.memory_space<vmem>>
      %dma_wait3A_221 = arith.constant 0 : i32
      %dma_wait3A_222 = arith.constant 0 : i32
      %dma_wait3A_223 = tpu.memref_slice %arg2[%arg0, %dma_wait3A_221, %dma_wait3A_222] : memref<2x10240x128xf32, #tpu.memory_space<hbm>> -> memref<1x10240x128xf32, #tpu.memory_space<hbm>>
      %dma_wait3A_224 = tpu.memref_squeeze %dma_wait3A_223 : memref<1x10240x128xf32, #tpu.memory_space<hbm>> -> memref<10240x128xf32, #tpu.memory_space<hbm>>
      %dma_wait3A_225 = arith.constant 0 : i32
      %dma_wait3A_226 = arith.constant 0 : i32
      %dma_wait3A_227 = tpu.memref_slice %dma_wait3A_224[%dma_wait3A_225, %dma_wait3A_226] : memref<10240x128xf32, #tpu.memory_space<hbm>> -> memref<10240x128xf32, #tpu.memory_space<hbm>>
      tpu.wait_indirect_dma semaphore(%arg14 : memref<!tpu.dma_semaphore, #tpu.memory_space<semaphore_mem>>) src(%dma_wait3A_227 : memref<10240x128xf32, #tpu.memory_space<hbm>>) dst(%arg10 : memref<125x128xf32, #tpu.memory_space<vmem>>)
      "tpu.region"() ({
        %run_scoped3A_248 = tpu.sem_alloc : memref<!tpu.dma_semaphore, #tpu.memory_space<semaphore_mem>>
        %dma_start3A_249 = arith.constant 0 : i32
        %dma_start3A_250 = tpu.memref_slice %arg9[%mul3A_202, %dma_start3A_249] : memref<10x125xi32, #tpu.memory_space<vmem>> -> memref<1x125xi32, #tpu.memory_space<vmem>>
        %dma_start3A_251 = tpu.memref_squeeze %dma_start3A_250 : memref<1x125xi32, #tpu.memory_space<vmem>> -> memref<125xi32, #tpu.memory_space<vmem>>
        %dma_start3A_252 = arith.constant 0 : i32
        %dma_start3A_253 = arith.constant 0 : i32
        %dma_start3A_254 = tpu.memref_slice %arg13[%dma_start3A_252, %dma_start3A_253] : memref<10240x128xf32, #tpu.memory_space<vmem_shared>> -> memref<10240x128xf32, #tpu.memory_space<vmem_shared>>
        tpu.enqueue_indirect_dma source(%arg10 : memref<125x128xf32, #tpu.memory_space<vmem>>) target(%dma_start3A_254 : memref<10240x128xf32, #tpu.memory_space<vmem_shared>>) offsets(%dma_start3A_251 : memref<125xi32, #tpu.memory_space<vmem>>) semaphore(%run_scoped3A_248 : memref<!tpu.dma_semaphore, #tpu.memory_space<semaphore_mem>>) {add = true}
        %dma_wait3A_255 = arith.constant 0 : i32
        %dma_wait3A_256 = tpu.memref_slice %arg9[%mul3A_202, %dma_wait3A_255] : memref<10x125xi32, #tpu.memory_space<vmem>> -> memref<1x125xi32, #tpu.memory_space<vmem>>
        %dma_wait3A_257 = tpu.memref_squeeze %dma_wait3A_256 : memref<1x125xi32, #tpu.memory_space<vmem>> -> memref<125xi32, #tpu.memory_space<vmem>>
        %dma_wait3A_258 = arith.constant 0 : i32
        %dma_wait3A_259 = arith.constant 0 : i32
        %dma_wait3A_260 = tpu.memref_slice %arg13[%dma_wait3A_258, %dma_wait3A_259] : memref<10240x128xf32, #tpu.memory_space<vmem_shared>> -> memref<10240x128xf32, #tpu.memory_space<vmem_shared>>
        tpu.wait_indirect_dma semaphore(%run_scoped3A_248 : memref<!tpu.dma_semaphore, #tpu.memory_space<semaphore_mem>>) src(%arg10 : memref<125x128xf32, #tpu.memory_space<vmem>>) dst(%dma_wait3A_260 : memref<10240x128xf32, #tpu.memory_space<vmem_shared>>)
        tpu.yield
      }) : () -> ()
      %dma_start3A_228 = arith.constant 0 : i32
      %dma_start3A_229 = tpu.memref_slice %arg8[%add3A_205, %dma_start3A_228] : memref<10x125xi32, #tpu.memory_space<vmem>> -> memref<1x125xi32, #tpu.memory_space<vmem>>
      %dma_start3A_230 = tpu.memref_squeeze %dma_start3A_229 : memref<1x125xi32, #tpu.memory_space<vmem>> -> memref<125xi32, #tpu.memory_space<vmem>>
      %dma_start3A_231 = arith.constant 0 : i32
      %dma_start3A_232 = arith.constant 0 : i32
      %dma_start3A_233 = tpu.memref_slice %arg2[%arg0, %dma_start3A_231, %dma_start3A_232] : memref<2x10240x128xf32, #tpu.memory_space<hbm>> -> memref<1x10240x128xf32, #tpu.memory_space<hbm>>
      %dma_start3A_234 = tpu.memref_squeeze %dma_start3A_233 : memref<1x10240x128xf32, #tpu.memory_space<hbm>> -> memref<10240x128xf32, #tpu.memory_space<hbm>>
      %dma_start3A_235 = arith.constant 0 : i32
      %dma_start3A_236 = arith.constant 0 : i32
      %dma_start3A_237 = tpu.memref_slice %dma_start3A_234[%dma_start3A_235, %dma_start3A_236] : memref<10240x128xf32, #tpu.memory_space<hbm>> -> memref<10240x128xf32, #tpu.memory_space<hbm>>
      tpu.enqueue_indirect_dma source(%dma_start3A_237 : memref<10240x128xf32, #tpu.memory_space<hbm>>) target(%arg10 : memref<125x128xf32, #tpu.memory_space<vmem>>) offsets(%dma_start3A_230 : memref<125xi32, #tpu.memory_space<vmem>>) semaphore(%arg14 : memref<!tpu.dma_semaphore, #tpu.memory_space<semaphore_mem>>)
      %dma_wait3A_238 = arith.constant 0 : i32
      %dma_wait3A_239 = tpu.memref_slice %arg8[%add3A_207, %dma_wait3A_238] : memref<10x125xi32, #tpu.memory_space<vmem>> -> memref<1x125xi32, #tpu.memory_space<vmem>>
      %dma_wait3A_240 = tpu.memref_squeeze %dma_wait3A_239 : memref<1x125xi32, #tpu.memory_space<vmem>> -> memref<125xi32, #tpu.memory_space<vmem>>
      %dma_wait3A_241 = arith.constant 0 : i32
      %dma_wait3A_242 = arith.constant 0 : i32
      %dma_wait3A_243 = tpu.memref_slice %arg2[%arg0, %dma_wait3A_241, %dma_wait3A_242] : memref<2x10240x128xf32, #tpu.memory_space<hbm>> -> memref<1x10240x128xf32, #tpu.memory_space<hbm>>
      %dma_wait3A_244 = tpu.memref_squeeze %dma_wait3A_243 : memref<1x10240x128xf32, #tpu.memory_space<hbm>> -> memref<10240x128xf32, #tpu.memory_space<hbm>>
      %dma_wait3A_245 = arith.constant 0 : i32
      %dma_wait3A_246 = arith.constant 0 : i32
      %dma_wait3A_247 = tpu.memref_slice %dma_wait3A_244[%dma_wait3A_245, %dma_wait3A_246] : memref<10240x128xf32, #tpu.memory_space<hbm>> -> memref<10240x128xf32, #tpu.memory_space<hbm>>
      tpu.wait_indirect_dma semaphore(%arg15 : memref<!tpu.dma_semaphore, #tpu.memory_space<semaphore_mem>>) src(%dma_wait3A_247 : memref<10240x128xf32, #tpu.memory_space<hbm>>) dst(%arg11 : memref<125x128xf32, #tpu.memory_space<vmem>>)
      "tpu.region"() ({
        %run_scoped3A_248 = tpu.sem_alloc : memref<!tpu.dma_semaphore, #tpu.memory_space<semaphore_mem>>
        %dma_start3A_249 = arith.constant 0 : i32
        %dma_start3A_250 = tpu.memref_slice %arg9[%add3A_207, %dma_start3A_249] : memref<10x125xi32, #tpu.memory_space<vmem>> -> memref<1x125xi32, #tpu.memory_space<vmem>>
        %dma_start3A_251 = tpu.memref_squeeze %dma_start3A_250 : memref<1x125xi32, #tpu.memory_space<vmem>> -> memref<125xi32, #tpu.memory_space<vmem>>
        %dma_start3A_252 = arith.constant 0 : i32
        %dma_start3A_253 = arith.constant 0 : i32
        %dma_start3A_254 = tpu.memref_slice %arg13[%dma_start3A_252, %dma_start3A_253] : memref<10240x128xf32, #tpu.memory_space<vmem_shared>> -> memref<10240x128xf32, #tpu.memory_space<vmem_shared>>
        tpu.enqueue_indirect_dma source(%arg11 : memref<125x128xf32, #tpu.memory_space<vmem>>) target(%dma_start3A_254 : memref<10240x128xf32, #tpu.memory_space<vmem_shared>>) offsets(%dma_start3A_251 : memref<125xi32, #tpu.memory_space<vmem>>) semaphore(%run_scoped3A_248 : memref<!tpu.dma_semaphore, #tpu.memory_space<semaphore_mem>>) {add = true}
        %dma_wait3A_255 = arith.constant 0 : i32
        %dma_wait3A_256 = tpu.memref_slice %arg9[%add3A_207, %dma_wait3A_255] : memref<10x125xi32, #tpu.memory_space<vmem>> -> memref<1x125xi32, #tpu.memory_space<vmem>>
        %dma_wait3A_257 = tpu.memref_squeeze %dma_wait3A_256 : memref<1x125xi32, #tpu.memory_space<vmem>> -> memref<125xi32, #tpu.memory_space<vmem>>
        %dma_wait3A_258 = arith.constant 0 : i32
        %dma_wait3A_259 = arith.constant 0 : i32
        %dma_wait3A_260 = tpu.memref_slice %arg13[%dma_wait3A_258, %dma_wait3A_259] : memref<10240x128xf32, #tpu.memory_space<vmem_shared>> -> memref<10240x128xf32, #tpu.memory_space<vmem_shared>>
        tpu.wait_indirect_dma semaphore(%run_scoped3A_248 : memref<!tpu.dma_semaphore, #tpu.memory_space<semaphore_mem>>) src(%arg11 : memref<125x128xf32, #tpu.memory_space<vmem>>) dst(%dma_wait3A_260 : memref<10240x128xf32, #tpu.memory_space<vmem_shared>>)
        tpu.yield
      }) : () -> ()
    }
    %scan3A_160 = arith.constant 4 : i32
    %dma_start3A_161 = arith.constant 9 : i32
    %dma_start3A_162 = arith.constant 0 : i32
    %dma_start3A_163 = tpu.memref_slice %arg8[%dma_start3A_161, %dma_start3A_162] : memref<10x125xi32, #tpu.memory_space<vmem>> -> memref<1x125xi32, #tpu.memory_space<vmem>>
    %dma_start3A_164 = tpu.memref_squeeze %dma_start3A_163 : memref<1x125xi32, #tpu.memory_space<vmem>> -> memref<125xi32, #tpu.memory_space<vmem>>
    %dma_start3A_165 = arith.constant 0 : i32
    %dma_start3A_166 = arith.constant 0 : i32
    %dma_start3A_167 = tpu.memref_slice %arg2[%arg0, %dma_start3A_165, %dma_start3A_166] : memref<2x10240x128xf32, #tpu.memory_space<hbm>> -> memref<1x10240x128xf32, #tpu.memory_space<hbm>>
    %dma_start3A_168 = tpu.memref_squeeze %dma_start3A_167 : memref<1x10240x128xf32, #tpu.memory_space<hbm>> -> memref<10240x128xf32, #tpu.memory_space<hbm>>
    %dma_start3A_169 = arith.constant 0 : i32
    %dma_start3A_170 = arith.constant 0 : i32
    %dma_start3A_171 = tpu.memref_slice %dma_start3A_168[%dma_start3A_169, %dma_start3A_170] : memref<10240x128xf32, #tpu.memory_space<hbm>> -> memref<10240x128xf32, #tpu.memory_space<hbm>>
    tpu.enqueue_indirect_dma source(%dma_start3A_171 : memref<10240x128xf32, #tpu.memory_space<hbm>>) target(%arg11 : memref<125x128xf32, #tpu.memory_space<vmem>>) offsets(%dma_start3A_164 : memref<125xi32, #tpu.memory_space<vmem>>) semaphore(%arg15 : memref<!tpu.dma_semaphore, #tpu.memory_space<semaphore_mem>>)
    %dma_wait3A_172 = arith.constant 8 : i32
    %dma_wait3A_173 = arith.constant 0 : i32
    %dma_wait3A_174 = tpu.memref_slice %arg8[%dma_wait3A_172, %dma_wait3A_173] : memref<10x125xi32, #tpu.memory_space<vmem>> -> memref<1x125xi32, #tpu.memory_space<vmem>>
    %dma_wait3A_175 = tpu.memref_squeeze %dma_wait3A_174 : memref<1x125xi32, #tpu.memory_space<vmem>> -> memref<125xi32, #tpu.memory_space<vmem>>
    %dma_wait3A_176 = arith.constant 0 : i32
    %dma_wait3A_177 = arith.constant 0 : i32
    %dma_wait3A_178 = tpu.memref_slice %arg2[%arg0, %dma_wait3A_176, %dma_wait3A_177] : memref<2x10240x128xf32, #tpu.memory_space<hbm>> -> memref<1x10240x128xf32, #tpu.memory_space<hbm>>
    %dma_wait3A_179 = tpu.memref_squeeze %dma_wait3A_178 : memref<1x10240x128xf32, #tpu.memory_space<hbm>> -> memref<10240x128xf32, #tpu.memory_space<hbm>>
    %dma_wait3A_180 = arith.constant 0 : i32
    %dma_wait3A_181 = arith.constant 0 : i32
    %dma_wait3A_182 = tpu.memref_slice %dma_wait3A_179[%dma_wait3A_180, %dma_wait3A_181] : memref<10240x128xf32, #tpu.memory_space<hbm>> -> memref<10240x128xf32, #tpu.memory_space<hbm>>
    tpu.wait_indirect_dma semaphore(%arg14 : memref<!tpu.dma_semaphore, #tpu.memory_space<semaphore_mem>>) src(%dma_wait3A_182 : memref<10240x128xf32, #tpu.memory_space<hbm>>) dst(%arg10 : memref<125x128xf32, #tpu.memory_space<vmem>>)
    %run_scoped3A_183 = arith.constant 8 : i32
    "tpu.region"() ({
      %run_scoped3A_200 = tpu.sem_alloc : memref<!tpu.dma_semaphore, #tpu.memory_space<semaphore_mem>>
      %dma_start3A_201 = arith.constant 0 : i32
      %dma_start3A_202 = tpu.memref_slice %arg9[%run_scoped3A_183, %dma_start3A_201] : memref<10x125xi32, #tpu.memory_space<vmem>> -> memref<1x125xi32, #tpu.memory_space<vmem>>
      %dma_start3A_203 = tpu.memref_squeeze %dma_start3A_202 : memref<1x125xi32, #tpu.memory_space<vmem>> -> memref<125xi32, #tpu.memory_space<vmem>>
      %dma_start3A_204 = arith.constant 0 : i32
      %dma_start3A_205 = arith.constant 0 : i32
      %dma_start3A_206 = tpu.memref_slice %arg13[%dma_start3A_204, %dma_start3A_205] : memref<10240x128xf32, #tpu.memory_space<vmem_shared>> -> memref<10240x128xf32, #tpu.memory_space<vmem_shared>>
      tpu.enqueue_indirect_dma source(%arg10 : memref<125x128xf32, #tpu.memory_space<vmem>>) target(%dma_start3A_206 : memref<10240x128xf32, #tpu.memory_space<vmem_shared>>) offsets(%dma_start3A_203 : memref<125xi32, #tpu.memory_space<vmem>>) semaphore(%run_scoped3A_200 : memref<!tpu.dma_semaphore, #tpu.memory_space<semaphore_mem>>) {add = true}
      %dma_wait3A_207 = arith.constant 0 : i32
      %dma_wait3A_208 = tpu.memref_slice %arg9[%run_scoped3A_183, %dma_wait3A_207] : memref<10x125xi32, #tpu.memory_space<vmem>> -> memref<1x125xi32, #tpu.memory_space<vmem>>
      %dma_wait3A_209 = tpu.memref_squeeze %dma_wait3A_208 : memref<1x125xi32, #tpu.memory_space<vmem>> -> memref<125xi32, #tpu.memory_space<vmem>>
      %dma_wait3A_210 = arith.constant 0 : i32
      %dma_wait3A_211 = arith.constant 0 : i32
      %dma_wait3A_212 = tpu.memref_slice %arg13[%dma_wait3A_210, %dma_wait3A_211] : memref<10240x128xf32, #tpu.memory_space<vmem_shared>> -> memref<10240x128xf32, #tpu.memory_space<vmem_shared>>
      tpu.wait_indirect_dma semaphore(%run_scoped3A_200 : memref<!tpu.dma_semaphore, #tpu.memory_space<semaphore_mem>>) src(%arg10 : memref<125x128xf32, #tpu.memory_space<vmem>>) dst(%dma_wait3A_212 : memref<10240x128xf32, #tpu.memory_space<vmem_shared>>)
      tpu.yield
    }) : () -> ()
    %dma_wait3A_184 = arith.constant 9 : i32
    %dma_wait3A_185 = arith.constant 0 : i32
    %dma_wait3A_186 = tpu.memref_slice %arg8[%dma_wait3A_184, %dma_wait3A_185] : memref<10x125xi32, #tpu.memory_space<vmem>> -> memref<1x125xi32, #tpu.memory_space<vmem>>
    %dma_wait3A_187 = tpu.memref_squeeze %dma_wait3A_186 : memref<1x125xi32, #tpu.memory_space<vmem>> -> memref<125xi32, #tpu.memory_space<vmem>>
    %dma_wait3A_188 = arith.constant 0 : i32
    %dma_wait3A_189 = arith.constant 0 : i32
    %dma_wait3A_190 = tpu.memref_slice %arg2[%arg0, %dma_wait3A_188, %dma_wait3A_189] : memref<2x10240x128xf32, #tpu.memory_space<hbm>> -> memref<1x10240x128xf32, #tpu.memory_space<hbm>>
    %dma_wait3A_191 = tpu.memref_squeeze %dma_wait3A_190 : memref<1x10240x128xf32, #tpu.memory_space<hbm>> -> memref<10240x128xf32, #tpu.memory_space<hbm>>
    %dma_wait3A_192 = arith.constant 0 : i32
    %dma_wait3A_193 = arith.constant 0 : i32
    %dma_wait3A_194 = tpu.memref_slice %dma_wait3A_191[%dma_wait3A_192, %dma_wait3A_193] : memref<10240x128xf32, #tpu.memory_space<hbm>> -> memref<10240x128xf32, #tpu.memory_space<hbm>>
    tpu.wait_indirect_dma semaphore(%arg15 : memref<!tpu.dma_semaphore, #tpu.memory_space<semaphore_mem>>) src(%dma_wait3A_194 : memref<10240x128xf32, #tpu.memory_space<hbm>>) dst(%arg11 : memref<125x128xf32, #tpu.memory_space<vmem>>)
    %run_scoped3A_195 = arith.constant 9 : i32
    "tpu.region"() ({
      %run_scoped3A_200 = tpu.sem_alloc : memref<!tpu.dma_semaphore, #tpu.memory_space<semaphore_mem>>
      %dma_start3A_201 = arith.constant 0 : i32
      %dma_start3A_202 = tpu.memref_slice %arg9[%run_scoped3A_195, %dma_start3A_201] : memref<10x125xi32, #tpu.memory_space<vmem>> -> memref<1x125xi32, #tpu.memory_space<vmem>>
      %dma_start3A_203 = tpu.memref_squeeze %dma_start3A_202 : memref<1x125xi32, #tpu.memory_space<vmem>> -> memref<125xi32, #tpu.memory_space<vmem>>
      %dma_start3A_204 = arith.constant 0 : i32
      %dma_start3A_205 = arith.constant 0 : i32
      %dma_start3A_206 = tpu.memref_slice %arg13[%dma_start3A_204, %dma_start3A_205] : memref<10240x128xf32, #tpu.memory_space<vmem_shared>> -> memref<10240x128xf32, #tpu.memory_space<vmem_shared>>
      tpu.enqueue_indirect_dma source(%arg11 : memref<125x128xf32, #tpu.memory_space<vmem>>) target(%dma_start3A_206 : memref<10240x128xf32, #tpu.memory_space<vmem_shared>>) offsets(%dma_start3A_203 : memref<125xi32, #tpu.memory_space<vmem>>) semaphore(%run_scoped3A_200 : memref<!tpu.dma_semaphore, #tpu.memory_space<semaphore_mem>>) {add = true}
      %dma_wait3A_207 = arith.constant 0 : i32
      %dma_wait3A_208 = tpu.memref_slice %arg9[%run_scoped3A_195, %dma_wait3A_207] : memref<10x125xi32, #tpu.memory_space<vmem>> -> memref<1x125xi32, #tpu.memory_space<vmem>>
      %dma_wait3A_209 = tpu.memref_squeeze %dma_wait3A_208 : memref<1x125xi32, #tpu.memory_space<vmem>> -> memref<125xi32, #tpu.memory_space<vmem>>
      %dma_wait3A_210 = arith.constant 0 : i32
      %dma_wait3A_211 = arith.constant 0 : i32
      %dma_wait3A_212 = tpu.memref_slice %arg13[%dma_wait3A_210, %dma_wait3A_211] : memref<10240x128xf32, #tpu.memory_space<vmem_shared>> -> memref<10240x128xf32, #tpu.memory_space<vmem_shared>>
      tpu.wait_indirect_dma semaphore(%run_scoped3A_200 : memref<!tpu.dma_semaphore, #tpu.memory_space<semaphore_mem>>) src(%arg11 : memref<125x128xf32, #tpu.memory_space<vmem>>) dst(%dma_wait3A_212 : memref<10240x128xf32, #tpu.memory_space<vmem_shared>>)
      tpu.yield
    }) : () -> ()
    %barrier3A_196 = arith.constant 0 : index
    tpu.barrier barrier_id(%barrier3A_196)
    %mul3A = arith.constant 640 : i32
    %mul3A_197 = arith.muli %arg1, %mul3A : i32
    %mul3A_198 = arith.constant 640 : i32
    %mul3A_199 = arith.muli %arg1, %mul3A_198 : i32
    "tpu.region"() ({
      %run_scoped3A_200 = tpu.sem_alloc : memref<!tpu.dma_semaphore, #tpu.memory_space<semaphore_mem>>
      %dma_start3A_201 = arith.constant 0 : i32
      %dma_start3A_202 = tpu.memref_slice %arg5[%arg0, %mul3A_199, %dma_start3A_201] : memref<2x10240x128xf32, #tpu.memory_space<hbm>> -> memref<1x640x128xf32, #tpu.memory_space<hbm>>
      %dma_start3A_203 = tpu.memref_squeeze %dma_start3A_202 : memref<1x640x128xf32, #tpu.memory_space<hbm>> -> memref<640x128xf32, #tpu.memory_space<hbm>>
      %dma_start3A_204 = arith.constant 0 : i32
      %dma_start3A_205 = tpu.memref_slice %arg13[%mul3A_197, %dma_start3A_204] : memref<10240x128xf32, #tpu.memory_space<vmem_shared>> -> memref<640x128xf32, #tpu.memory_space<vmem_shared>>
      tpu.enqueue_dma source(%dma_start3A_205 : memref<640x128xf32, #tpu.memory_space<vmem_shared>>) target(%dma_start3A_203 : memref<640x128xf32, #tpu.memory_space<hbm>>) target_semaphore(%run_scoped3A_200 : memref<!tpu.dma_semaphore, #tpu.memory_space<semaphore_mem>>)
      %dma_wait3A_206 = arith.constant 0 : i32
      %dma_wait3A_207 = tpu.memref_slice %arg5[%arg0, %mul3A_199, %dma_wait3A_206] : memref<2x10240x128xf32, #tpu.memory_space<hbm>> -> memref<1x640x128xf32, #tpu.memory_space<hbm>>
      %dma_wait3A_208 = tpu.memref_squeeze %dma_wait3A_207 : memref<1x640x128xf32, #tpu.memory_space<hbm>> -> memref<640x128xf32, #tpu.memory_space<hbm>>
      %dma_wait3A_209 = arith.constant 0 : i32
      %dma_wait3A_210 = tpu.memref_slice %arg13[%mul3A_197, %dma_wait3A_209] : memref<10240x128xf32, #tpu.memory_space<vmem_shared>> -> memref<640x128xf32, #tpu.memory_space<vmem_shared>>
      tpu.wait_dma2 semaphore(%run_scoped3A_200 : memref<!tpu.dma_semaphore, #tpu.memory_space<semaphore_mem>>) src(%dma_wait3A_210 : memref<640x128xf32, #tpu.memory_space<vmem_shared>>) dst(%dma_wait3A_208 : memref<640x128xf32, #tpu.memory_space<hbm>>)
      tpu.yield
    }) : () -> ()
    return
  }
}

#map = affine_map<(d0, d1) -> (0, 0, 0)>
#map1 = affine_map<(d0, d1) -> (0, 0, 0, 0, 0)>
module attributes {stable_mosaic.version = 14 : i64} {
  func.func @body(%arg0: i32, %arg1: i32, %arg2: memref<1x10240x128xf32, #tpu.memory_space<hbm>>, %arg3: memref<2x16x8x10x125xi32, #tpu.memory_space<hbm>>, %arg4: memref<2x16x8x10x125xi32, #tpu.memory_space<hbm>>, %arg5: memref<2x10240x128xf32, #tpu.memory_space<hbm>>, %arg6: memref<10x125xi32, #tpu.memory_space<vmem>>, %arg7: memref<10x125xi32, #tpu.memory_space<vmem>>, %arg8: memref<10x125xi32, #tpu.memory_space<vmem>>, %arg9: memref<10x125xi32, #tpu.memory_space<vmem>>, %arg10: memref<125x128xf32, #tpu.memory_space<vmem>>, %arg11: memref<125x128xf32, #tpu.memory_space<vmem>>, %arg12: memref<32x128xf32, #tpu.memory_space<vmem>>, %arg13: memref<10240x128xf32, #tpu.memory_space<vmem_shared>>, %arg14: memref<!tpu.dma_semaphore, #tpu.memory_space<semaphore_mem>>, %arg15: memref<!tpu.dma_semaphore, #tpu.memory_space<semaphore_mem>>, %arg16: memref<!tpu.dma_semaphore, #tpu.memory_space<semaphore_mem>>) attributes {dimension_semantics = [#tpu.dimension_semantics<core_parallel>, #tpu.dimension_semantics<subcore_parallel>], iteration_bounds = array<i64: 2, 16>, scalar_prefetch = 0 : i64, scratch_operands = 11 : i64, tpu.core_type = #tpu.core_type<sc_vector_subcore>, window_params = [{transform_indices = #map}, {transform_indices = #map1}, {transform_indices = #map1}, {transform_indices = #map}]} {
    %scan3A = arith.constant 0 : i32
    %scan3A_0 = arith.constant 0 : i32
    %scan3A_1 = arith.constant 32 : i32
    %scan3A_2 = arith.addi %scan3A_0, %scan3A_1 : i32
    %scan3A_3 = arith.constant 1 : i32
    scf.for %scan3A_208 = %scan3A_0 to %scan3A_2 step %scan3A_3  : i32 {
      %scan3A_209 = arith.constant 0 : i32
      %scan3A_210 = arith.constant 8 : i32
      %scan3A_211 = arith.addi %scan3A_209, %scan3A_210 : i32
      %scan3A_212 = arith.constant 1 : i32
      scf.for %scan3A_214 = %scan3A_209 to %scan3A_211 step %scan3A_212  : i32 {
        %broadcast_in_dim3A = arith.constant 0.000000e+00 : f32
        %broadcast_in_dim3A_215 = vector.broadcast %broadcast_in_dim3A : f32 to vector<16xf32>
        %mul3A_216 = arith.constant 16 : i32
        %mul3A_217 = arith.muli %scan3A_214, %mul3A_216 : i32
        %swap3A = arith.index_cast %scan3A_208 : i32 to index
        %swap3A_218 = arith.index_cast %mul3A_217 : i32 to index
        %swap3A_219 = tpu.vector_load %arg12[%swap3A, %swap3A_218] {strides = array<i32>} : memref<32x128xf32, #tpu.memory_space<vmem>>, vector<16xf32>,
        tpu.vector_store %arg12[%swap3A, %swap3A_218], %broadcast_in_dim3A_215 {strides = array<i32>} : memref<32x128xf32, #tpu.memory_space<vmem>>, vector<16xf32>,
      }
      %scan3A_213 = arith.constant 8 : i32
    }
    %scan3A_4 = arith.constant 32 : i32
    %dma_start3A = arith.constant 0 : i32
    %dma_start3A_5 = arith.constant 0 : i32
    %dma_start3A_6 = arith.constant 0 : i32
    %dma_start3A_7 = tpu.memref_slice %arg3[%arg0, %arg1, %dma_start3A, %dma_start3A_5, %dma_start3A_6] : memref<2x16x8x10x125xi32, #tpu.memory_space<hbm>> -> memref<1x1x1x10x125xi32, #tpu.memory_space<hbm>>
    %dma_start3A_8 = tpu.memref_squeeze %dma_start3A_7 : memref<1x1x1x10x125xi32, #tpu.memory_space<hbm>> -> memref<10x125xi32, #tpu.memory_space<hbm>>
    %dma_start3A_9 = arith.constant 0 : i32
    %dma_start3A_10 = arith.constant 0 : i32
    %dma_start3A_11 = tpu.memref_slice %arg3[%arg0, %arg1, %dma_start3A, %dma_start3A_9, %dma_start3A_10] : memref<2x16x8x10x125xi32, #tpu.memory_space<hbm>> -> memref<1x1x1x10x125xi32, #tpu.memory_space<hbm>>
    %dma_start3A_12 = tpu.memref_squeeze %dma_start3A_11 : memref<1x1x1x10x125xi32, #tpu.memory_space<hbm>> -> memref<10x125xi32, #tpu.memory_space<hbm>>
    tpu.enqueue_dma source(%dma_start3A_12 : memref<10x125xi32, #tpu.memory_space<hbm>>) target(%arg6 : memref<10x125xi32, #tpu.memory_space<vmem>>) target_semaphore(%arg16 : memref<!tpu.dma_semaphore, #tpu.memory_space<semaphore_mem>>)
    %dma_start3A_13 = arith.constant 0 : i32
    %dma_start3A_14 = arith.constant 0 : i32
    %dma_start3A_15 = arith.constant 0 : i32
    %dma_start3A_16 = tpu.memref_slice %arg4[%arg0, %arg1, %dma_start3A_13, %dma_start3A_14, %dma_start3A_15] : memref<2x16x8x10x125xi32, #tpu.memory_space<hbm>> -> memref<1x1x1x10x125xi32, #tpu.memory_space<hbm>>
    %dma_start3A_17 = tpu.memref_squeeze %dma_start3A_16 : memref<1x1x1x10x125xi32, #tpu.memory_space<hbm>> -> memref<10x125xi32, #tpu.memory_space<hbm>>
    %dma_start3A_18 = arith.constant 0 : i32
    %dma_start3A_19 = arith.constant 0 : i32
    %dma_start3A_20 = tpu.memref_slice %arg4[%arg0, %arg1, %dma_start3A_13, %dma_start3A_18, %dma_start3A_19] : memref<2x16x8x10x125xi32, #tpu.memory_space<hbm>> -> memref<1x1x1x10x125xi32, #tpu.memory_space<hbm>>
    %dma_start3A_21 = tpu.memref_squeeze %dma_start3A_20 : memref<1x1x1x10x125xi32, #tpu.memory_space<hbm>> -> memref<10x125xi32, #tpu.memory_space<hbm>>
    tpu.enqueue_dma source(%dma_start3A_21 : memref<10x125xi32, #tpu.memory_space<hbm>>) target(%arg7 : memref<10x125xi32, #tpu.memory_space<vmem>>) target_semaphore(%arg16 : memref<!tpu.dma_semaphore, #tpu.memory_space<semaphore_mem>>)
    %scan3A_22 = arith.constant 0 : i32
    %scan3A_23 = arith.constant 0 : i32
    %scan3A_24 = arith.constant 20 : i32
    %scan3A_25 = arith.addi %scan3A_23, %scan3A_24 : i32
    %scan3A_26 = arith.constant 1 : i32
    scf.for %scan3A_208 = %scan3A_23 to %scan3A_25 step %scan3A_26  : i32 {
      %mul3A_209 = arith.constant 640 : i32
      %mul3A_210 = arith.muli %arg1, %mul3A_209 : i32
      %mul3A_211 = arith.constant 32 : i32
      %mul3A_212 = arith.muli %scan3A_208, %mul3A_211 : i32
      %add3A = arith.addi %mul3A_210, %mul3A_212 : i32
      %dma_start3A_213 = arith.constant 0 : i32
      %dma_start3A_214 = tpu.memref_slice %arg13[%add3A, %dma_start3A_213] : memref<10240x128xf32, #tpu.memory_space<vmem_shared>> -> memref<32x128xf32, #tpu.memory_space<vmem_shared>>
      %dma_start3A_215 = arith.constant 0 : i32
      %dma_start3A_216 = tpu.memref_slice %arg13[%add3A, %dma_start3A_215] : memref<10240x128xf32, #tpu.memory_space<vmem_shared>> -> memref<32x128xf32, #tpu.memory_space<vmem_shared>>
      tpu.enqueue_dma source(%arg12 : memref<32x128xf32, #tpu.memory_space<vmem>>) target(%dma_start3A_216 : memref<32x128xf32, #tpu.memory_space<vmem_shared>>) target_semaphore(%arg14 : memref<!tpu.dma_semaphore, #tpu.memory_space<semaphore_mem>>)
    }
    %scan3A_27 = arith.constant 20 : i32
    %scan3A_28 = arith.constant 0 : i32
    %scan3A_29 = arith.constant 0 : i32
    %scan3A_30 = arith.constant 20 : i32
    %scan3A_31 = arith.addi %scan3A_29, %scan3A_30 : i32
    %scan3A_32 = arith.constant 1 : i32
    scf.for %scan3A_208 = %scan3A_29 to %scan3A_31 step %scan3A_32  : i32 {
      %mul3A_209 = arith.constant 640 : i32
      %mul3A_210 = arith.muli %arg1, %mul3A_209 : i32
      %mul3A_211 = arith.constant 32 : i32
      %mul3A_212 = arith.muli %scan3A_208, %mul3A_211 : i32
      %add3A = arith.addi %mul3A_210, %mul3A_212 : i32
      %dma_wait3A_213 = arith.constant 0 : i32
      %dma_wait3A_214 = tpu.memref_slice %arg13[%add3A, %dma_wait3A_213] : memref<10240x128xf32, #tpu.memory_space<vmem_shared>> -> memref<32x128xf32, #tpu.memory_space<vmem_shared>>
      %dma_wait3A_215 = arith.constant 0 : i32
      %dma_wait3A_216 = tpu.memref_slice %arg13[%add3A, %dma_wait3A_215] : memref<10240x128xf32, #tpu.memory_space<vmem_shared>> -> memref<32x128xf32, #tpu.memory_space<vmem_shared>>
      tpu.wait_dma2 semaphore(%arg14 : memref<!tpu.dma_semaphore, #tpu.memory_space<semaphore_mem>>) src(%arg12 : memref<32x128xf32, #tpu.memory_space<vmem>>) dst(%dma_wait3A_216 : memref<32x128xf32, #tpu.memory_space<vmem_shared>>)
    }
    %scan3A_33 = arith.constant 20 : i32
    %dma_wait3A = arith.constant 0 : i32
    %dma_wait3A_34 = arith.constant 0 : i32
    %dma_wait3A_35 = arith.constant 0 : i32
    %dma_wait3A_36 = tpu.memref_slice %arg3[%arg0, %arg1, %dma_wait3A, %dma_wait3A_34, %dma_wait3A_35] : memref<2x16x8x10x125xi32, #tpu.memory_space<hbm>> -> memref<1x1x1x10x125xi32, #tpu.memory_space<hbm>>
    %dma_wait3A_37 = tpu.memref_squeeze %dma_wait3A_36 : memref<1x1x1x10x125xi32, #tpu.memory_space<hbm>> -> memref<10x125xi32, #tpu.memory_space<hbm>>
    %dma_wait3A_38 = arith.constant 0 : i32
    %dma_wait3A_39 = arith.constant 0 : i32
    %dma_wait3A_40 = tpu.memref_slice %arg3[%arg0, %arg1, %dma_wait3A, %dma_wait3A_38, %dma_wait3A_39] : memref<2x16x8x10x125xi32, #tpu.memory_space<hbm>> -> memref<1x1x1x10x125xi32, #tpu.memory_space<hbm>>
    %dma_wait3A_41 = tpu.memref_squeeze %dma_wait3A_40 : memref<1x1x1x10x125xi32, #tpu.memory_space<hbm>> -> memref<10x125xi32, #tpu.memory_space<hbm>>
    tpu.wait_dma2 semaphore(%arg16 : memref<!tpu.dma_semaphore, #tpu.memory_space<semaphore_mem>>) src(%dma_wait3A_41 : memref<10x125xi32, #tpu.memory_space<hbm>>) dst(%arg6 : memref<10x125xi32, #tpu.memory_space<vmem>>)
    %dma_wait3A_42 = arith.constant 0 : i32
    %dma_wait3A_43 = arith.constant 0 : i32
    %dma_wait3A_44 = arith.constant 0 : i32
    %dma_wait3A_45 = tpu.memref_slice %arg4[%arg0, %arg1, %dma_wait3A_42, %dma_wait3A_43, %dma_wait3A_44] : memref<2x16x8x10x125xi32, #tpu.memory_space<hbm>> -> memref<1x1x1x10x125xi32, #tpu.memory_space<hbm>>
    %dma_wait3A_46 = tpu.memref_squeeze %dma_wait3A_45 : memref<1x1x1x10x125xi32, #tpu.memory_space<hbm>> -> memref<10x125xi32, #tpu.memory_space<hbm>>
    %dma_wait3A_47 = arith.constant 0 : i32
    %dma_wait3A_48 = arith.constant 0 : i32
    %dma_wait3A_49 = tpu.memref_slice %arg4[%arg0, %arg1, %dma_wait3A_42, %dma_wait3A_47, %dma_wait3A_48] : memref<2x16x8x10x125xi32, #tpu.memory_space<hbm>> -> memref<1x1x1x10x125xi32, #tpu.memory_space<hbm>>
    %dma_wait3A_50 = tpu.memref_squeeze %dma_wait3A_49 : memref<1x1x1x10x125xi32, #tpu.memory_space<hbm>> -> memref<10x125xi32, #tpu.memory_space<hbm>>
    tpu.wait_dma2 semaphore(%arg16 : memref<!tpu.dma_semaphore, #tpu.memory_space<semaphore_mem>>) src(%dma_wait3A_50 : memref<10x125xi32, #tpu.memory_space<hbm>>) dst(%arg7 : memref<10x125xi32, #tpu.memory_space<vmem>>)
    %dma_start3A_51 = arith.constant 0 : i32
    %dma_start3A_52 = arith.constant 0 : i32
    %dma_start3A_53 = arith.constant 0 : i32
    %dma_start3A_54 = tpu.memref_slice %arg6[%dma_start3A_52, %dma_start3A_53] : memref<10x125xi32, #tpu.memory_space<vmem>> -> memref<1x125xi32, #tpu.memory_space<vmem>>
    %dma_start3A_55 = tpu.memref_squeeze %dma_start3A_54 : memref<1x125xi32, #tpu.memory_space<vmem>> -> memref<125xi32, #tpu.memory_space<vmem>>
    %dma_start3A_56 = arith.constant 0 : i32
    %dma_start3A_57 = arith.constant 0 : i32
    %dma_start3A_58 = tpu.memref_slice %arg2[%dma_start3A_51, %dma_start3A_56, %dma_start3A_57] : memref<1x10240x128xf32, #tpu.memory_space<hbm>> -> memref<1x10240x128xf32, #tpu.memory_space<hbm>>
    %dma_start3A_59 = tpu.memref_squeeze %dma_start3A_58 : memref<1x10240x128xf32, #tpu.memory_space<hbm>> -> memref<10240x128xf32, #tpu.memory_space<hbm>>
    %dma_start3A_60 = arith.constant 0 : i32
    %dma_start3A_61 = arith.constant 0 : i32
    %dma_start3A_62 = tpu.memref_slice %dma_start3A_59[%dma_start3A_60, %dma_start3A_61] : memref<10240x128xf32, #tpu.memory_space<hbm>> -> memref<10240x128xf32, #tpu.memory_space<hbm>>
    tpu.enqueue_indirect_dma source(%dma_start3A_62 : memref<10240x128xf32, #tpu.memory_space<hbm>>) target(%arg10 : memref<125x128xf32, #tpu.memory_space<vmem>>) offsets(%dma_start3A_55 : memref<125xi32, #tpu.memory_space<vmem>>) semaphore(%arg14 : memref<!tpu.dma_semaphore, #tpu.memory_space<semaphore_mem>>)
    %barrier3A = arith.constant 0 : index
    tpu.barrier barrier_id(%barrier3A)
    %scan3A_63 = arith.constant 0 : i32
    %scan3A_64 = arith.constant 0 : i32
    %scan3A_65 = arith.constant 3 : i32
    %scan3A_66 = arith.addi %scan3A_64, %scan3A_65 : i32
    %scan3A_67 = arith.constant 1 : i32
    scf.for %scan3A_208 = %scan3A_64 to %scan3A_66 step %scan3A_67  : i32 {
      %mul3A_209 = arith.constant 2 : i32
      %mul3A_210 = arith.muli %mul3A_209, %scan3A_208 : i32
      %add3A = arith.constant 1 : i32
      %add3A_211 = arith.addi %mul3A_210, %add3A : i32
      %add3A_212 = arith.constant 1 : i32
      %add3A_213 = arith.addi %add3A_211, %add3A_212 : i32
      %min3A = arith.constant 7 : i32
      %min3A_214 = arith.minsi %add3A_213, %min3A : i32
      %dma_start3A_215 = arith.constant 0 : i32
      %dma_start3A_216 = arith.constant 0 : i32
      %dma_start3A_217 = tpu.memref_slice %arg3[%arg0, %arg1, %add3A_211, %dma_start3A_215, %dma_start3A_216] : memref<2x16x8x10x125xi32, #tpu.memory_space<hbm>> -> memref<1x1x1x10x125xi32, #tpu.memory_space<hbm>>
      %dma_start3A_218 = tpu.memref_squeeze %dma_start3A_217 : memref<1x1x1x10x125xi32, #tpu.memory_space<hbm>> -> memref<10x125xi32, #tpu.memory_space<hbm>>
      %dma_start3A_219 = arith.constant 0 : i32
      %dma_start3A_220 = arith.constant 0 : i32
      %dma_start3A_221 = tpu.memref_slice %arg3[%arg0, %arg1, %add3A_211, %dma_start3A_219, %dma_start3A_220] : memref<2x16x8x10x125xi32, #tpu.memory_space<hbm>> -> memref<1x1x1x10x125xi32, #tpu.memory_space<hbm>>
      %dma_start3A_222 = tpu.memref_squeeze %dma_start3A_221 : memref<1x1x1x10x125xi32, #tpu.memory_space<hbm>> -> memref<10x125xi32, #tpu.memory_space<hbm>>
      tpu.enqueue_dma source(%dma_start3A_222 : memref<10x125xi32, #tpu.memory_space<hbm>>) target(%arg8 : memref<10x125xi32, #tpu.memory_space<vmem>>) target_semaphore(%arg16 : memref<!tpu.dma_semaphore, #tpu.memory_space<semaphore_mem>>)
      %dma_start3A_223 = arith.constant 0 : i32
      %dma_start3A_224 = arith.constant 0 : i32
      %dma_start3A_225 = tpu.memref_slice %arg4[%arg0, %arg1, %add3A_211, %dma_start3A_223, %dma_start3A_224] : memref<2x16x8x10x125xi32, #tpu.memory_space<hbm>> -> memref<1x1x1x10x125xi32, #tpu.memory_space<hbm>>
      %dma_start3A_226 = tpu.memref_squeeze %dma_start3A_225 : memref<1x1x1x10x125xi32, #tpu.memory_space<hbm>> -> memref<10x125xi32, #tpu.memory_space<hbm>>
      %dma_start3A_227 = arith.constant 0 : i32
      %dma_start3A_228 = arith.constant 0 : i32
      %dma_start3A_229 = tpu.memref_slice %arg4[%arg0, %arg1, %add3A_211, %dma_start3A_227, %dma_start3A_228] : memref<2x16x8x10x125xi32, #tpu.memory_space<hbm>> -> memref<1x1x1x10x125xi32, #tpu.memory_space<hbm>>
      %dma_start3A_230 = tpu.memref_squeeze %dma_start3A_229 : memref<1x1x1x10x125xi32, #tpu.memory_space<hbm>> -> memref<10x125xi32, #tpu.memory_space<hbm>>
      tpu.enqueue_dma source(%dma_start3A_230 : memref<10x125xi32, #tpu.memory_space<hbm>>) target(%arg9 : memref<10x125xi32, #tpu.memory_space<vmem>>) target_semaphore(%arg16 : memref<!tpu.dma_semaphore, #tpu.memory_space<semaphore_mem>>)
      %scan3A_231 = arith.constant 0 : i32
      %scan3A_232 = arith.constant 0 : i32
      %scan3A_233 = arith.constant 4 : i32
      %scan3A_234 = arith.addi %scan3A_232, %scan3A_233 : i32
      %scan3A_235 = arith.constant 1 : i32
      scf.for %scan3A_391 = %scan3A_232 to %scan3A_234 step %scan3A_235  : i32 {
        %mul3A_392 = arith.constant 2 : i32
        %mul3A_393 = arith.muli %scan3A_391, %mul3A_392 : i32
        %mul3A_394 = arith.constant 2 : i32
        %mul3A_395 = arith.muli %scan3A_391, %mul3A_394 : i32
        %add3A_396 = arith.constant 2 : i32
        %add3A_397 = arith.addi %mul3A_395, %add3A_396 : i32
        %add3A_398 = arith.constant 1 : i32
        %add3A_399 = arith.addi %mul3A_393, %add3A_398 : i32
        %dma_start3A_400 = arith.constant 0 : i32
        %dma_start3A_401 = arith.constant 0 : i32
        %dma_start3A_402 = tpu.memref_slice %arg6[%add3A_399, %dma_start3A_401] : memref<10x125xi32, #tpu.memory_space<vmem>> -> memref<1x125xi32, #tpu.memory_space<vmem>>
        %dma_start3A_403 = tpu.memref_squeeze %dma_start3A_402 : memref<1x125xi32, #tpu.memory_space<vmem>> -> memref<125xi32, #tpu.memory_space<vmem>>
        %dma_start3A_404 = arith.constant 0 : i32
        %dma_start3A_405 = arith.constant 0 : i32
        %dma_start3A_406 = tpu.memref_slice %arg2[%dma_start3A_400, %dma_start3A_404, %dma_start3A_405] : memref<1x10240x128xf32, #tpu.memory_space<hbm>> -> memref<1x10240x128xf32, #tpu.memory_space<hbm>>
        %dma_start3A_407 = tpu.memref_squeeze %dma_start3A_406 : memref<1x10240x128xf32, #tpu.memory_space<hbm>> -> memref<10240x128xf32, #tpu.memory_space<hbm>>
        %dma_start3A_408 = arith.constant 0 : i32
        %dma_start3A_409 = arith.constant 0 : i32
        %dma_start3A_410 = tpu.memref_slice %dma_start3A_407[%dma_start3A_408, %dma_start3A_409] : memref<10240x128xf32, #tpu.memory_space<hbm>> -> memref<10240x128xf32, #tpu.memory_space<hbm>>
        tpu.enqueue_indirect_dma source(%dma_start3A_410 : memref<10240x128xf32, #tpu.memory_space<hbm>>) target(%arg11 : memref<125x128xf32, #tpu.memory_space<vmem>>) offsets(%dma_start3A_403 : memref<125xi32, #tpu.memory_space<vmem>>) semaphore(%arg15 : memref<!tpu.dma_semaphore, #tpu.memory_space<semaphore_mem>>)
        %dma_wait3A_411 = arith.constant 0 : i32
        %dma_wait3A_412 = arith.constant 0 : i32
        %dma_wait3A_413 = tpu.memref_slice %arg6[%mul3A_393, %dma_wait3A_412] : memref<10x125xi32, #tpu.memory_space<vmem>> -> memref<1x125xi32, #tpu.memory_space<vmem>>
        %dma_wait3A_414 = tpu.memref_squeeze %dma_wait3A_413 : memref<1x125xi32, #tpu.memory_space<vmem>> -> memref<125xi32, #tpu.memory_space<vmem>>
        %dma_wait3A_415 = arith.constant 0 : i32
        %dma_wait3A_416 = arith.constant 0 : i32
        %dma_wait3A_417 = tpu.memref_slice %arg2[%dma_wait3A_411, %dma_wait3A_415, %dma_wait3A_416] : memref<1x10240x128xf32, #tpu.memory_space<hbm>> -> memref<1x10240x128xf32, #tpu.memory_space<hbm>>
        %dma_wait3A_418 = tpu.memref_squeeze %dma_wait3A_417 : memref<1x10240x128xf32, #tpu.memory_space<hbm>> -> memref<10240x128xf32, #tpu.memory_space<hbm>>
        %dma_wait3A_419 = arith.constant 0 : i32
        %dma_wait3A_420 = arith.constant 0 : i32
        %dma_wait3A_421 = tpu.memref_slice %dma_wait3A_418[%dma_wait3A_419, %dma_wait3A_420] : memref<10240x128xf32, #tpu.memory_space<hbm>> -> memref<10240x128xf32, #tpu.memory_space<hbm>>
        tpu.wait_indirect_dma semaphore(%arg14 : memref<!tpu.dma_semaphore, #tpu.memory_space<semaphore_mem>>) src(%dma_wait3A_421 : memref<10240x128xf32, #tpu.memory_space<hbm>>) dst(%arg10 : memref<125x128xf32, #tpu.memory_space<vmem>>)
        "tpu.region"() ({
          %run_scoped3A_444 = tpu.sem_alloc : memref<!tpu.dma_semaphore, #tpu.memory_space<semaphore_mem>>
          %dma_start3A_445 = arith.constant 0 : i32
          %dma_start3A_446 = tpu.memref_slice %arg7[%mul3A_393, %dma_start3A_445] : memref<10x125xi32, #tpu.memory_space<vmem>> -> memref<1x125xi32, #tpu.memory_space<vmem>>
          %dma_start3A_447 = tpu.memref_squeeze %dma_start3A_446 : memref<1x125xi32, #tpu.memory_space<vmem>> -> memref<125xi32, #tpu.memory_space<vmem>>
          %dma_start3A_448 = arith.constant 0 : i32
          %dma_start3A_449 = arith.constant 0 : i32
          %dma_start3A_450 = tpu.memref_slice %arg13[%dma_start3A_448, %dma_start3A_449] : memref<10240x128xf32, #tpu.memory_space<vmem_shared>> -> memref<10240x128xf32, #tpu.memory_space<vmem_shared>>
          tpu.enqueue_indirect_dma source(%arg10 : memref<125x128xf32, #tpu.memory_space<vmem>>) target(%dma_start3A_450 : memref<10240x128xf32, #tpu.memory_space<vmem_shared>>) offsets(%dma_start3A_447 : memref<125xi32, #tpu.memory_space<vmem>>) semaphore(%run_scoped3A_444 : memref<!tpu.dma_semaphore, #tpu.memory_space<semaphore_mem>>) {add = true}
          %dma_wait3A_451 = arith.constant 0 : i32
          %dma_wait3A_452 = tpu.memref_slice %arg7[%mul3A_393, %dma_wait3A_451] : memref<10x125xi32, #tpu.memory_space<vmem>> -> memref<1x125xi32, #tpu.memory_space<vmem>>
          %dma_wait3A_453 = tpu.memref_squeeze %dma_wait3A_452 : memref<1x125xi32, #tpu.memory_space<vmem>> -> memref<125xi32, #tpu.memory_space<vmem>>
          %dma_wait3A_454 = arith.constant 0 : i32
          %dma_wait3A_455 = arith.constant 0 : i32
          %dma_wait3A_456 = tpu.memref_slice %arg13[%dma_wait3A_454, %dma_wait3A_455] : memref<10240x128xf32, #tpu.memory_space<vmem_shared>> -> memref<10240x128xf32, #tpu.memory_space<vmem_shared>>
          tpu.wait_indirect_dma semaphore(%run_scoped3A_444 : memref<!tpu.dma_semaphore, #tpu.memory_space<semaphore_mem>>) src(%arg10 : memref<125x128xf32, #tpu.memory_space<vmem>>) dst(%dma_wait3A_456 : memref<10240x128xf32, #tpu.memory_space<vmem_shared>>)
          tpu.yield
        }) : () -> ()
        %dma_start3A_422 = arith.constant 0 : i32
        %dma_start3A_423 = arith.constant 0 : i32
        %dma_start3A_424 = tpu.memref_slice %arg6[%add3A_397, %dma_start3A_423] : memref<10x125xi32, #tpu.memory_space<vmem>> -> memref<1x125xi32, #tpu.memory_space<vmem>>
        %dma_start3A_425 = tpu.memref_squeeze %dma_start3A_424 : memref<1x125xi32, #tpu.memory_space<vmem>> -> memref<125xi32, #tpu.memory_space<vmem>>
        %dma_start3A_426 = arith.constant 0 : i32
        %dma_start3A_427 = arith.constant 0 : i32
        %dma_start3A_428 = tpu.memref_slice %arg2[%dma_start3A_422, %dma_start3A_426, %dma_start3A_427] : memref<1x10240x128xf32, #tpu.memory_space<hbm>> -> memref<1x10240x128xf32, #tpu.memory_space<hbm>>
        %dma_start3A_429 = tpu.memref_squeeze %dma_start3A_428 : memref<1x10240x128xf32, #tpu.memory_space<hbm>> -> memref<10240x128xf32, #tpu.memory_space<hbm>>
        %dma_start3A_430 = arith.constant 0 : i32
        %dma_start3A_431 = arith.constant 0 : i32
        %dma_start3A_432 = tpu.memref_slice %dma_start3A_429[%dma_start3A_430, %dma_start3A_431] : memref<10240x128xf32, #tpu.memory_space<hbm>> -> memref<10240x128xf32, #tpu.memory_space<hbm>>
        tpu.enqueue_indirect_dma source(%dma_start3A_432 : memref<10240x128xf32, #tpu.memory_space<hbm>>) target(%arg10 : memref<125x128xf32, #tpu.memory_space<vmem>>) offsets(%dma_start3A_425 : memref<125xi32, #tpu.memory_space<vmem>>) semaphore(%arg14 : memref<!tpu.dma_semaphore, #tpu.memory_space<semaphore_mem>>)
        %dma_wait3A_433 = arith.constant 0 : i32
        %dma_wait3A_434 = arith.constant 0 : i32
        %dma_wait3A_435 = tpu.memref_slice %arg6[%add3A_399, %dma_wait3A_434] : memref<10x125xi32, #tpu.memory_space<vmem>> -> memref<1x125xi32, #tpu.memory_space<vmem>>
        %dma_wait3A_436 = tpu.memref_squeeze %dma_wait3A_435 : memref<1x125xi32, #tpu.memory_space<vmem>> -> memref<125xi32, #tpu.memory_space<vmem>>
        %dma_wait3A_437 = arith.constant 0 : i32
        %dma_wait3A_438 = arith.constant 0 : i32
        %dma_wait3A_439 = tpu.memref_slice %arg2[%dma_wait3A_433, %dma_wait3A_437, %dma_wait3A_438] : memref<1x10240x128xf32, #tpu.memory_space<hbm>> -> memref<1x10240x128xf32, #tpu.memory_space<hbm>>
        %dma_wait3A_440 = tpu.memref_squeeze %dma_wait3A_439 : memref<1x10240x128xf32, #tpu.memory_space<hbm>> -> memref<10240x128xf32, #tpu.memory_space<hbm>>
        %dma_wait3A_441 = arith.constant 0 : i32
        %dma_wait3A_442 = arith.constant 0 : i32
        %dma_wait3A_443 = tpu.memref_slice %dma_wait3A_440[%dma_wait3A_441, %dma_wait3A_442] : memref<10240x128xf32, #tpu.memory_space<hbm>> -> memref<10240x128xf32, #tpu.memory_space<hbm>>
        tpu.wait_indirect_dma semaphore(%arg15 : memref<!tpu.dma_semaphore, #tpu.memory_space<semaphore_mem>>) src(%dma_wait3A_443 : memref<10240x128xf32, #tpu.memory_space<hbm>>) dst(%arg11 : memref<125x128xf32, #tpu.memory_space<vmem>>)
        "tpu.region"() ({
          %run_scoped3A_444 = tpu.sem_alloc : memref<!tpu.dma_semaphore, #tpu.memory_space<semaphore_mem>>
          %dma_start3A_445 = arith.constant 0 : i32
          %dma_start3A_446 = tpu.memref_slice %arg7[%add3A_399, %dma_start3A_445] : memref<10x125xi32, #tpu.memory_space<vmem>> -> memref<1x125xi32, #tpu.memory_space<vmem>>
          %dma_start3A_447 = tpu.memref_squeeze %dma_start3A_446 : memref<1x125xi32, #tpu.memory_space<vmem>> -> memref<125xi32, #tpu.memory_space<vmem>>
          %dma_start3A_448 = arith.constant 0 : i32
          %dma_start3A_449 = arith.constant 0 : i32
          %dma_start3A_450 = tpu.memref_slice %arg13[%dma_start3A_448, %dma_start3A_449] : memref<10240x128xf32, #tpu.memory_space<vmem_shared>> -> memref<10240x128xf32, #tpu.memory_space<vmem_shared>>
          tpu.enqueue_indirect_dma source(%arg11 : memref<125x128xf32, #tpu.memory_space<vmem>>) target(%dma_start3A_450 : memref<10240x128xf32, #tpu.memory_space<vmem_shared>>) offsets(%dma_start3A_447 : memref<125xi32, #tpu.memory_space<vmem>>) semaphore(%run_scoped3A_444 : memref<!tpu.dma_semaphore, #tpu.memory_space<semaphore_mem>>) {add = true}
          %dma_wait3A_451 = arith.constant 0 : i32
          %dma_wait3A_452 = tpu.memref_slice %arg7[%add3A_399, %dma_wait3A_451] : memref<10x125xi32, #tpu.memory_space<vmem>> -> memref<1x125xi32, #tpu.memory_space<vmem>>
          %dma_wait3A_453 = tpu.memref_squeeze %dma_wait3A_452 : memref<1x125xi32, #tpu.memory_space<vmem>> -> memref<125xi32, #tpu.memory_space<vmem>>
          %dma_wait3A_454 = arith.constant 0 : i32
          %dma_wait3A_455 = arith.constant 0 : i32
          %dma_wait3A_456 = tpu.memref_slice %arg13[%dma_wait3A_454, %dma_wait3A_455] : memref<10240x128xf32, #tpu.memory_space<vmem_shared>> -> memref<10240x128xf32, #tpu.memory_space<vmem_shared>>
          tpu.wait_indirect_dma semaphore(%run_scoped3A_444 : memref<!tpu.dma_semaphore, #tpu.memory_space<semaphore_mem>>) src(%arg11 : memref<125x128xf32, #tpu.memory_space<vmem>>) dst(%dma_wait3A_456 : memref<10240x128xf32, #tpu.memory_space<vmem_shared>>)
          tpu.yield
        }) : () -> ()
      }
      %scan3A_236 = arith.constant 4 : i32
      %dma_wait3A_237 = arith.constant 0 : i32
      %dma_wait3A_238 = arith.constant 0 : i32
      %dma_wait3A_239 = tpu.memref_slice %arg3[%arg0, %arg1, %add3A_211, %dma_wait3A_237, %dma_wait3A_238] : memref<2x16x8x10x125xi32, #tpu.memory_space<hbm>> -> memref<1x1x1x10x125xi32, #tpu.memory_space<hbm>>
      %dma_wait3A_240 = tpu.memref_squeeze %dma_wait3A_239 : memref<1x1x1x10x125xi32, #tpu.memory_space<hbm>> -> memref<10x125xi32, #tpu.memory_space<hbm>>
      %dma_wait3A_241 = arith.constant 0 : i32
      %dma_wait3A_242 = arith.constant 0 : i32
      %dma_wait3A_243 = tpu.memref_slice %arg3[%arg0, %arg1, %add3A_211, %dma_wait3A_241, %dma_wait3A_242] : memref<2x16x8x10x125xi32, #tpu.memory_space<hbm>> -> memref<1x1x1x10x125xi32, #tpu.memory_space<hbm>>
      %dma_wait3A_244 = tpu.memref_squeeze %dma_wait3A_243 : memref<1x1x1x10x125xi32, #tpu.memory_space<hbm>> -> memref<10x125xi32, #tpu.memory_space<hbm>>
      tpu.wait_dma2 semaphore(%arg16 : memref<!tpu.dma_semaphore, #tpu.memory_space<semaphore_mem>>) src(%dma_wait3A_244 : memref<10x125xi32, #tpu.memory_space<hbm>>) dst(%arg8 : memref<10x125xi32, #tpu.memory_space<vmem>>)
      %dma_wait3A_245 = arith.constant 0 : i32
      %dma_wait3A_246 = arith.constant 0 : i32
      %dma_wait3A_247 = tpu.memref_slice %arg4[%arg0, %arg1, %add3A_211, %dma_wait3A_245, %dma_wait3A_246] : memref<2x16x8x10x125xi32, #tpu.memory_space<hbm>> -> memref<1x1x1x10x125xi32, #tpu.memory_space<hbm>>
      %dma_wait3A_248 = tpu.memref_squeeze %dma_wait3A_247 : memref<1x1x1x10x125xi32, #tpu.memory_space<hbm>> -> memref<10x125xi32, #tpu.memory_space<hbm>>
      %dma_wait3A_249 = arith.constant 0 : i32
      %dma_wait3A_250 = arith.constant 0 : i32
      %dma_wait3A_251 = tpu.memref_slice %arg4[%arg0, %arg1, %add3A_211, %dma_wait3A_249, %dma_wait3A_250] : memref<2x16x8x10x125xi32, #tpu.memory_space<hbm>> -> memref<1x1x1x10x125xi32, #tpu.memory_space<hbm>>
      %dma_wait3A_252 = tpu.memref_squeeze %dma_wait3A_251 : memref<1x1x1x10x125xi32, #tpu.memory_space<hbm>> -> memref<10x125xi32, #tpu.memory_space<hbm>>
      tpu.wait_dma2 semaphore(%arg16 : memref<!tpu.dma_semaphore, #tpu.memory_space<semaphore_mem>>) src(%dma_wait3A_252 : memref<10x125xi32, #tpu.memory_space<hbm>>) dst(%arg9 : memref<10x125xi32, #tpu.memory_space<vmem>>)
      %dma_start3A_253 = arith.constant 0 : i32
      %dma_start3A_254 = arith.constant 9 : i32
      %dma_start3A_255 = arith.constant 0 : i32
      %dma_start3A_256 = tpu.memref_slice %arg6[%dma_start3A_254, %dma_start3A_255] : memref<10x125xi32, #tpu.memory_space<vmem>> -> memref<1x125xi32, #tpu.memory_space<vmem>>
      %dma_start3A_257 = tpu.memref_squeeze %dma_start3A_256 : memref<1x125xi32, #tpu.memory_space<vmem>> -> memref<125xi32, #tpu.memory_space<vmem>>
      %dma_start3A_258 = arith.constant 0 : i32
      %dma_start3A_259 = arith.constant 0 : i32
      %dma_start3A_260 = tpu.memref_slice %arg2[%dma_start3A_253, %dma_start3A_258, %dma_start3A_259] : memref<1x10240x128xf32, #tpu.memory_space<hbm>> -> memref<1x10240x128xf32, #tpu.memory_space<hbm>>
      %dma_start3A_261 = tpu.memref_squeeze %dma_start3A_260 : memref<1x10240x128xf32, #tpu.memory_space<hbm>> -> memref<10240x128xf32, #tpu.memory_space<hbm>>
      %dma_start3A_262 = arith.constant 0 : i32
      %dma_start3A_263 = arith.constant 0 : i32
      %dma_start3A_264 = tpu.memref_slice %dma_start3A_261[%dma_start3A_262, %dma_start3A_263] : memref<10240x128xf32, #tpu.memory_space<hbm>> -> memref<10240x128xf32, #tpu.memory_space<hbm>>
      tpu.enqueue_indirect_dma source(%dma_start3A_264 : memref<10240x128xf32, #tpu.memory_space<hbm>>) target(%arg11 : memref<125x128xf32, #tpu.memory_space<vmem>>) offsets(%dma_start3A_257 : memref<125xi32, #tpu.memory_space<vmem>>) semaphore(%arg15 : memref<!tpu.dma_semaphore, #tpu.memory_space<semaphore_mem>>)
      %dma_wait3A_265 = arith.constant 0 : i32
      %dma_wait3A_266 = arith.constant 8 : i32
      %dma_wait3A_267 = arith.constant 0 : i32
      %dma_wait3A_268 = tpu.memref_slice %arg6[%dma_wait3A_266, %dma_wait3A_267] : memref<10x125xi32, #tpu.memory_space<vmem>> -> memref<1x125xi32, #tpu.memory_space<vmem>>
      %dma_wait3A_269 = tpu.memref_squeeze %dma_wait3A_268 : memref<1x125xi32, #tpu.memory_space<vmem>> -> memref<125xi32, #tpu.memory_space<vmem>>
      %dma_wait3A_270 = arith.constant 0 : i32
      %dma_wait3A_271 = arith.constant 0 : i32
      %dma_wait3A_272 = tpu.memref_slice %arg2[%dma_wait3A_265, %dma_wait3A_270, %dma_wait3A_271] : memref<1x10240x128xf32, #tpu.memory_space<hbm>> -> memref<1x10240x128xf32, #tpu.memory_space<hbm>>
      %dma_wait3A_273 = tpu.memref_squeeze %dma_wait3A_272 : memref<1x10240x128xf32, #tpu.memory_space<hbm>> -> memref<10240x128xf32, #tpu.memory_space<hbm>>
      %dma_wait3A_274 = arith.constant 0 : i32
      %dma_wait3A_275 = arith.constant 0 : i32
      %dma_wait3A_276 = tpu.memref_slice %dma_wait3A_273[%dma_wait3A_274, %dma_wait3A_275] : memref<10240x128xf32, #tpu.memory_space<hbm>> -> memref<10240x128xf32, #tpu.memory_space<hbm>>
      tpu.wait_indirect_dma semaphore(%arg14 : memref<!tpu.dma_semaphore, #tpu.memory_space<semaphore_mem>>) src(%dma_wait3A_276 : memref<10240x128xf32, #tpu.memory_space<hbm>>) dst(%arg10 : memref<125x128xf32, #tpu.memory_space<vmem>>)
      %run_scoped3A_277 = arith.constant 8 : i32
      "tpu.region"() ({
        %run_scoped3A_391 = tpu.sem_alloc : memref<!tpu.dma_semaphore, #tpu.memory_space<semaphore_mem>>
        %dma_start3A_392 = arith.constant 0 : i32
        %dma_start3A_393 = tpu.memref_slice %arg7[%run_scoped3A_277, %dma_start3A_392] : memref<10x125xi32, #tpu.memory_space<vmem>> -> memref<1x125xi32, #tpu.memory_space<vmem>>
        %dma_start3A_394 = tpu.memref_squeeze %dma_start3A_393 : memref<1x125xi32, #tpu.memory_space<vmem>> -> memref<125xi32, #tpu.memory_space<vmem>>
        %dma_start3A_395 = arith.constant 0 : i32
        %dma_start3A_396 = arith.constant 0 : i32
        %dma_start3A_397 = tpu.memref_slice %arg13[%dma_start3A_395, %dma_start3A_396] : memref<10240x128xf32, #tpu.memory_space<vmem_shared>> -> memref<10240x128xf32, #tpu.memory_space<vmem_shared>>
        tpu.enqueue_indirect_dma source(%arg10 : memref<125x128xf32, #tpu.memory_space<vmem>>) target(%dma_start3A_397 : memref<10240x128xf32, #tpu.memory_space<vmem_shared>>) offsets(%dma_start3A_394 : memref<125xi32, #tpu.memory_space<vmem>>) semaphore(%run_scoped3A_391 : memref<!tpu.dma_semaphore, #tpu.memory_space<semaphore_mem>>) {add = true}
        %dma_wait3A_398 = arith.constant 0 : i32
        %dma_wait3A_399 = tpu.memref_slice %arg7[%run_scoped3A_277, %dma_wait3A_398] : memref<10x125xi32, #tpu.memory_space<vmem>> -> memref<1x125xi32, #tpu.memory_space<vmem>>
        %dma_wait3A_400 = tpu.memref_squeeze %dma_wait3A_399 : memref<1x125xi32, #tpu.memory_space<vmem>> -> memref<125xi32, #tpu.memory_space<vmem>>
        %dma_wait3A_401 = arith.constant 0 : i32
        %dma_wait3A_402 = arith.constant 0 : i32
        %dma_wait3A_403 = tpu.memref_slice %arg13[%dma_wait3A_401, %dma_wait3A_402] : memref<10240x128xf32, #tpu.memory_space<vmem_shared>> -> memref<10240x128xf32, #tpu.memory_space<vmem_shared>>
        tpu.wait_indirect_dma semaphore(%run_scoped3A_391 : memref<!tpu.dma_semaphore, #tpu.memory_space<semaphore_mem>>) src(%arg10 : memref<125x128xf32, #tpu.memory_space<vmem>>) dst(%dma_wait3A_403 : memref<10240x128xf32, #tpu.memory_space<vmem_shared>>)
        tpu.yield
      }) : () -> ()
      %dma_start3A_278 = arith.constant 0 : i32
      %dma_start3A_279 = arith.constant 0 : i32
      %dma_start3A_280 = arith.constant 0 : i32
      %dma_start3A_281 = tpu.memref_slice %arg8[%dma_start3A_279, %dma_start3A_280] : memref<10x125xi32, #tpu.memory_space<vmem>> -> memref<1x125xi32, #tpu.memory_space<vmem>>
      %dma_start3A_282 = tpu.memref_squeeze %dma_start3A_281 : memref<1x125xi32, #tpu.memory_space<vmem>> -> memref<125xi32, #tpu.memory_space<vmem>>
      %dma_start3A_283 = arith.constant 0 : i32
      %dma_start3A_284 = arith.constant 0 : i32
      %dma_start3A_285 = tpu.memref_slice %arg2[%dma_start3A_278, %dma_start3A_283, %dma_start3A_284] : memref<1x10240x128xf32, #tpu.memory_space<hbm>> -> memref<1x10240x128xf32, #tpu.memory_space<hbm>>
      %dma_start3A_286 = tpu.memref_squeeze %dma_start3A_285 : memref<1x10240x128xf32, #tpu.memory_space<hbm>> -> memref<10240x128xf32, #tpu.memory_space<hbm>>
      %dma_start3A_287 = arith.constant 0 : i32
      %dma_start3A_288 = arith.constant 0 : i32
      %dma_start3A_289 = tpu.memref_slice %dma_start3A_286[%dma_start3A_287, %dma_start3A_288] : memref<10240x128xf32, #tpu.memory_space<hbm>> -> memref<10240x128xf32, #tpu.memory_space<hbm>>
      tpu.enqueue_indirect_dma source(%dma_start3A_289 : memref<10240x128xf32, #tpu.memory_space<hbm>>) target(%arg10 : memref<125x128xf32, #tpu.memory_space<vmem>>) offsets(%dma_start3A_282 : memref<125xi32, #tpu.memory_space<vmem>>) semaphore(%arg14 : memref<!tpu.dma_semaphore, #tpu.memory_space<semaphore_mem>>)
      %dma_wait3A_290 = arith.constant 0 : i32
      %dma_wait3A_291 = arith.constant 9 : i32
      %dma_wait3A_292 = arith.constant 0 : i32
      %dma_wait3A_293 = tpu.memref_slice %arg6[%dma_wait3A_291, %dma_wait3A_292] : memref<10x125xi32, #tpu.memory_space<vmem>> -> memref<1x125xi32, #tpu.memory_space<vmem>>
      %dma_wait3A_294 = tpu.memref_squeeze %dma_wait3A_293 : memref<1x125xi32, #tpu.memory_space<vmem>> -> memref<125xi32, #tpu.memory_space<vmem>>
      %dma_wait3A_295 = arith.constant 0 : i32
      %dma_wait3A_296 = arith.constant 0 : i32
      %dma_wait3A_297 = tpu.memref_slice %arg2[%dma_wait3A_290, %dma_wait3A_295, %dma_wait3A_296] : memref<1x10240x128xf32, #tpu.memory_space<hbm>> -> memref<1x10240x128xf32, #tpu.memory_space<hbm>>
      %dma_wait3A_298 = tpu.memref_squeeze %dma_wait3A_297 : memref<1x10240x128xf32, #tpu.memory_space<hbm>> -> memref<10240x128xf32, #tpu.memory_space<hbm>>
      %dma_wait3A_299 = arith.constant 0 : i32
      %dma_wait3A_300 = arith.constant 0 : i32
      %dma_wait3A_301 = tpu.memref_slice %dma_wait3A_298[%dma_wait3A_299, %dma_wait3A_300] : memref<10240x128xf32, #tpu.memory_space<hbm>> -> memref<10240x128xf32, #tpu.memory_space<hbm>>
      tpu.wait_indirect_dma semaphore(%arg15 : memref<!tpu.dma_semaphore, #tpu.memory_space<semaphore_mem>>) src(%dma_wait3A_301 : memref<10240x128xf32, #tpu.memory_space<hbm>>) dst(%arg11 : memref<125x128xf32, #tpu.memory_space<vmem>>)
      %run_scoped3A_302 = arith.constant 9 : i32
      "tpu.region"() ({
        %run_scoped3A_391 = tpu.sem_alloc : memref<!tpu.dma_semaphore, #tpu.memory_space<semaphore_mem>>
        %dma_start3A_392 = arith.constant 0 : i32
        %dma_start3A_393 = tpu.memref_slice %arg7[%run_scoped3A_302, %dma_start3A_392] : memref<10x125xi32, #tpu.memory_space<vmem>> -> memref<1x125xi32, #tpu.memory_space<vmem>>
        %dma_start3A_394 = tpu.memref_squeeze %dma_start3A_393 : memref<1x125xi32, #tpu.memory_space<vmem>> -> memref<125xi32, #tpu.memory_space<vmem>>
        %dma_start3A_395 = arith.constant 0 : i32
        %dma_start3A_396 = arith.constant 0 : i32
        %dma_start3A_397 = tpu.memref_slice %arg13[%dma_start3A_395, %dma_start3A_396] : memref<10240x128xf32, #tpu.memory_space<vmem_shared>> -> memref<10240x128xf32, #tpu.memory_space<vmem_shared>>
        tpu.enqueue_indirect_dma source(%arg11 : memref<125x128xf32, #tpu.memory_space<vmem>>) target(%dma_start3A_397 : memref<10240x128xf32, #tpu.memory_space<vmem_shared>>) offsets(%dma_start3A_394 : memref<125xi32, #tpu.memory_space<vmem>>) semaphore(%run_scoped3A_391 : memref<!tpu.dma_semaphore, #tpu.memory_space<semaphore_mem>>) {add = true}
        %dma_wait3A_398 = arith.constant 0 : i32
        %dma_wait3A_399 = tpu.memref_slice %arg7[%run_scoped3A_302, %dma_wait3A_398] : memref<10x125xi32, #tpu.memory_space<vmem>> -> memref<1x125xi32, #tpu.memory_space<vmem>>
        %dma_wait3A_400 = tpu.memref_squeeze %dma_wait3A_399 : memref<1x125xi32, #tpu.memory_space<vmem>> -> memref<125xi32, #tpu.memory_space<vmem>>
        %dma_wait3A_401 = arith.constant 0 : i32
        %dma_wait3A_402 = arith.constant 0 : i32
        %dma_wait3A_403 = tpu.memref_slice %arg13[%dma_wait3A_401, %dma_wait3A_402] : memref<10240x128xf32, #tpu.memory_space<vmem_shared>> -> memref<10240x128xf32, #tpu.memory_space<vmem_shared>>
        tpu.wait_indirect_dma semaphore(%run_scoped3A_391 : memref<!tpu.dma_semaphore, #tpu.memory_space<semaphore_mem>>) src(%arg11 : memref<125x128xf32, #tpu.memory_space<vmem>>) dst(%dma_wait3A_403 : memref<10240x128xf32, #tpu.memory_space<vmem_shared>>)
        tpu.yield
      }) : () -> ()
      %dma_start3A_303 = arith.constant 0 : i32
      %dma_start3A_304 = arith.constant 0 : i32
      %dma_start3A_305 = tpu.memref_slice %arg3[%arg0, %arg1, %min3A_214, %dma_start3A_303, %dma_start3A_304] : memref<2x16x8x10x125xi32, #tpu.memory_space<hbm>> -> memref<1x1x1x10x125xi32, #tpu.memory_space<hbm>>
      %dma_start3A_306 = tpu.memref_squeeze %dma_start3A_305 : memref<1x1x1x10x125xi32, #tpu.memory_space<hbm>> -> memref<10x125xi32, #tpu.memory_space<hbm>>
      %dma_start3A_307 = arith.constant 0 : i32
      %dma_start3A_308 = arith.constant 0 : i32
      %dma_start3A_309 = tpu.memref_slice %arg3[%arg0, %arg1, %min3A_214, %dma_start3A_307, %dma_start3A_308] : memref<2x16x8x10x125xi32, #tpu.memory_space<hbm>> -> memref<1x1x1x10x125xi32, #tpu.memory_space<hbm>>
      %dma_start3A_310 = tpu.memref_squeeze %dma_start3A_309 : memref<1x1x1x10x125xi32, #tpu.memory_space<hbm>> -> memref<10x125xi32, #tpu.memory_space<hbm>>
      tpu.enqueue_dma source(%dma_start3A_310 : memref<10x125xi32, #tpu.memory_space<hbm>>) target(%arg6 : memref<10x125xi32, #tpu.memory_space<vmem>>) target_semaphore(%arg16 : memref<!tpu.dma_semaphore, #tpu.memory_space<semaphore_mem>>)
      %dma_start3A_311 = arith.constant 0 : i32
      %dma_start3A_312 = arith.constant 0 : i32
      %dma_start3A_313 = tpu.memref_slice %arg4[%arg0, %arg1, %min3A_214, %dma_start3A_311, %dma_start3A_312] : memref<2x16x8x10x125xi32, #tpu.memory_space<hbm>> -> memref<1x1x1x10x125xi32, #tpu.memory_space<hbm>>
      %dma_start3A_314 = tpu.memref_squeeze %dma_start3A_313 : memref<1x1x1x10x125xi32, #tpu.memory_space<hbm>> -> memref<10x125xi32, #tpu.memory_space<hbm>>
      %dma_start3A_315 = arith.constant 0 : i32
      %dma_start3A_316 = arith.constant 0 : i32
      %dma_start3A_317 = tpu.memref_slice %arg4[%arg0, %arg1, %min3A_214, %dma_start3A_315, %dma_start3A_316] : memref<2x16x8x10x125xi32, #tpu.memory_space<hbm>> -> memref<1x1x1x10x125xi32, #tpu.memory_space<hbm>>
      %dma_start3A_318 = tpu.memref_squeeze %dma_start3A_317 : memref<1x1x1x10x125xi32, #tpu.memory_space<hbm>> -> memref<10x125xi32, #tpu.memory_space<hbm>>
      tpu.enqueue_dma source(%dma_start3A_318 : memref<10x125xi32, #tpu.memory_space<hbm>>) target(%arg7 : memref<10x125xi32, #tpu.memory_space<vmem>>) target_semaphore(%arg16 : memref<!tpu.dma_semaphore, #tpu.memory_space<semaphore_mem>>)
      %scan3A_319 = arith.constant 0 : i32
      %scan3A_320 = arith.constant 0 : i32
      %scan3A_321 = arith.constant 4 : i32
      %scan3A_322 = arith.addi %scan3A_320, %scan3A_321 : i32
      %scan3A_323 = arith.constant 1 : i32
      scf.for %scan3A_391 = %scan3A_320 to %scan3A_322 step %scan3A_323  : i32 {
        %mul3A_392 = arith.constant 2 : i32
        %mul3A_393 = arith.muli %scan3A_391, %mul3A_392 : i32
        %mul3A_394 = arith.constant 2 : i32
        %mul3A_395 = arith.muli %scan3A_391, %mul3A_394 : i32
        %add3A_396 = arith.constant 2 : i32
        %add3A_397 = arith.addi %mul3A_395, %add3A_396 : i32
        %add3A_398 = arith.constant 1 : i32
        %add3A_399 = arith.addi %mul3A_393, %add3A_398 : i32
        %dma_start3A_400 = arith.constant 0 : i32
        %dma_start3A_401 = arith.constant 0 : i32
        %dma_start3A_402 = tpu.memref_slice %arg8[%add3A_399, %dma_start3A_401] : memref<10x125xi32, #tpu.memory_space<vmem>> -> memref<1x125xi32, #tpu.memory_space<vmem>>
        %dma_start3A_403 = tpu.memref_squeeze %dma_start3A_402 : memref<1x125xi32, #tpu.memory_space<vmem>> -> memref<125xi32, #tpu.memory_space<vmem>>
        %dma_start3A_404 = arith.constant 0 : i32
        %dma_start3A_405 = arith.constant 0 : i32
        %dma_start3A_406 = tpu.memref_slice %arg2[%dma_start3A_400, %dma_start3A_404, %dma_start3A_405] : memref<1x10240x128xf32, #tpu.memory_space<hbm>> -> memref<1x10240x128xf32, #tpu.memory_space<hbm>>
        %dma_start3A_407 = tpu.memref_squeeze %dma_start3A_406 : memref<1x10240x128xf32, #tpu.memory_space<hbm>> -> memref<10240x128xf32, #tpu.memory_space<hbm>>
        %dma_start3A_408 = arith.constant 0 : i32
        %dma_start3A_409 = arith.constant 0 : i32
        %dma_start3A_410 = tpu.memref_slice %dma_start3A_407[%dma_start3A_408, %dma_start3A_409] : memref<10240x128xf32, #tpu.memory_space<hbm>> -> memref<10240x128xf32, #tpu.memory_space<hbm>>
        tpu.enqueue_indirect_dma source(%dma_start3A_410 : memref<10240x128xf32, #tpu.memory_space<hbm>>) target(%arg11 : memref<125x128xf32, #tpu.memory_space<vmem>>) offsets(%dma_start3A_403 : memref<125xi32, #tpu.memory_space<vmem>>) semaphore(%arg15 : memref<!tpu.dma_semaphore, #tpu.memory_space<semaphore_mem>>)
        %dma_wait3A_411 = arith.constant 0 : i32
        %dma_wait3A_412 = arith.constant 0 : i32
        %dma_wait3A_413 = tpu.memref_slice %arg8[%mul3A_393, %dma_wait3A_412] : memref<10x125xi32, #tpu.memory_space<vmem>> -> memref<1x125xi32, #tpu.memory_space<vmem>>
        %dma_wait3A_414 = tpu.memref_squeeze %dma_wait3A_413 : memref<1x125xi32, #tpu.memory_space<vmem>> -> memref<125xi32, #tpu.memory_space<vmem>>
        %dma_wait3A_415 = arith.constant 0 : i32
        %dma_wait3A_416 = arith.constant 0 : i32
        %dma_wait3A_417 = tpu.memref_slice %arg2[%dma_wait3A_411, %dma_wait3A_415, %dma_wait3A_416] : memref<1x10240x128xf32, #tpu.memory_space<hbm>> -> memref<1x10240x128xf32, #tpu.memory_space<hbm>>
        %dma_wait3A_418 = tpu.memref_squeeze %dma_wait3A_417 : memref<1x10240x128xf32, #tpu.memory_space<hbm>> -> memref<10240x128xf32, #tpu.memory_space<hbm>>
        %dma_wait3A_419 = arith.constant 0 : i32
        %dma_wait3A_420 = arith.constant 0 : i32
        %dma_wait3A_421 = tpu.memref_slice %dma_wait3A_418[%dma_wait3A_419, %dma_wait3A_420] : memref<10240x128xf32, #tpu.memory_space<hbm>> -> memref<10240x128xf32, #tpu.memory_space<hbm>>
        tpu.wait_indirect_dma semaphore(%arg14 : memref<!tpu.dma_semaphore, #tpu.memory_space<semaphore_mem>>) src(%dma_wait3A_421 : memref<10240x128xf32, #tpu.memory_space<hbm>>) dst(%arg10 : memref<125x128xf32, #tpu.memory_space<vmem>>)
        "tpu.region"() ({
          %run_scoped3A_444 = tpu.sem_alloc : memref<!tpu.dma_semaphore, #tpu.memory_space<semaphore_mem>>
          %dma_start3A_445 = arith.constant 0 : i32
          %dma_start3A_446 = tpu.memref_slice %arg9[%mul3A_393, %dma_start3A_445] : memref<10x125xi32, #tpu.memory_space<vmem>> -> memref<1x125xi32, #tpu.memory_space<vmem>>
          %dma_start3A_447 = tpu.memref_squeeze %dma_start3A_446 : memref<1x125xi32, #tpu.memory_space<vmem>> -> memref<125xi32, #tpu.memory_space<vmem>>
          %dma_start3A_448 = arith.constant 0 : i32
          %dma_start3A_449 = arith.constant 0 : i32
          %dma_start3A_450 = tpu.memref_slice %arg13[%dma_start3A_448, %dma_start3A_449] : memref<10240x128xf32, #tpu.memory_space<vmem_shared>> -> memref<10240x128xf32, #tpu.memory_space<vmem_shared>>
          tpu.enqueue_indirect_dma source(%arg10 : memref<125x128xf32, #tpu.memory_space<vmem>>) target(%dma_start3A_450 : memref<10240x128xf32, #tpu.memory_space<vmem_shared>>) offsets(%dma_start3A_447 : memref<125xi32, #tpu.memory_space<vmem>>) semaphore(%run_scoped3A_444 : memref<!tpu.dma_semaphore, #tpu.memory_space<semaphore_mem>>) {add = true}
          %dma_wait3A_451 = arith.constant 0 : i32
          %dma_wait3A_452 = tpu.memref_slice %arg9[%mul3A_393, %dma_wait3A_451] : memref<10x125xi32, #tpu.memory_space<vmem>> -> memref<1x125xi32, #tpu.memory_space<vmem>>
          %dma_wait3A_453 = tpu.memref_squeeze %dma_wait3A_452 : memref<1x125xi32, #tpu.memory_space<vmem>> -> memref<125xi32, #tpu.memory_space<vmem>>
          %dma_wait3A_454 = arith.constant 0 : i32
          %dma_wait3A_455 = arith.constant 0 : i32
          %dma_wait3A_456 = tpu.memref_slice %arg13[%dma_wait3A_454, %dma_wait3A_455] : memref<10240x128xf32, #tpu.memory_space<vmem_shared>> -> memref<10240x128xf32, #tpu.memory_space<vmem_shared>>
          tpu.wait_indirect_dma semaphore(%run_scoped3A_444 : memref<!tpu.dma_semaphore, #tpu.memory_space<semaphore_mem>>) src(%arg10 : memref<125x128xf32, #tpu.memory_space<vmem>>) dst(%dma_wait3A_456 : memref<10240x128xf32, #tpu.memory_space<vmem_shared>>)
          tpu.yield
        }) : () -> ()
        %dma_start3A_422 = arith.constant 0 : i32
        %dma_start3A_423 = arith.constant 0 : i32
        %dma_start3A_424 = tpu.memref_slice %arg8[%add3A_397, %dma_start3A_423] : memref<10x125xi32, #tpu.memory_space<vmem>> -> memref<1x125xi32, #tpu.memory_space<vmem>>
        %dma_start3A_425 = tpu.memref_squeeze %dma_start3A_424 : memref<1x125xi32, #tpu.memory_space<vmem>> -> memref<125xi32, #tpu.memory_space<vmem>>
        %dma_start3A_426 = arith.constant 0 : i32
        %dma_start3A_427 = arith.constant 0 : i32
        %dma_start3A_428 = tpu.memref_slice %arg2[%dma_start3A_422, %dma_start3A_426, %dma_start3A_427] : memref<1x10240x128xf32, #tpu.memory_space<hbm>> -> memref<1x10240x128xf32, #tpu.memory_space<hbm>>
        %dma_start3A_429 = tpu.memref_squeeze %dma_start3A_428 : memref<1x10240x128xf32, #tpu.memory_space<hbm>> -> memref<10240x128xf32, #tpu.memory_space<hbm>>
        %dma_start3A_430 = arith.constant 0 : i32
        %dma_start3A_431 = arith.constant 0 : i32
        %dma_start3A_432 = tpu.memref_slice %dma_start3A_429[%dma_start3A_430, %dma_start3A_431] : memref<10240x128xf32, #tpu.memory_space<hbm>> -> memref<10240x128xf32, #tpu.memory_space<hbm>>
        tpu.enqueue_indirect_dma source(%dma_start3A_432 : memref<10240x128xf32, #tpu.memory_space<hbm>>) target(%arg10 : memref<125x128xf32, #tpu.memory_space<vmem>>) offsets(%dma_start3A_425 : memref<125xi32, #tpu.memory_space<vmem>>) semaphore(%arg14 : memref<!tpu.dma_semaphore, #tpu.memory_space<semaphore_mem>>)
        %dma_wait3A_433 = arith.constant 0 : i32
        %dma_wait3A_434 = arith.constant 0 : i32
        %dma_wait3A_435 = tpu.memref_slice %arg8[%add3A_399, %dma_wait3A_434] : memref<10x125xi32, #tpu.memory_space<vmem>> -> memref<1x125xi32, #tpu.memory_space<vmem>>
        %dma_wait3A_436 = tpu.memref_squeeze %dma_wait3A_435 : memref<1x125xi32, #tpu.memory_space<vmem>> -> memref<125xi32, #tpu.memory_space<vmem>>
        %dma_wait3A_437 = arith.constant 0 : i32
        %dma_wait3A_438 = arith.constant 0 : i32
        %dma_wait3A_439 = tpu.memref_slice %arg2[%dma_wait3A_433, %dma_wait3A_437, %dma_wait3A_438] : memref<1x10240x128xf32, #tpu.memory_space<hbm>> -> memref<1x10240x128xf32, #tpu.memory_space<hbm>>
        %dma_wait3A_440 = tpu.memref_squeeze %dma_wait3A_439 : memref<1x10240x128xf32, #tpu.memory_space<hbm>> -> memref<10240x128xf32, #tpu.memory_space<hbm>>
        %dma_wait3A_441 = arith.constant 0 : i32
        %dma_wait3A_442 = arith.constant 0 : i32
        %dma_wait3A_443 = tpu.memref_slice %dma_wait3A_440[%dma_wait3A_441, %dma_wait3A_442] : memref<10240x128xf32, #tpu.memory_space<hbm>> -> memref<10240x128xf32, #tpu.memory_space<hbm>>
        tpu.wait_indirect_dma semaphore(%arg15 : memref<!tpu.dma_semaphore, #tpu.memory_space<semaphore_mem>>) src(%dma_wait3A_443 : memref<10240x128xf32, #tpu.memory_space<hbm>>) dst(%arg11 : memref<125x128xf32, #tpu.memory_space<vmem>>)
        "tpu.region"() ({
          %run_scoped3A_444 = tpu.sem_alloc : memref<!tpu.dma_semaphore, #tpu.memory_space<semaphore_mem>>
          %dma_start3A_445 = arith.constant 0 : i32
          %dma_start3A_446 = tpu.memref_slice %arg9[%add3A_399, %dma_start3A_445] : memref<10x125xi32, #tpu.memory_space<vmem>> -> memref<1x125xi32, #tpu.memory_space<vmem>>
          %dma_start3A_447 = tpu.memref_squeeze %dma_start3A_446 : memref<1x125xi32, #tpu.memory_space<vmem>> -> memref<125xi32, #tpu.memory_space<vmem>>
          %dma_start3A_448 = arith.constant 0 : i32
          %dma_start3A_449 = arith.constant 0 : i32
          %dma_start3A_450 = tpu.memref_slice %arg13[%dma_start3A_448, %dma_start3A_449] : memref<10240x128xf32, #tpu.memory_space<vmem_shared>> -> memref<10240x128xf32, #tpu.memory_space<vmem_shared>>
          tpu.enqueue_indirect_dma source(%arg11 : memref<125x128xf32, #tpu.memory_space<vmem>>) target(%dma_start3A_450 : memref<10240x128xf32, #tpu.memory_space<vmem_shared>>) offsets(%dma_start3A_447 : memref<125xi32, #tpu.memory_space<vmem>>) semaphore(%run_scoped3A_444 : memref<!tpu.dma_semaphore, #tpu.memory_space<semaphore_mem>>) {add = true}
          %dma_wait3A_451 = arith.constant 0 : i32
          %dma_wait3A_452 = tpu.memref_slice %arg9[%add3A_399, %dma_wait3A_451] : memref<10x125xi32, #tpu.memory_space<vmem>> -> memref<1x125xi32, #tpu.memory_space<vmem>>
          %dma_wait3A_453 = tpu.memref_squeeze %dma_wait3A_452 : memref<1x125xi32, #tpu.memory_space<vmem>> -> memref<125xi32, #tpu.memory_space<vmem>>
          %dma_wait3A_454 = arith.constant 0 : i32
          %dma_wait3A_455 = arith.constant 0 : i32
          %dma_wait3A_456 = tpu.memref_slice %arg13[%dma_wait3A_454, %dma_wait3A_455] : memref<10240x128xf32, #tpu.memory_space<vmem_shared>> -> memref<10240x128xf32, #tpu.memory_space<vmem_shared>>
          tpu.wait_indirect_dma semaphore(%run_scoped3A_444 : memref<!tpu.dma_semaphore, #tpu.memory_space<semaphore_mem>>) src(%arg11 : memref<125x128xf32, #tpu.memory_space<vmem>>) dst(%dma_wait3A_456 : memref<10240x128xf32, #tpu.memory_space<vmem_shared>>)
          tpu.yield
        }) : () -> ()
      }
      %scan3A_324 = arith.constant 4 : i32
      %dma_wait3A_325 = arith.constant 0 : i32
      %dma_wait3A_326 = arith.constant 0 : i32
      %dma_wait3A_327 = tpu.memref_slice %arg3[%arg0, %arg1, %min3A_214, %dma_wait3A_325, %dma_wait3A_326] : memref<2x16x8x10x125xi32, #tpu.memory_space<hbm>> -> memref<1x1x1x10x125xi32, #tpu.memory_space<hbm>>
      %dma_wait3A_328 = tpu.memref_squeeze %dma_wait3A_327 : memref<1x1x1x10x125xi32, #tpu.memory_space<hbm>> -> memref<10x125xi32, #tpu.memory_space<hbm>>
      %dma_wait3A_329 = arith.constant 0 : i32
      %dma_wait3A_330 = arith.constant 0 : i32
      %dma_wait3A_331 = tpu.memref_slice %arg3[%arg0, %arg1, %min3A_214, %dma_wait3A_329, %dma_wait3A_330] : memref<2x16x8x10x125xi32, #tpu.memory_space<hbm>> -> memref<1x1x1x10x125xi32, #tpu.memory_space<hbm>>
      %dma_wait3A_332 = tpu.memref_squeeze %dma_wait3A_331 : memref<1x1x1x10x125xi32, #tpu.memory_space<hbm>> -> memref<10x125xi32, #tpu.memory_space<hbm>>
      tpu.wait_dma2 semaphore(%arg16 : memref<!tpu.dma_semaphore, #tpu.memory_space<semaphore_mem>>) src(%dma_wait3A_332 : memref<10x125xi32, #tpu.memory_space<hbm>>) dst(%arg6 : memref<10x125xi32, #tpu.memory_space<vmem>>)
      %dma_wait3A_333 = arith.constant 0 : i32
      %dma_wait3A_334 = arith.constant 0 : i32
      %dma_wait3A_335 = tpu.memref_slice %arg4[%arg0, %arg1, %min3A_214, %dma_wait3A_333, %dma_wait3A_334] : memref<2x16x8x10x125xi32, #tpu.memory_space<hbm>> -> memref<1x1x1x10x125xi32, #tpu.memory_space<hbm>>
      %dma_wait3A_336 = tpu.memref_squeeze %dma_wait3A_335 : memref<1x1x1x10x125xi32, #tpu.memory_space<hbm>> -> memref<10x125xi32, #tpu.memory_space<hbm>>
      %dma_wait3A_337 = arith.constant 0 : i32
      %dma_wait3A_338 = arith.constant 0 : i32
      %dma_wait3A_339 = tpu.memref_slice %arg4[%arg0, %arg1, %min3A_214, %dma_wait3A_337, %dma_wait3A_338] : memref<2x16x8x10x125xi32, #tpu.memory_space<hbm>> -> memref<1x1x1x10x125xi32, #tpu.memory_space<hbm>>
      %dma_wait3A_340 = tpu.memref_squeeze %dma_wait3A_339 : memref<1x1x1x10x125xi32, #tpu.memory_space<hbm>> -> memref<10x125xi32, #tpu.memory_space<hbm>>
      tpu.wait_dma2 semaphore(%arg16 : memref<!tpu.dma_semaphore, #tpu.memory_space<semaphore_mem>>) src(%dma_wait3A_340 : memref<10x125xi32, #tpu.memory_space<hbm>>) dst(%arg7 : memref<10x125xi32, #tpu.memory_space<vmem>>)
      %dma_start3A_341 = arith.constant 0 : i32
      %dma_start3A_342 = arith.constant 9 : i32
      %dma_start3A_343 = arith.constant 0 : i32
      %dma_start3A_344 = tpu.memref_slice %arg8[%dma_start3A_342, %dma_start3A_343] : memref<10x125xi32, #tpu.memory_space<vmem>> -> memref<1x125xi32, #tpu.memory_space<vmem>>
      %dma_start3A_345 = tpu.memref_squeeze %dma_start3A_344 : memref<1x125xi32, #tpu.memory_space<vmem>> -> memref<125xi32, #tpu.memory_space<vmem>>
      %dma_start3A_346 = arith.constant 0 : i32
      %dma_start3A_347 = arith.constant 0 : i32
      %dma_start3A_348 = tpu.memref_slice %arg2[%dma_start3A_341, %dma_start3A_346, %dma_start3A_347] : memref<1x10240x128xf32, #tpu.memory_space<hbm>> -> memref<1x10240x128xf32, #tpu.memory_space<hbm>>
      %dma_start3A_349 = tpu.memref_squeeze %dma_start3A_348 : memref<1x10240x128xf32, #tpu.memory_space<hbm>> -> memref<10240x128xf32, #tpu.memory_space<hbm>>
      %dma_start3A_350 = arith.constant 0 : i32
      %dma_start3A_351 = arith.constant 0 : i32
      %dma_start3A_352 = tpu.memref_slice %dma_start3A_349[%dma_start3A_350, %dma_start3A_351] : memref<10240x128xf32, #tpu.memory_space<hbm>> -> memref<10240x128xf32, #tpu.memory_space<hbm>>
      tpu.enqueue_indirect_dma source(%dma_start3A_352 : memref<10240x128xf32, #tpu.memory_space<hbm>>) target(%arg11 : memref<125x128xf32, #tpu.memory_space<vmem>>) offsets(%dma_start3A_345 : memref<125xi32, #tpu.memory_space<vmem>>) semaphore(%arg15 : memref<!tpu.dma_semaphore, #tpu.memory_space<semaphore_mem>>)
      %dma_wait3A_353 = arith.constant 0 : i32
      %dma_wait3A_354 = arith.constant 8 : i32
      %dma_wait3A_355 = arith.constant 0 : i32
      %dma_wait3A_356 = tpu.memref_slice %arg8[%dma_wait3A_354, %dma_wait3A_355] : memref<10x125xi32, #tpu.memory_space<vmem>> -> memref<1x125xi32, #tpu.memory_space<vmem>>
      %dma_wait3A_357 = tpu.memref_squeeze %dma_wait3A_356 : memref<1x125xi32, #tpu.memory_space<vmem>> -> memref<125xi32, #tpu.memory_space<vmem>>
      %dma_wait3A_358 = arith.constant 0 : i32
      %dma_wait3A_359 = arith.constant 0 : i32
      %dma_wait3A_360 = tpu.memref_slice %arg2[%dma_wait3A_353, %dma_wait3A_358, %dma_wait3A_359] : memref<1x10240x128xf32, #tpu.memory_space<hbm>> -> memref<1x10240x128xf32, #tpu.memory_space<hbm>>
      %dma_wait3A_361 = tpu.memref_squeeze %dma_wait3A_360 : memref<1x10240x128xf32, #tpu.memory_space<hbm>> -> memref<10240x128xf32, #tpu.memory_space<hbm>>
      %dma_wait3A_362 = arith.constant 0 : i32
      %dma_wait3A_363 = arith.constant 0 : i32
      %dma_wait3A_364 = tpu.memref_slice %dma_wait3A_361[%dma_wait3A_362, %dma_wait3A_363] : memref<10240x128xf32, #tpu.memory_space<hbm>> -> memref<10240x128xf32, #tpu.memory_space<hbm>>
      tpu.wait_indirect_dma semaphore(%arg14 : memref<!tpu.dma_semaphore, #tpu.memory_space<semaphore_mem>>) src(%dma_wait3A_364 : memref<10240x128xf32, #tpu.memory_space<hbm>>) dst(%arg10 : memref<125x128xf32, #tpu.memory_space<vmem>>)
      %run_scoped3A_365 = arith.constant 8 : i32
      "tpu.region"() ({
        %run_scoped3A_391 = tpu.sem_alloc : memref<!tpu.dma_semaphore, #tpu.memory_space<semaphore_mem>>
        %dma_start3A_392 = arith.constant 0 : i32
        %dma_start3A_393 = tpu.memref_slice %arg9[%run_scoped3A_365, %dma_start3A_392] : memref<10x125xi32, #tpu.memory_space<vmem>> -> memref<1x125xi32, #tpu.memory_space<vmem>>
        %dma_start3A_394 = tpu.memref_squeeze %dma_start3A_393 : memref<1x125xi32, #tpu.memory_space<vmem>> -> memref<125xi32, #tpu.memory_space<vmem>>
        %dma_start3A_395 = arith.constant 0 : i32
        %dma_start3A_396 = arith.constant 0 : i32
        %dma_start3A_397 = tpu.memref_slice %arg13[%dma_start3A_395, %dma_start3A_396] : memref<10240x128xf32, #tpu.memory_space<vmem_shared>> -> memref<10240x128xf32, #tpu.memory_space<vmem_shared>>
        tpu.enqueue_indirect_dma source(%arg10 : memref<125x128xf32, #tpu.memory_space<vmem>>) target(%dma_start3A_397 : memref<10240x128xf32, #tpu.memory_space<vmem_shared>>) offsets(%dma_start3A_394 : memref<125xi32, #tpu.memory_space<vmem>>) semaphore(%run_scoped3A_391 : memref<!tpu.dma_semaphore, #tpu.memory_space<semaphore_mem>>) {add = true}
        %dma_wait3A_398 = arith.constant 0 : i32
        %dma_wait3A_399 = tpu.memref_slice %arg9[%run_scoped3A_365, %dma_wait3A_398] : memref<10x125xi32, #tpu.memory_space<vmem>> -> memref<1x125xi32, #tpu.memory_space<vmem>>
        %dma_wait3A_400 = tpu.memref_squeeze %dma_wait3A_399 : memref<1x125xi32, #tpu.memory_space<vmem>> -> memref<125xi32, #tpu.memory_space<vmem>>
        %dma_wait3A_401 = arith.constant 0 : i32
        %dma_wait3A_402 = arith.constant 0 : i32
        %dma_wait3A_403 = tpu.memref_slice %arg13[%dma_wait3A_401, %dma_wait3A_402] : memref<10240x128xf32, #tpu.memory_space<vmem_shared>> -> memref<10240x128xf32, #tpu.memory_space<vmem_shared>>
        tpu.wait_indirect_dma semaphore(%run_scoped3A_391 : memref<!tpu.dma_semaphore, #tpu.memory_space<semaphore_mem>>) src(%arg10 : memref<125x128xf32, #tpu.memory_space<vmem>>) dst(%dma_wait3A_403 : memref<10240x128xf32, #tpu.memory_space<vmem_shared>>)
        tpu.yield
      }) : () -> ()
      %dma_start3A_366 = arith.constant 0 : i32
      %dma_start3A_367 = arith.constant 0 : i32
      %dma_start3A_368 = arith.constant 0 : i32
      %dma_start3A_369 = tpu.memref_slice %arg6[%dma_start3A_367, %dma_start3A_368] : memref<10x125xi32, #tpu.memory_space<vmem>> -> memref<1x125xi32, #tpu.memory_space<vmem>>
      %dma_start3A_370 = tpu.memref_squeeze %dma_start3A_369 : memref<1x125xi32, #tpu.memory_space<vmem>> -> memref<125xi32, #tpu.memory_space<vmem>>
      %dma_start3A_371 = arith.constant 0 : i32
      %dma_start3A_372 = arith.constant 0 : i32
      %dma_start3A_373 = tpu.memref_slice %arg2[%dma_start3A_366, %dma_start3A_371, %dma_start3A_372] : memref<1x10240x128xf32, #tpu.memory_space<hbm>> -> memref<1x10240x128xf32, #tpu.memory_space<hbm>>
      %dma_start3A_374 = tpu.memref_squeeze %dma_start3A_373 : memref<1x10240x128xf32, #tpu.memory_space<hbm>> -> memref<10240x128xf32, #tpu.memory_space<hbm>>
      %dma_start3A_375 = arith.constant 0 : i32
      %dma_start3A_376 = arith.constant 0 : i32
      %dma_start3A_377 = tpu.memref_slice %dma_start3A_374[%dma_start3A_375, %dma_start3A_376] : memref<10240x128xf32, #tpu.memory_space<hbm>> -> memref<10240x128xf32, #tpu.memory_space<hbm>>
      tpu.enqueue_indirect_dma source(%dma_start3A_377 : memref<10240x128xf32, #tpu.memory_space<hbm>>) target(%arg10 : memref<125x128xf32, #tpu.memory_space<vmem>>) offsets(%dma_start3A_370 : memref<125xi32, #tpu.memory_space<vmem>>) semaphore(%arg14 : memref<!tpu.dma_semaphore, #tpu.memory_space<semaphore_mem>>)
      %dma_wait3A_378 = arith.constant 0 : i32
      %dma_wait3A_379 = arith.constant 9 : i32
      %dma_wait3A_380 = arith.constant 0 : i32
      %dma_wait3A_381 = tpu.memref_slice %arg8[%dma_wait3A_379, %dma_wait3A_380] : memref<10x125xi32, #tpu.memory_space<vmem>> -> memref<1x125xi32, #tpu.memory_space<vmem>>
      %dma_wait3A_382 = tpu.memref_squeeze %dma_wait3A_381 : memref<1x125xi32, #tpu.memory_space<vmem>> -> memref<125xi32, #tpu.memory_space<vmem>>
      %dma_wait3A_383 = arith.constant 0 : i32
      %dma_wait3A_384 = arith.constant 0 : i32
      %dma_wait3A_385 = tpu.memref_slice %arg2[%dma_wait3A_378, %dma_wait3A_383, %dma_wait3A_384] : memref<1x10240x128xf32, #tpu.memory_space<hbm>> -> memref<1x10240x128xf32, #tpu.memory_space<hbm>>
      %dma_wait3A_386 = tpu.memref_squeeze %dma_wait3A_385 : memref<1x10240x128xf32, #tpu.memory_space<hbm>> -> memref<10240x128xf32, #tpu.memory_space<hbm>>
      %dma_wait3A_387 = arith.constant 0 : i32
      %dma_wait3A_388 = arith.constant 0 : i32
      %dma_wait3A_389 = tpu.memref_slice %dma_wait3A_386[%dma_wait3A_387, %dma_wait3A_388] : memref<10240x128xf32, #tpu.memory_space<hbm>> -> memref<10240x128xf32, #tpu.memory_space<hbm>>
      tpu.wait_indirect_dma semaphore(%arg15 : memref<!tpu.dma_semaphore, #tpu.memory_space<semaphore_mem>>) src(%dma_wait3A_389 : memref<10240x128xf32, #tpu.memory_space<hbm>>) dst(%arg11 : memref<125x128xf32, #tpu.memory_space<vmem>>)
      %run_scoped3A_390 = arith.constant 9 : i32
      "tpu.region"() ({
        %run_scoped3A_391 = tpu.sem_alloc : memref<!tpu.dma_semaphore, #tpu.memory_space<semaphore_mem>>
        %dma_start3A_392 = arith.constant 0 : i32
        %dma_start3A_393 = tpu.memref_slice %arg9[%run_scoped3A_390, %dma_start3A_392] : memref<10x125xi32, #tpu.memory_space<vmem>> -> memref<1x125xi32, #tpu.memory_space<vmem>>
        %dma_start3A_394 = tpu.memref_squeeze %dma_start3A_393 : memref<1x125xi32, #tpu.memory_space<vmem>> -> memref<125xi32, #tpu.memory_space<vmem>>
        %dma_start3A_395 = arith.constant 0 : i32
        %dma_start3A_396 = arith.constant 0 : i32
        %dma_start3A_397 = tpu.memref_slice %arg13[%dma_start3A_395, %dma_start3A_396] : memref<10240x128xf32, #tpu.memory_space<vmem_shared>> -> memref<10240x128xf32, #tpu.memory_space<vmem_shared>>
        tpu.enqueue_indirect_dma source(%arg11 : memref<125x128xf32, #tpu.memory_space<vmem>>) target(%dma_start3A_397 : memref<10240x128xf32, #tpu.memory_space<vmem_shared>>) offsets(%dma_start3A_394 : memref<125xi32, #tpu.memory_space<vmem>>) semaphore(%run_scoped3A_391 : memref<!tpu.dma_semaphore, #tpu.memory_space<semaphore_mem>>) {add = true}
        %dma_wait3A_398 = arith.constant 0 : i32
        %dma_wait3A_399 = tpu.memref_slice %arg9[%run_scoped3A_390, %dma_wait3A_398] : memref<10x125xi32, #tpu.memory_space<vmem>> -> memref<1x125xi32, #tpu.memory_space<vmem>>
        %dma_wait3A_400 = tpu.memref_squeeze %dma_wait3A_399 : memref<1x125xi32, #tpu.memory_space<vmem>> -> memref<125xi32, #tpu.memory_space<vmem>>
        %dma_wait3A_401 = arith.constant 0 : i32
        %dma_wait3A_402 = arith.constant 0 : i32
        %dma_wait3A_403 = tpu.memref_slice %arg13[%dma_wait3A_401, %dma_wait3A_402] : memref<10240x128xf32, #tpu.memory_space<vmem_shared>> -> memref<10240x128xf32, #tpu.memory_space<vmem_shared>>
        tpu.wait_indirect_dma semaphore(%run_scoped3A_391 : memref<!tpu.dma_semaphore, #tpu.memory_space<semaphore_mem>>) src(%arg11 : memref<125x128xf32, #tpu.memory_space<vmem>>) dst(%dma_wait3A_403 : memref<10240x128xf32, #tpu.memory_space<vmem_shared>>)
        tpu.yield
      }) : () -> ()
    }
    %scan3A_68 = arith.constant 3 : i32
    %dma_start3A_69 = arith.constant 7 : i32
    %dma_start3A_70 = arith.constant 0 : i32
    %dma_start3A_71 = arith.constant 0 : i32
    %dma_start3A_72 = tpu.memref_slice %arg3[%arg0, %arg1, %dma_start3A_69, %dma_start3A_70, %dma_start3A_71] : memref<2x16x8x10x125xi32, #tpu.memory_space<hbm>> -> memref<1x1x1x10x125xi32, #tpu.memory_space<hbm>>
    %dma_start3A_73 = tpu.memref_squeeze %dma_start3A_72 : memref<1x1x1x10x125xi32, #tpu.memory_space<hbm>> -> memref<10x125xi32, #tpu.memory_space<hbm>>
    %dma_start3A_74 = arith.constant 0 : i32
    %dma_start3A_75 = arith.constant 0 : i32
    %dma_start3A_76 = tpu.memref_slice %arg3[%arg0, %arg1, %dma_start3A_69, %dma_start3A_74, %dma_start3A_75] : memref<2x16x8x10x125xi32, #tpu.memory_space<hbm>> -> memref<1x1x1x10x125xi32, #tpu.memory_space<hbm>>
    %dma_start3A_77 = tpu.memref_squeeze %dma_start3A_76 : memref<1x1x1x10x125xi32, #tpu.memory_space<hbm>> -> memref<10x125xi32, #tpu.memory_space<hbm>>
    tpu.enqueue_dma source(%dma_start3A_77 : memref<10x125xi32, #tpu.memory_space<hbm>>) target(%arg8 : memref<10x125xi32, #tpu.memory_space<vmem>>) target_semaphore(%arg16 : memref<!tpu.dma_semaphore, #tpu.memory_space<semaphore_mem>>)
    %dma_start3A_78 = arith.constant 7 : i32
    %dma_start3A_79 = arith.constant 0 : i32
    %dma_start3A_80 = arith.constant 0 : i32
    %dma_start3A_81 = tpu.memref_slice %arg4[%arg0, %arg1, %dma_start3A_78, %dma_start3A_79, %dma_start3A_80] : memref<2x16x8x10x125xi32, #tpu.memory_space<hbm>> -> memref<1x1x1x10x125xi32, #tpu.memory_space<hbm>>
    %dma_start3A_82 = tpu.memref_squeeze %dma_start3A_81 : memref<1x1x1x10x125xi32, #tpu.memory_space<hbm>> -> memref<10x125xi32, #tpu.memory_space<hbm>>
    %dma_start3A_83 = arith.constant 0 : i32
    %dma_start3A_84 = arith.constant 0 : i32
    %dma_start3A_85 = tpu.memref_slice %arg4[%arg0, %arg1, %dma_start3A_78, %dma_start3A_83, %dma_start3A_84] : memref<2x16x8x10x125xi32, #tpu.memory_space<hbm>> -> memref<1x1x1x10x125xi32, #tpu.memory_space<hbm>>
    %dma_start3A_86 = tpu.memref_squeeze %dma_start3A_85 : memref<1x1x1x10x125xi32, #tpu.memory_space<hbm>> -> memref<10x125xi32, #tpu.memory_space<hbm>>
    tpu.enqueue_dma source(%dma_start3A_86 : memref<10x125xi32, #tpu.memory_space<hbm>>) target(%arg9 : memref<10x125xi32, #tpu.memory_space<vmem>>) target_semaphore(%arg16 : memref<!tpu.dma_semaphore, #tpu.memory_space<semaphore_mem>>)
    %scan3A_87 = arith.constant 0 : i32
    %scan3A_88 = arith.constant 0 : i32
    %scan3A_89 = arith.constant 4 : i32
    %scan3A_90 = arith.addi %scan3A_88, %scan3A_89 : i32
    %scan3A_91 = arith.constant 1 : i32
    scf.for %scan3A_208 = %scan3A_88 to %scan3A_90 step %scan3A_91  : i32 {
      %mul3A_209 = arith.constant 2 : i32
      %mul3A_210 = arith.muli %scan3A_208, %mul3A_209 : i32
      %mul3A_211 = arith.constant 2 : i32
      %mul3A_212 = arith.muli %scan3A_208, %mul3A_211 : i32
      %add3A = arith.constant 2 : i32
      %add3A_213 = arith.addi %mul3A_212, %add3A : i32
      %add3A_214 = arith.constant 1 : i32
      %add3A_215 = arith.addi %mul3A_210, %add3A_214 : i32
      %dma_start3A_216 = arith.constant 0 : i32
      %dma_start3A_217 = arith.constant 0 : i32
      %dma_start3A_218 = tpu.memref_slice %arg6[%add3A_215, %dma_start3A_217] : memref<10x125xi32, #tpu.memory_space<vmem>> -> memref<1x125xi32, #tpu.memory_space<vmem>>
      %dma_start3A_219 = tpu.memref_squeeze %dma_start3A_218 : memref<1x125xi32, #tpu.memory_space<vmem>> -> memref<125xi32, #tpu.memory_space<vmem>>
      %dma_start3A_220 = arith.constant 0 : i32
      %dma_start3A_221 = arith.constant 0 : i32
      %dma_start3A_222 = tpu.memref_slice %arg2[%dma_start3A_216, %dma_start3A_220, %dma_start3A_221] : memref<1x10240x128xf32, #tpu.memory_space<hbm>> -> memref<1x10240x128xf32, #tpu.memory_space<hbm>>
      %dma_start3A_223 = tpu.memref_squeeze %dma_start3A_222 : memref<1x10240x128xf32, #tpu.memory_space<hbm>> -> memref<10240x128xf32, #tpu.memory_space<hbm>>
      %dma_start3A_224 = arith.constant 0 : i32
      %dma_start3A_225 = arith.constant 0 : i32
      %dma_start3A_226 = tpu.memref_slice %dma_start3A_223[%dma_start3A_224, %dma_start3A_225] : memref<10240x128xf32, #tpu.memory_space<hbm>> -> memref<10240x128xf32, #tpu.memory_space<hbm>>
      tpu.enqueue_indirect_dma source(%dma_start3A_226 : memref<10240x128xf32, #tpu.memory_space<hbm>>) target(%arg11 : memref<125x128xf32, #tpu.memory_space<vmem>>) offsets(%dma_start3A_219 : memref<125xi32, #tpu.memory_space<vmem>>) semaphore(%arg15 : memref<!tpu.dma_semaphore, #tpu.memory_space<semaphore_mem>>)
      %dma_wait3A_227 = arith.constant 0 : i32
      %dma_wait3A_228 = arith.constant 0 : i32
      %dma_wait3A_229 = tpu.memref_slice %arg6[%mul3A_210, %dma_wait3A_228] : memref<10x125xi32, #tpu.memory_space<vmem>> -> memref<1x125xi32, #tpu.memory_space<vmem>>
      %dma_wait3A_230 = tpu.memref_squeeze %dma_wait3A_229 : memref<1x125xi32, #tpu.memory_space<vmem>> -> memref<125xi32, #tpu.memory_space<vmem>>
      %dma_wait3A_231 = arith.constant 0 : i32
      %dma_wait3A_232 = arith.constant 0 : i32
      %dma_wait3A_233 = tpu.memref_slice %arg2[%dma_wait3A_227, %dma_wait3A_231, %dma_wait3A_232] : memref<1x10240x128xf32, #tpu.memory_space<hbm>> -> memref<1x10240x128xf32, #tpu.memory_space<hbm>>
      %dma_wait3A_234 = tpu.memref_squeeze %dma_wait3A_233 : memref<1x10240x128xf32, #tpu.memory_space<hbm>> -> memref<10240x128xf32, #tpu.memory_space<hbm>>
      %dma_wait3A_235 = arith.constant 0 : i32
      %dma_wait3A_236 = arith.constant 0 : i32
      %dma_wait3A_237 = tpu.memref_slice %dma_wait3A_234[%dma_wait3A_235, %dma_wait3A_236] : memref<10240x128xf32, #tpu.memory_space<hbm>> -> memref<10240x128xf32, #tpu.memory_space<hbm>>
      tpu.wait_indirect_dma semaphore(%arg14 : memref<!tpu.dma_semaphore, #tpu.memory_space<semaphore_mem>>) src(%dma_wait3A_237 : memref<10240x128xf32, #tpu.memory_space<hbm>>) dst(%arg10 : memref<125x128xf32, #tpu.memory_space<vmem>>)
      "tpu.region"() ({
        %run_scoped3A_260 = tpu.sem_alloc : memref<!tpu.dma_semaphore, #tpu.memory_space<semaphore_mem>>
        %dma_start3A_261 = arith.constant 0 : i32
        %dma_start3A_262 = tpu.memref_slice %arg7[%mul3A_210, %dma_start3A_261] : memref<10x125xi32, #tpu.memory_space<vmem>> -> memref<1x125xi32, #tpu.memory_space<vmem>>
        %dma_start3A_263 = tpu.memref_squeeze %dma_start3A_262 : memref<1x125xi32, #tpu.memory_space<vmem>> -> memref<125xi32, #tpu.memory_space<vmem>>
        %dma_start3A_264 = arith.constant 0 : i32
        %dma_start3A_265 = arith.constant 0 : i32
        %dma_start3A_266 = tpu.memref_slice %arg13[%dma_start3A_264, %dma_start3A_265] : memref<10240x128xf32, #tpu.memory_space<vmem_shared>> -> memref<10240x128xf32, #tpu.memory_space<vmem_shared>>
        tpu.enqueue_indirect_dma source(%arg10 : memref<125x128xf32, #tpu.memory_space<vmem>>) target(%dma_start3A_266 : memref<10240x128xf32, #tpu.memory_space<vmem_shared>>) offsets(%dma_start3A_263 : memref<125xi32, #tpu.memory_space<vmem>>) semaphore(%run_scoped3A_260 : memref<!tpu.dma_semaphore, #tpu.memory_space<semaphore_mem>>) {add = true}
        %dma_wait3A_267 = arith.constant 0 : i32
        %dma_wait3A_268 = tpu.memref_slice %arg7[%mul3A_210, %dma_wait3A_267] : memref<10x125xi32, #tpu.memory_space<vmem>> -> memref<1x125xi32, #tpu.memory_space<vmem>>
        %dma_wait3A_269 = tpu.memref_squeeze %dma_wait3A_268 : memref<1x125xi32, #tpu.memory_space<vmem>> -> memref<125xi32, #tpu.memory_space<vmem>>
        %dma_wait3A_270 = arith.constant 0 : i32
        %dma_wait3A_271 = arith.constant 0 : i32
        %dma_wait3A_272 = tpu.memref_slice %arg13[%dma_wait3A_270, %dma_wait3A_271] : memref<10240x128xf32, #tpu.memory_space<vmem_shared>> -> memref<10240x128xf32, #tpu.memory_space<vmem_shared>>
        tpu.wait_indirect_dma semaphore(%run_scoped3A_260 : memref<!tpu.dma_semaphore, #tpu.memory_space<semaphore_mem>>) src(%arg10 : memref<125x128xf32, #tpu.memory_space<vmem>>) dst(%dma_wait3A_272 : memref<10240x128xf32, #tpu.memory_space<vmem_shared>>)
        tpu.yield
      }) : () -> ()
      %dma_start3A_238 = arith.constant 0 : i32
      %dma_start3A_239 = arith.constant 0 : i32
      %dma_start3A_240 = tpu.memref_slice %arg6[%add3A_213, %dma_start3A_239] : memref<10x125xi32, #tpu.memory_space<vmem>> -> memref<1x125xi32, #tpu.memory_space<vmem>>
      %dma_start3A_241 = tpu.memref_squeeze %dma_start3A_240 : memref<1x125xi32, #tpu.memory_space<vmem>> -> memref<125xi32, #tpu.memory_space<vmem>>
      %dma_start3A_242 = arith.constant 0 : i32
      %dma_start3A_243 = arith.constant 0 : i32
      %dma_start3A_244 = tpu.memref_slice %arg2[%dma_start3A_238, %dma_start3A_242, %dma_start3A_243] : memref<1x10240x128xf32, #tpu.memory_space<hbm>> -> memref<1x10240x128xf32, #tpu.memory_space<hbm>>
      %dma_start3A_245 = tpu.memref_squeeze %dma_start3A_244 : memref<1x10240x128xf32, #tpu.memory_space<hbm>> -> memref<10240x128xf32, #tpu.memory_space<hbm>>
      %dma_start3A_246 = arith.constant 0 : i32
      %dma_start3A_247 = arith.constant 0 : i32
      %dma_start3A_248 = tpu.memref_slice %dma_start3A_245[%dma_start3A_246, %dma_start3A_247] : memref<10240x128xf32, #tpu.memory_space<hbm>> -> memref<10240x128xf32, #tpu.memory_space<hbm>>
      tpu.enqueue_indirect_dma source(%dma_start3A_248 : memref<10240x128xf32, #tpu.memory_space<hbm>>) target(%arg10 : memref<125x128xf32, #tpu.memory_space<vmem>>) offsets(%dma_start3A_241 : memref<125xi32, #tpu.memory_space<vmem>>) semaphore(%arg14 : memref<!tpu.dma_semaphore, #tpu.memory_space<semaphore_mem>>)
      %dma_wait3A_249 = arith.constant 0 : i32
      %dma_wait3A_250 = arith.constant 0 : i32
      %dma_wait3A_251 = tpu.memref_slice %arg6[%add3A_215, %dma_wait3A_250] : memref<10x125xi32, #tpu.memory_space<vmem>> -> memref<1x125xi32, #tpu.memory_space<vmem>>
      %dma_wait3A_252 = tpu.memref_squeeze %dma_wait3A_251 : memref<1x125xi32, #tpu.memory_space<vmem>> -> memref<125xi32, #tpu.memory_space<vmem>>
      %dma_wait3A_253 = arith.constant 0 : i32
      %dma_wait3A_254 = arith.constant 0 : i32
      %dma_wait3A_255 = tpu.memref_slice %arg2[%dma_wait3A_249, %dma_wait3A_253, %dma_wait3A_254] : memref<1x10240x128xf32, #tpu.memory_space<hbm>> -> memref<1x10240x128xf32, #tpu.memory_space<hbm>>
      %dma_wait3A_256 = tpu.memref_squeeze %dma_wait3A_255 : memref<1x10240x128xf32, #tpu.memory_space<hbm>> -> memref<10240x128xf32, #tpu.memory_space<hbm>>
      %dma_wait3A_257 = arith.constant 0 : i32
      %dma_wait3A_258 = arith.constant 0 : i32
      %dma_wait3A_259 = tpu.memref_slice %dma_wait3A_256[%dma_wait3A_257, %dma_wait3A_258] : memref<10240x128xf32, #tpu.memory_space<hbm>> -> memref<10240x128xf32, #tpu.memory_space<hbm>>
      tpu.wait_indirect_dma semaphore(%arg15 : memref<!tpu.dma_semaphore, #tpu.memory_space<semaphore_mem>>) src(%dma_wait3A_259 : memref<10240x128xf32, #tpu.memory_space<hbm>>) dst(%arg11 : memref<125x128xf32, #tpu.memory_space<vmem>>)
      "tpu.region"() ({
        %run_scoped3A_260 = tpu.sem_alloc : memref<!tpu.dma_semaphore, #tpu.memory_space<semaphore_mem>>
        %dma_start3A_261 = arith.constant 0 : i32
        %dma_start3A_262 = tpu.memref_slice %arg7[%add3A_215, %dma_start3A_261] : memref<10x125xi32, #tpu.memory_space<vmem>> -> memref<1x125xi32, #tpu.memory_space<vmem>>
        %dma_start3A_263 = tpu.memref_squeeze %dma_start3A_262 : memref<1x125xi32, #tpu.memory_space<vmem>> -> memref<125xi32, #tpu.memory_space<vmem>>
        %dma_start3A_264 = arith.constant 0 : i32
        %dma_start3A_265 = arith.constant 0 : i32
        %dma_start3A_266 = tpu.memref_slice %arg13[%dma_start3A_264, %dma_start3A_265] : memref<10240x128xf32, #tpu.memory_space<vmem_shared>> -> memref<10240x128xf32, #tpu.memory_space<vmem_shared>>
        tpu.enqueue_indirect_dma source(%arg11 : memref<125x128xf32, #tpu.memory_space<vmem>>) target(%dma_start3A_266 : memref<10240x128xf32, #tpu.memory_space<vmem_shared>>) offsets(%dma_start3A_263 : memref<125xi32, #tpu.memory_space<vmem>>) semaphore(%run_scoped3A_260 : memref<!tpu.dma_semaphore, #tpu.memory_space<semaphore_mem>>) {add = true}
        %dma_wait3A_267 = arith.constant 0 : i32
        %dma_wait3A_268 = tpu.memref_slice %arg7[%add3A_215, %dma_wait3A_267] : memref<10x125xi32, #tpu.memory_space<vmem>> -> memref<1x125xi32, #tpu.memory_space<vmem>>
        %dma_wait3A_269 = tpu.memref_squeeze %dma_wait3A_268 : memref<1x125xi32, #tpu.memory_space<vmem>> -> memref<125xi32, #tpu.memory_space<vmem>>
        %dma_wait3A_270 = arith.constant 0 : i32
        %dma_wait3A_271 = arith.constant 0 : i32
        %dma_wait3A_272 = tpu.memref_slice %arg13[%dma_wait3A_270, %dma_wait3A_271] : memref<10240x128xf32, #tpu.memory_space<vmem_shared>> -> memref<10240x128xf32, #tpu.memory_space<vmem_shared>>
        tpu.wait_indirect_dma semaphore(%run_scoped3A_260 : memref<!tpu.dma_semaphore, #tpu.memory_space<semaphore_mem>>) src(%arg11 : memref<125x128xf32, #tpu.memory_space<vmem>>) dst(%dma_wait3A_272 : memref<10240x128xf32, #tpu.memory_space<vmem_shared>>)
        tpu.yield
      }) : () -> ()
    }
    %scan3A_92 = arith.constant 4 : i32
    %dma_wait3A_93 = arith.constant 7 : i32
    %dma_wait3A_94 = arith.constant 0 : i32
    %dma_wait3A_95 = arith.constant 0 : i32
    %dma_wait3A_96 = tpu.memref_slice %arg3[%arg0, %arg1, %dma_wait3A_93, %dma_wait3A_94, %dma_wait3A_95] : memref<2x16x8x10x125xi32, #tpu.memory_space<hbm>> -> memref<1x1x1x10x125xi32, #tpu.memory_space<hbm>>
    %dma_wait3A_97 = tpu.memref_squeeze %dma_wait3A_96 : memref<1x1x1x10x125xi32, #tpu.memory_space<hbm>> -> memref<10x125xi32, #tpu.memory_space<hbm>>
    %dma_wait3A_98 = arith.constant 0 : i32
    %dma_wait3A_99 = arith.constant 0 : i32
    %dma_wait3A_100 = tpu.memref_slice %arg3[%arg0, %arg1, %dma_wait3A_93, %dma_wait3A_98, %dma_wait3A_99] : memref<2x16x8x10x125xi32, #tpu.memory_space<hbm>> -> memref<1x1x1x10x125xi32, #tpu.memory_space<hbm>>
    %dma_wait3A_101 = tpu.memref_squeeze %dma_wait3A_100 : memref<1x1x1x10x125xi32, #tpu.memory_space<hbm>> -> memref<10x125xi32, #tpu.memory_space<hbm>>
    tpu.wait_dma2 semaphore(%arg16 : memref<!tpu.dma_semaphore, #tpu.memory_space<semaphore_mem>>) src(%dma_wait3A_101 : memref<10x125xi32, #tpu.memory_space<hbm>>) dst(%arg8 : memref<10x125xi32, #tpu.memory_space<vmem>>)
    %dma_wait3A_102 = arith.constant 7 : i32
    %dma_wait3A_103 = arith.constant 0 : i32
    %dma_wait3A_104 = arith.constant 0 : i32
    %dma_wait3A_105 = tpu.memref_slice %arg4[%arg0, %arg1, %dma_wait3A_102, %dma_wait3A_103, %dma_wait3A_104] : memref<2x16x8x10x125xi32, #tpu.memory_space<hbm>> -> memref<1x1x1x10x125xi32, #tpu.memory_space<hbm>>
    %dma_wait3A_106 = tpu.memref_squeeze %dma_wait3A_105 : memref<1x1x1x10x125xi32, #tpu.memory_space<hbm>> -> memref<10x125xi32, #tpu.memory_space<hbm>>
    %dma_wait3A_107 = arith.constant 0 : i32
    %dma_wait3A_108 = arith.constant 0 : i32
    %dma_wait3A_109 = tpu.memref_slice %arg4[%arg0, %arg1, %dma_wait3A_102, %dma_wait3A_107, %dma_wait3A_108] : memref<2x16x8x10x125xi32, #tpu.memory_space<hbm>> -> memref<1x1x1x10x125xi32, #tpu.memory_space<hbm>>
    %dma_wait3A_110 = tpu.memref_squeeze %dma_wait3A_109 : memref<1x1x1x10x125xi32, #tpu.memory_space<hbm>> -> memref<10x125xi32, #tpu.memory_space<hbm>>
    tpu.wait_dma2 semaphore(%arg16 : memref<!tpu.dma_semaphore, #tpu.memory_space<semaphore_mem>>) src(%dma_wait3A_110 : memref<10x125xi32, #tpu.memory_space<hbm>>) dst(%arg9 : memref<10x125xi32, #tpu.memory_space<vmem>>)
    %dma_start3A_111 = arith.constant 0 : i32
    %dma_start3A_112 = arith.constant 9 : i32
    %dma_start3A_113 = arith.constant 0 : i32
    %dma_start3A_114 = tpu.memref_slice %arg6[%dma_start3A_112, %dma_start3A_113] : memref<10x125xi32, #tpu.memory_space<vmem>> -> memref<1x125xi32, #tpu.memory_space<vmem>>
    %dma_start3A_115 = tpu.memref_squeeze %dma_start3A_114 : memref<1x125xi32, #tpu.memory_space<vmem>> -> memref<125xi32, #tpu.memory_space<vmem>>
    %dma_start3A_116 = arith.constant 0 : i32
    %dma_start3A_117 = arith.constant 0 : i32
    %dma_start3A_118 = tpu.memref_slice %arg2[%dma_start3A_111, %dma_start3A_116, %dma_start3A_117] : memref<1x10240x128xf32, #tpu.memory_space<hbm>> -> memref<1x10240x128xf32, #tpu.memory_space<hbm>>
    %dma_start3A_119 = tpu.memref_squeeze %dma_start3A_118 : memref<1x10240x128xf32, #tpu.memory_space<hbm>> -> memref<10240x128xf32, #tpu.memory_space<hbm>>
    %dma_start3A_120 = arith.constant 0 : i32
    %dma_start3A_121 = arith.constant 0 : i32
    %dma_start3A_122 = tpu.memref_slice %dma_start3A_119[%dma_start3A_120, %dma_start3A_121] : memref<10240x128xf32, #tpu.memory_space<hbm>> -> memref<10240x128xf32, #tpu.memory_space<hbm>>
    tpu.enqueue_indirect_dma source(%dma_start3A_122 : memref<10240x128xf32, #tpu.memory_space<hbm>>) target(%arg11 : memref<125x128xf32, #tpu.memory_space<vmem>>) offsets(%dma_start3A_115 : memref<125xi32, #tpu.memory_space<vmem>>) semaphore(%arg15 : memref<!tpu.dma_semaphore, #tpu.memory_space<semaphore_mem>>)
    %dma_wait3A_123 = arith.constant 0 : i32
    %dma_wait3A_124 = arith.constant 8 : i32
    %dma_wait3A_125 = arith.constant 0 : i32
    %dma_wait3A_126 = tpu.memref_slice %arg6[%dma_wait3A_124, %dma_wait3A_125] : memref<10x125xi32, #tpu.memory_space<vmem>> -> memref<1x125xi32, #tpu.memory_space<vmem>>
    %dma_wait3A_127 = tpu.memref_squeeze %dma_wait3A_126 : memref<1x125xi32, #tpu.memory_space<vmem>> -> memref<125xi32, #tpu.memory_space<vmem>>
    %dma_wait3A_128 = arith.constant 0 : i32
    %dma_wait3A_129 = arith.constant 0 : i32
    %dma_wait3A_130 = tpu.memref_slice %arg2[%dma_wait3A_123, %dma_wait3A_128, %dma_wait3A_129] : memref<1x10240x128xf32, #tpu.memory_space<hbm>> -> memref<1x10240x128xf32, #tpu.memory_space<hbm>>
    %dma_wait3A_131 = tpu.memref_squeeze %dma_wait3A_130 : memref<1x10240x128xf32, #tpu.memory_space<hbm>> -> memref<10240x128xf32, #tpu.memory_space<hbm>>
    %dma_wait3A_132 = arith.constant 0 : i32
    %dma_wait3A_133 = arith.constant 0 : i32
    %dma_wait3A_134 = tpu.memref_slice %dma_wait3A_131[%dma_wait3A_132, %dma_wait3A_133] : memref<10240x128xf32, #tpu.memory_space<hbm>> -> memref<10240x128xf32, #tpu.memory_space<hbm>>
    tpu.wait_indirect_dma semaphore(%arg14 : memref<!tpu.dma_semaphore, #tpu.memory_space<semaphore_mem>>) src(%dma_wait3A_134 : memref<10240x128xf32, #tpu.memory_space<hbm>>) dst(%arg10 : memref<125x128xf32, #tpu.memory_space<vmem>>)
    %run_scoped3A = arith.constant 8 : i32
    "tpu.region"() ({
      %run_scoped3A_208 = tpu.sem_alloc : memref<!tpu.dma_semaphore, #tpu.memory_space<semaphore_mem>>
      %dma_start3A_209 = arith.constant 0 : i32
      %dma_start3A_210 = tpu.memref_slice %arg7[%run_scoped3A, %dma_start3A_209] : memref<10x125xi32, #tpu.memory_space<vmem>> -> memref<1x125xi32, #tpu.memory_space<vmem>>
      %dma_start3A_211 = tpu.memref_squeeze %dma_start3A_210 : memref<1x125xi32, #tpu.memory_space<vmem>> -> memref<125xi32, #tpu.memory_space<vmem>>
      %dma_start3A_212 = arith.constant 0 : i32
      %dma_start3A_213 = arith.constant 0 : i32
      %dma_start3A_214 = tpu.memref_slice %arg13[%dma_start3A_212, %dma_start3A_213] : memref<10240x128xf32, #tpu.memory_space<vmem_shared>> -> memref<10240x128xf32, #tpu.memory_space<vmem_shared>>
      tpu.enqueue_indirect_dma source(%arg10 : memref<125x128xf32, #tpu.memory_space<vmem>>) target(%dma_start3A_214 : memref<10240x128xf32, #tpu.memory_space<vmem_shared>>) offsets(%dma_start3A_211 : memref<125xi32, #tpu.memory_space<vmem>>) semaphore(%run_scoped3A_208 : memref<!tpu.dma_semaphore, #tpu.memory_space<semaphore_mem>>) {add = true}
      %dma_wait3A_215 = arith.constant 0 : i32
      %dma_wait3A_216 = tpu.memref_slice %arg7[%run_scoped3A, %dma_wait3A_215] : memref<10x125xi32, #tpu.memory_space<vmem>> -> memref<1x125xi32, #tpu.memory_space<vmem>>
      %dma_wait3A_217 = tpu.memref_squeeze %dma_wait3A_216 : memref<1x125xi32, #tpu.memory_space<vmem>> -> memref<125xi32, #tpu.memory_space<vmem>>
      %dma_wait3A_218 = arith.constant 0 : i32
      %dma_wait3A_219 = arith.constant 0 : i32
      %dma_wait3A_220 = tpu.memref_slice %arg13[%dma_wait3A_218, %dma_wait3A_219] : memref<10240x128xf32, #tpu.memory_space<vmem_shared>> -> memref<10240x128xf32, #tpu.memory_space<vmem_shared>>
      tpu.wait_indirect_dma semaphore(%run_scoped3A_208 : memref<!tpu.dma_semaphore, #tpu.memory_space<semaphore_mem>>) src(%arg10 : memref<125x128xf32, #tpu.memory_space<vmem>>) dst(%dma_wait3A_220 : memref<10240x128xf32, #tpu.memory_space<vmem_shared>>)
      tpu.yield
    }) : () -> ()
    %dma_start3A_135 = arith.constant 0 : i32
    %dma_start3A_136 = arith.constant 0 : i32
    %dma_start3A_137 = arith.constant 0 : i32
    %dma_start3A_138 = tpu.memref_slice %arg8[%dma_start3A_136, %dma_start3A_137] : memref<10x125xi32, #tpu.memory_space<vmem>> -> memref<1x125xi32, #tpu.memory_space<vmem>>
    %dma_start3A_139 = tpu.memref_squeeze %dma_start3A_138 : memref<1x125xi32, #tpu.memory_space<vmem>> -> memref<125xi32, #tpu.memory_space<vmem>>
    %dma_start3A_140 = arith.constant 0 : i32
    %dma_start3A_141 = arith.constant 0 : i32
    %dma_start3A_142 = tpu.memref_slice %arg2[%dma_start3A_135, %dma_start3A_140, %dma_start3A_141] : memref<1x10240x128xf32, #tpu.memory_space<hbm>> -> memref<1x10240x128xf32, #tpu.memory_space<hbm>>
    %dma_start3A_143 = tpu.memref_squeeze %dma_start3A_142 : memref<1x10240x128xf32, #tpu.memory_space<hbm>> -> memref<10240x128xf32, #tpu.memory_space<hbm>>
    %dma_start3A_144 = arith.constant 0 : i32
    %dma_start3A_145 = arith.constant 0 : i32
    %dma_start3A_146 = tpu.memref_slice %dma_start3A_143[%dma_start3A_144, %dma_start3A_145] : memref<10240x128xf32, #tpu.memory_space<hbm>> -> memref<10240x128xf32, #tpu.memory_space<hbm>>
    tpu.enqueue_indirect_dma source(%dma_start3A_146 : memref<10240x128xf32, #tpu.memory_space<hbm>>) target(%arg10 : memref<125x128xf32, #tpu.memory_space<vmem>>) offsets(%dma_start3A_139 : memref<125xi32, #tpu.memory_space<vmem>>) semaphore(%arg14 : memref<!tpu.dma_semaphore, #tpu.memory_space<semaphore_mem>>)
    %dma_wait3A_147 = arith.constant 0 : i32
    %dma_wait3A_148 = arith.constant 9 : i32
    %dma_wait3A_149 = arith.constant 0 : i32
    %dma_wait3A_150 = tpu.memref_slice %arg6[%dma_wait3A_148, %dma_wait3A_149] : memref<10x125xi32, #tpu.memory_space<vmem>> -> memref<1x125xi32, #tpu.memory_space<vmem>>
    %dma_wait3A_151 = tpu.memref_squeeze %dma_wait3A_150 : memref<1x125xi32, #tpu.memory_space<vmem>> -> memref<125xi32, #tpu.memory_space<vmem>>
    %dma_wait3A_152 = arith.constant 0 : i32
    %dma_wait3A_153 = arith.constant 0 : i32
    %dma_wait3A_154 = tpu.memref_slice %arg2[%dma_wait3A_147, %dma_wait3A_152, %dma_wait3A_153] : memref<1x10240x128xf32, #tpu.memory_space<hbm>> -> memref<1x10240x128xf32, #tpu.memory_space<hbm>>
    %dma_wait3A_155 = tpu.memref_squeeze %dma_wait3A_154 : memref<1x10240x128xf32, #tpu.memory_space<hbm>> -> memref<10240x128xf32, #tpu.memory_space<hbm>>
    %dma_wait3A_156 = arith.constant 0 : i32
    %dma_wait3A_157 = arith.constant 0 : i32
    %dma_wait3A_158 = tpu.memref_slice %dma_wait3A_155[%dma_wait3A_156, %dma_wait3A_157] : memref<10240x128xf32, #tpu.memory_space<hbm>> -> memref<10240x128xf32, #tpu.memory_space<hbm>>
    tpu.wait_indirect_dma semaphore(%arg15 : memref<!tpu.dma_semaphore, #tpu.memory_space<semaphore_mem>>) src(%dma_wait3A_158 : memref<10240x128xf32, #tpu.memory_space<hbm>>) dst(%arg11 : memref<125x128xf32, #tpu.memory_space<vmem>>)
    %run_scoped3A_159 = arith.constant 9 : i32
    "tpu.region"() ({
      %run_scoped3A_208 = tpu.sem_alloc : memref<!tpu.dma_semaphore, #tpu.memory_space<semaphore_mem>>
      %dma_start3A_209 = arith.constant 0 : i32
      %dma_start3A_210 = tpu.memref_slice %arg7[%run_scoped3A_159, %dma_start3A_209] : memref<10x125xi32, #tpu.memory_space<vmem>> -> memref<1x125xi32, #tpu.memory_space<vmem>>
      %dma_start3A_211 = tpu.memref_squeeze %dma_start3A_210 : memref<1x125xi32, #tpu.memory_space<vmem>> -> memref<125xi32, #tpu.memory_space<vmem>>
      %dma_start3A_212 = arith.constant 0 : i32
      %dma_start3A_213 = arith.constant 0 : i32
      %dma_start3A_214 = tpu.memref_slice %arg13[%dma_start3A_212, %dma_start3A_213] : memref<10240x128xf32, #tpu.memory_space<vmem_shared>> -> memref<10240x128xf32, #tpu.memory_space<vmem_shared>>
      tpu.enqueue_indirect_dma source(%arg11 : memref<125x128xf32, #tpu.memory_space<vmem>>) target(%dma_start3A_214 : memref<10240x128xf32, #tpu.memory_space<vmem_shared>>) offsets(%dma_start3A_211 : memref<125xi32, #tpu.memory_space<vmem>>) semaphore(%run_scoped3A_208 : memref<!tpu.dma_semaphore, #tpu.memory_space<semaphore_mem>>) {add = true}
      %dma_wait3A_215 = arith.constant 0 : i32
      %dma_wait3A_216 = tpu.memref_slice %arg7[%run_scoped3A_159, %dma_wait3A_215] : memref<10x125xi32, #tpu.memory_space<vmem>> -> memref<1x125xi32, #tpu.memory_space<vmem>>
      %dma_wait3A_217 = tpu.memref_squeeze %dma_wait3A_216 : memref<1x125xi32, #tpu.memory_space<vmem>> -> memref<125xi32, #tpu.memory_space<vmem>>
      %dma_wait3A_218 = arith.constant 0 : i32
      %dma_wait3A_219 = arith.constant 0 : i32
      %dma_wait3A_220 = tpu.memref_slice %arg13[%dma_wait3A_218, %dma_wait3A_219] : memref<10240x128xf32, #tpu.memory_space<vmem_shared>> -> memref<10240x128xf32, #tpu.memory_space<vmem_shared>>
      tpu.wait_indirect_dma semaphore(%run_scoped3A_208 : memref<!tpu.dma_semaphore, #tpu.memory_space<semaphore_mem>>) src(%arg11 : memref<125x128xf32, #tpu.memory_space<vmem>>) dst(%dma_wait3A_220 : memref<10240x128xf32, #tpu.memory_space<vmem_shared>>)
      tpu.yield
    }) : () -> ()
    %scan3A_160 = arith.constant 0 : i32
    %scan3A_161 = arith.constant 0 : i32
    %scan3A_162 = arith.constant 4 : i32
    %scan3A_163 = arith.addi %scan3A_161, %scan3A_162 : i32
    %scan3A_164 = arith.constant 1 : i32
    scf.for %scan3A_208 = %scan3A_161 to %scan3A_163 step %scan3A_164  : i32 {
      %mul3A_209 = arith.constant 2 : i32
      %mul3A_210 = arith.muli %scan3A_208, %mul3A_209 : i32
      %mul3A_211 = arith.constant 2 : i32
      %mul3A_212 = arith.muli %scan3A_208, %mul3A_211 : i32
      %add3A = arith.constant 2 : i32
      %add3A_213 = arith.addi %mul3A_212, %add3A : i32
      %add3A_214 = arith.constant 1 : i32
      %add3A_215 = arith.addi %mul3A_210, %add3A_214 : i32
      %dma_start3A_216 = arith.constant 0 : i32
      %dma_start3A_217 = arith.constant 0 : i32
      %dma_start3A_218 = tpu.memref_slice %arg8[%add3A_215, %dma_start3A_217] : memref<10x125xi32, #tpu.memory_space<vmem>> -> memref<1x125xi32, #tpu.memory_space<vmem>>
      %dma_start3A_219 = tpu.memref_squeeze %dma_start3A_218 : memref<1x125xi32, #tpu.memory_space<vmem>> -> memref<125xi32, #tpu.memory_space<vmem>>
      %dma_start3A_220 = arith.constant 0 : i32
      %dma_start3A_221 = arith.constant 0 : i32
      %dma_start3A_222 = tpu.memref_slice %arg2[%dma_start3A_216, %dma_start3A_220, %dma_start3A_221] : memref<1x10240x128xf32, #tpu.memory_space<hbm>> -> memref<1x10240x128xf32, #tpu.memory_space<hbm>>
      %dma_start3A_223 = tpu.memref_squeeze %dma_start3A_222 : memref<1x10240x128xf32, #tpu.memory_space<hbm>> -> memref<10240x128xf32, #tpu.memory_space<hbm>>
      %dma_start3A_224 = arith.constant 0 : i32
      %dma_start3A_225 = arith.constant 0 : i32
      %dma_start3A_226 = tpu.memref_slice %dma_start3A_223[%dma_start3A_224, %dma_start3A_225] : memref<10240x128xf32, #tpu.memory_space<hbm>> -> memref<10240x128xf32, #tpu.memory_space<hbm>>
      tpu.enqueue_indirect_dma source(%dma_start3A_226 : memref<10240x128xf32, #tpu.memory_space<hbm>>) target(%arg11 : memref<125x128xf32, #tpu.memory_space<vmem>>) offsets(%dma_start3A_219 : memref<125xi32, #tpu.memory_space<vmem>>) semaphore(%arg15 : memref<!tpu.dma_semaphore, #tpu.memory_space<semaphore_mem>>)
      %dma_wait3A_227 = arith.constant 0 : i32
      %dma_wait3A_228 = arith.constant 0 : i32
      %dma_wait3A_229 = tpu.memref_slice %arg8[%mul3A_210, %dma_wait3A_228] : memref<10x125xi32, #tpu.memory_space<vmem>> -> memref<1x125xi32, #tpu.memory_space<vmem>>
      %dma_wait3A_230 = tpu.memref_squeeze %dma_wait3A_229 : memref<1x125xi32, #tpu.memory_space<vmem>> -> memref<125xi32, #tpu.memory_space<vmem>>
      %dma_wait3A_231 = arith.constant 0 : i32
      %dma_wait3A_232 = arith.constant 0 : i32
      %dma_wait3A_233 = tpu.memref_slice %arg2[%dma_wait3A_227, %dma_wait3A_231, %dma_wait3A_232] : memref<1x10240x128xf32, #tpu.memory_space<hbm>> -> memref<1x10240x128xf32, #tpu.memory_space<hbm>>
      %dma_wait3A_234 = tpu.memref_squeeze %dma_wait3A_233 : memref<1x10240x128xf32, #tpu.memory_space<hbm>> -> memref<10240x128xf32, #tpu.memory_space<hbm>>
      %dma_wait3A_235 = arith.constant 0 : i32
      %dma_wait3A_236 = arith.constant 0 : i32
      %dma_wait3A_237 = tpu.memref_slice %dma_wait3A_234[%dma_wait3A_235, %dma_wait3A_236] : memref<10240x128xf32, #tpu.memory_space<hbm>> -> memref<10240x128xf32, #tpu.memory_space<hbm>>
      tpu.wait_indirect_dma semaphore(%arg14 : memref<!tpu.dma_semaphore, #tpu.memory_space<semaphore_mem>>) src(%dma_wait3A_237 : memref<10240x128xf32, #tpu.memory_space<hbm>>) dst(%arg10 : memref<125x128xf32, #tpu.memory_space<vmem>>)
      "tpu.region"() ({
        %run_scoped3A_260 = tpu.sem_alloc : memref<!tpu.dma_semaphore, #tpu.memory_space<semaphore_mem>>
        %dma_start3A_261 = arith.constant 0 : i32
        %dma_start3A_262 = tpu.memref_slice %arg9[%mul3A_210, %dma_start3A_261] : memref<10x125xi32, #tpu.memory_space<vmem>> -> memref<1x125xi32, #tpu.memory_space<vmem>>
        %dma_start3A_263 = tpu.memref_squeeze %dma_start3A_262 : memref<1x125xi32, #tpu.memory_space<vmem>> -> memref<125xi32, #tpu.memory_space<vmem>>
        %dma_start3A_264 = arith.constant 0 : i32
        %dma_start3A_265 = arith.constant 0 : i32
        %dma_start3A_266 = tpu.memref_slice %arg13[%dma_start3A_264, %dma_start3A_265] : memref<10240x128xf32, #tpu.memory_space<vmem_shared>> -> memref<10240x128xf32, #tpu.memory_space<vmem_shared>>
        tpu.enqueue_indirect_dma source(%arg10 : memref<125x128xf32, #tpu.memory_space<vmem>>) target(%dma_start3A_266 : memref<10240x128xf32, #tpu.memory_space<vmem_shared>>) offsets(%dma_start3A_263 : memref<125xi32, #tpu.memory_space<vmem>>) semaphore(%run_scoped3A_260 : memref<!tpu.dma_semaphore, #tpu.memory_space<semaphore_mem>>) {add = true}
        %dma_wait3A_267 = arith.constant 0 : i32
        %dma_wait3A_268 = tpu.memref_slice %arg9[%mul3A_210, %dma_wait3A_267] : memref<10x125xi32, #tpu.memory_space<vmem>> -> memref<1x125xi32, #tpu.memory_space<vmem>>
        %dma_wait3A_269 = tpu.memref_squeeze %dma_wait3A_268 : memref<1x125xi32, #tpu.memory_space<vmem>> -> memref<125xi32, #tpu.memory_space<vmem>>
        %dma_wait3A_270 = arith.constant 0 : i32
        %dma_wait3A_271 = arith.constant 0 : i32
        %dma_wait3A_272 = tpu.memref_slice %arg13[%dma_wait3A_270, %dma_wait3A_271] : memref<10240x128xf32, #tpu.memory_space<vmem_shared>> -> memref<10240x128xf32, #tpu.memory_space<vmem_shared>>
        tpu.wait_indirect_dma semaphore(%run_scoped3A_260 : memref<!tpu.dma_semaphore, #tpu.memory_space<semaphore_mem>>) src(%arg10 : memref<125x128xf32, #tpu.memory_space<vmem>>) dst(%dma_wait3A_272 : memref<10240x128xf32, #tpu.memory_space<vmem_shared>>)
        tpu.yield
      }) : () -> ()
      %dma_start3A_238 = arith.constant 0 : i32
      %dma_start3A_239 = arith.constant 0 : i32
      %dma_start3A_240 = tpu.memref_slice %arg8[%add3A_213, %dma_start3A_239] : memref<10x125xi32, #tpu.memory_space<vmem>> -> memref<1x125xi32, #tpu.memory_space<vmem>>
      %dma_start3A_241 = tpu.memref_squeeze %dma_start3A_240 : memref<1x125xi32, #tpu.memory_space<vmem>> -> memref<125xi32, #tpu.memory_space<vmem>>
      %dma_start3A_242 = arith.constant 0 : i32
      %dma_start3A_243 = arith.constant 0 : i32
      %dma_start3A_244 = tpu.memref_slice %arg2[%dma_start3A_238, %dma_start3A_242, %dma_start3A_243] : memref<1x10240x128xf32, #tpu.memory_space<hbm>> -> memref<1x10240x128xf32, #tpu.memory_space<hbm>>
      %dma_start3A_245 = tpu.memref_squeeze %dma_start3A_244 : memref<1x10240x128xf32, #tpu.memory_space<hbm>> -> memref<10240x128xf32, #tpu.memory_space<hbm>>
      %dma_start3A_246 = arith.constant 0 : i32
      %dma_start3A_247 = arith.constant 0 : i32
      %dma_start3A_248 = tpu.memref_slice %dma_start3A_245[%dma_start3A_246, %dma_start3A_247] : memref<10240x128xf32, #tpu.memory_space<hbm>> -> memref<10240x128xf32, #tpu.memory_space<hbm>>
      tpu.enqueue_indirect_dma source(%dma_start3A_248 : memref<10240x128xf32, #tpu.memory_space<hbm>>) target(%arg10 : memref<125x128xf32, #tpu.memory_space<vmem>>) offsets(%dma_start3A_241 : memref<125xi32, #tpu.memory_space<vmem>>) semaphore(%arg14 : memref<!tpu.dma_semaphore, #tpu.memory_space<semaphore_mem>>)
      %dma_wait3A_249 = arith.constant 0 : i32
      %dma_wait3A_250 = arith.constant 0 : i32
      %dma_wait3A_251 = tpu.memref_slice %arg8[%add3A_215, %dma_wait3A_250] : memref<10x125xi32, #tpu.memory_space<vmem>> -> memref<1x125xi32, #tpu.memory_space<vmem>>
      %dma_wait3A_252 = tpu.memref_squeeze %dma_wait3A_251 : memref<1x125xi32, #tpu.memory_space<vmem>> -> memref<125xi32, #tpu.memory_space<vmem>>
      %dma_wait3A_253 = arith.constant 0 : i32
      %dma_wait3A_254 = arith.constant 0 : i32
      %dma_wait3A_255 = tpu.memref_slice %arg2[%dma_wait3A_249, %dma_wait3A_253, %dma_wait3A_254] : memref<1x10240x128xf32, #tpu.memory_space<hbm>> -> memref<1x10240x128xf32, #tpu.memory_space<hbm>>
      %dma_wait3A_256 = tpu.memref_squeeze %dma_wait3A_255 : memref<1x10240x128xf32, #tpu.memory_space<hbm>> -> memref<10240x128xf32, #tpu.memory_space<hbm>>
      %dma_wait3A_257 = arith.constant 0 : i32
      %dma_wait3A_258 = arith.constant 0 : i32
      %dma_wait3A_259 = tpu.memref_slice %dma_wait3A_256[%dma_wait3A_257, %dma_wait3A_258] : memref<10240x128xf32, #tpu.memory_space<hbm>> -> memref<10240x128xf32, #tpu.memory_space<hbm>>
      tpu.wait_indirect_dma semaphore(%arg15 : memref<!tpu.dma_semaphore, #tpu.memory_space<semaphore_mem>>) src(%dma_wait3A_259 : memref<10240x128xf32, #tpu.memory_space<hbm>>) dst(%arg11 : memref<125x128xf32, #tpu.memory_space<vmem>>)
      "tpu.region"() ({
        %run_scoped3A_260 = tpu.sem_alloc : memref<!tpu.dma_semaphore, #tpu.memory_space<semaphore_mem>>
        %dma_start3A_261 = arith.constant 0 : i32
        %dma_start3A_262 = tpu.memref_slice %arg9[%add3A_215, %dma_start3A_261] : memref<10x125xi32, #tpu.memory_space<vmem>> -> memref<1x125xi32, #tpu.memory_space<vmem>>
        %dma_start3A_263 = tpu.memref_squeeze %dma_start3A_262 : memref<1x125xi32, #tpu.memory_space<vmem>> -> memref<125xi32, #tpu.memory_space<vmem>>
        %dma_start3A_264 = arith.constant 0 : i32
        %dma_start3A_265 = arith.constant 0 : i32
        %dma_start3A_266 = tpu.memref_slice %arg13[%dma_start3A_264, %dma_start3A_265] : memref<10240x128xf32, #tpu.memory_space<vmem_shared>> -> memref<10240x128xf32, #tpu.memory_space<vmem_shared>>
        tpu.enqueue_indirect_dma source(%arg11 : memref<125x128xf32, #tpu.memory_space<vmem>>) target(%dma_start3A_266 : memref<10240x128xf32, #tpu.memory_space<vmem_shared>>) offsets(%dma_start3A_263 : memref<125xi32, #tpu.memory_space<vmem>>) semaphore(%run_scoped3A_260 : memref<!tpu.dma_semaphore, #tpu.memory_space<semaphore_mem>>) {add = true}
        %dma_wait3A_267 = arith.constant 0 : i32
        %dma_wait3A_268 = tpu.memref_slice %arg9[%add3A_215, %dma_wait3A_267] : memref<10x125xi32, #tpu.memory_space<vmem>> -> memref<1x125xi32, #tpu.memory_space<vmem>>
        %dma_wait3A_269 = tpu.memref_squeeze %dma_wait3A_268 : memref<1x125xi32, #tpu.memory_space<vmem>> -> memref<125xi32, #tpu.memory_space<vmem>>
        %dma_wait3A_270 = arith.constant 0 : i32
        %dma_wait3A_271 = arith.constant 0 : i32
        %dma_wait3A_272 = tpu.memref_slice %arg13[%dma_wait3A_270, %dma_wait3A_271] : memref<10240x128xf32, #tpu.memory_space<vmem_shared>> -> memref<10240x128xf32, #tpu.memory_space<vmem_shared>>
        tpu.wait_indirect_dma semaphore(%run_scoped3A_260 : memref<!tpu.dma_semaphore, #tpu.memory_space<semaphore_mem>>) src(%arg11 : memref<125x128xf32, #tpu.memory_space<vmem>>) dst(%dma_wait3A_272 : memref<10240x128xf32, #tpu.memory_space<vmem_shared>>)
        tpu.yield
      }) : () -> ()
    }
    %scan3A_165 = arith.constant 4 : i32
    %dma_start3A_166 = arith.constant 0 : i32
    %dma_start3A_167 = arith.constant 9 : i32
    %dma_start3A_168 = arith.constant 0 : i32
    %dma_start3A_169 = tpu.memref_slice %arg8[%dma_start3A_167, %dma_start3A_168] : memref<10x125xi32, #tpu.memory_space<vmem>> -> memref<1x125xi32, #tpu.memory_space<vmem>>
    %dma_start3A_170 = tpu.memref_squeeze %dma_start3A_169 : memref<1x125xi32, #tpu.memory_space<vmem>> -> memref<125xi32, #tpu.memory_space<vmem>>
    %dma_start3A_171 = arith.constant 0 : i32
    %dma_start3A_172 = arith.constant 0 : i32
    %dma_start3A_173 = tpu.memref_slice %arg2[%dma_start3A_166, %dma_start3A_171, %dma_start3A_172] : memref<1x10240x128xf32, #tpu.memory_space<hbm>> -> memref<1x10240x128xf32, #tpu.memory_space<hbm>>
    %dma_start3A_174 = tpu.memref_squeeze %dma_start3A_173 : memref<1x10240x128xf32, #tpu.memory_space<hbm>> -> memref<10240x128xf32, #tpu.memory_space<hbm>>
    %dma_start3A_175 = arith.constant 0 : i32
    %dma_start3A_176 = arith.constant 0 : i32
    %dma_start3A_177 = tpu.memref_slice %dma_start3A_174[%dma_start3A_175, %dma_start3A_176] : memref<10240x128xf32, #tpu.memory_space<hbm>> -> memref<10240x128xf32, #tpu.memory_space<hbm>>
    tpu.enqueue_indirect_dma source(%dma_start3A_177 : memref<10240x128xf32, #tpu.memory_space<hbm>>) target(%arg11 : memref<125x128xf32, #tpu.memory_space<vmem>>) offsets(%dma_start3A_170 : memref<125xi32, #tpu.memory_space<vmem>>) semaphore(%arg15 : memref<!tpu.dma_semaphore, #tpu.memory_space<semaphore_mem>>)
    %dma_wait3A_178 = arith.constant 0 : i32
    %dma_wait3A_179 = arith.constant 8 : i32
    %dma_wait3A_180 = arith.constant 0 : i32
    %dma_wait3A_181 = tpu.memref_slice %arg8[%dma_wait3A_179, %dma_wait3A_180] : memref<10x125xi32, #tpu.memory_space<vmem>> -> memref<1x125xi32, #tpu.memory_space<vmem>>
    %dma_wait3A_182 = tpu.memref_squeeze %dma_wait3A_181 : memref<1x125xi32, #tpu.memory_space<vmem>> -> memref<125xi32, #tpu.memory_space<vmem>>
    %dma_wait3A_183 = arith.constant 0 : i32
    %dma_wait3A_184 = arith.constant 0 : i32
    %dma_wait3A_185 = tpu.memref_slice %arg2[%dma_wait3A_178, %dma_wait3A_183, %dma_wait3A_184] : memref<1x10240x128xf32, #tpu.memory_space<hbm>> -> memref<1x10240x128xf32, #tpu.memory_space<hbm>>
    %dma_wait3A_186 = tpu.memref_squeeze %dma_wait3A_185 : memref<1x10240x128xf32, #tpu.memory_space<hbm>> -> memref<10240x128xf32, #tpu.memory_space<hbm>>
    %dma_wait3A_187 = arith.constant 0 : i32
    %dma_wait3A_188 = arith.constant 0 : i32
    %dma_wait3A_189 = tpu.memref_slice %dma_wait3A_186[%dma_wait3A_187, %dma_wait3A_188] : memref<10240x128xf32, #tpu.memory_space<hbm>> -> memref<10240x128xf32, #tpu.memory_space<hbm>>
    tpu.wait_indirect_dma semaphore(%arg14 : memref<!tpu.dma_semaphore, #tpu.memory_space<semaphore_mem>>) src(%dma_wait3A_189 : memref<10240x128xf32, #tpu.memory_space<hbm>>) dst(%arg10 : memref<125x128xf32, #tpu.memory_space<vmem>>)
    %run_scoped3A_190 = arith.constant 8 : i32
    "tpu.region"() ({
      %run_scoped3A_208 = tpu.sem_alloc : memref<!tpu.dma_semaphore, #tpu.memory_space<semaphore_mem>>
      %dma_start3A_209 = arith.constant 0 : i32
      %dma_start3A_210 = tpu.memref_slice %arg9[%run_scoped3A_190, %dma_start3A_209] : memref<10x125xi32, #tpu.memory_space<vmem>> -> memref<1x125xi32, #tpu.memory_space<vmem>>
      %dma_start3A_211 = tpu.memref_squeeze %dma_start3A_210 : memref<1x125xi32, #tpu.memory_space<vmem>> -> memref<125xi32, #tpu.memory_space<vmem>>
      %dma_start3A_212 = arith.constant 0 : i32
      %dma_start3A_213 = arith.constant 0 : i32
      %dma_start3A_214 = tpu.memref_slice %arg13[%dma_start3A_212, %dma_start3A_213] : memref<10240x128xf32, #tpu.memory_space<vmem_shared>> -> memref<10240x128xf32, #tpu.memory_space<vmem_shared>>
      tpu.enqueue_indirect_dma source(%arg10 : memref<125x128xf32, #tpu.memory_space<vmem>>) target(%dma_start3A_214 : memref<10240x128xf32, #tpu.memory_space<vmem_shared>>) offsets(%dma_start3A_211 : memref<125xi32, #tpu.memory_space<vmem>>) semaphore(%run_scoped3A_208 : memref<!tpu.dma_semaphore, #tpu.memory_space<semaphore_mem>>) {add = true}
      %dma_wait3A_215 = arith.constant 0 : i32
      %dma_wait3A_216 = tpu.memref_slice %arg9[%run_scoped3A_190, %dma_wait3A_215] : memref<10x125xi32, #tpu.memory_space<vmem>> -> memref<1x125xi32, #tpu.memory_space<vmem>>
      %dma_wait3A_217 = tpu.memref_squeeze %dma_wait3A_216 : memref<1x125xi32, #tpu.memory_space<vmem>> -> memref<125xi32, #tpu.memory_space<vmem>>
      %dma_wait3A_218 = arith.constant 0 : i32
      %dma_wait3A_219 = arith.constant 0 : i32
      %dma_wait3A_220 = tpu.memref_slice %arg13[%dma_wait3A_218, %dma_wait3A_219] : memref<10240x128xf32, #tpu.memory_space<vmem_shared>> -> memref<10240x128xf32, #tpu.memory_space<vmem_shared>>
      tpu.wait_indirect_dma semaphore(%run_scoped3A_208 : memref<!tpu.dma_semaphore, #tpu.memory_space<semaphore_mem>>) src(%arg10 : memref<125x128xf32, #tpu.memory_space<vmem>>) dst(%dma_wait3A_220 : memref<10240x128xf32, #tpu.memory_space<vmem_shared>>)
      tpu.yield
    }) : () -> ()
    %dma_wait3A_191 = arith.constant 0 : i32
    %dma_wait3A_192 = arith.constant 9 : i32
    %dma_wait3A_193 = arith.constant 0 : i32
    %dma_wait3A_194 = tpu.memref_slice %arg8[%dma_wait3A_192, %dma_wait3A_193] : memref<10x125xi32, #tpu.memory_space<vmem>> -> memref<1x125xi32, #tpu.memory_space<vmem>>
    %dma_wait3A_195 = tpu.memref_squeeze %dma_wait3A_194 : memref<1x125xi32, #tpu.memory_space<vmem>> -> memref<125xi32, #tpu.memory_space<vmem>>
    %dma_wait3A_196 = arith.constant 0 : i32
    %dma_wait3A_197 = arith.constant 0 : i32
    %dma_wait3A_198 = tpu.memref_slice %arg2[%dma_wait3A_191, %dma_wait3A_196, %dma_wait3A_197] : memref<1x10240x128xf32, #tpu.memory_space<hbm>> -> memref<1x10240x128xf32, #tpu.memory_space<hbm>>
    %dma_wait3A_199 = tpu.memref_squeeze %dma_wait3A_198 : memref<1x10240x128xf32, #tpu.memory_space<hbm>> -> memref<10240x128xf32, #tpu.memory_space<hbm>>
    %dma_wait3A_200 = arith.constant 0 : i32
    %dma_wait3A_201 = arith.constant 0 : i32
    %dma_wait3A_202 = tpu.memref_slice %dma_wait3A_199[%dma_wait3A_200, %dma_wait3A_201] : memref<10240x128xf32, #tpu.memory_space<hbm>> -> memref<10240x128xf32, #tpu.memory_space<hbm>>
    tpu.wait_indirect_dma semaphore(%arg15 : memref<!tpu.dma_semaphore, #tpu.memory_space<semaphore_mem>>) src(%dma_wait3A_202 : memref<10240x128xf32, #tpu.memory_space<hbm>>) dst(%arg11 : memref<125x128xf32, #tpu.memory_space<vmem>>)
    %run_scoped3A_203 = arith.constant 9 : i32
    "tpu.region"() ({
      %run_scoped3A_208 = tpu.sem_alloc : memref<!tpu.dma_semaphore, #tpu.memory_space<semaphore_mem>>
      %dma_start3A_209 = arith.constant 0 : i32
      %dma_start3A_210 = tpu.memref_slice %arg9[%run_scoped3A_203, %dma_start3A_209] : memref<10x125xi32, #tpu.memory_space<vmem>> -> memref<1x125xi32, #tpu.memory_space<vmem>>
      %dma_start3A_211 = tpu.memref_squeeze %dma_start3A_210 : memref<1x125xi32, #tpu.memory_space<vmem>> -> memref<125xi32, #tpu.memory_space<vmem>>
      %dma_start3A_212 = arith.constant 0 : i32
      %dma_start3A_213 = arith.constant 0 : i32
      %dma_start3A_214 = tpu.memref_slice %arg13[%dma_start3A_212, %dma_start3A_213] : memref<10240x128xf32, #tpu.memory_space<vmem_shared>> -> memref<10240x128xf32, #tpu.memory_space<vmem_shared>>
      tpu.enqueue_indirect_dma source(%arg11 : memref<125x128xf32, #tpu.memory_space<vmem>>) target(%dma_start3A_214 : memref<10240x128xf32, #tpu.memory_space<vmem_shared>>) offsets(%dma_start3A_211 : memref<125xi32, #tpu.memory_space<vmem>>) semaphore(%run_scoped3A_208 : memref<!tpu.dma_semaphore, #tpu.memory_space<semaphore_mem>>) {add = true}
      %dma_wait3A_215 = arith.constant 0 : i32
      %dma_wait3A_216 = tpu.memref_slice %arg9[%run_scoped3A_203, %dma_wait3A_215] : memref<10x125xi32, #tpu.memory_space<vmem>> -> memref<1x125xi32, #tpu.memory_space<vmem>>
      %dma_wait3A_217 = tpu.memref_squeeze %dma_wait3A_216 : memref<1x125xi32, #tpu.memory_space<vmem>> -> memref<125xi32, #tpu.memory_space<vmem>>
      %dma_wait3A_218 = arith.constant 0 : i32
      %dma_wait3A_219 = arith.constant 0 : i32
      %dma_wait3A_220 = tpu.memref_slice %arg13[%dma_wait3A_218, %dma_wait3A_219] : memref<10240x128xf32, #tpu.memory_space<vmem_shared>> -> memref<10240x128xf32, #tpu.memory_space<vmem_shared>>
      tpu.wait_indirect_dma semaphore(%run_scoped3A_208 : memref<!tpu.dma_semaphore, #tpu.memory_space<semaphore_mem>>) src(%arg11 : memref<125x128xf32, #tpu.memory_space<vmem>>) dst(%dma_wait3A_220 : memref<10240x128xf32, #tpu.memory_space<vmem_shared>>)
      tpu.yield
    }) : () -> ()
    %barrier3A_204 = arith.constant 0 : index
    tpu.barrier barrier_id(%barrier3A_204)
    %mul3A = arith.constant 640 : i32
    %mul3A_205 = arith.muli %arg1, %mul3A : i32
    %mul3A_206 = arith.constant 640 : i32
    %mul3A_207 = arith.muli %arg1, %mul3A_206 : i32
    "tpu.region"() ({
      %run_scoped3A_208 = tpu.sem_alloc : memref<!tpu.dma_semaphore, #tpu.memory_space<semaphore_mem>>
      %dma_start3A_209 = arith.constant 0 : i32
      %dma_start3A_210 = tpu.memref_slice %arg5[%arg0, %mul3A_207, %dma_start3A_209] : memref<2x10240x128xf32, #tpu.memory_space<hbm>> -> memref<1x640x128xf32, #tpu.memory_space<hbm>>
      %dma_start3A_211 = tpu.memref_squeeze %dma_start3A_210 : memref<1x640x128xf32, #tpu.memory_space<hbm>> -> memref<640x128xf32, #tpu.memory_space<hbm>>
      %dma_start3A_212 = arith.constant 0 : i32
      %dma_start3A_213 = tpu.memref_slice %arg13[%mul3A_205, %dma_start3A_212] : memref<10240x128xf32, #tpu.memory_space<vmem_shared>> -> memref<640x128xf32, #tpu.memory_space<vmem_shared>>
      tpu.enqueue_dma source(%dma_start3A_213 : memref<640x128xf32, #tpu.memory_space<vmem_shared>>) target(%dma_start3A_211 : memref<640x128xf32, #tpu.memory_space<hbm>>) target_semaphore(%run_scoped3A_208 : memref<!tpu.dma_semaphore, #tpu.memory_space<semaphore_mem>>)
      %dma_wait3A_214 = arith.constant 0 : i32
      %dma_wait3A_215 = tpu.memref_slice %arg5[%arg0, %mul3A_207, %dma_wait3A_214] : memref<2x10240x128xf32, #tpu.memory_space<hbm>> -> memref<1x640x128xf32, #tpu.memory_space<hbm>>
      %dma_wait3A_216 = tpu.memref_squeeze %dma_wait3A_215 : memref<1x640x128xf32, #tpu.memory_space<hbm>> -> memref<640x128xf32, #tpu.memory_space<hbm>>
      %dma_wait3A_217 = arith.constant 0 : i32
      %dma_wait3A_218 = tpu.memref_slice %arg13[%mul3A_205, %dma_wait3A_217] : memref<10240x128xf32, #tpu.memory_space<vmem_shared>> -> memref<640x128xf32, #tpu.memory_space<vmem_shared>>
      tpu.wait_dma2 semaphore(%run_scoped3A_208 : memref<!tpu.dma_semaphore, #tpu.memory_space<semaphore_mem>>) src(%dma_wait3A_218 : memref<640x128xf32, #tpu.memory_space<vmem_shared>>) dst(%dma_wait3A_216 : memref<640x128xf32, #tpu.memory_space<hbm>>)
      tpu.yield
    }) : () -> ()
    return
  }
}

module attributes {stable_mosaic.version = 14 : i64} {
  func.func @_tc1_body(%arg0: i32, %arg1: memref<1024x128xf32, #tpu.memory_space<vmem>>, %arg2: memref<128x256xf32, #tpu.memory_space<vmem>>, %arg3: memref<1024x2xf32, #tpu.memory_space<vmem>>, %arg4: memref<2x1024x128xf32, #tpu.memory_space<vmem>>) attributes {dimension_semantics = [#tpu.dimension_semantics<arbitrary>], iteration_bounds = array<i64: 10>, scalar_prefetch = 0 : i64, scratch_operands = 0 : i64, tpu.core_type = #tpu.core_type<tc>, window_params = [{transform_indices = @transform_0, window_bounds = array<i64: 1024, 128>}, {pipeline_mode = #tpu.pipeline_mode<synchronous>, transform_indices = @transform_1, window_bounds = array<i64: 128, 256>}, {transform_indices = @transform_2, window_bounds = array<i64: 1024, 2>}, {transform_indices = @transform_3, window_bounds = array<i64: 2, 1024, 128>}]} {
    %get3A = arith.constant 0 : index
    %get3A_0 = arith.constant 0 : index
    %get3A_1 = vector.load %arg3[%get3A, %get3A_0] : memref<1024x2xf32, #tpu.memory_space<vmem>>, vector<1024x2xf32>
    %reduce_sum3A = arith.constant dense<0.000000e+00> : vector<1024xf32>
    %reduce_sum3A_2 = vector.multi_reduction <add>, %get3A_1, %reduce_sum3A [1] : vector<1024x2xf32> to vector<1024xf32>
    %broadcast_in_dim3A = vector.shape_cast %reduce_sum3A_2 : vector<1024xf32> to vector<1024x1xf32>
    %add3A = arith.constant 1.000000e+00 : f32
    %add3A_3 = vector.broadcast %add3A : f32 to vector<1024x1xf32>
    %add3A_4 = arith.addf %broadcast_in_dim3A, %add3A_3 : vector<1024x1xf32>
    %rsqrt3A = math.rsqrt %add3A_4 : vector<1024x1xf32>
    %get3A_5 = arith.constant 0 : index
    %get3A_6 = arith.constant 0 : index
    %get3A_7 = vector.load %arg1[%get3A_5, %get3A_6] : memref<1024x128xf32, #tpu.memory_space<vmem>>, vector<1024x128xf32>
    %get3A_8 = arith.constant 0 : index
    %get3A_9 = arith.constant 0 : index
    %get3A_10 = vector.load %arg2[%get3A_8, %get3A_9] : memref<128x256xf32, #tpu.memory_space<vmem>>, vector<128x256xf32>
    %dot_general3A = arith.constant dense<0.000000e+00> : vector<1024x256xf32>
    %dot_general3A_11 = tpu.matmul %get3A_7, %get3A_10, %dot_general3A {dimension_numbers = #tpu.dot_dimension_numbers<[1], [0], [0], [1], [0, 0, 1, 1], [], []>, transpose_lhs_hint = false} : vector<1024x128xf32>, vector<128x256xf32>, vector<1024x256xf32> -> vector<1024x256xf32>
    %mul3A = vector.broadcast %rsqrt3A : vector<1024x1xf32> to vector<1024x256xf32>
    %mul3A_12 = arith.mulf %dot_general3A_11, %mul3A : vector<1024x256xf32>
    %slice3A = vector.extract_strided_slice %mul3A_12 {offsets = [0, 0], sizes = [1024, 128], strides = [1, 1]} : vector<1024x256xf32> to vector<1024x128xf32>
    %swap3A = arith.constant 0 : index
    %swap3A_13 = arith.constant 0 : index
    %swap3A_14 = arith.constant 0 : index
    %swap3A_15 = vector.load %arg4[%swap3A, %swap3A_13, %swap3A_14] : memref<2x1024x128xf32, #tpu.memory_space<vmem>>, vector<1x1024x128xf32>
    %swap3A_16 = vector.shape_cast %swap3A_15 : vector<1x1024x128xf32> to vector<1024x128xf32>
    %swap3A_17 = vector.shape_cast %slice3A : vector<1024x128xf32> to vector<1x1024x128xf32>
    tpu.vector_store %arg4[%swap3A, %swap3A_13, %swap3A_14], %swap3A_17 {strides = array<i32>} : memref<2x1024x128xf32, #tpu.memory_space<vmem>>, vector<1x1024x128xf32>,
    %slice3A_18 = vector.extract_strided_slice %mul3A_12 {offsets = [0, 128], sizes = [1024, 128], strides = [1, 1]} : vector<1024x256xf32> to vector<1024x128xf32>
    %swap3A_19 = arith.constant 1 : index
    %swap3A_20 = arith.constant 0 : index
    %swap3A_21 = arith.constant 0 : index
    %swap3A_22 = vector.load %arg4[%swap3A_19, %swap3A_20, %swap3A_21] : memref<2x1024x128xf32, #tpu.memory_space<vmem>>, vector<1x1024x128xf32>
    %swap3A_23 = vector.shape_cast %swap3A_22 : vector<1x1024x128xf32> to vector<1024x128xf32>
    %swap3A_24 = vector.shape_cast %slice3A_18 : vector<1024x128xf32> to vector<1x1024x128xf32>
    tpu.vector_store %arg4[%swap3A_19, %swap3A_20, %swap3A_21], %swap3A_24 {strides = array<i32>} : memref<2x1024x128xf32, #tpu.memory_space<vmem>>, vector<1x1024x128xf32>,
    return
  }
  func.func @transform_0(%arg0: i32) -> (i32, i32) {
    %c0_i32 = arith.constant 0 : i32
    %c0_i32_0 = arith.constant 0 : i32
    return %arg0, %c0_i32 : i32, i32
  }
  func.func @transform_1(%arg0: i32) -> (i32, i32) {
    %c0_i32 = arith.constant 0 : i32
    %c0_i32_0 = arith.constant 0 : i32
    %c0_i32_1 = arith.constant 0 : i32
    return %c0_i32, %c0_i32_0 : i32, i32
  }
  func.func @transform_2(%arg0: i32) -> (i32, i32) {
    %c0_i32 = arith.constant 0 : i32
    %c0_i32_0 = arith.constant 0 : i32
    return %arg0, %c0_i32 : i32, i32
  }
  func.func @transform_3(%arg0: i32) -> (i32, i32, i32) {
    %c0_i32 = arith.constant 0 : i32
    %c0_i32_0 = arith.constant 0 : i32
    %c0_i32_1 = arith.constant 0 : i32
    return %c0_i32, %arg0, %c0_i32_0 : i32, i32, i32
  }
}

module attributes {stable_mosaic.version = 14 : i64} {
  func.func @_tc2_body(%arg0: i32, %arg1: memref<2x1024x128xf32, #tpu.memory_space<vmem>>, %arg2: memref<2x1024x128xf32, #tpu.memory_space<vmem>>, %arg3: memref<1024x2xf32, #tpu.memory_space<vmem>>, %arg4: memref<256x128xf32, #tpu.memory_space<vmem>>, %arg5: memref<1x256xf32, #tpu.memory_space<vmem>>, %arg6: memref<1024x128xf32, #tpu.memory_space<vmem>>) attributes {dimension_semantics = [#tpu.dimension_semantics<arbitrary>], iteration_bounds = array<i64: 10>, scalar_prefetch = 0 : i64, scratch_operands = 0 : i64, tpu.core_type = #tpu.core_type<tc>, window_params = [{transform_indices = @transform_0, window_bounds = array<i64: 2, 1024, 128>}, {transform_indices = @transform_1, window_bounds = array<i64: 2, 1024, 128>}, {transform_indices = @transform_2, window_bounds = array<i64: 1024, 2>}, {pipeline_mode = #tpu.pipeline_mode<synchronous>, transform_indices = @transform_3, window_bounds = array<i64: 256, 128>}, {pipeline_mode = #tpu.pipeline_mode<synchronous>, transform_indices = @transform_4, window_bounds = array<i64: 1, 256>}, {transform_indices = @transform_5, window_bounds = array<i64: 1024, 128>}]} {
    %get3A = arith.constant 0 : index
    %get3A_0 = arith.constant 0 : index
    %get3A_1 = vector.load %arg3[%get3A, %get3A_0] : memref<1024x2xf32, #tpu.memory_space<vmem>>, vector<1024x2xf32>
    %reduce_sum3A = arith.constant dense<0.000000e+00> : vector<1024xf32>
    %reduce_sum3A_2 = vector.multi_reduction <add>, %get3A_1, %reduce_sum3A [1] : vector<1024x2xf32> to vector<1024xf32>
    %broadcast_in_dim3A = vector.shape_cast %reduce_sum3A_2 : vector<1024xf32> to vector<1024x1xf32>
    %add3A = arith.constant 1.000000e+00 : f32
    %add3A_3 = vector.broadcast %add3A : f32 to vector<1024x1xf32>
    %add3A_4 = arith.addf %broadcast_in_dim3A, %add3A_3 : vector<1024x1xf32>
    %rsqrt3A = math.rsqrt %add3A_4 : vector<1024x1xf32>
    %get3A_5 = arith.constant 0 : index
    %get3A_6 = arith.constant 0 : index
    %get3A_7 = arith.constant 0 : index
    %get3A_8 = vector.load %arg1[%get3A_5, %get3A_6, %get3A_7] : memref<2x1024x128xf32, #tpu.memory_space<vmem>>, vector<1x1024x128xf32>
    %get3A_9 = vector.shape_cast %get3A_8 : vector<1x1024x128xf32> to vector<1024x128xf32>
    %get3A_10 = arith.constant 0 : index
    %get3A_11 = arith.constant 0 : index
    %get3A_12 = arith.constant 0 : index
    %get3A_13 = vector.load %arg2[%get3A_10, %get3A_11, %get3A_12] : memref<2x1024x128xf32, #tpu.memory_space<vmem>>, vector<1x1024x128xf32>
    %get3A_14 = vector.shape_cast %get3A_13 : vector<1x1024x128xf32> to vector<1024x128xf32>
    %add3A_15 = arith.addf %get3A_9, %get3A_14 : vector<1024x128xf32>
    %get3A_16 = arith.constant 1 : index
    %get3A_17 = arith.constant 0 : index
    %get3A_18 = arith.constant 0 : index
    %get3A_19 = vector.load %arg1[%get3A_16, %get3A_17, %get3A_18] : memref<2x1024x128xf32, #tpu.memory_space<vmem>>, vector<1x1024x128xf32>
    %get3A_20 = vector.shape_cast %get3A_19 : vector<1x1024x128xf32> to vector<1024x128xf32>
    %get3A_21 = arith.constant 1 : index
    %get3A_22 = arith.constant 0 : index
    %get3A_23 = arith.constant 0 : index
    %get3A_24 = vector.load %arg2[%get3A_21, %get3A_22, %get3A_23] : memref<2x1024x128xf32, #tpu.memory_space<vmem>>, vector<1x1024x128xf32>
    %get3A_25 = vector.shape_cast %get3A_24 : vector<1x1024x128xf32> to vector<1024x128xf32>
    %add3A_26 = arith.addf %get3A_20, %get3A_25 : vector<1024x128xf32>
    %concatenate3A = tpu.concatenate %add3A_15, %add3A_26 in 1 : vector<1024x128xf32>, vector<1024x128xf32> -> vector<1024x256xf32>
    %mul3A = vector.broadcast %rsqrt3A : vector<1024x1xf32> to vector<1024x256xf32>
    %mul3A_27 = arith.mulf %concatenate3A, %mul3A : vector<1024x256xf32>
    %get3A_28 = arith.constant 0 : index
    %get3A_29 = arith.constant 0 : index
    %get3A_30 = vector.load %arg5[%get3A_28, %get3A_29] : memref<1x256xf32, #tpu.memory_space<vmem>>, vector<1x256xf32>
    %add3A_31 = vector.broadcast %get3A_30 : vector<1x256xf32> to vector<1024x256xf32>
    %add3A_32 = arith.addf %mul3A_27, %add3A_31 : vector<1024x256xf32>
    %max3A = arith.constant 0.000000e+00 : f32
    %max3A_33 = vector.broadcast %max3A : f32 to vector<1024x256xf32>
    %max3A_34 = arith.maximumf %add3A_32, %max3A_33 : vector<1024x256xf32>
    %get3A_35 = arith.constant 0 : index
    %get3A_36 = arith.constant 0 : index
    %get3A_37 = vector.load %arg4[%get3A_35, %get3A_36] : memref<256x128xf32, #tpu.memory_space<vmem>>, vector<256x128xf32>
    %dot_general3A = arith.constant dense<0.000000e+00> : vector<1024x128xf32>
    %dot_general3A_38 = tpu.matmul %max3A_34, %get3A_37, %dot_general3A {dimension_numbers = #tpu.dot_dimension_numbers<[1], [0], [0], [1], [0, 0, 1, 1], [], []>, transpose_lhs_hint = false} : vector<1024x256xf32>, vector<256x128xf32>, vector<1024x128xf32> -> vector<1024x128xf32>
    %mul3A_39 = vector.broadcast %rsqrt3A : vector<1024x1xf32> to vector<1024x128xf32>
    %mul3A_40 = arith.mulf %dot_general3A_38, %mul3A_39 : vector<1024x128xf32>
    %swap3A = arith.constant 0 : index
    %swap3A_41 = arith.constant 0 : index
    %swap3A_42 = vector.load %arg6[%swap3A, %swap3A_41] : memref<1024x128xf32, #tpu.memory_space<vmem>>, vector<1024x128xf32>
    tpu.vector_store %arg6[%swap3A, %swap3A_41], %mul3A_40 {strides = array<i32>} : memref<1024x128xf32, #tpu.memory_space<vmem>>, vector<1024x128xf32>,
    return
  }
  func.func @transform_0(%arg0: i32) -> (i32, i32, i32) {
    %c0_i32 = arith.constant 0 : i32
    %c0_i32_0 = arith.constant 0 : i32
    %c0_i32_1 = arith.constant 0 : i32
    return %c0_i32, %arg0, %c0_i32_0 : i32, i32, i32
  }
  func.func @transform_1(%arg0: i32) -> (i32, i32, i32) {
    %c0_i32 = arith.constant 0 : i32
    %c0_i32_0 = arith.constant 0 : i32
    %c0_i32_1 = arith.constant 0 : i32
    return %c0_i32, %arg0, %c0_i32_0 : i32, i32, i32
  }
  func.func @transform_2(%arg0: i32) -> (i32, i32) {
    %c0_i32 = arith.constant 0 : i32
    %c0_i32_0 = arith.constant 0 : i32
    return %arg0, %c0_i32 : i32, i32
  }
  func.func @transform_3(%arg0: i32) -> (i32, i32) {
    %c0_i32 = arith.constant 0 : i32
    %c0_i32_0 = arith.constant 0 : i32
    %c0_i32_1 = arith.constant 0 : i32
    return %c0_i32, %c0_i32_0 : i32, i32
  }
  func.func @transform_4(%arg0: i32) -> (i32, i32) {
    %c0_i32 = arith.constant 0 : i32
    %c0_i32_0 = arith.constant 0 : i32
    %c0_i32_1 = arith.constant 0 : i32
    return %c0_i32, %c0_i32_0 : i32, i32
  }
  func.func @transform_5(%arg0: i32) -> (i32, i32) {
    %c0_i32 = arith.constant 0 : i32
    %c0_i32_0 = arith.constant 0 : i32
    return %arg0, %c0_i32 : i32, i32
  }
}

module attributes {stable_mosaic.version = 14 : i64} {
  func.func @_tc3_body(%arg0: i32, %arg1: memref<2x1024x128xf32, #tpu.memory_space<vmem>>, %arg2: memref<1024x128xf32, #tpu.memory_space<vmem>>, %arg3: memref<1024x2xf32, #tpu.memory_space<vmem>>, %arg4: memref<1x128xf32, #tpu.memory_space<vmem>>, %arg5: memref<128x10xf32, #tpu.memory_space<vmem>>, %arg6: memref<1x10xf32, #tpu.memory_space<vmem>>, %arg7: memref<1024x10xf32, #tpu.memory_space<vmem>>) attributes {dimension_semantics = [#tpu.dimension_semantics<arbitrary>], iteration_bounds = array<i64: 10>, scalar_prefetch = 0 : i64, scratch_operands = 0 : i64, tpu.core_type = #tpu.core_type<tc>, window_params = [{transform_indices = @transform_0, window_bounds = array<i64: 2, 1024, 128>}, {transform_indices = @transform_1, window_bounds = array<i64: 1024, 128>}, {transform_indices = @transform_2, window_bounds = array<i64: 1024, 2>}, {pipeline_mode = #tpu.pipeline_mode<synchronous>, transform_indices = @transform_3, window_bounds = array<i64: 1, 128>}, {pipeline_mode = #tpu.pipeline_mode<synchronous>, transform_indices = @transform_4, window_bounds = array<i64: 128, 10>}, {pipeline_mode = #tpu.pipeline_mode<synchronous>, transform_indices = @transform_5, window_bounds = array<i64: 1, 10>}, {transform_indices = @transform_6, window_bounds = array<i64: 1024, 10>}]} {
    %get3A = arith.constant 0 : index
    %get3A_0 = arith.constant 0 : index
    %get3A_1 = vector.load %arg3[%get3A, %get3A_0] : memref<1024x2xf32, #tpu.memory_space<vmem>>, vector<1024x2xf32>
    %reduce_sum3A = arith.constant dense<0.000000e+00> : vector<1024xf32>
    %reduce_sum3A_2 = vector.multi_reduction <add>, %get3A_1, %reduce_sum3A [1] : vector<1024x2xf32> to vector<1024xf32>
    %broadcast_in_dim3A = vector.shape_cast %reduce_sum3A_2 : vector<1024xf32> to vector<1024x1xf32>
    %add3A = arith.constant 1.000000e+00 : f32
    %add3A_3 = vector.broadcast %add3A : f32 to vector<1024x1xf32>
    %add3A_4 = arith.addf %broadcast_in_dim3A, %add3A_3 : vector<1024x1xf32>
    %rsqrt3A = math.rsqrt %add3A_4 : vector<1024x1xf32>
    %get3A_5 = arith.constant 0 : index
    %get3A_6 = arith.constant 0 : index
    %get3A_7 = arith.constant 0 : index
    %get3A_8 = vector.load %arg1[%get3A_5, %get3A_6, %get3A_7] : memref<2x1024x128xf32, #tpu.memory_space<vmem>>, vector<1x1024x128xf32>
    %get3A_9 = vector.shape_cast %get3A_8 : vector<1x1024x128xf32> to vector<1024x128xf32>
    %get3A_10 = arith.constant 1 : index
    %get3A_11 = arith.constant 0 : index
    %get3A_12 = arith.constant 0 : index
    %get3A_13 = vector.load %arg1[%get3A_10, %get3A_11, %get3A_12] : memref<2x1024x128xf32, #tpu.memory_space<vmem>>, vector<1x1024x128xf32>
    %get3A_14 = vector.shape_cast %get3A_13 : vector<1x1024x128xf32> to vector<1024x128xf32>
    %add3A_15 = arith.addf %get3A_9, %get3A_14 : vector<1024x128xf32>
    %get3A_16 = arith.constant 0 : index
    %get3A_17 = arith.constant 0 : index
    %get3A_18 = vector.load %arg2[%get3A_16, %get3A_17] : memref<1024x128xf32, #tpu.memory_space<vmem>>, vector<1024x128xf32>
    %add3A_19 = arith.addf %add3A_15, %get3A_18 : vector<1024x128xf32>
    %mul3A = vector.broadcast %rsqrt3A : vector<1024x1xf32> to vector<1024x128xf32>
    %mul3A_20 = arith.mulf %add3A_19, %mul3A : vector<1024x128xf32>
    %get3A_21 = arith.constant 0 : index
    %get3A_22 = arith.constant 0 : index
    %get3A_23 = vector.load %arg4[%get3A_21, %get3A_22] : memref<1x128xf32, #tpu.memory_space<vmem>>, vector<1x128xf32>
    %add3A_24 = vector.broadcast %get3A_23 : vector<1x128xf32> to vector<1024x128xf32>
    %add3A_25 = arith.addf %mul3A_20, %add3A_24 : vector<1024x128xf32>
    %max3A = arith.constant 0.000000e+00 : f32
    %max3A_26 = vector.broadcast %max3A : f32 to vector<1024x128xf32>
    %max3A_27 = arith.maximumf %add3A_25, %max3A_26 : vector<1024x128xf32>
    %get3A_28 = arith.constant 0 : index
    %get3A_29 = arith.constant 0 : index
    %get3A_30 = vector.load %arg5[%get3A_28, %get3A_29] : memref<128x10xf32, #tpu.memory_space<vmem>>, vector<128x10xf32>
    %dot_general3A = arith.constant dense<0.000000e+00> : vector<1024x10xf32>
    %dot_general3A_31 = tpu.matmul %max3A_27, %get3A_30, %dot_general3A {dimension_numbers = #tpu.dot_dimension_numbers<[1], [0], [0], [1], [0, 0, 1, 1], [], []>, transpose_lhs_hint = false} : vector<1024x128xf32>, vector<128x10xf32>, vector<1024x10xf32> -> vector<1024x10xf32>
    %get3A_32 = arith.constant 0 : index
    %get3A_33 = arith.constant 0 : index
    %get3A_34 = vector.load %arg6[%get3A_32, %get3A_33] : memref<1x10xf32, #tpu.memory_space<vmem>>, vector<1x10xf32>
    %add3A_35 = vector.broadcast %get3A_34 : vector<1x10xf32> to vector<1024x10xf32>
    %add3A_36 = arith.addf %dot_general3A_31, %add3A_35 : vector<1024x10xf32>
    %reduce_max3A = arith.constant dense<0xFF800000> : vector<1024xf32>
    %reduce_max3A_37 = vector.multi_reduction <maximumf>, %add3A_36, %reduce_max3A [1] : vector<1024x10xf32> to vector<1024xf32>
    %broadcast_in_dim3A_38 = vector.shape_cast %reduce_max3A_37 : vector<1024xf32> to vector<1024x1xf32>
    %sub3A = vector.broadcast %broadcast_in_dim3A_38 : vector<1024x1xf32> to vector<1024x10xf32>
    %sub3A_39 = arith.subf %add3A_36, %sub3A : vector<1024x10xf32>
    %exp3A = math.exp %sub3A_39 : vector<1024x10xf32>
    %reduce_sum3A_40 = arith.constant dense<0.000000e+00> : vector<1024xf32>
    %reduce_sum3A_41 = vector.multi_reduction <add>, %exp3A, %reduce_sum3A_40 [1] : vector<1024x10xf32> to vector<1024xf32>
    %broadcast_in_dim3A_42 = vector.shape_cast %reduce_sum3A_41 : vector<1024xf32> to vector<1024x1xf32>
    %log3A = math.log %broadcast_in_dim3A_42 : vector<1024x1xf32>
    %sub3A_43 = vector.broadcast %broadcast_in_dim3A_38 : vector<1024x1xf32> to vector<1024x10xf32>
    %sub3A_44 = arith.subf %add3A_36, %sub3A_43 : vector<1024x10xf32>
    %sub3A_45 = vector.broadcast %log3A : vector<1024x1xf32> to vector<1024x10xf32>
    %sub3A_46 = arith.subf %sub3A_44, %sub3A_45 : vector<1024x10xf32>
    %swap3A = arith.constant 0 : index
    %swap3A_47 = arith.constant 0 : index
    %swap3A_48 = vector.load %arg7[%swap3A, %swap3A_47] : memref<1024x10xf32, #tpu.memory_space<vmem>>, vector<1024x10xf32>
    tpu.vector_store %arg7[%swap3A, %swap3A_47], %sub3A_46 {strides = array<i32>} : memref<1024x10xf32, #tpu.memory_space<vmem>>, vector<1024x10xf32>,
    return
  }
  func.func @transform_0(%arg0: i32) -> (i32, i32, i32) {
    %c0_i32 = arith.constant 0 : i32
    %c0_i32_0 = arith.constant 0 : i32
    %c0_i32_1 = arith.constant 0 : i32
    return %c0_i32, %arg0, %c0_i32_0 : i32, i32, i32
  }
  func.func @transform_1(%arg0: i32) -> (i32, i32) {
    %c0_i32 = arith.constant 0 : i32
    %c0_i32_0 = arith.constant 0 : i32
    return %arg0, %c0_i32 : i32, i32
  }
  func.func @transform_2(%arg0: i32) -> (i32, i32) {
    %c0_i32 = arith.constant 0 : i32
    %c0_i32_0 = arith.constant 0 : i32
    return %arg0, %c0_i32 : i32, i32
  }
  func.func @transform_3(%arg0: i32) -> (i32, i32) {
    %c0_i32 = arith.constant 0 : i32
    %c0_i32_0 = arith.constant 0 : i32
    %c0_i32_1 = arith.constant 0 : i32
    return %c0_i32, %c0_i32_0 : i32, i32
  }
  func.func @transform_4(%arg0: i32) -> (i32, i32) {
    %c0_i32 = arith.constant 0 : i32
    %c0_i32_0 = arith.constant 0 : i32
    %c0_i32_1 = arith.constant 0 : i32
    return %c0_i32, %c0_i32_0 : i32, i32
  }
  func.func @transform_5(%arg0: i32) -> (i32, i32) {
    %c0_i32 = arith.constant 0 : i32
    %c0_i32_0 = arith.constant 0 : i32
    %c0_i32_1 = arith.constant 0 : i32
    return %c0_i32, %c0_i32_0 : i32, i32
  }
  func.func @transform_6(%arg0: i32) -> (i32, i32) {
    %c0_i32 = arith.constant 0 : i32
    %c0_i32_0 = arith.constant 0 : i32
    return %arg0, %c0_i32 : i32, i32
  }
}

</mosaic_0001>

<sc_bundles>
// kernel: kernel.11.cloned.1.call-start
scs
__scs_entry_jumppad:
0x0: {  	(pc) =	sbr.rel $0x88, $3  }
0x1: {  	(tag) =	ssettag $0x0;
	lr =	simm.s32 $0x1  }
0x2: {  	[smem:$0x3F99] =	sst lr;
	_ =	strace $0xD0000000  }
0x3: {  	_ = 	snop  }
0x4: {  	_ = 	snop  }
0x5: {  	_ = 	snop  }
0x6: {  	_ = 	snop  }
0x7: {  	_ = 	snop  }
__scs_overlays_trampoline_lowered:
0x8: {  	[smem:$0x3FA8] =	sst s0  }
0x9: {  	[smem:$0x3FA9] =	sst s1  }
0xa: {  	[smem:$0x3FAA] =	sst s2  }
0xb: {  	[smem:$0x3FAB] =	sst s3  }
0xc: {  	[smem:$0x3FAC] =	sst s4  }
0xd: {  	[smem:$0x3FAD] =	sst s5  }
0xe: {  	[smem:$0x3FAE] =	sst s6  }
0xf: {  	[smem:$0x3FAF] =	sst s7  }
0x10: {  	[smem:$0x3FB0] =	sst s8  }
0x11: {  	[smem:$0x3FB1] =	sst s9;
	s0 =	simm.s32 @!p0 $0x0  }
0x12: {  	s1 =	sld [smem:$0x3F97];
	s0 =	simm.s32 @p0 $0x1  }
0x13: {  	[smem:$0x3FB2] =	sst s0;
	s0 =	simm.s32 @!p1 $0x0  }
0x14: {  	s2 =	sld [smem:$0x3F96];
	s0 =	simm.s32 @p1 $0x1  }
0x15: {  	[smem:$0x3FB3] =	sst s0;
	s0 =	simm.s32 @!p2 $0x0  }
0x16: {  	s3 =	sld [smem:$0x3FDB];
	s0 =	simm.s32 @p2 $0x1  }
0x17: {  	s4 =	simm.s32 $0x1BF5;
	[smem:$0x3FB5] =	sst s0  }
0x18: {  	s0 =	sld [smem:$0x3F98];
	_ =	swait.ge [sflag:s4], $0x0  }
0x19: {  	s7 =	sld [smem:$0x3F99]  }
0x1a: {  	s8 =	sadd.s32 $0xFFFFE003, lr  }
0x1b: {  	s9 =	sadd.s32 $0xFFFFFEF7, lr;
	s5 =	simm.s32 $0xFFFFFFFF;
	p2 =	slt.u32 s8, $0xFFFFF086  }
0x1c: {  	p1 =	slt.u32 s9, $0xF7A;
	s5 =	simm.s32 @!p2 $0x0  }
0x1d: {  	s5 =	simm.s32 @p1 $0x1;
	p0 =	seq.s32 s7, s2  }
0x1e: {  	s7 =	smul.u32 @!p0 $0xF7A, s2;
	p2 =	seq.s32 @!p0 s5, $0x0  }
0x1f: {  	s9 =	smul.u32 $0xF7A, s1;
	s8 =	simm.s32 @!p0 $0x1BF5;
	p2 =	por !p2, p0  }
0x20: {  	[sflag:s8] =	ssyncset.s32 @!p0 $0xFFFFF086;
	s6 =	sadd.s32 @!p0 s3, s7;
	s7 =	simm.s32 @!p0 $0x108  }
0x21: {  	s3 =	sadd.s32 s3, s9;
	s6 =	sadd.s32 @!p0 $0x88, s6;
	s7 =	simm.s32 @p2 $0x1082  }
0x22: {  	[simem:s7], [sflag:s8] =	dma.local @!p0 [hbm:s6], $0xF7A  }
0x23: {  	s9 =	sor.u32 $0xD0000000, s2;
	s6 =	simm.s32 $0x108;
	_ =	swait.ge @!p0 [sflag:s8], $0x0  }
0x24: {  	s3 =	sadd.s32 $0x88, s3;
	s6 =	simm.s32 @!p1 $0x1082;
	[sflag:s4] =	ssyncset.s32 $0xFFFFF086  }
0x25: {  	[simem:s6], [sflag:s4] =	dma.local [hbm:s3], $0xF7A  }
0x26: {  	[smem:$0x3F99] =	sst s1;
	(tag) =	ssettag s2;
	_ =	strace s9  }
0x27: {  	s1 =	sld [smem:$0x3FA9]  }
0x28: {  	s2 =	sld [smem:$0x3FAA]  }
0x29: {  	s4 =	sld [smem:$0x3FAC]  }
0x2a: {  	p0 =	seq.s32 s5, $0x0;
	s5 =	sld [smem:$0x3FAD]  }
0x2b: {  	s6 =	sld [smem:$0x3FAE]  }
0x2c: {  	s7 =	sld [smem:$0x3FAF]  }
0x2d: {  	s3 =	simm.s32 $0x108;
	s8 =	sld [smem:$0x3FB0]  }
0x2e: {  	s3 =	simm.s32 @!p0 $0x1082;
	s9 =	sld [smem:$0x3FB1]  }
0x2f: {  	lr =	sadd.s32 s0, s3;
	s0 =	sld [smem:$0x3FA8]  }
0x30: {  	s3 =	sld [smem:$0x3FAB]  }
0x31: {  	[smem:$0x3FB4] =	sst s10  }
0x32: {  	s10 =	sld [smem:$0x3FB2];
	_ =	sdelay $0x3  }
0x33: {  	p0 =	seq.s32 s10, $0x1;
	s10 =	sld [smem:$0x3FB4];
	_ =	sdelay $0x3  }
0x34: {  	[smem:$0x3FB4] =	sst s10  }
0x35: {  	s10 =	sld [smem:$0x3FB3];
	_ =	sdelay $0x3  }
0x36: {  	p1 =	seq.s32 s10, $0x1;
	s10 =	sld [smem:$0x3FB4];
	_ =	sdelay $0x3  }
0x37: {  	[smem:$0x3FB4] =	sst s10  }
0x38: {  	s10 =	sld [smem:$0x3FB5]  }
0x39: {  	_ = 	snop;
	(pc) =	sbr.ind lr, $3  }
0x3a: {  	_ = 	snop  }
0x3b: {  	_ = 	snop  }
0x3c: {  	p2 =	seq.s32 s10, $0x1;
	s10 =	sld [smem:$0x3FB4]  }
0x3d: {  	_ =	shalt  }
0x3e: {  	_ =	shalt  }
0x3f: {  	_ =	shalt  }
0x40: {  	_ =	shalt  }
0x41: {  	_ =	shalt  }
0x42: {  	_ =	shalt  }
0x43: {  	_ =	shalt  }
0x44: {  	_ =	shalt  }
0x45: {  	_ =	shalt  }
0x46: {  	_ =	shalt  }
0x47: {  	_ =	shalt  }
0x48: {  	_ =	shalt  }
0x49: {  	_ =	shalt  }
0x4a: {  	_ =	shalt  }
0x4b: {  	_ =	shalt  }
0x4c: {  	_ =	shalt  }
0x4d: {  	_ =	shalt  }
0x4e: {  	_ =	shalt  }
0x4f: {  	_ =	shalt  }
0x50: {  	_ =	shalt  }
0x51: {  	_ =	shalt  }
0x52: {  	_ =	shalt  }
0x53: {  	_ =	shalt  }
0x54: {  	_ =	shalt  }
0x55: {  	_ =	shalt  }
0x56: {  	_ =	shalt  }
0x57: {  	_ =	shalt  }
0x58: {  	_ =	shalt  }
0x59: {  	_ =	shalt  }
0x5a: {  	_ =	shalt  }
0x5b: {  	_ =	shalt  }
0x5c: {  	_ =	shalt  }
0x5d: {  	_ =	shalt  }
0x5e: {  	_ =	shalt  }
0x5f: {  	_ =	shalt  }
0x60: {  	_ =	shalt  }
0x61: {  	_ =	shalt  }
0x62: {  	_ =	shalt  }
0x63: {  	_ =	shalt  }
0x64: {  	_ =	shalt  }
0x65: {  	_ =	shalt  }
0x66: {  	_ =	shalt  }
0x67: {  	_ =	shalt  }
0x68: {  	_ =	shalt  }
0x69: {  	_ =	shalt  }
0x6a: {  	_ =	shalt  }
0x6b: {  	_ =	shalt  }
0x6c: {  	_ =	shalt  }
0x6d: {  	_ =	shalt  }
0x6e: {  	_ =	shalt  }
0x6f: {  	_ =	shalt  }
0x70: {  	_ =	shalt  }
0x71: {  	_ =	shalt  }
0x72: {  	_ =	shalt  }
0x73: {  	_ =	shalt  }
0x74: {  	_ =	shalt  }
0x75: {  	_ =	shalt  }
0x76: {  	_ =	shalt  }
0x77: {  	_ =	shalt  }
0x78: {  	_ =	shalt  }
0x79: {  	_ =	shalt  }
0x7a: {  	_ =	shalt  }
0x7b: {  	_ =	shalt  }
0x7c: {  	_ =	shalt  }
0x7d: {  	_ =	shalt  }
0x7e: {  	_ =	shalt  }
0x7f: {  	_ =	shalt  }
0x80: {  	_ =	shalt  }
0x81: {  	_ =	shalt  }
0x82: {  	_ =	shalt  }
0x83: {  	_ =	shalt  }
0x84: {  	_ =	shalt  }
0x85: {  	_ =	shalt  }
0x86: {  	_ =	shalt  }
0x87: {  	_ =	shalt  }
.Lfunc_end0:
.L_simem_size_0:
called_computation.1_lowered:
.L_overlay_start_0:
0x88: {  	s2 =	sld [smem:$0x3FD9]  }
0x89: {  	s3 =	sld [smem:$0x3FFE];
	_ =	sdelay $0x1  }
0x8a: {  	s1 =	srdreg.scid  }
0x8b: {  	s0 =	sand.u32 $0x1, s1  }
0x8c: {  	s16 =	sshll.u32 s0, $0xA;
	s2 =	sadd.s32 s3, s2  }
0x8d: {  	s2 =	sadd.s32 s2, s16  }
0x8e: {  	[smem:$0x3FC0] =	sst s2  }
0x8f: {  	_ = 	snop  }
0x90: {  	(tm) =	ssettm $0x1  }
0x91: {  	s17 =	sld [smem:$0x3FFB];
	_ =	sdelay $0x3  }
0x92: {  	_ =	strace s17  }
0x93: {  	s2 =	sld [smem:$0x3FFC];
	_ =	sdelay $0x3  }
0x94: {  	_ =	strace s2  }
0x95: {  	s2 =	sld [smem:$0x3FFD];
	_ =	sdelay $0x3  }
0x96: {  	_ =	strace s2  }
0x97: {  	_ =	strace $0x8FFFFFFF  }
0x98: {  	s18 =	sld [smem:$0x3FDB];
	_ =	sdelay $0x1  }
0x99: {  	s19 =	simm.s32 $_scs_section_size  }
0x9a: {  	s4 =	simm.s32 $_size__tile_overlayer_lowered;
	s5 =	simm.s32 $_tile_overlayer_lowered  }
0x9b: {  	s22 =	simm.s32 $0x1BFF;
	s21 =	sshll.u32 s5, $0x1;
	s2 =	sadd.s32 s19, s18  }
0x9c: {  	s6 =	simm.s32 $0x0;
	s20 =	sshll.u32 s4, $0x1;
	s4 =	sadd.s32 s21, s2  }
0x9d: {  	[timem:s6], [sflag:s22] =	dma.local [hbm:s4], s20  }
0x9e: {  	_ =	swait.ge [sflag:s22], s20  }
0x9f: {  	s3 =	ssub.s32 $0x0, s20;
	[sflag:s22] =	ssyncset.done $0x0  }
0xa0: {  	[sflag:s22] =	ssyncadd.s32 s3;
	_ =	sdelay $0x1  }
0xa1: {  	s23 =	simm.s32 $0x1B8B  }
0xa2: {  	_ =	swait.ge [sflag:s23], $0x1  }
0xa3: {  	[sflag:s23] =	ssyncset.done $0x0  }
0xa4: {  	s25 =	simm.s32 $0x1B8E;
	s24 =	sld [smem:$0x3FFE];
	[sflag:s23] =	ssyncadd.s32 $0xFFFFFFFF  }
0xa5: {  	s26 =	simm.s32 $execute0_lowered;
	[smem:$0x3FD2] =	sst s25  }
0xa6: {  	s4 =	sshll.u32 s26, $0x1;
	_ =	strace $0x80000049;
	[dreg:$0x1] =	wrdreg $0xFFFFFFFF  }
0xa7: {  	s28 =	simm.s32 $_size_execute0_lowered;
	s2 =	sadd.s32 s2, s4;
	[dreg:$0x0] =	wrdreg $0x0  }
0xa8: {  	s4 =	sshll.u32 s28, $0x1;
	[dreg:$0x2] =	wrdreg s2  }
0xa9: {  	[dreg:$0x3] =	wrdreg s4  }
0xaa: {  	[dreg:$0x4] =	wrdreg $0xC0  }
0xab: {  	_ =	task [dreg:s6], $0x5FFFF  }
0xac: {  	[dreg:$0x1] =	wrdreg $0xFFFFFFFF  }
0xad: {  	[dreg:$0x0] =	wrdreg $0x60  }
0xae: {  	[dreg:$0x2] =	wrdreg s24  }
0xaf: {  	[dreg:$0x3] =	wrdreg $0xB0000  }
0xb0: {  	[dreg:$0x4] =	wrdreg $0x9  }
0xb1: {  	_ =	task.clear_ibuf [dreg:s6], $0x5FFFF;
	_ =	strace $0x90000049  }
0xb2: {  	s29 =	simm.s32 $0x9;
	_ =	strace $0x8000004B  }
0xb3: {  	_ =	swait.ge [sflag:s29], $0x1  }
0xb4: {  	[sflag:s29] =	ssyncadd.s32 $0xFFFFFFFF  }
0xb5: {  	_ =	strace $0x9000004B  }
0xb6: {  	_ =	sfence  }
0xb7: {  	s30 =	sld [smem:$0x0];
	_ =	sdelay $0x2  }
0xb8: {  	s31 =	sshll.u32 s1, $0xD;
	s1 =	sshrl.u32 s1, $0x2  }
0xb9: {  	s3 =	sand.u32 $0x4000, s31;
	s1 =	sadd.s32 s1, s30  }
0xba: {  	s0 =	sor.u32 s3, s0;
	s1 =	sshll.u32 s1, $0x11  }
0xbb: {  	s0 =	sor.u32 s1, s0  }
0xbc: {  	s0 =	sadd.s32 $0x8F2B, s0  }
0xbd: {  	[sflag:s0] =	ssyncadd.remote.s32 $0x1  }
0xbe: {  	_ =	sfence.sel $0xFFFF  }
0xbf: {  	[dreg:$0x0] =	wrdreg $0xFFFFFFFF;
	(pc) =	sbr.abs _section_cstart, $3  }
0xc0: {  	[dreg:$0x1] =	wrdreg $0xFFFFFFFF  }
0xc1: {  	_ =	task.clear_ibuf [dreg:s6], $0x2FFFF;
	_ =	strace $0x9FFFFFFF  }
0xc2: {  	(tm) =	ssettm $0x7FFFFFFF  }
0xc3: {  	_ =	shalt  }
tec
execute0_lowered:
.L_overlay_start_1:
0x0: {  	(tag) =	ssettag $0x1  }
0x1: {  	s0 =	srdreg.scid  }
0x2: {  	s1 =	rddreg [dreg:$0x0];
	s10 =	stileid.u32  }
0x3: {  	s2 =	rddreg [dreg:$0x1];
	s3 =	simm.s32 $0x0;
	s6 =	smul.u32 $0x14000, s10  }
0x4: {  	s0 =	sand.u32 $0x1, s0;
	[smem:$0x7FF] =	sst s3;
	s28 =	smul.u32 $0x50000, s10  }
0x5: {  	s8 =	sadd.s32 $0x1C400, s1;
	s9 =	sadd.s32 $0xC400, s1;
	s4 =	smul.u32 $0x140000, s0  }
0x6: {  	s30 =	sshll.u32 s10, $0xC;
	_ =	strace $0x8000004A;
	s0 =	ssub.s32 $0x2, s0  }
0x7: {  	s24 =	sadd.s32 s8, s30;
	s31 =	sshrl.u32 s28, $0x2;
	s5 =	sshrl.u32 s4, $0x3  }
0x8: {  	s4 =	sadd.s32 s6, s4;
	s23 =	sadd.s32 s31, s2;
	s6 =	sor.u32 $0xF00, s30  }
0x9: {  	s7 =	sadd.s32 s5, s1;
	s5 =	sadd.s32 s9, s30;
	[dreg:$0x3] =	wrdreg s23  }
0xa: {  	s29 =	sshrl.u32 s0, $0x1;
	s8 =	sadd.s32 s8, s6;
	[dreg:$0x1c] =	wrdreg s5  }
0xb: {  	s0 =	ssub.s32 s0, s29;
	s6 =	sadd.s32 s9, s6;
	[dreg:$0x4] =	wrdreg s8  }
0xc: {  	s0 =	smax.u32 s0, $0x1;
	[dreg:$0x5] =	wrdreg s6  }
0xd: {  	s10 =	sadd.s32 $0x1000, s23;
	[dreg:$0x7] =	wrdreg s0  }
0xe: {  	s11 =	sadd.s32 $0x2000, s23;
	[dreg:$0x8] =	wrdreg s10  }
0xf: {  	s12 =	sadd.s32 $0x3000, s23;
	[dreg:$0x9] =	wrdreg s11  }
0x10: {  	s13 =	sadd.s32 $0x4000, s23;
	[dreg:$0xa] =	wrdreg s12  }
0x11: {  	s14 =	sadd.s32 $0x5000, s23;
	[dreg:$0xb] =	wrdreg s13  }
0x12: {  	s15 =	sadd.s32 $0x6000, s23;
	[dreg:$0xc] =	wrdreg s14  }
0x13: {  	s16 =	sadd.s32 $0x7000, s23;
	[dreg:$0xd] =	wrdreg s15  }
0x14: {  	s17 =	sadd.s32 $0x8000, s23;
	[dreg:$0xe] =	wrdreg s16  }
0x15: {  	s18 =	sadd.s32 $0x9000, s23;
	[dreg:$0xf] =	wrdreg s17  }
0x16: {  	s19 =	sadd.s32 $0xA000, s23;
	[dreg:$0x10] =	wrdreg s18  }
0x17: {  	s20 =	sadd.s32 $0xB000, s23;
	[dreg:$0x11] =	wrdreg s19  }
0x18: {  	s21 =	sadd.s32 $0xC000, s23;
	[dreg:$0x12] =	wrdreg s20  }
0x19: {  	s22 =	sadd.s32 $0xD000, s23;
	[dreg:$0x13] =	wrdreg s21  }
0x1a: {  	s25 =	sadd.s32 $0xE000, s23;
	[dreg:$0x14] =	wrdreg s22  }
0x1b: {  	s26 =	sadd.s32 $0xF000, s23;
	[dreg:$0x15] =	wrdreg s25  }
0x1c: {  	s4 =	sshrl.u32 s4, $0x3;
	s28 =	sadd.s32 $0x10000, s23;
	[dreg:$0x16] =	wrdreg s26  }
0x1d: {  	s29 =	sadd.s32 $0x11000, s23;
	s30 =	sadd.s32 $0x12000, s23;
	[dreg:$0x17] =	wrdreg s28  }
0x1e: {  	s31 =	sadd.s32 $0x13000, s23;
	s9 =	simm.s32 $0x3;
	[dreg:$0x18] =	wrdreg s29  }
0x1f: {  	s1 =	sadd.s32 s4, s1;
	s7 =	sadd.s32 $0x2C400, s7;
	[dreg:$0x19] =	wrdreg s30  }
0x20: {  	[dreg:$0x1a] =	wrdreg s31;
	s8 =	simm.s32 $0x1;
	s10 =	simm.s32 $0x7D  }
0x21: {  	s11 =	simm.s32 $0x2000;
	s0 =	simm.s32 $0x1000;
	s4 =	simm.s32 $0x1800  }
0x22: {  	s25 =	simm.s32 $0x80;
	s15 =	simm.s32 $0x6000;
	s16 =	simm.s32 $0x4  }
0x23: {  	s18 =	simm.s32 $0x2;
	s26 =	simm.s32 $0x1800;
	s1 =	sadd.s32 $0x7C400, s1  }
0x24: {  	v0 =	vimm.f32 $0.0e+00;
	s13 =	simm.s32 $0x1000;
	[dreg:$0x6] =	wrdreg s1;
	s1 =	simm.s32 $0x0  }
.LBB2_1:
0x25: {  	[dreg:$0x1b] =	wrdreg s1;
	s21 =	simm.s32 $0x0;
	s22 =	simm.s32 $0x200  }
.LBB2_2:
0x26: {  	p0 =	sne.s32 s22, $0x3E00;
	[tilespmem:s21+$0xA070] =	vst v0  }
0x27: {  	[tilespmem:s21+$0xA000] =	vst v0  }
0x28: {  	[tilespmem:s21+$0xA010] =	vst v0  }
.Ltmp0:
0x29: {  	[tilespmem:s21+$0xA020] =	vst v0;
	(pc) =	sbr.rel @p0 .LBB2_2-.Ltmp0, $4  }
0x2a: {  	[tilespmem:s21+$0xA030] =	vst v0  }
0x2b: {  	[tilespmem:s21+$0xA040] =	vst v0  }
0x2c: {  	[tilespmem:s21+$0xA050] =	vst v0  }
0x2d: {  	[tilespmem:s21+$0xA060] =	vst v0;
	s21 =	sshra.s32 s22, $0x2;
	s22 =	sadd.s32 $0x200, s22  }
0x2e: {  	[tilespmem:s21+$0xA070] =	vst v0  }
0x2f: {  	[tilespmem:s21+$0xA000] =	vst v0  }
0x30: {  	[tilespmem:s21+$0xA010] =	vst v0  }
0x31: {  	[tilespmem:s21+$0xA020] =	vst v0  }
0x32: {  	[tilespmem:s21+$0xA030] =	vst v0  }
0x33: {  	[tilespmem:s21+$0xA040] =	vst v0  }
0x34: {  	[tilespmem:s21+$0xA050] =	vst v0  }
0x35: {  	[tilespmem:s21+$0xA060] =	vst v0  }
0x36: {  	[tilespmem:s3], [sflag:$0x3] =	stream.linear.gather [hbm4b:s24+s3], $0x500, $0x38;
	[tilespmem:$0x1F000] =	vst v63  }
0x37: {  	s17 =	rddreg [dreg:$0x1c];
	s19 =	simm.s32 $0x800  }
0x38: {  	[tilespmem:s19], [sflag:$0x3] =	stream.linear.gather [hbm4b:s17+s3], $0x500, $0x38;
	[tilespmem:$0x1F000] =	vst v63  }
0x39: {  	s22 =	simm.s32 $0xA000  }
0x3a: {  	[spmem:s23] =	stream.linear.scatter [tilespmem:s22], [sflag:$0x1], $0x1000, $0x38;
	[tilespmem:$0x1F000] =	vst v63  }
0x3b: {  	s14 =	rddreg [dreg:$0x8]  }
0x3c: {  	[spmem:s14] =	stream.linear.scatter [tilespmem:s22], [sflag:$0x1], $0x1000, $0x38;
	[tilespmem:$0x1F000] =	vst v63  }
0x3d: {  	s20 =	rddreg [dreg:$0x9]  }
0x3e: {  	[spmem:s20] =	stream.linear.scatter [tilespmem:s22], [sflag:$0x1], $0x1000, $0x38;
	[tilespmem:$0x1F000] =	vst v63  }
0x3f: {  	s23 =	rddreg [dreg:$0xa]  }
0x40: {  	[spmem:s23] =	stream.linear.scatter [tilespmem:s22], [sflag:$0x1], $0x1000, $0x38;
	[tilespmem:$0x1F000] =	vst v63  }
0x41: {  	s28 =	rddreg [dreg:$0xb]  }
0x42: {  	[spmem:s28] =	stream.linear.scatter [tilespmem:s22], [sflag:$0x1], $0x1000, $0x38;
	[tilespmem:$0x1F000] =	vst v63  }
0x43: {  	s1 =	rddreg [dreg:$0xc]  }
0x44: {  	[spmem:s1] =	stream.linear.scatter [tilespmem:s22], [sflag:$0x1], $0x1000, $0x38;
	[tilespmem:$0x1F000] =	vst v63  }
0x45: {  	s5 =	rddreg [dreg:$0xd]  }
0x46: {  	[spmem:s5] =	stream.linear.scatter [tilespmem:s22], [sflag:$0x1], $0x1000, $0x38;
	[tilespmem:$0x1F000] =	vst v63  }
0x47: {  	s6 =	rddreg [dreg:$0xe]  }
0x48: {  	[spmem:s6] =	stream.linear.scatter [tilespmem:s22], [sflag:$0x1], $0x1000, $0x38;
	[tilespmem:$0x1F000] =	vst v63  }
0x49: {  	s12 =	rddreg [dreg:$0xf]  }
0x4a: {  	[spmem:s12] =	stream.linear.scatter [tilespmem:s22], [sflag:$0x1], $0x1000, $0x38;
	[tilespmem:$0x1F000] =	vst v63  }
0x4b: {  	s14 =	rddreg [dreg:$0x10]  }
0x4c: {  	[spmem:s14] =	stream.linear.scatter [tilespmem:s22], [sflag:$0x1], $0x1000, $0x38;
	[tilespmem:$0x1F000] =	vst v63  }
0x4d: {  	s20 =	rddreg [dreg:$0x11]  }
0x4e: {  	[spmem:s20] =	stream.linear.scatter [tilespmem:s22], [sflag:$0x1], $0x1000, $0x38;
	[tilespmem:$0x1F000] =	vst v63  }
0x4f: {  	s23 =	rddreg [dreg:$0x12]  }
0x50: {  	[spmem:s23] =	stream.linear.scatter [tilespmem:s22], [sflag:$0x1], $0x1000, $0x38;
	[tilespmem:$0x1F000] =	vst v63  }
0x51: {  	s28 =	rddreg [dreg:$0x13]  }
0x52: {  	[spmem:s28] =	stream.linear.scatter [tilespmem:s22], [sflag:$0x1], $0x1000, $0x38;
	[tilespmem:$0x1F000] =	vst v63  }
0x53: {  	s1 =	rddreg [dreg:$0x14]  }
0x54: {  	[spmem:s1] =	stream.linear.scatter [tilespmem:s22], [sflag:$0x1], $0x1000, $0x38;
	[tilespmem:$0x1F000] =	vst v63  }
0x55: {  	s5 =	rddreg [dreg:$0x15]  }
0x56: {  	[spmem:s5] =	stream.linear.scatter [tilespmem:s22], [sflag:$0x1], $0x1000, $0x38;
	[tilespmem:$0x1F000] =	vst v63  }
0x57: {  	s6 =	rddreg [dreg:$0x16]  }
0x58: {  	[spmem:s6] =	stream.linear.scatter [tilespmem:s22], [sflag:$0x1], $0x1000, $0x38;
	[tilespmem:$0x1F000] =	vst v63  }
0x59: {  	s12 =	rddreg [dreg:$0x17]  }
0x5a: {  	[spmem:s12] =	stream.linear.scatter [tilespmem:s22], [sflag:$0x1], $0x1000, $0x38;
	[tilespmem:$0x1F000] =	vst v63  }
0x5b: {  	s14 =	rddreg [dreg:$0x18]  }
0x5c: {  	[spmem:s14] =	stream.linear.scatter [tilespmem:s22], [sflag:$0x1], $0x1000, $0x38;
	[tilespmem:$0x1F000] =	vst v63  }
0x5d: {  	s20 =	rddreg [dreg:$0x19]  }
0x5e: {  	[spmem:s20] =	stream.linear.scatter [tilespmem:s22], [sflag:$0x1], $0x1000, $0x38;
	[tilespmem:$0x1F000] =	vst v63  }
0x5f: {  	s23 =	rddreg [dreg:$0x1a]  }
0x60: {  	[spmem:s23] =	stream.linear.scatter [tilespmem:s22], [sflag:$0x1], $0x1000, $0x38;
	[tilespmem:$0x1F000] =	vst v63  }
0x61: {  	_ =	swait.ge [sflag:s8], $0x1000  }
0x62: {  	[sflag:s8] =	ssyncset.done $0x0  }
0x63: {  	[sflag:s8] =	ssyncadd.s32 $0xFFFFF000  }
0x64: {  	_ =	swait.ge [sflag:s8], $0x1000  }
0x65: {  	[sflag:s8] =	ssyncset.done $0x0  }
0x66: {  	[sflag:s8] =	ssyncadd.s32 $0xFFFFF000  }
0x67: {  	_ =	swait.ge [sflag:s8], $0x1000  }
0x68: {  	[sflag:s8] =	ssyncset.done $0x0  }
0x69: {  	[sflag:s8] =	ssyncadd.s32 $0xFFFFF000  }
0x6a: {  	_ =	swait.ge [sflag:s8], $0x1000  }
0x6b: {  	[sflag:s8] =	ssyncset.done $0x0  }
0x6c: {  	[sflag:s8] =	ssyncadd.s32 $0xFFFFF000  }
0x6d: {  	_ =	swait.ge [sflag:s8], $0x1000  }
0x6e: {  	[sflag:s8] =	ssyncset.done $0x0  }
0x6f: {  	[sflag:s8] =	ssyncadd.s32 $0xFFFFF000  }
0x70: {  	_ =	swait.ge [sflag:s8], $0x1000  }
0x71: {  	[sflag:s8] =	ssyncset.done $0x0  }
0x72: {  	[sflag:s8] =	ssyncadd.s32 $0xFFFFF000  }
0x73: {  	_ =	swait.ge [sflag:s8], $0x1000  }
0x74: {  	[sflag:s8] =	ssyncset.done $0x0  }
0x75: {  	[sflag:s8] =	ssyncadd.s32 $0xFFFFF000  }
0x76: {  	_ =	swait.ge [sflag:s8], $0x1000  }
0x77: {  	[sflag:s8] =	ssyncset.done $0x0  }
0x78: {  	[sflag:s8] =	ssyncadd.s32 $0xFFFFF000  }
0x79: {  	_ =	swait.ge [sflag:s8], $0x1000  }
0x7a: {  	[sflag:s8] =	ssyncset.done $0x0  }
0x7b: {  	[sflag:s8] =	ssyncadd.s32 $0xFFFFF000  }
0x7c: {  	_ =	swait.ge [sflag:s8], $0x1000  }
0x7d: {  	[sflag:s8] =	ssyncset.done $0x0  }
0x7e: {  	[sflag:s8] =	ssyncadd.s32 $0xFFFFF000  }
0x7f: {  	_ =	swait.ge [sflag:s8], $0x1000  }
0x80: {  	[sflag:s8] =	ssyncset.done $0x0  }
0x81: {  	[sflag:s8] =	ssyncadd.s32 $0xFFFFF000  }
0x82: {  	_ =	swait.ge [sflag:s8], $0x1000  }
0x83: {  	[sflag:s8] =	ssyncset.done $0x0  }
0x84: {  	[sflag:s8] =	ssyncadd.s32 $0xFFFFF000  }
0x85: {  	_ =	swait.ge [sflag:s8], $0x1000  }
0x86: {  	[sflag:s8] =	ssyncset.done $0x0  }
0x87: {  	[sflag:s8] =	ssyncadd.s32 $0xFFFFF000  }
0x88: {  	_ =	swait.ge [sflag:s8], $0x1000  }
0x89: {  	[sflag:s8] =	ssyncset.done $0x0  }
0x8a: {  	[sflag:s8] =	ssyncadd.s32 $0xFFFFF000  }
0x8b: {  	_ =	swait.ge [sflag:s8], $0x1000  }
0x8c: {  	[sflag:s8] =	ssyncset.done $0x0  }
0x8d: {  	[sflag:s8] =	ssyncadd.s32 $0xFFFFF000  }
0x8e: {  	_ =	swait.ge [sflag:s8], $0x1000  }
0x8f: {  	[sflag:s8] =	ssyncset.done $0x0  }
0x90: {  	[sflag:s8] =	ssyncadd.s32 $0xFFFFF000  }
0x91: {  	_ =	swait.ge [sflag:s8], $0x1000  }
0x92: {  	[sflag:s8] =	ssyncset.done $0x0  }
0x93: {  	[sflag:s8] =	ssyncadd.s32 $0xFFFFF000  }
0x94: {  	_ =	swait.ge [sflag:s8], $0x1000  }
0x95: {  	[sflag:s8] =	ssyncset.done $0x0  }
0x96: {  	[sflag:s8] =	ssyncadd.s32 $0xFFFFF000  }
0x97: {  	_ =	swait.ge [sflag:s8], $0x1000  }
0x98: {  	[sflag:s8] =	ssyncset.done $0x0  }
0x99: {  	[sflag:s8] =	ssyncadd.s32 $0xFFFFF000  }
0x9a: {  	_ =	swait.ge [sflag:s8], $0x1000  }
0x9b: {  	[sflag:s8] =	ssyncset.done $0x0  }
0x9c: {  	[sflag:s8] =	ssyncadd.s32 $0xFFFFF000  }
0x9d: {  	_ =	swait.ge [sflag:s9], $0x500  }
0x9e: {  	[sflag:s9] =	ssyncset.done $0x0  }
0x9f: {  	[sflag:s9] =	ssyncadd.s32 $0xFFFFFB00  }
0xa0: {  	_ =	swait.ge [sflag:s9], $0x500  }
0xa1: {  	[sflag:s9] =	ssyncset.done $0x0  }
0xa2: {  	s21 =	sadd.s32 $0xFFFFF200, s24;
	[sflag:s9] =	ssyncadd.s32 $0xFFFFFB00  }
0xa3: {  	[tilespmem:s11], [sflag:$0x1] =	stream.indirect.gather [hbm4b:s7+s10], $0x80, s3, s10, $0xb8;
	[tilespmem:$0x1F000] =	vst v63  }
0xa4: {  	s28 =	sadd.s32 $0xF00, s21;
	s22 =	sadd.s32 $0xFFFFF200, s17;
	[bflag:$0x0] =	sbarrier.arrive $0xFFFF  }
0xa5: {  	[tilespmem:s0], [sflag:$0x3] =	stream.linear.gather [hbm4b:s28+s3], $0x500, $0x38;
	[tilespmem:$0x1F000] =	vst v63  }
0xa6: {  	s1 =	sadd.s32 $0xF00, s22  }
0xa7: {  	[tilespmem:s4], [sflag:$0x3] =	stream.linear.gather [hbm4b:s1+s3], $0x500, $0x38;
	[tilespmem:$0x1F000] =	vst v63  }
0xa8: {  	_ = 	snop  }
0xa9: {  	[tilespmem:s15], [sflag:$0x2] =	stream.indirect.gather [hbm4b:s7+s10], $0x80, s25, s10, $0xb8;
	[tilespmem:$0x1F000] =	vst v63  }
0xaa: {  	_ =	swait.ge [sflag:s8], $0x3E80  }
0xab: {  	[sflag:s8] =	ssyncset.done $0x0  }
0xac: {  	[sflag:s8] =	ssyncadd.s32 $0xFFFFC180  }
0xad: {  	[spmem:s2] =	stream.indirect.scatter.add.f32 [tilespmem:s11], [sflag:$0x4], $0x80, s19, s10, $0xb8;
	[tilespmem:$0x1F000] =	vst v63  }
0xae: {  	_ =	swait.ge [sflag:s16], $0x3E80  }
0xaf: {  	[sflag:s16] =	ssyncset.done $0x0  }
0xb0: {  	s1 =	simm.s32 $0x100;
	[sflag:s16] =	ssyncadd.s32 $0xFFFFC180  }
0xb1: {  	[tilespmem:s11], [sflag:$0x1] =	stream.indirect.gather [hbm4b:s7+s10], $0x80, s1, s10, $0xb8;
	[tilespmem:$0x1F000] =	vst v63  }
0xb2: {  	_ =	swait.ge [sflag:s18], $0x3E80  }
0xb3: {  	[sflag:s18] =	ssyncset.done $0x0  }
0xb4: {  	s4 =	simm.s32 $0x880;
	[sflag:s18] =	ssyncadd.s32 $0xFFFFC180  }
0xb5: {  	[spmem:s2] =	stream.indirect.scatter.add.f32 [tilespmem:s15], [sflag:$0x4], $0x80, s4, s10, $0xb8;
	[tilespmem:$0x1F000] =	vst v63  }
0xb6: {  	_ =	swait.ge [sflag:s16], $0x3E80  }
0xb7: {  	[sflag:s16] =	ssyncset.done $0x0  }
0xb8: {  	s5 =	simm.s32 $0x180;
	[sflag:s16] =	ssyncadd.s32 $0xFFFFC180  }
0xb9: {  	[tilespmem:s15], [sflag:$0x2] =	stream.indirect.gather [hbm4b:s7+s10], $0x80, s5, s10, $0xb8;
	[tilespmem:$0x1F000] =	vst v63  }
0xba: {  	_ =	swait.ge [sflag:s8], $0x3E80  }
0xbb: {  	[sflag:s8] =	ssyncset.done $0x0  }
0xbc: {  	s6 =	simm.s32 $0x900;
	[sflag:s8] =	ssyncadd.s32 $0xFFFFC180  }
0xbd: {  	[spmem:s2] =	stream.indirect.scatter.add.f32 [tilespmem:s11], [sflag:$0x4], $0x80, s6, s10, $0xb8;
	[tilespmem:$0x1F000] =	vst v63  }
0xbe: {  	_ =	swait.ge [sflag:s16], $0x3E80  }
0xbf: {  	[sflag:s16] =	ssyncset.done $0x0  }
0xc0: {  	s12 =	simm.s32 $0x200;
	[sflag:s16] =	ssyncadd.s32 $0xFFFFC180  }
0xc1: {  	[tilespmem:s11], [sflag:$0x1] =	stream.indirect.gather [hbm4b:s7+s10], $0x80, s12, s10, $0xb8;
	[tilespmem:$0x1F000] =	vst v63  }
0xc2: {  	_ =	swait.ge [sflag:s18], $0x3E80  }
0xc3: {  	[sflag:s18] =	ssyncset.done $0x0  }
0xc4: {  	s14 =	simm.s32 $0x980;
	[sflag:s18] =	ssyncadd.s32 $0xFFFFC180  }
0xc5: {  	[spmem:s2] =	stream.indirect.scatter.add.f32 [tilespmem:s15], [sflag:$0x4], $0x80, s14, s10, $0xb8;
	[tilespmem:$0x1F000] =	vst v63  }
0xc6: {  	_ =	swait.ge [sflag:s16], $0x3E80  }
0xc7: {  	[sflag:s16] =	ssyncset.done $0x0  }
0xc8: {  	s20 =	simm.s32 $0x280;
	[sflag:s16] =	ssyncadd.s32 $0xFFFFC180  }
0xc9: {  	[tilespmem:s15], [sflag:$0x2] =	stream.indirect.gather [hbm4b:s7+s10], $0x80, s20, s10, $0xb8;
	[tilespmem:$0x1F000] =	vst v63  }
0xca: {  	_ =	swait.ge [sflag:s8], $0x3E80  }
0xcb: {  	[sflag:s8] =	ssyncset.done $0x0  }
0xcc: {  	s23 =	simm.s32 $0xA00;
	[sflag:s8] =	ssyncadd.s32 $0xFFFFC180  }
0xcd: {  	[spmem:s2] =	stream.indirect.scatter.add.f32 [tilespmem:s11], [sflag:$0x4], $0x80, s23, s10, $0xb8;
	[tilespmem:$0x1F000] =	vst v63  }
0xce: {  	_ =	swait.ge [sflag:s16], $0x3E80  }
0xcf: {  	[sflag:s16] =	ssyncset.done $0x0  }
0xd0: {  	s6 =	simm.s32 $0x300;
	[sflag:s16] =	ssyncadd.s32 $0xFFFFC180  }
0xd1: {  	[tilespmem:s11], [sflag:$0x1] =	stream.indirect.gather [hbm4b:s7+s10], $0x80, s6, s10, $0xb8;
	[tilespmem:$0x1F000] =	vst v63  }
0xd2: {  	_ =	swait.ge [sflag:s18], $0x3E80  }
0xd3: {  	[sflag:s18] =	ssyncset.done $0x0  }
0xd4: {  	s14 =	simm.s32 $0xA80;
	[sflag:s18] =	ssyncadd.s32 $0xFFFFC180  }
0xd5: {  	[spmem:s2] =	stream.indirect.scatter.add.f32 [tilespmem:s15], [sflag:$0x4], $0x80, s14, s10, $0xb8;
	[tilespmem:$0x1F000] =	vst v63  }
0xd6: {  	_ =	swait.ge [sflag:s16], $0x3E80  }
0xd7: {  	[sflag:s16] =	ssyncset.done $0x0  }
0xd8: {  	s25 =	simm.s32 $0x380;
	[sflag:s16] =	ssyncadd.s32 $0xFFFFC180  }
0xd9: {  	[tilespmem:s15], [sflag:$0x2] =	stream.indirect.gather [hbm4b:s7+s10], $0x80, s25, s10, $0xb8;
	[tilespmem:$0x1F000] =	vst v63  }
0xda: {  	_ =	swait.ge [sflag:s8], $0x3E80  }
0xdb: {  	[sflag:s8] =	ssyncset.done $0x0  }
0xdc: {  	s28 =	simm.s32 $0xB00;
	[sflag:s8] =	ssyncadd.s32 $0xFFFFC180  }
0xdd: {  	[spmem:s2] =	stream.indirect.scatter.add.f32 [tilespmem:s11], [sflag:$0x4], $0x80, s28, s10, $0xb8;
	[tilespmem:$0x1F000] =	vst v63  }
0xde: {  	_ =	swait.ge [sflag:s16], $0x3E80  }
0xdf: {  	[sflag:s16] =	ssyncset.done $0x0  }
0xe0: {  	s5 =	simm.s32 $0x400;
	[sflag:s16] =	ssyncadd.s32 $0xFFFFC180  }
0xe1: {  	[tilespmem:s11], [sflag:$0x1] =	stream.indirect.gather [hbm4b:s7+s10], $0x80, s5, s10, $0xb8;
	[tilespmem:$0x1F000] =	vst v63  }
0xe2: {  	_ =	swait.ge [sflag:s18], $0x3E80  }
0xe3: {  	[sflag:s18] =	ssyncset.done $0x0  }
0xe4: {  	s0 =	simm.s32 $0xB80;
	[sflag:s18] =	ssyncadd.s32 $0xFFFFC180  }
0xe5: {  	[spmem:s2] =	stream.indirect.scatter.add.f32 [tilespmem:s15], [sflag:$0x4], $0x80, s0, s10, $0xb8;
	[tilespmem:$0x1F000] =	vst v63  }
0xe6: {  	_ =	swait.ge [sflag:s16], $0x3E80  }
0xe7: {  	[sflag:s16] =	ssyncset.done $0x0  }
0xe8: {  	[sflag:s16] =	ssyncadd.s32 $0xFFFFC180  }
0xe9: {  	_ =	swait.ge [sflag:s9], $0x500  }
0xea: {  	[sflag:s9] =	ssyncset.done $0x0  }
0xeb: {  	[sflag:s9] =	ssyncadd.s32 $0xFFFFFB00  }
0xec: {  	_ =	swait.ge [sflag:s9], $0x500  }
0xed: {  	[sflag:s9] =	ssyncset.done $0x0  }
0xee: {  	s1 =	simm.s32 $0x480;
	[sflag:s9] =	ssyncadd.s32 $0xFFFFFB00  }
0xef: {  	[tilespmem:s15], [sflag:$0x2] =	stream.indirect.gather [hbm4b:s7+s10], $0x80, s1, s10, $0xb8;
	[tilespmem:$0x1F000] =	vst v63  }
0xf0: {  	_ =	swait.ge [sflag:s8], $0x3E80  }
0xf1: {  	[sflag:s8] =	ssyncset.done $0x0  }
0xf2: {  	s4 =	simm.s32 $0xC00;
	[sflag:s8] =	ssyncadd.s32 $0xFFFFC180  }
0xf3: {  	[spmem:s2] =	stream.indirect.scatter.add.f32 [tilespmem:s11], [sflag:$0x4], $0x80, s4, s10, $0xb8;
	[tilespmem:$0x1F000] =	vst v63  }
0xf4: {  	_ =	swait.ge [sflag:s16], $0x3E80  }
0xf5: {  	[sflag:s16] =	ssyncset.done $0x0  }
0xf6: {  	[sflag:s16] =	ssyncadd.s32 $0xFFFFC180  }
0xf7: {  	[tilespmem:s11], [sflag:$0x1] =	stream.indirect.gather [hbm4b:s7+s10], $0x80, s13, s10, $0xb8;
	[tilespmem:$0x1F000] =	vst v63  }
0xf8: {  	_ =	swait.ge [sflag:s18], $0x3E80  }
0xf9: {  	[sflag:s18] =	ssyncset.done $0x0  }
0xfa: {  	s6 =	simm.s32 $0xC80;
	[sflag:s18] =	ssyncadd.s32 $0xFFFFC180  }
0xfb: {  	[spmem:s2] =	stream.indirect.scatter.add.f32 [tilespmem:s15], [sflag:$0x4], $0x80, s6, s10, $0xb8;
	[tilespmem:$0x1F000] =	vst v63  }
0xfc: {  	_ =	swait.ge [sflag:s16], $0x3E80  }
0xfd: {  	[sflag:s16] =	ssyncset.done $0x0  }
0xfe: {  	s21 =	sadd.s32 $0x1000, s21;
	[sflag:s16] =	ssyncadd.s32 $0xFFFFC180  }
0xff: {  	[tilespmem:s3], [sflag:$0x3] =	stream.linear.gather [hbm4b:s21+s3], $0x500, $0x38;
	[tilespmem:$0x1F000] =	vst v63  }
0x100: {  	s12 =	sadd.s32 $0x1000, s22  }
0x101: {  	[tilespmem:s19], [sflag:$0x3] =	stream.linear.gather [hbm4b:s12+s3], $0x500, $0x38;
	[tilespmem:$0x1F000] =	vst v63  }
0x102: {  	s14 =	simm.s32 $0x1080  }
0x103: {  	[tilespmem:s15], [sflag:$0x2] =	stream.indirect.gather [hbm4b:s7+s10], $0x80, s14, s10, $0xb8;
	[tilespmem:$0x1F000] =	vst v63  }
0x104: {  	_ =	swait.ge [sflag:s8], $0x3E80  }
0x105: {  	[sflag:s8] =	ssyncset.done $0x0  }
0x106: {  	[sflag:s8] =	ssyncadd.s32 $0xFFFFC180  }
0x107: {  	[spmem:s2] =	stream.indirect.scatter.add.f32 [tilespmem:s11], [sflag:$0x4], $0x80, s26, s10, $0xb8;
	[tilespmem:$0x1F000] =	vst v63  }
0x108: {  	_ =	swait.ge [sflag:s16], $0x3E80  }
0x109: {  	[sflag:s16] =	ssyncset.done $0x0  }
0x10a: {  	s20 =	simm.s32 $0x1100;
	[sflag:s16] =	ssyncadd.s32 $0xFFFFC180  }
0x10b: {  	[tilespmem:s11], [sflag:$0x1] =	stream.indirect.gather [hbm4b:s7+s10], $0x80, s20, s10, $0xb8;
	[tilespmem:$0x1F000] =	vst v63  }
0x10c: {  	_ =	swait.ge [sflag:s18], $0x3E80  }
0x10d: {  	[sflag:s18] =	ssyncset.done $0x0  }
0x10e: {  	s21 =	simm.s32 $0x1880;
	[sflag:s18] =	ssyncadd.s32 $0xFFFFC180  }
0x10f: {  	[spmem:s2] =	stream.indirect.scatter.add.f32 [tilespmem:s15], [sflag:$0x4], $0x80, s21, s10, $0xb8;
	[tilespmem:$0x1F000] =	vst v63  }
0x110: {  	_ =	swait.ge [sflag:s16], $0x3E80  }
0x111: {  	[sflag:s16] =	ssyncset.done $0x0  }
0x112: {  	s22 =	simm.s32 $0x1180;
	[sflag:s16] =	ssyncadd.s32 $0xFFFFC180  }
0x113: {  	[tilespmem:s15], [sflag:$0x2] =	stream.indirect.gather [hbm4b:s7+s10], $0x80, s22, s10, $0xb8;
	[tilespmem:$0x1F000] =	vst v63  }
0x114: {  	_ =	swait.ge [sflag:s8], $0x3E80  }
0x115: {  	[sflag:s8] =	ssyncset.done $0x0  }
0x116: {  	s23 =	simm.s32 $0x1900;
	[sflag:s8] =	ssyncadd.s32 $0xFFFFC180  }
0x117: {  	[spmem:s2] =	stream.indirect.scatter.add.f32 [tilespmem:s11], [sflag:$0x4], $0x80, s23, s10, $0xb8;
	[tilespmem:$0x1F000] =	vst v63  }
0x118: {  	_ =	swait.ge [sflag:s16], $0x3E80  }
0x119: {  	[sflag:s16] =	ssyncset.done $0x0  }
0x11a: {  	s25 =	simm.s32 $0x1200;
	[sflag:s16] =	ssyncadd.s32 $0xFFFFC180  }
0x11b: {  	[tilespmem:s11], [sflag:$0x1] =	stream.indirect.gather [hbm4b:s7+s10], $0x80, s25, s10, $0xb8;
	[tilespmem:$0x1F000] =	vst v63  }
0x11c: {  	_ =	swait.ge [sflag:s18], $0x3E80  }
0x11d: {  	[sflag:s18] =	ssyncset.done $0x0  }
0x11e: {  	s28 =	simm.s32 $0x1980;
	[sflag:s18] =	ssyncadd.s32 $0xFFFFC180  }
0x11f: {  	[spmem:s2] =	stream.indirect.scatter.add.f32 [tilespmem:s15], [sflag:$0x4], $0x80, s28, s10, $0xb8;
	[tilespmem:$0x1F000] =	vst v63  }
0x120: {  	_ =	swait.ge [sflag:s16], $0x3E80  }
0x121: {  	[sflag:s16] =	ssyncset.done $0x0  }
0x122: {  	s0 =	simm.s32 $0x1280;
	[sflag:s16] =	ssyncadd.s32 $0xFFFFC180  }
0x123: {  	[tilespmem:s15], [sflag:$0x2] =	stream.indirect.gather [hbm4b:s7+s10], $0x80, s0, s10, $0xb8;
	[tilespmem:$0x1F000] =	vst v63  }
0x124: {  	_ =	swait.ge [sflag:s8], $0x3E80  }
0x125: {  	[sflag:s8] =	ssyncset.done $0x0  }
0x126: {  	s1 =	simm.s32 $0x1A00;
	[sflag:s8] =	ssyncadd.s32 $0xFFFFC180  }
0x127: {  	[spmem:s2] =	stream.indirect.scatter.add.f32 [tilespmem:s11], [sflag:$0x4], $0x80, s1, s10, $0xb8;
	[tilespmem:$0x1F000] =	vst v63  }
0x128: {  	_ =	swait.ge [sflag:s16], $0x3E80  }
0x129: {  	[sflag:s16] =	ssyncset.done $0x0  }
0x12a: {  	s4 =	simm.s32 $0x1300;
	[sflag:s16] =	ssyncadd.s32 $0xFFFFC180  }
0x12b: {  	[tilespmem:s11], [sflag:$0x1] =	stream.indirect.gather [hbm4b:s7+s10], $0x80, s4, s10, $0xb8;
	[tilespmem:$0x1F000] =	vst v63  }
0x12c: {  	_ =	swait.ge [sflag:s18], $0x3E80  }
0x12d: {  	[sflag:s18] =	ssyncset.done $0x0  }
0x12e: {  	s6 =	simm.s32 $0x1A80;
	[sflag:s18] =	ssyncadd.s32 $0xFFFFC180  }
0x12f: {  	[spmem:s2] =	stream.indirect.scatter.add.f32 [tilespmem:s15], [sflag:$0x4], $0x80, s6, s10, $0xb8;
	[tilespmem:$0x1F000] =	vst v63  }
0x130: {  	_ =	swait.ge [sflag:s16], $0x3E80  }
0x131: {  	[sflag:s16] =	ssyncset.done $0x0  }
0x132: {  	s14 =	simm.s32 $0x1380;
	[sflag:s16] =	ssyncadd.s32 $0xFFFFC180  }
0x133: {  	[tilespmem:s15], [sflag:$0x2] =	stream.indirect.gather [hbm4b:s7+s10], $0x80, s14, s10, $0xb8;
	[tilespmem:$0x1F000] =	vst v63  }
0x134: {  	_ =	swait.ge [sflag:s8], $0x3E80  }
0x135: {  	[sflag:s8] =	ssyncset.done $0x0  }
0x136: {  	s20 =	simm.s32 $0x1B00;
	[sflag:s8] =	ssyncadd.s32 $0xFFFFC180  }
0x137: {  	[spmem:s2] =	stream.indirect.scatter.add.f32 [tilespmem:s11], [sflag:$0x4], $0x80, s20, s10, $0xb8;
	[tilespmem:$0x1F000] =	vst v63  }
0x138: {  	_ =	swait.ge [sflag:s16], $0x3E80  }
0x139: {  	[sflag:s16] =	ssyncset.done $0x0  }
0x13a: {  	s21 =	simm.s32 $0x1400;
	[sflag:s16] =	ssyncadd.s32 $0xFFFFC180  }
0x13b: {  	[tilespmem:s11], [sflag:$0x1] =	stream.indirect.gather [hbm4b:s7+s10], $0x80, s21, s10, $0xb8;
	[tilespmem:$0x1F000] =	vst v63  }
0x13c: {  	_ =	swait.ge [sflag:s18], $0x3E80  }
0x13d: {  	[sflag:s18] =	ssyncset.done $0x0  }
0x13e: {  	s22 =	simm.s32 $0x1B80;
	[sflag:s18] =	ssyncadd.s32 $0xFFFFC180  }
0x13f: {  	[spmem:s2] =	stream.indirect.scatter.add.f32 [tilespmem:s15], [sflag:$0x4], $0x80, s22, s10, $0xb8;
	[tilespmem:$0x1F000] =	vst v63  }
0x140: {  	_ =	swait.ge [sflag:s16], $0x3E80  }
0x141: {  	[sflag:s16] =	ssyncset.done $0x0  }
0x142: {  	[sflag:s16] =	ssyncadd.s32 $0xFFFFC180  }
0x143: {  	_ =	swait.ge [sflag:s9], $0x500  }
0x144: {  	[sflag:s9] =	ssyncset.done $0x0  }
0x145: {  	[sflag:s9] =	ssyncadd.s32 $0xFFFFFB00  }
0x146: {  	_ =	swait.ge [sflag:s9], $0x500  }
0x147: {  	[sflag:s9] =	ssyncset.done $0x0  }
0x148: {  	s23 =	simm.s32 $0x1480;
	[sflag:s9] =	ssyncadd.s32 $0xFFFFFB00  }
0x149: {  	[tilespmem:s15], [sflag:$0x2] =	stream.indirect.gather [hbm4b:s7+s10], $0x80, s23, s10, $0xb8;
	[tilespmem:$0x1F000] =	vst v63  }
0x14a: {  	_ =	swait.ge [sflag:s8], $0x3E80  }
0x14b: {  	[sflag:s8] =	ssyncset.done $0x0  }
0x14c: {  	s25 =	simm.s32 $0x1C00;
	[sflag:s8] =	ssyncadd.s32 $0xFFFFC180  }
0x14d: {  	[spmem:s2] =	stream.indirect.scatter.add.f32 [tilespmem:s11], [sflag:$0x4], $0x80, s25, s10, $0xb8;
	[tilespmem:$0x1F000] =	vst v63  }
0x14e: {  	s29 =	simm.s32 $0x1300;
	_ =	swait.ge [sflag:s16], $0x3E80  }
0x14f: {  	s30 =	simm.s32 $0x1A80;
	s31 =	simm.s32 $0x1380;
	[sflag:s16] =	ssyncset.done $0x0  }
0x150: {  	s5 =	smov.u32 s24;
	s12 =	simm.s32 $0x1A00;
	[sflag:s16] =	ssyncadd.s32 $0xFFFFC180  }
0x151: {  	[tilespmem:s11], [sflag:$0x1] =	stream.indirect.gather [hbm4b:s7+s10], $0x80, s3, s10, $0xb8;
	[tilespmem:$0x1F000] =	vst v63  }
0x152: {  	s28 =	simm.s32 $0x1C80;
	s0 =	simm.s32 $0x1C80;
	_ =	swait.ge [sflag:s18], $0x3E80  }
0x153: {  	s1 =	simm.s32 $0x1B00;
	s4 =	simm.s32 $0x1480;
	[sflag:s18] =	ssyncset.done $0x0  }
0x154: {  	s6 =	simm.s32 $0x1400;
	s14 =	simm.s32 $0x1B80;
	[sflag:s18] =	ssyncadd.s32 $0xFFFFC180  }
0x155: {  	[spmem:s2] =	stream.indirect.scatter.add.f32 [tilespmem:s15], [sflag:$0x4], $0x80, s28, s10, $0xb8;
	[tilespmem:$0x1F000] =	vst v63  }
0x156: {  	s20 =	simm.s32 $0x1C00;
	s21 =	simm.s32 $0xFFFFF400;
	_ =	swait.ge [sflag:s16], $0x3E80  }
0x157: {  	s22 =	simm.s32 $0xFFFFF600;
	s23 =	sadd.s32 $0xFFFFF400, s24;
	[sflag:s16] =	ssyncset.done $0x0  }
.LBB2_4:
0x158: {  	s25 =	sadd.s32 $0xF00, s23  }
0x159: {  	s24 =	sadd.s32 s21, s17;
	[sflag:s16] =	ssyncadd.s32 $0xFFFFC180;
	s21 =	smov.u32 s22  }
0x15a: {  	[tilespmem:s13], [sflag:$0x3] =	stream.linear.gather [hbm4b:s25+s3], $0x500, $0x38;
	[tilespmem:$0x1F000] =	vst v63  }
0x15b: {  	p0 =	sne.s32 s22, $0xFFFFFE00;
	s22 =	sadd.s32 $0x200, s22;
	s25 =	sadd.s32 $0xF00, s24  }
0x15c: {  	[tilespmem:s26], [sflag:$0x3] =	stream.linear.gather [hbm4b:s25+s3], $0x500, $0x38;
	[tilespmem:$0x1F000] =	vst v63  }
0x15d: {  	s25 =	simm.s32 $0x80;
	_ =	sdelay $0x1  }
0x15e: {  	[tilespmem:s15], [sflag:$0x2] =	stream.indirect.gather [hbm4b:s7+s10], $0x80, s25, s10, $0xb8;
	[tilespmem:$0x1F000] =	vst v63  }
0x15f: {  	_ =	swait.ge [sflag:s8], $0x3E80  }
0x160: {  	[sflag:s8] =	ssyncset.done $0x0  }
0x161: {  	[sflag:s8] =	ssyncadd.s32 $0xFFFFC180  }
0x162: {  	[spmem:s2] =	stream.indirect.scatter.add.f32 [tilespmem:s11], [sflag:$0x4], $0x80, s19, s10, $0xb8;
	[tilespmem:$0x1F000] =	vst v63  }
0x163: {  	_ =	swait.ge [sflag:s16], $0x3E80  }
0x164: {  	[sflag:s16] =	ssyncset.done $0x0  }
0x165: {  	s19 =	simm.s32 $0x100;
	[sflag:s16] =	ssyncadd.s32 $0xFFFFC180  }
0x166: {  	[tilespmem:s11], [sflag:$0x1] =	stream.indirect.gather [hbm4b:s7+s10], $0x80, s19, s10, $0xb8;
	[tilespmem:$0x1F000] =	vst v63  }
0x167: {  	_ =	swait.ge [sflag:s18], $0x3E80  }
0x168: {  	[sflag:s18] =	ssyncset.done $0x0  }
0x169: {  	s19 =	simm.s32 $0x880;
	[sflag:s18] =	ssyncadd.s32 $0xFFFFC180  }
0x16a: {  	[spmem:s2] =	stream.indirect.scatter.add.f32 [tilespmem:s15], [sflag:$0x4], $0x80, s19, s10, $0xb8;
	[tilespmem:$0x1F000] =	vst v63  }
0x16b: {  	_ =	swait.ge [sflag:s16], $0x3E80  }
0x16c: {  	[sflag:s16] =	ssyncset.done $0x0  }
0x16d: {  	s19 =	simm.s32 $0x180;
	[sflag:s16] =	ssyncadd.s32 $0xFFFFC180  }
0x16e: {  	[tilespmem:s15], [sflag:$0x2] =	stream.indirect.gather [hbm4b:s7+s10], $0x80, s19, s10, $0xb8;
	[tilespmem:$0x1F000] =	vst v63  }
0x16f: {  	s19 =	simm.s32 $0x800  }
0x170: {  	_ =	swait.ge [sflag:s8], $0x3E80  }
0x171: {  	[sflag:s8] =	ssyncset.done $0x0  }
0x172: {  	s28 =	simm.s32 $0x900;
	[sflag:s8] =	ssyncadd.s32 $0xFFFFC180  }
0x173: {  	[spmem:s2] =	stream.indirect.scatter.add.f32 [tilespmem:s11], [sflag:$0x4], $0x80, s28, s10, $0xb8;
	[tilespmem:$0x1F000] =	vst v63  }
0x174: {  	_ =	swait.ge [sflag:s16], $0x3E80  }
0x175: {  	[sflag:s16] =	ssyncset.done $0x0  }
0x176: {  	s28 =	simm.s32 $0x200;
	[sflag:s16] =	ssyncadd.s32 $0xFFFFC180  }
0x177: {  	[tilespmem:s11], [sflag:$0x1] =	stream.indirect.gather [hbm4b:s7+s10], $0x80, s28, s10, $0xb8;
	[tilespmem:$0x1F000] =	vst v63  }
0x178: {  	_ =	swait.ge [sflag:s18], $0x3E80  }
0x179: {  	[sflag:s18] =	ssyncset.done $0x0  }
0x17a: {  	s28 =	simm.s32 $0x980;
	[sflag:s18] =	ssyncadd.s32 $0xFFFFC180  }
0x17b: {  	[spmem:s2] =	stream.indirect.scatter.add.f32 [tilespmem:s15], [sflag:$0x4], $0x80, s28, s10, $0xb8;
	[tilespmem:$0x1F000] =	vst v63  }
0x17c: {  	_ =	swait.ge [sflag:s16], $0x3E80  }
0x17d: {  	[sflag:s16] =	ssyncset.done $0x0  }
0x17e: {  	s28 =	simm.s32 $0x280;
	[sflag:s16] =	ssyncadd.s32 $0xFFFFC180  }
0x17f: {  	[tilespmem:s15], [sflag:$0x2] =	stream.indirect.gather [hbm4b:s7+s10], $0x80, s28, s10, $0xb8;
	[tilespmem:$0x1F000] =	vst v63  }
0x180: {  	_ =	swait.ge [sflag:s8], $0x3E80  }
0x181: {  	[sflag:s8] =	ssyncset.done $0x0  }
0x182: {  	s28 =	simm.s32 $0xA00;
	[sflag:s8] =	ssyncadd.s32 $0xFFFFC180  }
0x183: {  	[spmem:s2] =	stream.indirect.scatter.add.f32 [tilespmem:s11], [sflag:$0x4], $0x80, s28, s10, $0xb8;
	[tilespmem:$0x1F000] =	vst v63  }
0x184: {  	_ =	swait.ge [sflag:s16], $0x3E80  }
0x185: {  	[sflag:s16] =	ssyncset.done $0x0  }
0x186: {  	s28 =	simm.s32 $0x300;
	[sflag:s16] =	ssyncadd.s32 $0xFFFFC180  }
0x187: {  	[tilespmem:s11], [sflag:$0x1] =	stream.indirect.gather [hbm4b:s7+s10], $0x80, s28, s10, $0xb8;
	[tilespmem:$0x1F000] =	vst v63  }
0x188: {  	_ =	swait.ge [sflag:s18], $0x3E80  }
0x189: {  	[sflag:s18] =	ssyncset.done $0x0  }
0x18a: {  	s28 =	simm.s32 $0xA80;
	[sflag:s18] =	ssyncadd.s32 $0xFFFFC180  }
0x18b: {  	[spmem:s2] =	stream.indirect.scatter.add.f32 [tilespmem:s15], [sflag:$0x4], $0x80, s28, s10, $0xb8;
	[tilespmem:$0x1F000] =	vst v63  }
0x18c: {  	_ =	swait.ge [sflag:s16], $0x3E80  }
0x18d: {  	[sflag:s16] =	ssyncset.done $0x0  }
0x18e: {  	s28 =	simm.s32 $0x380;
	[sflag:s16] =	ssyncadd.s32 $0xFFFFC180  }
0x18f: {  	[tilespmem:s15], [sflag:$0x2] =	stream.indirect.gather [hbm4b:s7+s10], $0x80, s28, s10, $0xb8;
	[tilespmem:$0x1F000] =	vst v63  }
0x190: {  	_ =	swait.ge [sflag:s8], $0x3E80  }
0x191: {  	[sflag:s8] =	ssyncset.done $0x0  }
0x192: {  	s28 =	simm.s32 $0xB00;
	[sflag:s8] =	ssyncadd.s32 $0xFFFFC180  }
0x193: {  	[spmem:s2] =	stream.indirect.scatter.add.f32 [tilespmem:s11], [sflag:$0x4], $0x80, s28, s10, $0xb8;
	[tilespmem:$0x1F000] =	vst v63  }
0x194: {  	_ =	swait.ge [sflag:s16], $0x3E80  }
0x195: {  	[sflag:s16] =	ssyncset.done $0x0  }
0x196: {  	s28 =	simm.s32 $0x400;
	[sflag:s16] =	ssyncadd.s32 $0xFFFFC180  }
0x197: {  	[tilespmem:s11], [sflag:$0x1] =	stream.indirect.gather [hbm4b:s7+s10], $0x80, s28, s10, $0xb8;
	[tilespmem:$0x1F000] =	vst v63  }
0x198: {  	_ =	swait.ge [sflag:s18], $0x3E80  }
0x199: {  	[sflag:s18] =	ssyncset.done $0x0  }
0x19a: {  	s28 =	simm.s32 $0xB80;
	[sflag:s18] =	ssyncadd.s32 $0xFFFFC180  }
0x19b: {  	[spmem:s2] =	stream.indirect.scatter.add.f32 [tilespmem:s15], [sflag:$0x4], $0x80, s28, s10, $0xb8;
	[tilespmem:$0x1F000] =	vst v63  }
0x19c: {  	_ =	swait.ge [sflag:s16], $0x3E80  }
0x19d: {  	[sflag:s16] =	ssyncset.done $0x0  }
0x19e: {  	[sflag:s16] =	ssyncadd.s32 $0xFFFFC180  }
0x19f: {  	_ =	swait.ge [sflag:s9], $0x500  }
0x1a0: {  	[sflag:s9] =	ssyncset.done $0x0  }
0x1a1: {  	[sflag:s9] =	ssyncadd.s32 $0xFFFFFB00  }
0x1a2: {  	_ =	swait.ge [sflag:s9], $0x500  }
0x1a3: {  	[sflag:s9] =	ssyncset.done $0x0  }
0x1a4: {  	s28 =	simm.s32 $0x480;
	[sflag:s9] =	ssyncadd.s32 $0xFFFFFB00  }
0x1a5: {  	[tilespmem:s15], [sflag:$0x2] =	stream.indirect.gather [hbm4b:s7+s10], $0x80, s28, s10, $0xb8;
	[tilespmem:$0x1F000] =	vst v63  }
0x1a6: {  	_ =	swait.ge [sflag:s8], $0x3E80  }
0x1a7: {  	[sflag:s8] =	ssyncset.done $0x0  }
0x1a8: {  	s28 =	simm.s32 $0xC00;
	[sflag:s8] =	ssyncadd.s32 $0xFFFFC180  }
0x1a9: {  	[spmem:s2] =	stream.indirect.scatter.add.f32 [tilespmem:s11], [sflag:$0x4], $0x80, s28, s10, $0xb8;
	[tilespmem:$0x1F000] =	vst v63  }
0x1aa: {  	_ =	swait.ge [sflag:s16], $0x3E80  }
0x1ab: {  	[sflag:s16] =	ssyncset.done $0x0  }
0x1ac: {  	[sflag:s16] =	ssyncadd.s32 $0xFFFFC180  }
0x1ad: {  	[tilespmem:s11], [sflag:$0x1] =	stream.indirect.gather [hbm4b:s7+s10], $0x80, s13, s10, $0xb8;
	[tilespmem:$0x1F000] =	vst v63  }
0x1ae: {  	_ =	swait.ge [sflag:s18], $0x3E80  }
0x1af: {  	[sflag:s18] =	ssyncset.done $0x0  }
0x1b0: {  	s28 =	simm.s32 $0xC80;
	[sflag:s18] =	ssyncadd.s32 $0xFFFFC180  }
0x1b1: {  	[spmem:s2] =	stream.indirect.scatter.add.f32 [tilespmem:s15], [sflag:$0x4], $0x80, s28, s10, $0xb8;
	[tilespmem:$0x1F000] =	vst v63  }
0x1b2: {  	_ =	swait.ge [sflag:s16], $0x3E80  }
0x1b3: {  	[sflag:s16] =	ssyncset.done $0x0  }
0x1b4: {  	s23 =	sadd.s32 $0x1000, s23;
	[sflag:s16] =	ssyncadd.s32 $0xFFFFC180  }
0x1b5: {  	[tilespmem:s3], [sflag:$0x3] =	stream.linear.gather [hbm4b:s23+s3], $0x500, $0x38;
	[tilespmem:$0x1F000] =	vst v63  }
0x1b6: {  	s23 =	sadd.s32 $0x1000, s24;
	s24 =	simm.s32 $0x1080  }
0x1b7: {  	[tilespmem:s19], [sflag:$0x3] =	stream.linear.gather [hbm4b:s23+s3], $0x500, $0x38;
	[tilespmem:$0x1F000] =	vst v63  }
0x1b8: {  	_ = 	snop  }
0x1b9: {  	[tilespmem:s15], [sflag:$0x2] =	stream.indirect.gather [hbm4b:s7+s10], $0x80, s24, s10, $0xb8;
	[tilespmem:$0x1F000] =	vst v63  }
0x1ba: {  	_ =	swait.ge [sflag:s8], $0x3E80  }
0x1bb: {  	[sflag:s8] =	ssyncset.done $0x0  }
0x1bc: {  	[sflag:s8] =	ssyncadd.s32 $0xFFFFC180  }
0x1bd: {  	[spmem:s2] =	stream.indirect.scatter.add.f32 [tilespmem:s11], [sflag:$0x4], $0x80, s26, s10, $0xb8;
	[tilespmem:$0x1F000] =	vst v63  }
0x1be: {  	_ =	swait.ge [sflag:s16], $0x3E80  }
0x1bf: {  	[sflag:s16] =	ssyncset.done $0x0  }
0x1c0: {  	s23 =	simm.s32 $0x1100;
	[sflag:s16] =	ssyncadd.s32 $0xFFFFC180  }
0x1c1: {  	[tilespmem:s11], [sflag:$0x1] =	stream.indirect.gather [hbm4b:s7+s10], $0x80, s23, s10, $0xb8;
	[tilespmem:$0x1F000] =	vst v63  }
0x1c2: {  	_ =	swait.ge [sflag:s18], $0x3E80  }
0x1c3: {  	[sflag:s18] =	ssyncset.done $0x0  }
0x1c4: {  	s23 =	simm.s32 $0x1880;
	[sflag:s18] =	ssyncadd.s32 $0xFFFFC180  }
0x1c5: {  	[spmem:s2] =	stream.indirect.scatter.add.f32 [tilespmem:s15], [sflag:$0x4], $0x80, s23, s10, $0xb8;
	[tilespmem:$0x1F000] =	vst v63  }
0x1c6: {  	_ =	swait.ge [sflag:s16], $0x3E80  }
0x1c7: {  	[sflag:s16] =	ssyncset.done $0x0  }
0x1c8: {  	s23 =	simm.s32 $0x1180;
	[sflag:s16] =	ssyncadd.s32 $0xFFFFC180  }
0x1c9: {  	[tilespmem:s15], [sflag:$0x2] =	stream.indirect.gather [hbm4b:s7+s10], $0x80, s23, s10, $0xb8;
	[tilespmem:$0x1F000] =	vst v63  }
0x1ca: {  	_ =	swait.ge [sflag:s8], $0x3E80  }
0x1cb: {  	[sflag:s8] =	ssyncset.done $0x0  }
0x1cc: {  	s23 =	simm.s32 $0x1900;
	[sflag:s8] =	ssyncadd.s32 $0xFFFFC180  }
0x1cd: {  	[spmem:s2] =	stream.indirect.scatter.add.f32 [tilespmem:s11], [sflag:$0x4], $0x80, s23, s10, $0xb8;
	[tilespmem:$0x1F000] =	vst v63  }
0x1ce: {  	_ =	swait.ge [sflag:s16], $0x3E80  }
0x1cf: {  	[sflag:s16] =	ssyncset.done $0x0  }
0x1d0: {  	s23 =	simm.s32 $0x1200;
	[sflag:s16] =	ssyncadd.s32 $0xFFFFC180  }
0x1d1: {  	[tilespmem:s11], [sflag:$0x1] =	stream.indirect.gather [hbm4b:s7+s10], $0x80, s23, s10, $0xb8;
	[tilespmem:$0x1F000] =	vst v63  }
0x1d2: {  	_ =	swait.ge [sflag:s18], $0x3E80  }
0x1d3: {  	[sflag:s18] =	ssyncset.done $0x0  }
0x1d4: {  	s23 =	simm.s32 $0x1980;
	[sflag:s18] =	ssyncadd.s32 $0xFFFFC180  }
0x1d5: {  	[spmem:s2] =	stream.indirect.scatter.add.f32 [tilespmem:s15], [sflag:$0x4], $0x80, s23, s10, $0xb8;
	[tilespmem:$0x1F000] =	vst v63  }
0x1d6: {  	_ =	swait.ge [sflag:s16], $0x3E80  }
0x1d7: {  	[sflag:s16] =	ssyncset.done $0x0  }
0x1d8: {  	s23 =	simm.s32 $0x1280;
	[sflag:s16] =	ssyncadd.s32 $0xFFFFC180  }
0x1d9: {  	[tilespmem:s15], [sflag:$0x2] =	stream.indirect.gather [hbm4b:s7+s10], $0x80, s23, s10, $0xb8;
	[tilespmem:$0x1F000] =	vst v63  }
0x1da: {  	_ =	swait.ge [sflag:s8], $0x3E80  }
0x1db: {  	[sflag:s8] =	ssyncset.done $0x0  }
0x1dc: {  	[sflag:s8] =	ssyncadd.s32 $0xFFFFC180  }
0x1dd: {  	[spmem:s2] =	stream.indirect.scatter.add.f32 [tilespmem:s11], [sflag:$0x4], $0x80, s12, s10, $0xb8;
	[tilespmem:$0x1F000] =	vst v63  }
0x1de: {  	_ =	swait.ge [sflag:s16], $0x3E80  }
0x1df: {  	[sflag:s16] =	ssyncset.done $0x0  }
0x1e0: {  	[sflag:s16] =	ssyncadd.s32 $0xFFFFC180  }
0x1e1: {  	[tilespmem:s11], [sflag:$0x1] =	stream.indirect.gather [hbm4b:s7+s10], $0x80, s29, s10, $0xb8;
	[tilespmem:$0x1F000] =	vst v63  }
0x1e2: {  	_ =	swait.ge [sflag:s18], $0x3E80  }
0x1e3: {  	[sflag:s18] =	ssyncset.done $0x0  }
0x1e4: {  	[sflag:s18] =	ssyncadd.s32 $0xFFFFC180  }
0x1e5: {  	[spmem:s2] =	stream.indirect.scatter.add.f32 [tilespmem:s15], [sflag:$0x4], $0x80, s30, s10, $0xb8;
	[tilespmem:$0x1F000] =	vst v63  }
0x1e6: {  	_ =	swait.ge [sflag:s16], $0x3E80  }
0x1e7: {  	[sflag:s16] =	ssyncset.done $0x0  }
0x1e8: {  	[sflag:s16] =	ssyncadd.s32 $0xFFFFC180  }
0x1e9: {  	[tilespmem:s15], [sflag:$0x2] =	stream.indirect.gather [hbm4b:s7+s10], $0x80, s31, s10, $0xb8;
	[tilespmem:$0x1F000] =	vst v63  }
0x1ea: {  	_ =	swait.ge [sflag:s8], $0x3E80  }
0x1eb: {  	[sflag:s8] =	ssyncset.done $0x0  }
0x1ec: {  	[sflag:s8] =	ssyncadd.s32 $0xFFFFC180  }
0x1ed: {  	[spmem:s2] =	stream.indirect.scatter.add.f32 [tilespmem:s11], [sflag:$0x4], $0x80, s1, s10, $0xb8;
	[tilespmem:$0x1F000] =	vst v63  }
0x1ee: {  	_ =	swait.ge [sflag:s16], $0x3E80  }
0x1ef: {  	[sflag:s16] =	ssyncset.done $0x0  }
0x1f0: {  	[sflag:s16] =	ssyncadd.s32 $0xFFFFC180  }
0x1f1: {  	[tilespmem:s11], [sflag:$0x1] =	stream.indirect.gather [hbm4b:s7+s10], $0x80, s6, s10, $0xb8;
	[tilespmem:$0x1F000] =	vst v63  }
0x1f2: {  	_ =	swait.ge [sflag:s18], $0x3E80  }
0x1f3: {  	[sflag:s18] =	ssyncset.done $0x0  }
0x1f4: {  	[sflag:s18] =	ssyncadd.s32 $0xFFFFC180  }
0x1f5: {  	[spmem:s2] =	stream.indirect.scatter.add.f32 [tilespmem:s15], [sflag:$0x4], $0x80, s14, s10, $0xb8;
	[tilespmem:$0x1F000] =	vst v63  }
0x1f6: {  	_ =	swait.ge [sflag:s16], $0x3E80  }
0x1f7: {  	[sflag:s16] =	ssyncset.done $0x0  }
0x1f8: {  	[sflag:s16] =	ssyncadd.s32 $0xFFFFC180  }
0x1f9: {  	_ =	swait.ge [sflag:s9], $0x500  }
0x1fa: {  	[sflag:s9] =	ssyncset.done $0x0  }
0x1fb: {  	[sflag:s9] =	ssyncadd.s32 $0xFFFFFB00  }
0x1fc: {  	_ =	swait.ge [sflag:s9], $0x500  }
0x1fd: {  	[sflag:s9] =	ssyncset.done $0x0  }
0x1fe: {  	[sflag:s9] =	ssyncadd.s32 $0xFFFFFB00  }
0x1ff: {  	[tilespmem:s15], [sflag:$0x2] =	stream.indirect.gather [hbm4b:s7+s10], $0x80, s4, s10, $0xb8;
	[tilespmem:$0x1F000] =	vst v63  }
0x200: {  	_ =	swait.ge [sflag:s8], $0x3E80  }
0x201: {  	[sflag:s8] =	ssyncset.done $0x0  }
0x202: {  	[sflag:s8] =	ssyncadd.s32 $0xFFFFC180  }
0x203: {  	[spmem:s2] =	stream.indirect.scatter.add.f32 [tilespmem:s11], [sflag:$0x4], $0x80, s20, s10, $0xb8;
	[tilespmem:$0x1F000] =	vst v63  }
0x204: {  	_ =	swait.ge [sflag:s16], $0x3E80  }
0x205: {  	[sflag:s16] =	ssyncset.done $0x0  }
0x206: {  	[sflag:s16] =	ssyncadd.s32 $0xFFFFC180  }
0x207: {  	[tilespmem:s11], [sflag:$0x1] =	stream.indirect.gather [hbm4b:s7+s10], $0x80, s3, s10, $0xb8;
	[tilespmem:$0x1F000] =	vst v63  }
0x208: {  	_ =	swait.ge [sflag:s18], $0x3E80  }
.Ltmp1:
0x209: {  	[sflag:s18] =	ssyncset.done $0x0;
	(pc) =	sbr.rel @p0 .LBB2_4-.Ltmp1, $4  }
0x20a: {  	[sflag:s18] =	ssyncadd.s32 $0xFFFFC180  }
0x20b: {  	[spmem:s2] =	stream.indirect.scatter.add.f32 [tilespmem:s15], [sflag:$0x4], $0x80, s0, s10, $0xb8;
	[tilespmem:$0x1F000] =	vst v63  }
0x20c: {  	_ =	swait.ge [sflag:s16], $0x3E80  }
0x20d: {  	s23 =	sadd.s32 s21, s5;
	[sflag:s16] =	ssyncset.done $0x0  }
0x20e: {  	s22 =	sadd.s32 $0xF00, s23;
	s21 =	sadd.s32 s21, s17;
	[sflag:s16] =	ssyncadd.s32 $0xFFFFC180  }
0x20f: {  	[tilespmem:s13], [sflag:$0x3] =	stream.linear.gather [hbm4b:s22+s3], $0x500, $0x38;
	[tilespmem:$0x1F000] =	vst v63  }
0x210: {  	s30 =	sadd.s32 $0xF00, s21  }
0x211: {  	[tilespmem:s26], [sflag:$0x3] =	stream.linear.gather [hbm4b:s30+s3], $0x500, $0x38;
	[tilespmem:$0x1F000] =	vst v63  }
0x212: {  	_ = 	snop  }
0x213: {  	[tilespmem:s15], [sflag:$0x2] =	stream.indirect.gather [hbm4b:s7+s10], $0x80, s25, s10, $0xb8;
	[tilespmem:$0x1F000] =	vst v63  }
0x214: {  	_ =	swait.ge [sflag:s8], $0x3E80  }
0x215: {  	[sflag:s8] =	ssyncset.done $0x0  }
0x216: {  	[sflag:s8] =	ssyncadd.s32 $0xFFFFC180  }
0x217: {  	[spmem:s2] =	stream.indirect.scatter.add.f32 [tilespmem:s11], [sflag:$0x4], $0x80, s19, s10, $0xb8;
	[tilespmem:$0x1F000] =	vst v63  }
0x218: {  	_ =	swait.ge [sflag:s16], $0x3E80  }
0x219: {  	[sflag:s16] =	ssyncset.done $0x0  }
0x21a: {  	s0 =	simm.s32 $0x100;
	[sflag:s16] =	ssyncadd.s32 $0xFFFFC180  }
0x21b: {  	[tilespmem:s11], [sflag:$0x1] =	stream.indirect.gather [hbm4b:s7+s10], $0x80, s0, s10, $0xb8;
	[tilespmem:$0x1F000] =	vst v63  }
0x21c: {  	_ =	swait.ge [sflag:s18], $0x3E80  }
0x21d: {  	[sflag:s18] =	ssyncset.done $0x0  }
0x21e: {  	s31 =	simm.s32 $0x880;
	[sflag:s18] =	ssyncadd.s32 $0xFFFFC180  }
0x21f: {  	[spmem:s2] =	stream.indirect.scatter.add.f32 [tilespmem:s15], [sflag:$0x4], $0x80, s31, s10, $0xb8;
	[tilespmem:$0x1F000] =	vst v63  }
0x220: {  	_ =	swait.ge [sflag:s16], $0x3E80  }
0x221: {  	[sflag:s16] =	ssyncset.done $0x0  }
0x222: {  	s1 =	simm.s32 $0x180;
	[sflag:s16] =	ssyncadd.s32 $0xFFFFC180  }
0x223: {  	[tilespmem:s15], [sflag:$0x2] =	stream.indirect.gather [hbm4b:s7+s10], $0x80, s1, s10, $0xb8;
	[tilespmem:$0x1F000] =	vst v63  }
0x224: {  	_ =	swait.ge [sflag:s8], $0x3E80  }
0x225: {  	[sflag:s8] =	ssyncset.done $0x0  }
0x226: {  	s4 =	simm.s32 $0x900;
	[sflag:s8] =	ssyncadd.s32 $0xFFFFC180  }
0x227: {  	[spmem:s2] =	stream.indirect.scatter.add.f32 [tilespmem:s11], [sflag:$0x4], $0x80, s4, s10, $0xb8;
	[tilespmem:$0x1F000] =	vst v63  }
0x228: {  	_ =	swait.ge [sflag:s16], $0x3E80  }
0x229: {  	[sflag:s16] =	ssyncset.done $0x0  }
0x22a: {  	s12 =	simm.s32 $0x200;
	[sflag:s16] =	ssyncadd.s32 $0xFFFFC180  }
0x22b: {  	[tilespmem:s11], [sflag:$0x1] =	stream.indirect.gather [hbm4b:s7+s10], $0x80, s12, s10, $0xb8;
	[tilespmem:$0x1F000] =	vst v63  }
0x22c: {  	_ =	swait.ge [sflag:s18], $0x3E80  }
0x22d: {  	[sflag:s18] =	ssyncset.done $0x0  }
0x22e: {  	s14 =	simm.s32 $0x980;
	[sflag:s18] =	ssyncadd.s32 $0xFFFFC180  }
0x22f: {  	[spmem:s2] =	stream.indirect.scatter.add.f32 [tilespmem:s15], [sflag:$0x4], $0x80, s14, s10, $0xb8;
	[tilespmem:$0x1F000] =	vst v63  }
0x230: {  	_ =	swait.ge [sflag:s16], $0x3E80  }
0x231: {  	[sflag:s16] =	ssyncset.done $0x0  }
0x232: {  	s17 =	simm.s32 $0x280;
	[sflag:s16] =	ssyncadd.s32 $0xFFFFC180  }
0x233: {  	[tilespmem:s15], [sflag:$0x2] =	stream.indirect.gather [hbm4b:s7+s10], $0x80, s17, s10, $0xb8;
	[tilespmem:$0x1F000] =	vst v63  }
0x234: {  	_ =	swait.ge [sflag:s8], $0x3E80  }
0x235: {  	[sflag:s8] =	ssyncset.done $0x0  }
0x236: {  	s19 =	simm.s32 $0xA00;
	[sflag:s8] =	ssyncadd.s32 $0xFFFFC180  }
0x237: {  	[spmem:s2] =	stream.indirect.scatter.add.f32 [tilespmem:s11], [sflag:$0x4], $0x80, s19, s10, $0xb8;
	[tilespmem:$0x1F000] =	vst v63  }
0x238: {  	_ =	swait.ge [sflag:s16], $0x3E80  }
0x239: {  	[sflag:s16] =	ssyncset.done $0x0  }
0x23a: {  	s20 =	simm.s32 $0x300;
	[sflag:s16] =	ssyncadd.s32 $0xFFFFC180  }
0x23b: {  	[tilespmem:s11], [sflag:$0x1] =	stream.indirect.gather [hbm4b:s7+s10], $0x80, s20, s10, $0xb8;
	[tilespmem:$0x1F000] =	vst v63  }
0x23c: {  	_ =	swait.ge [sflag:s18], $0x3E80  }
0x23d: {  	[sflag:s18] =	ssyncset.done $0x0  }
0x23e: {  	s22 =	simm.s32 $0xA80;
	[sflag:s18] =	ssyncadd.s32 $0xFFFFC180  }
0x23f: {  	[spmem:s2] =	stream.indirect.scatter.add.f32 [tilespmem:s15], [sflag:$0x4], $0x80, s22, s10, $0xb8;
	[tilespmem:$0x1F000] =	vst v63  }
0x240: {  	_ =	swait.ge [sflag:s16], $0x3E80  }
0x241: {  	[sflag:s16] =	ssyncset.done $0x0  }
0x242: {  	s28 =	simm.s32 $0x380;
	[sflag:s16] =	ssyncadd.s32 $0xFFFFC180  }
0x243: {  	[tilespmem:s15], [sflag:$0x2] =	stream.indirect.gather [hbm4b:s7+s10], $0x80, s28, s10, $0xb8;
	[tilespmem:$0x1F000] =	vst v63  }
0x244: {  	_ =	swait.ge [sflag:s8], $0x3E80  }
0x245: {  	[sflag:s8] =	ssyncset.done $0x0  }
0x246: {  	s29 =	simm.s32 $0xB00;
	[sflag:s8] =	ssyncadd.s32 $0xFFFFC180  }
0x247: {  	[spmem:s2] =	stream.indirect.scatter.add.f32 [tilespmem:s11], [sflag:$0x4], $0x80, s29, s10, $0xb8;
	[tilespmem:$0x1F000] =	vst v63  }
0x248: {  	_ =	swait.ge [sflag:s16], $0x3E80  }
0x249: {  	[sflag:s16] =	ssyncset.done $0x0  }
0x24a: {  	s30 =	simm.s32 $0x400;
	[sflag:s16] =	ssyncadd.s32 $0xFFFFC180  }
0x24b: {  	[tilespmem:s11], [sflag:$0x1] =	stream.indirect.gather [hbm4b:s7+s10], $0x80, s30, s10, $0xb8;
	[tilespmem:$0x1F000] =	vst v63  }
0x24c: {  	_ =	swait.ge [sflag:s18], $0x3E80  }
0x24d: {  	[sflag:s18] =	ssyncset.done $0x0  }
0x24e: {  	s31 =	simm.s32 $0xB80;
	[sflag:s18] =	ssyncadd.s32 $0xFFFFC180  }
0x24f: {  	[spmem:s2] =	stream.indirect.scatter.add.f32 [tilespmem:s15], [sflag:$0x4], $0x80, s31, s10, $0xb8;
	[tilespmem:$0x1F000] =	vst v63  }
0x250: {  	_ =	swait.ge [sflag:s16], $0x3E80  }
0x251: {  	[sflag:s16] =	ssyncset.done $0x0  }
0x252: {  	[sflag:s16] =	ssyncadd.s32 $0xFFFFC180  }
0x253: {  	_ =	swait.ge [sflag:s9], $0x500  }
0x254: {  	[sflag:s9] =	ssyncset.done $0x0  }
0x255: {  	[sflag:s9] =	ssyncadd.s32 $0xFFFFFB00  }
0x256: {  	_ =	swait.ge [sflag:s9], $0x500  }
0x257: {  	[sflag:s9] =	ssyncset.done $0x0  }
0x258: {  	s1 =	simm.s32 $0x480;
	[sflag:s9] =	ssyncadd.s32 $0xFFFFFB00  }
0x259: {  	[tilespmem:s15], [sflag:$0x2] =	stream.indirect.gather [hbm4b:s7+s10], $0x80, s1, s10, $0xb8;
	[tilespmem:$0x1F000] =	vst v63  }
0x25a: {  	_ =	swait.ge [sflag:s8], $0x3E80  }
0x25b: {  	[sflag:s8] =	ssyncset.done $0x0  }
0x25c: {  	s4 =	simm.s32 $0xC00;
	[sflag:s8] =	ssyncadd.s32 $0xFFFFC180  }
0x25d: {  	[spmem:s2] =	stream.indirect.scatter.add.f32 [tilespmem:s11], [sflag:$0x4], $0x80, s4, s10, $0xb8;
	[tilespmem:$0x1F000] =	vst v63  }
0x25e: {  	_ =	swait.ge [sflag:s16], $0x3E80  }
0x25f: {  	[sflag:s16] =	ssyncset.done $0x0  }
0x260: {  	[sflag:s16] =	ssyncadd.s32 $0xFFFFC180  }
0x261: {  	[tilespmem:s11], [sflag:$0x1] =	stream.indirect.gather [hbm4b:s7+s10], $0x80, s13, s10, $0xb8;
	[tilespmem:$0x1F000] =	vst v63  }
0x262: {  	_ =	swait.ge [sflag:s18], $0x3E80  }
0x263: {  	[sflag:s18] =	ssyncset.done $0x0  }
0x264: {  	s12 =	simm.s32 $0xC80;
	[sflag:s18] =	ssyncadd.s32 $0xFFFFC180  }
0x265: {  	[spmem:s2] =	stream.indirect.scatter.add.f32 [tilespmem:s15], [sflag:$0x4], $0x80, s12, s10, $0xb8;
	[tilespmem:$0x1F000] =	vst v63  }
0x266: {  	_ =	swait.ge [sflag:s16], $0x3E80  }
0x267: {  	[sflag:s16] =	ssyncset.done $0x0  }
0x268: {  	s14 =	sadd.s32 $0x1000, s23;
	[sflag:s16] =	ssyncadd.s32 $0xFFFFC180  }
0x269: {  	[tilespmem:s3], [sflag:$0x3] =	stream.linear.gather [hbm4b:s14+s3], $0x500, $0x38;
	[tilespmem:$0x1F000] =	vst v63  }
0x26a: {  	s6 =	simm.s32 $0x800;
	s21 =	sadd.s32 $0x1000, s21  }
0x26b: {  	[tilespmem:s6], [sflag:$0x3] =	stream.linear.gather [hbm4b:s21+s3], $0x500, $0x38;
	[tilespmem:$0x1F000] =	vst v63  }
0x26c: {  	_ = 	snop  }
0x26d: {  	[tilespmem:s15], [sflag:$0x2] =	stream.indirect.gather [hbm4b:s7+s10], $0x80, s24, s10, $0xb8;
	[tilespmem:$0x1F000] =	vst v63  }
0x26e: {  	_ =	swait.ge [sflag:s8], $0x3E80  }
0x26f: {  	[sflag:s8] =	ssyncset.done $0x0  }
0x270: {  	[sflag:s8] =	ssyncadd.s32 $0xFFFFC180  }
0x271: {  	[spmem:s2] =	stream.indirect.scatter.add.f32 [tilespmem:s11], [sflag:$0x4], $0x80, s26, s10, $0xb8;
	[tilespmem:$0x1F000] =	vst v63  }
0x272: {  	_ =	swait.ge [sflag:s16], $0x3E80  }
0x273: {  	[sflag:s16] =	ssyncset.done $0x0  }
0x274: {  	s22 =	simm.s32 $0x1100;
	[sflag:s16] =	ssyncadd.s32 $0xFFFFC180  }
0x275: {  	[tilespmem:s11], [sflag:$0x1] =	stream.indirect.gather [hbm4b:s7+s10], $0x80, s22, s10, $0xb8;
	[tilespmem:$0x1F000] =	vst v63  }
0x276: {  	_ =	swait.ge [sflag:s18], $0x3E80  }
0x277: {  	[sflag:s18] =	ssyncset.done $0x0  }
0x278: {  	s23 =	simm.s32 $0x1880;
	[sflag:s18] =	ssyncadd.s32 $0xFFFFC180  }
0x279: {  	[spmem:s2] =	stream.indirect.scatter.add.f32 [tilespmem:s15], [sflag:$0x4], $0x80, s23, s10, $0xb8;
	[tilespmem:$0x1F000] =	vst v63  }
0x27a: {  	_ =	swait.ge [sflag:s16], $0x3E80  }
0x27b: {  	[sflag:s16] =	ssyncset.done $0x0  }
0x27c: {  	s17 =	simm.s32 $0x1180;
	[sflag:s16] =	ssyncadd.s32 $0xFFFFC180  }
0x27d: {  	[tilespmem:s15], [sflag:$0x2] =	stream.indirect.gather [hbm4b:s7+s10], $0x80, s17, s10, $0xb8;
	[tilespmem:$0x1F000] =	vst v63  }
0x27e: {  	_ =	swait.ge [sflag:s8], $0x3E80  }
0x27f: {  	[sflag:s8] =	ssyncset.done $0x0  }
0x280: {  	s19 =	simm.s32 $0x1900;
	[sflag:s8] =	ssyncadd.s32 $0xFFFFC180  }
0x281: {  	[spmem:s2] =	stream.indirect.scatter.add.f32 [tilespmem:s11], [sflag:$0x4], $0x80, s19, s10, $0xb8;
	[tilespmem:$0x1F000] =	vst v63  }
0x282: {  	_ =	swait.ge [sflag:s16], $0x3E80  }
0x283: {  	[sflag:s16] =	ssyncset.done $0x0  }
0x284: {  	s20 =	simm.s32 $0x1200;
	[sflag:s16] =	ssyncadd.s32 $0xFFFFC180  }
0x285: {  	[tilespmem:s11], [sflag:$0x1] =	stream.indirect.gather [hbm4b:s7+s10], $0x80, s20, s10, $0xb8;
	[tilespmem:$0x1F000] =	vst v63  }
0x286: {  	_ =	swait.ge [sflag:s18], $0x3E80  }
0x287: {  	[sflag:s18] =	ssyncset.done $0x0  }
0x288: {  	s12 =	simm.s32 $0x1980;
	[sflag:s18] =	ssyncadd.s32 $0xFFFFC180  }
0x289: {  	[spmem:s2] =	stream.indirect.scatter.add.f32 [tilespmem:s15], [sflag:$0x4], $0x80, s12, s10, $0xb8;
	[tilespmem:$0x1F000] =	vst v63  }
0x28a: {  	_ =	swait.ge [sflag:s16], $0x3E80  }
0x28b: {  	[sflag:s16] =	ssyncset.done $0x0  }
0x28c: {  	s14 =	simm.s32 $0x1280;
	[sflag:s16] =	ssyncadd.s32 $0xFFFFC180  }
0x28d: {  	[tilespmem:s15], [sflag:$0x2] =	stream.indirect.gather [hbm4b:s7+s10], $0x80, s14, s10, $0xb8;
	[tilespmem:$0x1F000] =	vst v63  }
0x28e: {  	_ =	swait.ge [sflag:s8], $0x3E80  }
0x28f: {  	[sflag:s8] =	ssyncset.done $0x0  }
0x290: {  	s17 =	simm.s32 $0x1A00;
	[sflag:s8] =	ssyncadd.s32 $0xFFFFC180  }
0x291: {  	[spmem:s2] =	stream.indirect.scatter.add.f32 [tilespmem:s11], [sflag:$0x4], $0x80, s17, s10, $0xb8;
	[tilespmem:$0x1F000] =	vst v63  }
0x292: {  	_ =	swait.ge [sflag:s16], $0x3E80  }
0x293: {  	[sflag:s16] =	ssyncset.done $0x0  }
0x294: {  	s19 =	simm.s32 $0x1300;
	[sflag:s16] =	ssyncadd.s32 $0xFFFFC180  }
0x295: {  	[tilespmem:s11], [sflag:$0x1] =	stream.indirect.gather [hbm4b:s7+s10], $0x80, s19, s10, $0xb8;
	[tilespmem:$0x1F000] =	vst v63  }
0x296: {  	_ =	swait.ge [sflag:s18], $0x3E80  }
0x297: {  	[sflag:s18] =	ssyncset.done $0x0  }
0x298: {  	s20 =	simm.s32 $0x1A80;
	[sflag:s18] =	ssyncadd.s32 $0xFFFFC180  }
0x299: {  	[spmem:s2] =	stream.indirect.scatter.add.f32 [tilespmem:s15], [sflag:$0x4], $0x80, s20, s10, $0xb8;
	[tilespmem:$0x1F000] =	vst v63  }
0x29a: {  	_ =	swait.ge [sflag:s16], $0x3E80  }
0x29b: {  	[sflag:s16] =	ssyncset.done $0x0  }
0x29c: {  	s28 =	simm.s32 $0x1380;
	[sflag:s16] =	ssyncadd.s32 $0xFFFFC180  }
0x29d: {  	[tilespmem:s15], [sflag:$0x2] =	stream.indirect.gather [hbm4b:s7+s10], $0x80, s28, s10, $0xb8;
	[tilespmem:$0x1F000] =	vst v63  }
0x29e: {  	_ =	swait.ge [sflag:s8], $0x3E80  }
0x29f: {  	[sflag:s8] =	ssyncset.done $0x0  }
0x2a0: {  	s29 =	simm.s32 $0x1B00;
	[sflag:s8] =	ssyncadd.s32 $0xFFFFC180  }
0x2a1: {  	[spmem:s2] =	stream.indirect.scatter.add.f32 [tilespmem:s11], [sflag:$0x4], $0x80, s29, s10, $0xb8;
	[tilespmem:$0x1F000] =	vst v63  }
0x2a2: {  	_ =	swait.ge [sflag:s16], $0x3E80  }
0x2a3: {  	[sflag:s16] =	ssyncset.done $0x0  }
0x2a4: {  	s30 =	simm.s32 $0x1400;
	[sflag:s16] =	ssyncadd.s32 $0xFFFFC180  }
0x2a5: {  	[tilespmem:s11], [sflag:$0x1] =	stream.indirect.gather [hbm4b:s7+s10], $0x80, s30, s10, $0xb8;
	[tilespmem:$0x1F000] =	vst v63  }
0x2a6: {  	_ =	swait.ge [sflag:s18], $0x3E80  }
0x2a7: {  	[sflag:s18] =	ssyncset.done $0x0  }
0x2a8: {  	s31 =	simm.s32 $0x1B80;
	[sflag:s18] =	ssyncadd.s32 $0xFFFFC180  }
0x2a9: {  	[spmem:s2] =	stream.indirect.scatter.add.f32 [tilespmem:s15], [sflag:$0x4], $0x80, s31, s10, $0xb8;
	[tilespmem:$0x1F000] =	vst v63  }
0x2aa: {  	_ =	swait.ge [sflag:s16], $0x3E80  }
0x2ab: {  	[sflag:s16] =	ssyncset.done $0x0  }
0x2ac: {  	[sflag:s16] =	ssyncadd.s32 $0xFFFFC180  }
0x2ad: {  	_ =	swait.ge [sflag:s9], $0x500  }
0x2ae: {  	[sflag:s9] =	ssyncset.done $0x0  }
0x2af: {  	[sflag:s9] =	ssyncadd.s32 $0xFFFFFB00  }
0x2b0: {  	_ =	swait.ge [sflag:s9], $0x500  }
0x2b1: {  	[sflag:s9] =	ssyncset.done $0x0  }
0x2b2: {  	s4 =	simm.s32 $0x1480;
	[sflag:s9] =	ssyncadd.s32 $0xFFFFFB00  }
0x2b3: {  	[tilespmem:s15], [sflag:$0x2] =	stream.indirect.gather [hbm4b:s7+s10], $0x80, s4, s10, $0xb8;
	[tilespmem:$0x1F000] =	vst v63  }
0x2b4: {  	_ =	swait.ge [sflag:s8], $0x3E80  }
0x2b5: {  	[sflag:s8] =	ssyncset.done $0x0  }
0x2b6: {  	s1 =	simm.s32 $0x1C00;
	[sflag:s8] =	ssyncadd.s32 $0xFFFFC180  }
0x2b7: {  	[spmem:s2] =	stream.indirect.scatter.add.f32 [tilespmem:s11], [sflag:$0x4], $0x80, s1, s10, $0xb8;
	[tilespmem:$0x1F000] =	vst v63  }
0x2b8: {  	_ =	swait.ge [sflag:s16], $0x3E80  }
0x2b9: {  	[sflag:s16] =	ssyncset.done $0x0  }
0x2ba: {  	[sflag:s16] =	ssyncadd.s32 $0xFFFFC180  }
0x2bb: {  	[tilespmem:s11], [sflag:$0x1] =	stream.indirect.gather [hbm4b:s7+s10], $0x80, s3, s10, $0xb8;
	[tilespmem:$0x1F000] =	vst v63  }
0x2bc: {  	_ =	swait.ge [sflag:s18], $0x3E80  }
0x2bd: {  	[sflag:s18] =	ssyncset.done $0x0  }
0x2be: {  	s0 =	simm.s32 $0x1C80;
	[sflag:s18] =	ssyncadd.s32 $0xFFFFC180  }
0x2bf: {  	[spmem:s2] =	stream.indirect.scatter.add.f32 [tilespmem:s15], [sflag:$0x4], $0x80, s0, s10, $0xb8;
	[tilespmem:$0x1F000] =	vst v63  }
0x2c0: {  	_ =	swait.ge [sflag:s16], $0x3E80  }
0x2c1: {  	[sflag:s16] =	ssyncset.done $0x0  }
0x2c2: {  	s21 =	rddreg [dreg:$0x4];
	[sflag:s16] =	ssyncadd.s32 $0xFFFFC180  }
0x2c3: {  	[tilespmem:s13], [sflag:$0x3] =	stream.linear.gather [hbm4b:s21+s3], $0x500, $0x38;
	[tilespmem:$0x1F000] =	vst v63  }
0x2c4: {  	s21 =	rddreg [dreg:$0x5]  }
0x2c5: {  	[tilespmem:s26], [sflag:$0x3] =	stream.linear.gather [hbm4b:s21+s3], $0x500, $0x38;
	[tilespmem:$0x1F000] =	vst v63  }
0x2c6: {  	_ = 	snop  }
0x2c7: {  	[tilespmem:s15], [sflag:$0x2] =	stream.indirect.gather [hbm4b:s7+s10], $0x80, s25, s10, $0xb8;
	[tilespmem:$0x1F000] =	vst v63  }
0x2c8: {  	_ =	swait.ge [sflag:s8], $0x3E80  }
0x2c9: {  	[sflag:s8] =	ssyncset.done $0x0  }
0x2ca: {  	[sflag:s8] =	ssyncadd.s32 $0xFFFFC180  }
0x2cb: {  	[spmem:s2] =	stream.indirect.scatter.add.f32 [tilespmem:s11], [sflag:$0x4], $0x80, s6, s10, $0xb8;
	[tilespmem:$0x1F000] =	vst v63  }
0x2cc: {  	_ =	swait.ge [sflag:s16], $0x3E80  }
0x2cd: {  	[sflag:s16] =	ssyncset.done $0x0  }
0x2ce: {  	s21 =	simm.s32 $0x100;
	[sflag:s16] =	ssyncadd.s32 $0xFFFFC180  }
0x2cf: {  	[tilespmem:s11], [sflag:$0x1] =	stream.indirect.gather [hbm4b:s7+s10], $0x80, s21, s10, $0xb8;
	[tilespmem:$0x1F000] =	vst v63  }
0x2d0: {  	_ =	swait.ge [sflag:s18], $0x3E80  }
0x2d1: {  	[sflag:s18] =	ssyncset.done $0x0  }
0x2d2: {  	s21 =	simm.s32 $0x880;
	[sflag:s18] =	ssyncadd.s32 $0xFFFFC180  }
0x2d3: {  	[spmem:s2] =	stream.indirect.scatter.add.f32 [tilespmem:s15], [sflag:$0x4], $0x80, s21, s10, $0xb8;
	[tilespmem:$0x1F000] =	vst v63  }
0x2d4: {  	_ =	swait.ge [sflag:s16], $0x3E80  }
0x2d5: {  	[sflag:s16] =	ssyncset.done $0x0  }
0x2d6: {  	s21 =	simm.s32 $0x180;
	[sflag:s16] =	ssyncadd.s32 $0xFFFFC180  }
0x2d7: {  	[tilespmem:s15], [sflag:$0x2] =	stream.indirect.gather [hbm4b:s7+s10], $0x80, s21, s10, $0xb8;
	[tilespmem:$0x1F000] =	vst v63  }
0x2d8: {  	_ =	swait.ge [sflag:s8], $0x3E80  }
0x2d9: {  	[sflag:s8] =	ssyncset.done $0x0  }
0x2da: {  	s21 =	simm.s32 $0x900;
	[sflag:s8] =	ssyncadd.s32 $0xFFFFC180  }
0x2db: {  	[spmem:s2] =	stream.indirect.scatter.add.f32 [tilespmem:s11], [sflag:$0x4], $0x80, s21, s10, $0xb8;
	[tilespmem:$0x1F000] =	vst v63  }
0x2dc: {  	_ =	swait.ge [sflag:s16], $0x3E80  }
0x2dd: {  	[sflag:s16] =	ssyncset.done $0x0  }
0x2de: {  	s21 =	simm.s32 $0x200;
	[sflag:s16] =	ssyncadd.s32 $0xFFFFC180  }
0x2df: {  	[tilespmem:s11], [sflag:$0x1] =	stream.indirect.gather [hbm4b:s7+s10], $0x80, s21, s10, $0xb8;
	[tilespmem:$0x1F000] =	vst v63  }
0x2e0: {  	_ =	swait.ge [sflag:s18], $0x3E80  }
0x2e1: {  	[sflag:s18] =	ssyncset.done $0x0  }
0x2e2: {  	s21 =	simm.s32 $0x980;
	[sflag:s18] =	ssyncadd.s32 $0xFFFFC180  }
0x2e3: {  	[spmem:s2] =	stream.indirect.scatter.add.f32 [tilespmem:s15], [sflag:$0x4], $0x80, s21, s10, $0xb8;
	[tilespmem:$0x1F000] =	vst v63  }
0x2e4: {  	_ =	swait.ge [sflag:s16], $0x3E80  }
0x2e5: {  	[sflag:s16] =	ssyncset.done $0x0  }
0x2e6: {  	s21 =	simm.s32 $0x280;
	[sflag:s16] =	ssyncadd.s32 $0xFFFFC180  }
0x2e7: {  	[tilespmem:s15], [sflag:$0x2] =	stream.indirect.gather [hbm4b:s7+s10], $0x80, s21, s10, $0xb8;
	[tilespmem:$0x1F000] =	vst v63  }
0x2e8: {  	_ =	swait.ge [sflag:s8], $0x3E80  }
0x2e9: {  	[sflag:s8] =	ssyncset.done $0x0  }
0x2ea: {  	s21 =	simm.s32 $0xA00;
	[sflag:s8] =	ssyncadd.s32 $0xFFFFC180  }
0x2eb: {  	[spmem:s2] =	stream.indirect.scatter.add.f32 [tilespmem:s11], [sflag:$0x4], $0x80, s21, s10, $0xb8;
	[tilespmem:$0x1F000] =	vst v63  }
0x2ec: {  	_ =	swait.ge [sflag:s16], $0x3E80  }
0x2ed: {  	[sflag:s16] =	ssyncset.done $0x0  }
0x2ee: {  	s21 =	simm.s32 $0x300;
	[sflag:s16] =	ssyncadd.s32 $0xFFFFC180  }
0x2ef: {  	[tilespmem:s11], [sflag:$0x1] =	stream.indirect.gather [hbm4b:s7+s10], $0x80, s21, s10, $0xb8;
	[tilespmem:$0x1F000] =	vst v63  }
0x2f0: {  	_ =	swait.ge [sflag:s18], $0x3E80  }
0x2f1: {  	[sflag:s18] =	ssyncset.done $0x0  }
0x2f2: {  	s21 =	simm.s32 $0xA80;
	[sflag:s18] =	ssyncadd.s32 $0xFFFFC180  }
0x2f3: {  	[spmem:s2] =	stream.indirect.scatter.add.f32 [tilespmem:s15], [sflag:$0x4], $0x80, s21, s10, $0xb8;
	[tilespmem:$0x1F000] =	vst v63  }
0x2f4: {  	_ =	swait.ge [sflag:s16], $0x3E80  }
0x2f5: {  	[sflag:s16] =	ssyncset.done $0x0  }
0x2f6: {  	s21 =	simm.s32 $0x380;
	[sflag:s16] =	ssyncadd.s32 $0xFFFFC180  }
0x2f7: {  	[tilespmem:s15], [sflag:$0x2] =	stream.indirect.gather [hbm4b:s7+s10], $0x80, s21, s10, $0xb8;
	[tilespmem:$0x1F000] =	vst v63  }
0x2f8: {  	_ =	swait.ge [sflag:s8], $0x3E80  }
0x2f9: {  	[sflag:s8] =	ssyncset.done $0x0  }
0x2fa: {  	s21 =	simm.s32 $0xB00;
	[sflag:s8] =	ssyncadd.s32 $0xFFFFC180  }
0x2fb: {  	[spmem:s2] =	stream.indirect.scatter.add.f32 [tilespmem:s11], [sflag:$0x4], $0x80, s21, s10, $0xb8;
	[tilespmem:$0x1F000] =	vst v63  }
0x2fc: {  	_ =	swait.ge [sflag:s16], $0x3E80  }
0x2fd: {  	[sflag:s16] =	ssyncset.done $0x0  }
0x2fe: {  	s21 =	simm.s32 $0x400;
	[sflag:s16] =	ssyncadd.s32 $0xFFFFC180  }
0x2ff: {  	[tilespmem:s11], [sflag:$0x1] =	stream.indirect.gather [hbm4b:s7+s10], $0x80, s21, s10, $0xb8;
	[tilespmem:$0x1F000] =	vst v63  }
0x300: {  	_ =	swait.ge [sflag:s18], $0x3E80  }
0x301: {  	[sflag:s18] =	ssyncset.done $0x0  }
0x302: {  	s21 =	simm.s32 $0xB80;
	[sflag:s18] =	ssyncadd.s32 $0xFFFFC180  }
0x303: {  	[spmem:s2] =	stream.indirect.scatter.add.f32 [tilespmem:s15], [sflag:$0x4], $0x80, s21, s10, $0xb8;
	[tilespmem:$0x1F000] =	vst v63  }
0x304: {  	_ =	swait.ge [sflag:s16], $0x3E80  }
0x305: {  	[sflag:s16] =	ssyncset.done $0x0  }
0x306: {  	[sflag:s16] =	ssyncadd.s32 $0xFFFFC180  }
0x307: {  	_ =	swait.ge [sflag:s9], $0x500  }
0x308: {  	[sflag:s9] =	ssyncset.done $0x0  }
0x309: {  	[sflag:s9] =	ssyncadd.s32 $0xFFFFFB00  }
0x30a: {  	_ =	swait.ge [sflag:s9], $0x500  }
0x30b: {  	[sflag:s9] =	ssyncset.done $0x0  }
0x30c: {  	s21 =	simm.s32 $0x480;
	[sflag:s9] =	ssyncadd.s32 $0xFFFFFB00  }
0x30d: {  	[tilespmem:s15], [sflag:$0x2] =	stream.indirect.gather [hbm4b:s7+s10], $0x80, s21, s10, $0xb8;
	[tilespmem:$0x1F000] =	vst v63  }
0x30e: {  	_ =	swait.ge [sflag:s8], $0x3E80  }
0x30f: {  	[sflag:s8] =	ssyncset.done $0x0  }
0x310: {  	s21 =	simm.s32 $0xC00;
	[sflag:s8] =	ssyncadd.s32 $0xFFFFC180  }
0x311: {  	[spmem:s2] =	stream.indirect.scatter.add.f32 [tilespmem:s11], [sflag:$0x4], $0x80, s21, s10, $0xb8;
	[tilespmem:$0x1F000] =	vst v63  }
0x312: {  	_ =	swait.ge [sflag:s16], $0x3E80  }
0x313: {  	[sflag:s16] =	ssyncset.done $0x0  }
0x314: {  	[sflag:s16] =	ssyncadd.s32 $0xFFFFC180  }
0x315: {  	[tilespmem:s11], [sflag:$0x1] =	stream.indirect.gather [hbm4b:s7+s10], $0x80, s13, s10, $0xb8;
	[tilespmem:$0x1F000] =	vst v63  }
0x316: {  	_ =	swait.ge [sflag:s18], $0x3E80  }
0x317: {  	[sflag:s18] =	ssyncset.done $0x0  }
0x318: {  	s21 =	simm.s32 $0xC80;
	[sflag:s18] =	ssyncadd.s32 $0xFFFFC180  }
0x319: {  	[spmem:s2] =	stream.indirect.scatter.add.f32 [tilespmem:s15], [sflag:$0x4], $0x80, s21, s10, $0xb8;
	[tilespmem:$0x1F000] =	vst v63  }
0x31a: {  	_ =	swait.ge [sflag:s16], $0x3E80  }
0x31b: {  	[sflag:s16] =	ssyncset.done $0x0  }
0x31c: {  	[sflag:s16] =	ssyncadd.s32 $0xFFFFC180  }
0x31d: {  	[tilespmem:s15], [sflag:$0x2] =	stream.indirect.gather [hbm4b:s7+s10], $0x80, s24, s10, $0xb8;
	[tilespmem:$0x1F000] =	vst v63  }
0x31e: {  	_ =	swait.ge [sflag:s8], $0x3E80  }
0x31f: {  	[sflag:s8] =	ssyncset.done $0x0  }
0x320: {  	[sflag:s8] =	ssyncadd.s32 $0xFFFFC180  }
0x321: {  	[spmem:s2] =	stream.indirect.scatter.add.f32 [tilespmem:s11], [sflag:$0x4], $0x80, s26, s10, $0xb8;
	[tilespmem:$0x1F000] =	vst v63  }
0x322: {  	_ =	swait.ge [sflag:s16], $0x3E80  }
0x323: {  	[sflag:s16] =	ssyncset.done $0x0  }
0x324: {  	[sflag:s16] =	ssyncadd.s32 $0xFFFFC180  }
0x325: {  	[tilespmem:s11], [sflag:$0x1] =	stream.indirect.gather [hbm4b:s7+s10], $0x80, s22, s10, $0xb8;
	[tilespmem:$0x1F000] =	vst v63  }
0x326: {  	_ =	swait.ge [sflag:s18], $0x3E80  }
0x327: {  	[sflag:s18] =	ssyncset.done $0x0  }
0x328: {  	[sflag:s18] =	ssyncadd.s32 $0xFFFFC180  }
0x329: {  	[spmem:s2] =	stream.indirect.scatter.add.f32 [tilespmem:s15], [sflag:$0x4], $0x80, s23, s10, $0xb8;
	[tilespmem:$0x1F000] =	vst v63  }
0x32a: {  	_ =	swait.ge [sflag:s16], $0x3E80  }
0x32b: {  	[sflag:s16] =	ssyncset.done $0x0  }
0x32c: {  	s21 =	simm.s32 $0x1180;
	[sflag:s16] =	ssyncadd.s32 $0xFFFFC180  }
0x32d: {  	[tilespmem:s15], [sflag:$0x2] =	stream.indirect.gather [hbm4b:s7+s10], $0x80, s21, s10, $0xb8;
	[tilespmem:$0x1F000] =	vst v63  }
0x32e: {  	_ =	swait.ge [sflag:s8], $0x3E80  }
0x32f: {  	[sflag:s8] =	ssyncset.done $0x0  }
0x330: {  	s22 =	simm.s32 $0x1900;
	[sflag:s8] =	ssyncadd.s32 $0xFFFFC180  }
0x331: {  	[spmem:s2] =	stream.indirect.scatter.add.f32 [tilespmem:s11], [sflag:$0x4], $0x80, s22, s10, $0xb8;
	[tilespmem:$0x1F000] =	vst v63  }
0x332: {  	_ =	swait.ge [sflag:s16], $0x3E80  }
0x333: {  	[sflag:s16] =	ssyncset.done $0x0  }
0x334: {  	s23 =	simm.s32 $0x1200;
	[sflag:s16] =	ssyncadd.s32 $0xFFFFC180  }
0x335: {  	[tilespmem:s11], [sflag:$0x1] =	stream.indirect.gather [hbm4b:s7+s10], $0x80, s23, s10, $0xb8;
	[tilespmem:$0x1F000] =	vst v63  }
0x336: {  	_ =	swait.ge [sflag:s18], $0x3E80  }
0x337: {  	[sflag:s18] =	ssyncset.done $0x0  }
0x338: {  	[sflag:s18] =	ssyncadd.s32 $0xFFFFC180  }
0x339: {  	[spmem:s2] =	stream.indirect.scatter.add.f32 [tilespmem:s15], [sflag:$0x4], $0x80, s12, s10, $0xb8;
	[tilespmem:$0x1F000] =	vst v63  }
0x33a: {  	_ =	swait.ge [sflag:s16], $0x3E80  }
0x33b: {  	[sflag:s16] =	ssyncset.done $0x0  }
0x33c: {  	[sflag:s16] =	ssyncadd.s32 $0xFFFFC180  }
0x33d: {  	[tilespmem:s15], [sflag:$0x2] =	stream.indirect.gather [hbm4b:s7+s10], $0x80, s14, s10, $0xb8;
	[tilespmem:$0x1F000] =	vst v63  }
0x33e: {  	_ =	swait.ge [sflag:s8], $0x3E80  }
0x33f: {  	[sflag:s8] =	ssyncset.done $0x0  }
0x340: {  	[sflag:s8] =	ssyncadd.s32 $0xFFFFC180  }
0x341: {  	[spmem:s2] =	stream.indirect.scatter.add.f32 [tilespmem:s11], [sflag:$0x4], $0x80, s17, s10, $0xb8;
	[tilespmem:$0x1F000] =	vst v63  }
0x342: {  	_ =	swait.ge [sflag:s16], $0x3E80  }
0x343: {  	[sflag:s16] =	ssyncset.done $0x0  }
0x344: {  	[sflag:s16] =	ssyncadd.s32 $0xFFFFC180  }
0x345: {  	[tilespmem:s11], [sflag:$0x1] =	stream.indirect.gather [hbm4b:s7+s10], $0x80, s19, s10, $0xb8;
	[tilespmem:$0x1F000] =	vst v63  }
0x346: {  	_ =	swait.ge [sflag:s18], $0x3E80  }
0x347: {  	[sflag:s18] =	ssyncset.done $0x0  }
0x348: {  	[sflag:s18] =	ssyncadd.s32 $0xFFFFC180  }
0x349: {  	[spmem:s2] =	stream.indirect.scatter.add.f32 [tilespmem:s15], [sflag:$0x4], $0x80, s20, s10, $0xb8;
	[tilespmem:$0x1F000] =	vst v63  }
0x34a: {  	_ =	swait.ge [sflag:s16], $0x3E80  }
0x34b: {  	[sflag:s16] =	ssyncset.done $0x0  }
0x34c: {  	[sflag:s16] =	ssyncadd.s32 $0xFFFFC180  }
0x34d: {  	[tilespmem:s15], [sflag:$0x2] =	stream.indirect.gather [hbm4b:s7+s10], $0x80, s28, s10, $0xb8;
	[tilespmem:$0x1F000] =	vst v63  }
0x34e: {  	_ =	swait.ge [sflag:s8], $0x3E80  }
0x34f: {  	[sflag:s8] =	ssyncset.done $0x0  }
0x350: {  	[sflag:s8] =	ssyncadd.s32 $0xFFFFC180  }
0x351: {  	[spmem:s2] =	stream.indirect.scatter.add.f32 [tilespmem:s11], [sflag:$0x4], $0x80, s29, s10, $0xb8;
	[tilespmem:$0x1F000] =	vst v63  }
0x352: {  	_ =	swait.ge [sflag:s16], $0x3E80  }
0x353: {  	[sflag:s16] =	ssyncset.done $0x0  }
0x354: {  	[sflag:s16] =	ssyncadd.s32 $0xFFFFC180  }
0x355: {  	[tilespmem:s11], [sflag:$0x1] =	stream.indirect.gather [hbm4b:s7+s10], $0x80, s30, s10, $0xb8;
	[tilespmem:$0x1F000] =	vst v63  }
0x356: {  	_ =	swait.ge [sflag:s18], $0x3E80  }
0x357: {  	[sflag:s18] =	ssyncset.done $0x0  }
0x358: {  	[sflag:s18] =	ssyncadd.s32 $0xFFFFC180  }
0x359: {  	[spmem:s2] =	stream.indirect.scatter.add.f32 [tilespmem:s15], [sflag:$0x4], $0x80, s31, s10, $0xb8;
	[tilespmem:$0x1F000] =	vst v63  }
0x35a: {  	_ =	swait.ge [sflag:s16], $0x3E80  }
0x35b: {  	[sflag:s16] =	ssyncset.done $0x0  }
0x35c: {  	[sflag:s16] =	ssyncadd.s32 $0xFFFFC180  }
0x35d: {  	[tilespmem:s15], [sflag:$0x2] =	stream.indirect.gather [hbm4b:s7+s10], $0x80, s4, s10, $0xb8;
	[tilespmem:$0x1F000] =	vst v63  }
0x35e: {  	_ =	swait.ge [sflag:s8], $0x3E80  }
0x35f: {  	[sflag:s8] =	ssyncset.done $0x0  }
0x360: {  	[sflag:s8] =	ssyncadd.s32 $0xFFFFC180  }
0x361: {  	[spmem:s2] =	stream.indirect.scatter.add.f32 [tilespmem:s11], [sflag:$0x4], $0x80, s1, s10, $0xb8;
	[tilespmem:$0x1F000] =	vst v63  }
0x362: {  	_ =	swait.ge [sflag:s16], $0x3E80  }
0x363: {  	[sflag:s16] =	ssyncset.done $0x0  }
0x364: {  	[sflag:s16] =	ssyncadd.s32 $0xFFFFC180  }
0x365: {  	_ =	swait.ge [sflag:s18], $0x3E80  }
0x366: {  	[sflag:s18] =	ssyncset.done $0x0  }
0x367: {  	[sflag:s18] =	ssyncadd.s32 $0xFFFFC180  }
0x368: {  	[spmem:s2] =	stream.indirect.scatter.add.f32 [tilespmem:s15], [sflag:$0x4], $0x80, s0, s10, $0xb8;
	[tilespmem:$0x1F000] =	vst v63  }
0x369: {  	_ =	swait.ge [sflag:s16], $0x3E80  }
0x36a: {  	[sflag:s16] =	ssyncset.done $0x0  }
0x36b: {  	[sflag:s16] =	ssyncadd.s32 $0xFFFFC180  }
0x36c: {  	s24 =	stileid.u32;
	[bflag:$0x0] =	sbarrier.arrive $0xFFFF  }
0x36d: {  	s21 =	sshll.u32 s24, $0x6;
	s23 =	rddreg [dreg:$0x3]  }
0x36e: {  	s21 =	sor.u32 $0x1C04, s21;
	s29 =	rddreg [dreg:$0x6];
	s28 =	sshrl.u32 s23, $0x3  }
0x36f: {  	[hbm:s29], [sflag:s21] =	dma.local [spmem:s28], $0x2800  }
0x370: {  	_ =	swait.ge [sflag:s16], $0x2800  }
0x371: {  	s30 =	rddreg [dreg:$0x1b]  }
0x372: {  	s31 =	rddreg [dreg:$0x7];
	s1 =	sadd.s32 $0x1, s30  }
0x373: {  	p0 =	sne.s32 s1, s31  }
.Ltmp2:
0x374: {  	_ = 	snop;
	(pc) =	sbr.rel @p0 .LBB2_1-.Ltmp2, $3  }
0x375: {  	_ =	sdelay $0x1  }
0x376: {  	s24 =	smov.u32 s5;
	[sflag:s16] =	ssyncset.done $0x0  }
0x377: {  	s4 =	simm.s32 $0x1800;
	s0 =	simm.s32 $0x1000;
	[sflag:s16] =	ssyncadd.s32 $0xFFFFD800  }
0x378: {  	_ =	sfence.sel $0x180000  }
0x379: {  	[bflag:$0x0] =	sbarrier.arrive $0xFFFF  }
0x37a: {  	_ =	strace $0x9000004A  }
0x37b: {  	s0 =	stileid.u32;
	[bflag:$0x2] =	sbarrier.arrive $0xFFFF  }
0x37c: {  	p0 =	sne.s32 s0, $0x0;
	s0 =	rddreg [dreg:$0x2]  }
0x37d: {  	s0 =	sadd.s32 @!p0 $0x100000, s0  }
0x37e: {  	[sflag:s0] =	ssyncadd.tile.s32 @!p0 $0x1;
	_ =	shalt  }
.Lfunc_end2:
_tile_overlayer_lowered:
.L_overlay_start_2:
0x37f: {  	(tag) =	ssettag $0x2  }
0x380: {  	s0 =	rddreg [dreg:$0x0];
	s2 =	stileid.u32  }
0x381: {  	s1 =	rddreg [dreg:$0x1];
	p0 =	sne.s32 s2, $0x0  }
0x382: {  	s3 =	rddreg [dreg:$0x2];
	[bflag:$0x3] =	sbarrier.arrive $0xFFFF;
	s2 =	simm.s32 @!p0 $0x1C04  }
0x383: {  	[timem:s3], [sflag:s2] =	dma.local @!p0 [hbm:s0], s1  }
0x384: {  	s0 =	simm.s32 @!p0 $0x4  }
0x385: {  	_ =	swait.ge @!p0 [sflag:s0], s1  }
0x386: {  	s1 =	ssub.s32 @!p0 $0x0, s1;
	[sflag:s0] =	ssyncset.done @!p0 $0x0  }
0x387: {  	[sflag:s0] =	ssyncadd.s32 @!p0 s1  }
0x388: {  	[bflag:$0x3] =	sbarrier.arrive $0xFFFF  }
0x389: {  	_ =	shalt  }

// kernel: kernel.14.cloned.1.call-start
scs
__scs_entry_jumppad:
0x0: {  	(pc) =	sbr.rel $0x88, $3  }
0x1: {  	(tag) =	ssettag $0x0;
	lr =	simm.s32 $0x1  }
0x2: {  	[smem:$0x3F99] =	sst lr;
	_ =	strace $0xD0000000  }
0x3: {  	_ = 	snop  }
0x4: {  	_ = 	snop  }
0x5: {  	_ = 	snop  }
0x6: {  	_ = 	snop  }
0x7: {  	_ = 	snop  }
__scs_overlays_trampoline_lowered:
0x8: {  	[smem:$0x3FA8] =	sst s0  }
0x9: {  	[smem:$0x3FA9] =	sst s1  }
0xa: {  	[smem:$0x3FAA] =	sst s2  }
0xb: {  	[smem:$0x3FAB] =	sst s3  }
0xc: {  	[smem:$0x3FAC] =	sst s4  }
0xd: {  	[smem:$0x3FAD] =	sst s5  }
0xe: {  	[smem:$0x3FAE] =	sst s6  }
0xf: {  	[smem:$0x3FAF] =	sst s7  }
0x10: {  	[smem:$0x3FB0] =	sst s8  }
0x11: {  	[smem:$0x3FB1] =	sst s9;
	s0 =	simm.s32 @!p0 $0x0  }
0x12: {  	s1 =	sld [smem:$0x3F97];
	s0 =	simm.s32 @p0 $0x1  }
0x13: {  	[smem:$0x3FB2] =	sst s0;
	s0 =	simm.s32 @!p1 $0x0  }
0x14: {  	s2 =	sld [smem:$0x3F96];
	s0 =	simm.s32 @p1 $0x1  }
0x15: {  	[smem:$0x3FB3] =	sst s0;
	s0 =	simm.s32 @!p2 $0x0  }
0x16: {  	s3 =	sld [smem:$0x3FDB];
	s0 =	simm.s32 @p2 $0x1  }
0x17: {  	s4 =	simm.s32 $0x1BF5;
	[smem:$0x3FB5] =	sst s0  }
0x18: {  	s0 =	sld [smem:$0x3F98];
	_ =	swait.ge [sflag:s4], $0x0  }
0x19: {  	s7 =	sld [smem:$0x3F99]  }
0x1a: {  	s8 =	sadd.s32 $0xFFFFE003, lr  }
0x1b: {  	s9 =	sadd.s32 $0xFFFFFEF7, lr;
	s5 =	simm.s32 $0xFFFFFFFF;
	p2 =	slt.u32 s8, $0xFFFFF086  }
0x1c: {  	p1 =	slt.u32 s9, $0xF7A;
	s5 =	simm.s32 @!p2 $0x0  }
0x1d: {  	s5 =	simm.s32 @p1 $0x1;
	p0 =	seq.s32 s7, s2  }
0x1e: {  	s7 =	smul.u32 @!p0 $0xF7A, s2;
	p2 =	seq.s32 @!p0 s5, $0x0  }
0x1f: {  	s9 =	smul.u32 $0xF7A, s1;
	s8 =	simm.s32 @!p0 $0x1BF5;
	p2 =	por !p2, p0  }
0x20: {  	[sflag:s8] =	ssyncset.s32 @!p0 $0xFFFFF086;
	s6 =	sadd.s32 @!p0 s3, s7;
	s7 =	simm.s32 @!p0 $0x108  }
0x21: {  	s3 =	sadd.s32 s3, s9;
	s6 =	sadd.s32 @!p0 $0x88, s6;
	s7 =	simm.s32 @p2 $0x1082  }
0x22: {  	[simem:s7], [sflag:s8] =	dma.local @!p0 [hbm:s6], $0xF7A  }
0x23: {  	s9 =	sor.u32 $0xD0000000, s2;
	s6 =	simm.s32 $0x108;
	_ =	swait.ge @!p0 [sflag:s8], $0x0  }
0x24: {  	s3 =	sadd.s32 $0x88, s3;
	s6 =	simm.s32 @!p1 $0x1082;
	[sflag:s4] =	ssyncset.s32 $0xFFFFF086  }
0x25: {  	[simem:s6], [sflag:s4] =	dma.local [hbm:s3], $0xF7A  }
0x26: {  	[smem:$0x3F99] =	sst s1;
	(tag) =	ssettag s2;
	_ =	strace s9  }
0x27: {  	s1 =	sld [smem:$0x3FA9]  }
0x28: {  	s2 =	sld [smem:$0x3FAA]  }
0x29: {  	s4 =	sld [smem:$0x3FAC]  }
0x2a: {  	p0 =	seq.s32 s5, $0x0;
	s5 =	sld [smem:$0x3FAD]  }
0x2b: {  	s6 =	sld [smem:$0x3FAE]  }
0x2c: {  	s7 =	sld [smem:$0x3FAF]  }
0x2d: {  	s3 =	simm.s32 $0x108;
	s8 =	sld [smem:$0x3FB0]  }
0x2e: {  	s3 =	simm.s32 @!p0 $0x1082;
	s9 =	sld [smem:$0x3FB1]  }
0x2f: {  	lr =	sadd.s32 s0, s3;
	s0 =	sld [smem:$0x3FA8]  }
0x30: {  	s3 =	sld [smem:$0x3FAB]  }
0x31: {  	[smem:$0x3FB4] =	sst s10  }
0x32: {  	s10 =	sld [smem:$0x3FB2];
	_ =	sdelay $0x3  }
0x33: {  	p0 =	seq.s32 s10, $0x1;
	s10 =	sld [smem:$0x3FB4];
	_ =	sdelay $0x3  }
0x34: {  	[smem:$0x3FB4] =	sst s10  }
0x35: {  	s10 =	sld [smem:$0x3FB3];
	_ =	sdelay $0x3  }
0x36: {  	p1 =	seq.s32 s10, $0x1;
	s10 =	sld [smem:$0x3FB4];
	_ =	sdelay $0x3  }
0x37: {  	[smem:$0x3FB4] =	sst s10  }
0x38: {  	s10 =	sld [smem:$0x3FB5]  }
0x39: {  	_ = 	snop;
	(pc) =	sbr.ind lr, $3  }
0x3a: {  	_ = 	snop  }
0x3b: {  	_ = 	snop  }
0x3c: {  	p2 =	seq.s32 s10, $0x1;
	s10 =	sld [smem:$0x3FB4]  }
0x3d: {  	_ =	shalt  }
0x3e: {  	_ =	shalt  }
0x3f: {  	_ =	shalt  }
0x40: {  	_ =	shalt  }
0x41: {  	_ =	shalt  }
0x42: {  	_ =	shalt  }
0x43: {  	_ =	shalt  }
0x44: {  	_ =	shalt  }
0x45: {  	_ =	shalt  }
0x46: {  	_ =	shalt  }
0x47: {  	_ =	shalt  }
0x48: {  	_ =	shalt  }
0x49: {  	_ =	shalt  }
0x4a: {  	_ =	shalt  }
0x4b: {  	_ =	shalt  }
0x4c: {  	_ =	shalt  }
0x4d: {  	_ =	shalt  }
0x4e: {  	_ =	shalt  }
0x4f: {  	_ =	shalt  }
0x50: {  	_ =	shalt  }
0x51: {  	_ =	shalt  }
0x52: {  	_ =	shalt  }
0x53: {  	_ =	shalt  }
0x54: {  	_ =	shalt  }
0x55: {  	_ =	shalt  }
0x56: {  	_ =	shalt  }
0x57: {  	_ =	shalt  }
0x58: {  	_ =	shalt  }
0x59: {  	_ =	shalt  }
0x5a: {  	_ =	shalt  }
0x5b: {  	_ =	shalt  }
0x5c: {  	_ =	shalt  }
0x5d: {  	_ =	shalt  }
0x5e: {  	_ =	shalt  }
0x5f: {  	_ =	shalt  }
0x60: {  	_ =	shalt  }
0x61: {  	_ =	shalt  }
0x62: {  	_ =	shalt  }
0x63: {  	_ =	shalt  }
0x64: {  	_ =	shalt  }
0x65: {  	_ =	shalt  }
0x66: {  	_ =	shalt  }
0x67: {  	_ =	shalt  }
0x68: {  	_ =	shalt  }
0x69: {  	_ =	shalt  }
0x6a: {  	_ =	shalt  }
0x6b: {  	_ =	shalt  }
0x6c: {  	_ =	shalt  }
0x6d: {  	_ =	shalt  }
0x6e: {  	_ =	shalt  }
0x6f: {  	_ =	shalt  }
0x70: {  	_ =	shalt  }
0x71: {  	_ =	shalt  }
0x72: {  	_ =	shalt  }
0x73: {  	_ =	shalt  }
0x74: {  	_ =	shalt  }
0x75: {  	_ =	shalt  }
0x76: {  	_ =	shalt  }
0x77: {  	_ =	shalt  }
0x78: {  	_ =	shalt  }
0x79: {  	_ =	shalt  }
0x7a: {  	_ =	shalt  }
0x7b: {  	_ =	shalt  }
0x7c: {  	_ =	shalt  }
0x7d: {  	_ =	shalt  }
0x7e: {  	_ =	shalt  }
0x7f: {  	_ =	shalt  }
0x80: {  	_ =	shalt  }
0x81: {  	_ =	shalt  }
0x82: {  	_ =	shalt  }
0x83: {  	_ =	shalt  }
0x84: {  	_ =	shalt  }
0x85: {  	_ =	shalt  }
0x86: {  	_ =	shalt  }
0x87: {  	_ =	shalt  }
.Lfunc_end0:
.L_simem_size_0:
called_computation.2_lowered:
.L_overlay_start_0:
0x88: {  	s2 =	sld [smem:$0x3FD9]  }
0x89: {  	s3 =	sld [smem:$0x3FFE];
	_ =	sdelay $0x1  }
0x8a: {  	s1 =	srdreg.scid  }
0x8b: {  	s0 =	sand.u32 $0x1, s1  }
0x8c: {  	s16 =	sshll.u32 s0, $0xA;
	s2 =	sadd.s32 s3, s2  }
0x8d: {  	s2 =	sadd.s32 s2, s16  }
0x8e: {  	[smem:$0x3FC0] =	sst s2  }
0x8f: {  	_ = 	snop  }
0x90: {  	(tm) =	ssettm $0x1  }
0x91: {  	s17 =	sld [smem:$0x3FFB];
	_ =	sdelay $0x3  }
0x92: {  	_ =	strace s17  }
0x93: {  	s2 =	sld [smem:$0x3FFC];
	_ =	sdelay $0x3  }
0x94: {  	_ =	strace s2  }
0x95: {  	s2 =	sld [smem:$0x3FFD];
	_ =	sdelay $0x3  }
0x96: {  	_ =	strace s2  }
0x97: {  	_ =	strace $0x8FFFFFFF  }
0x98: {  	s18 =	sld [smem:$0x3FDB];
	_ =	sdelay $0x1  }
0x99: {  	s19 =	simm.s32 $_scs_section_size  }
0x9a: {  	s4 =	simm.s32 $_size__tile_overlayer_lowered;
	s5 =	simm.s32 $_tile_overlayer_lowered  }
0x9b: {  	s22 =	simm.s32 $0x1BFF;
	s21 =	sshll.u32 s5, $0x1;
	s2 =	sadd.s32 s19, s18  }
0x9c: {  	s6 =	simm.s32 $0x0;
	s20 =	sshll.u32 s4, $0x1;
	s4 =	sadd.s32 s21, s2  }
0x9d: {  	[timem:s6], [sflag:s22] =	dma.local [hbm:s4], s20  }
0x9e: {  	_ =	swait.ge [sflag:s22], s20  }
0x9f: {  	s3 =	ssub.s32 $0x0, s20;
	[sflag:s22] =	ssyncset.done $0x0  }
0xa0: {  	[sflag:s22] =	ssyncadd.s32 s3;
	_ =	sdelay $0x1  }
0xa1: {  	s23 =	simm.s32 $0x1B8B  }
0xa2: {  	_ =	swait.ge [sflag:s23], $0x1  }
0xa3: {  	[sflag:s23] =	ssyncset.done $0x0  }
0xa4: {  	s25 =	simm.s32 $0x1B8E;
	s24 =	sld [smem:$0x3FFE];
	[sflag:s23] =	ssyncadd.s32 $0xFFFFFFFF  }
0xa5: {  	s26 =	simm.s32 $execute0_lowered;
	[smem:$0x3FD2] =	sst s25  }
0xa6: {  	s4 =	sshll.u32 s26, $0x1;
	_ =	strace $0x8000004C;
	[dreg:$0x1] =	wrdreg $0xFFFFFFFF  }
0xa7: {  	s28 =	simm.s32 $_size_execute0_lowered;
	s2 =	sadd.s32 s2, s4;
	[dreg:$0x0] =	wrdreg $0x0  }
0xa8: {  	s4 =	sshll.u32 s28, $0x1;
	[dreg:$0x2] =	wrdreg s2  }
0xa9: {  	[dreg:$0x3] =	wrdreg s4  }
0xaa: {  	[dreg:$0x4] =	wrdreg $0xC0  }
0xab: {  	_ =	task [dreg:s6], $0x5FFFF  }
0xac: {  	[dreg:$0x1] =	wrdreg $0xFFFFFFFF  }
0xad: {  	[dreg:$0x0] =	wrdreg $0x60  }
0xae: {  	[dreg:$0x2] =	wrdreg s24  }
0xaf: {  	[dreg:$0x3] =	wrdreg $0xB0000  }
0xb0: {  	[dreg:$0x4] =	wrdreg $0x9  }
0xb1: {  	_ =	task.clear_ibuf [dreg:s6], $0x5FFFF;
	_ =	strace $0x9000004C  }
0xb2: {  	s29 =	simm.s32 $0x9;
	_ =	strace $0x8000004E  }
0xb3: {  	_ =	swait.ge [sflag:s29], $0x1  }
0xb4: {  	[sflag:s29] =	ssyncadd.s32 $0xFFFFFFFF  }
0xb5: {  	_ =	strace $0x9000004E  }
0xb6: {  	_ =	sfence  }
0xb7: {  	s30 =	sld [smem:$0x0];
	_ =	sdelay $0x2  }
0xb8: {  	s31 =	sshll.u32 s1, $0xD;
	s1 =	sshrl.u32 s1, $0x2  }
0xb9: {  	s3 =	sand.u32 $0x4000, s31;
	s1 =	sadd.s32 s1, s30  }
0xba: {  	s0 =	sor.u32 s3, s0;
	s1 =	sshll.u32 s1, $0x11  }
0xbb: {  	s0 =	sor.u32 s1, s0  }
0xbc: {  	s0 =	sadd.s32 $0x8F2B, s0  }
0xbd: {  	[sflag:s0] =	ssyncadd.remote.s32 $0x1  }
0xbe: {  	_ =	sfence.sel $0xFFFF  }
0xbf: {  	[dreg:$0x0] =	wrdreg $0xFFFFFFFF;
	(pc) =	sbr.abs _section_cstart, $3  }
0xc0: {  	[dreg:$0x1] =	wrdreg $0xFFFFFFFF  }
0xc1: {  	_ =	task.clear_ibuf [dreg:s6], $0x2FFFF;
	_ =	strace $0x9FFFFFFF  }
0xc2: {  	(tm) =	ssettm $0x7FFFFFFF  }
0xc3: {  	_ =	shalt  }
tec
execute0_lowered:
.L_overlay_start_1:
0x0: {  	(tag) =	ssettag $0x1  }
0x1: {  	s0 =	rddreg [dreg:$0x0]  }
0x2: {  	s1 =	rddreg [dreg:$0x1];
	s11 =	stileid.u32  }
0x3: {  	s2 =	srdreg.scid;
	s6 =	smul.u32 $0x14000, s11  }
0x4: {  	s2 =	sand.u32 $0x1, s2;
	s9 =	sshll.u32 s11, $0xE;
	s11 =	smul.u32 $0x50000, s11  }
0x5: {  	s5 =	smul.u32 $0x140000, s2;
	s25 =	sshll.u32 s2, $0x12;
	s2 =	ssub.s32 $0x2, s2  }
0x6: {  	s3 =	simm.s32 $0x0;
	s26 =	sshrl.u32 s2, $0x1;
	s14 =	sshrl.u32 s11, $0x2  }
0x7: {  	[smem:$0x7FF] =	sst s3;
	s2 =	ssub.s32 s2, s26;
	s17 =	sadd.s32 s14, s1  }
0x8: {  	_ =	strace $0x8000004D;
	s19 =	smax.u32 s2, $0x1;
	[dreg:$0x9] =	wrdreg s17  }
0x9: {  	s28 =	simm.s32 $0x1400;
	s20 =	sadd.s32 $0x1000, s17;
	[dreg:$0xd] =	wrdreg s19  }
0xa: {  	s29 =	simm.s32 $0x1B80;
	s21 =	sadd.s32 $0x2000, s17;
	[dreg:$0xe] =	wrdreg s20  }
0xb: {  	s30 =	simm.s32 $0x1480;
	s22 =	sadd.s32 $0x3000, s17;
	[dreg:$0xf] =	wrdreg s21  }
0xc: {  	s4 =	sadd.s32 $0x2600, s0;
	s23 =	sadd.s32 $0x4000, s17;
	[dreg:$0x10] =	wrdreg s22  }
0xd: {  	s5 =	sadd.s32 s6, s5;
	s24 =	sadd.s32 $0x5000, s17;
	[dreg:$0x11] =	wrdreg s23  }
0xe: {  	s6 =	sor.u32 s9, s25;
	s25 =	sadd.s32 $0x6000, s17;
	[dreg:$0x12] =	wrdreg s24  }
0xf: {  	s7 =	sadd.s32 $0xDC400, s0;
	s9 =	sadd.s32 $0x8000, s17;
	[dreg:$0x13] =	wrdreg s25  }
0x10: {  	s10 =	sshrl.u32 s6, $0x3;
	s14 =	sadd.s32 $0xA000, s17;
	[dreg:$0x15] =	wrdreg s9  }
0x11: {  	s8 =	sadd.s32 $0xCC400, s0;
	s12 =	sadd.s32 s7, s10;
	[dreg:$0x17] =	wrdreg s14  }
0x12: {  	s5 =	sshrl.u32 s5, $0x3;
	s13 =	sadd.s32 s8, s10;
	[dreg:$0x7] =	wrdreg s12  }
0x13: {  	s0 =	sadd.s32 s5, s0;
	s5 =	sadd.s32 $0x7000, s17;
	[dreg:$0x8] =	wrdreg s13  }
0x14: {  	s15 =	sor.u32 $0x700, s10;
	s10 =	sadd.s32 $0x9000, s17;
	[dreg:$0x14] =	wrdreg s5  }
0x15: {  	s31 =	simm.s32 $0x1C00;
	s19 =	sadd.s32 $0xC000, s17;
	[dreg:$0x16] =	wrdreg s10  }
0x16: {  	s26 =	sor.u32 $0x1000, s6;
	s20 =	sadd.s32 $0xD000, s17;
	[dreg:$0x19] =	wrdreg s19  }
0x17: {  	s2 =	simm.s32 $0x0;
	s21 =	sadd.s32 $0xE000, s17;
	[dreg:$0x1a] =	wrdreg s20  }
0x18: {  	s22 =	sadd.s32 $0xF000, s17;
	s23 =	sadd.s32 $0x10000, s17;
	[dreg:$0x1b] =	wrdreg s21  }
0x19: {  	s24 =	sadd.s32 $0x11000, s17;
	s25 =	sadd.s32 $0x12000, s17;
	[dreg:$0x1c] =	wrdreg s22  }
0x1a: {  	s9 =	simm.s32 $0x2000;
	s14 =	simm.s32 $0x4;
	[dreg:$0x1d] =	wrdreg s23  }
0x1b: {  	s16 =	sadd.s32 s7, s15;
	s18 =	sadd.s32 s8, s15;
	[dreg:$0x1e] =	wrdreg s24  }
0x1c: {  	s0 =	sadd.s32 $0x2A600, s0;
	s12 =	sor.u32 $0x800, s6;
	[dreg:$0x1f] =	wrdreg s25  }
0x1d: {  	s5 =	simm.s32 $0x1;
	s6 =	simm.s32 $0x3;
	s10 =	simm.s32 $0x1000  }
0x1e: {  	s19 =	simm.s32 $0x1200;
	s20 =	simm.s32 $0x1980;
	s21 =	simm.s32 $0x1280  }
0x1f: {  	s22 =	simm.s32 $0x1A00;
	s23 =	simm.s32 $0x1300;
	[dreg:$0xa] =	wrdreg s16  }
0x20: {  	s24 =	simm.s32 $0x1A80;
	s25 =	simm.s32 $0x1380;
	[dreg:$0xb] =	wrdreg s18  }
0x21: {  	[dreg:$0xc] =	wrdreg s0;
	s0 =	sshrl.u32 s26, $0x3;
	s16 =	sadd.s32 $0xB000, s17  }
0x22: {  	s13 =	sshrl.u32 s12, $0x3;
	s26 =	sadd.s32 $0x13000, s17;
	[dreg:$0x18] =	wrdreg s16  }
0x23: {  	s11 =	sadd.s32 s0, s8;
	s0 =	sadd.s32 s0, s7;
	[smem:$0x7FD] =	sst s26  }
0x24: {  	s15 =	sadd.s32 s13, s8;
	s18 =	sadd.s32 s13, s7;
	[dreg:$0x3] =	wrdreg s11  }
0x25: {  	s8 =	simm.s32 $0x7D;
	s13 =	simm.s32 $0x6000;
	[dreg:$0x4] =	wrdreg s0  }
0x26: {  	s16 =	simm.s32 $0x2;
	s26 =	simm.s32 $0x1B00;
	[dreg:$0x5] =	wrdreg s15  }
0x27: {  	v0 =	vimm.f32 $0.0e+00;
	[dreg:$0x6] =	wrdreg s18;
	s0 =	simm.s32 $0x800;
	s11 =	simm.s32 $0x1800  }
.LBB2_1:
0x28: {  	[smem:$0x7FC] =	sst s2;
	s12 =	simm.s32 $0x0;
	s15 =	simm.s32 $0x200  }
.LBB2_2:
0x29: {  	p0 =	sne.s32 s15, $0x3E00;
	[tilespmem:s12+$0xA070] =	vst v0  }
0x2a: {  	[tilespmem:s12+$0xA000] =	vst v0  }
0x2b: {  	[tilespmem:s12+$0xA010] =	vst v0  }
.Ltmp0:
0x2c: {  	[tilespmem:s12+$0xA020] =	vst v0;
	(pc) =	sbr.rel @p0 .LBB2_2-.Ltmp0, $4  }
0x2d: {  	[tilespmem:s12+$0xA030] =	vst v0  }
0x2e: {  	[tilespmem:s12+$0xA040] =	vst v0  }
0x2f: {  	[tilespmem:s12+$0xA050] =	vst v0  }
0x30: {  	[tilespmem:s12+$0xA060] =	vst v0;
	s12 =	sshra.s32 s15, $0x2;
	s15 =	sadd.s32 $0x200, s15  }
0x31: {  	[tilespmem:s12+$0xA070] =	vst v0  }
0x32: {  	[tilespmem:s12+$0xA000] =	vst v0  }
0x33: {  	[tilespmem:s12+$0xA010] =	vst v0  }
0x34: {  	[tilespmem:s12+$0xA020] =	vst v0  }
0x35: {  	[tilespmem:s12+$0xA030] =	vst v0  }
0x36: {  	[tilespmem:s12+$0xA040] =	vst v0  }
0x37: {  	[tilespmem:s12+$0xA050] =	vst v0  }
0x38: {  	[tilespmem:s12+$0xA060] =	vst v0;
	s12 =	simm.s32 $0x0;
	s15 =	rddreg [dreg:$0x7]  }
0x39: {  	[tilespmem:s12], [sflag:$0x3] =	stream.linear.gather [hbm4b:s15+s12], $0x500, $0x38;
	[tilespmem:$0x1F000] =	vst v63  }
0x3a: {  	s2 =	rddreg [dreg:$0x8]  }
0x3b: {  	[tilespmem:s0], [sflag:$0x3] =	stream.linear.gather [hbm4b:s2+s12], $0x500, $0x38;
	[tilespmem:$0x1F000] =	vst v63  }
0x3c: {  	s18 =	simm.s32 $0xA000;
	s7 =	rddreg [dreg:$0xe]  }
0x3d: {  	[spmem:s17] =	stream.linear.scatter [tilespmem:s18], [sflag:$0x1], $0x1000, $0x38;
	[tilespmem:$0x1F000] =	vst v63  }
0x3e: {  	s2 =	rddreg [dreg:$0x10]  }
0x3f: {  	[spmem:s7] =	stream.linear.scatter [tilespmem:s18], [sflag:$0x1], $0x1000, $0x38;
	[tilespmem:$0x1F000] =	vst v63  }
0x40: {  	s17 =	rddreg [dreg:$0xf]  }
0x41: {  	[spmem:s17] =	stream.linear.scatter [tilespmem:s18], [sflag:$0x1], $0x1000, $0x38;
	[tilespmem:$0x1F000] =	vst v63  }
0x42: {  	s7 =	rddreg [dreg:$0x11]  }
0x43: {  	[spmem:s2] =	stream.linear.scatter [tilespmem:s18], [sflag:$0x1], $0x1000, $0x38;
	[tilespmem:$0x1F000] =	vst v63  }
0x44: {  	s17 =	rddreg [dreg:$0x12]  }
0x45: {  	[spmem:s7] =	stream.linear.scatter [tilespmem:s18], [sflag:$0x1], $0x1000, $0x38;
	[tilespmem:$0x1F000] =	vst v63  }
0x46: {  	s2 =	rddreg [dreg:$0x13]  }
0x47: {  	[spmem:s17] =	stream.linear.scatter [tilespmem:s18], [sflag:$0x1], $0x1000, $0x38;
	[tilespmem:$0x1F000] =	vst v63  }
0x48: {  	s7 =	rddreg [dreg:$0x14]  }
0x49: {  	[spmem:s2] =	stream.linear.scatter [tilespmem:s18], [sflag:$0x1], $0x1000, $0x38;
	[tilespmem:$0x1F000] =	vst v63  }
0x4a: {  	s17 =	rddreg [dreg:$0x15]  }
0x4b: {  	[spmem:s7] =	stream.linear.scatter [tilespmem:s18], [sflag:$0x1], $0x1000, $0x38;
	[tilespmem:$0x1F000] =	vst v63  }
0x4c: {  	s2 =	rddreg [dreg:$0x16]  }
0x4d: {  	[spmem:s17] =	stream.linear.scatter [tilespmem:s18], [sflag:$0x1], $0x1000, $0x38;
	[tilespmem:$0x1F000] =	vst v63  }
0x4e: {  	s7 =	rddreg [dreg:$0x17]  }
0x4f: {  	[spmem:s2] =	stream.linear.scatter [tilespmem:s18], [sflag:$0x1], $0x1000, $0x38;
	[tilespmem:$0x1F000] =	vst v63  }
0x50: {  	s17 =	rddreg [dreg:$0x18]  }
0x51: {  	[spmem:s7] =	stream.linear.scatter [tilespmem:s18], [sflag:$0x1], $0x1000, $0x38;
	[tilespmem:$0x1F000] =	vst v63  }
0x52: {  	s2 =	rddreg [dreg:$0x19]  }
0x53: {  	[spmem:s17] =	stream.linear.scatter [tilespmem:s18], [sflag:$0x1], $0x1000, $0x38;
	[tilespmem:$0x1F000] =	vst v63  }
0x54: {  	s7 =	rddreg [dreg:$0x1a]  }
0x55: {  	[spmem:s2] =	stream.linear.scatter [tilespmem:s18], [sflag:$0x1], $0x1000, $0x38;
	[tilespmem:$0x1F000] =	vst v63  }
0x56: {  	s17 =	rddreg [dreg:$0x1b]  }
0x57: {  	[spmem:s7] =	stream.linear.scatter [tilespmem:s18], [sflag:$0x1], $0x1000, $0x38;
	[tilespmem:$0x1F000] =	vst v63  }
0x58: {  	s2 =	rddreg [dreg:$0x1c]  }
0x59: {  	[spmem:s17] =	stream.linear.scatter [tilespmem:s18], [sflag:$0x1], $0x1000, $0x38;
	[tilespmem:$0x1F000] =	vst v63  }
0x5a: {  	s7 =	rddreg [dreg:$0x1d]  }
0x5b: {  	[spmem:s2] =	stream.linear.scatter [tilespmem:s18], [sflag:$0x1], $0x1000, $0x38;
	[tilespmem:$0x1F000] =	vst v63  }
0x5c: {  	s17 =	rddreg [dreg:$0x1e]  }
0x5d: {  	[spmem:s7] =	stream.linear.scatter [tilespmem:s18], [sflag:$0x1], $0x1000, $0x38;
	[tilespmem:$0x1F000] =	vst v63  }
0x5e: {  	s2 =	rddreg [dreg:$0x1f]  }
0x5f: {  	[spmem:s17] =	stream.linear.scatter [tilespmem:s18], [sflag:$0x1], $0x1000, $0x38;
	[tilespmem:$0x1F000] =	vst v63  }
0x60: {  	s7 =	sld [smem:$0x7FD]  }
0x61: {  	[spmem:s2] =	stream.linear.scatter [tilespmem:s18], [sflag:$0x1], $0x1000, $0x38;
	[tilespmem:$0x1F000] =	vst v63  }
0x62: {  	_ = 	snop  }
0x63: {  	[spmem:s7] =	stream.linear.scatter [tilespmem:s18], [sflag:$0x1], $0x1000, $0x38;
	[tilespmem:$0x1F000] =	vst v63  }
0x64: {  	_ =	swait.ge [sflag:s5], $0x1000  }
0x65: {  	[sflag:s5] =	ssyncset.done $0x0  }
0x66: {  	[sflag:s5] =	ssyncadd.s32 $0xFFFFF000  }
0x67: {  	_ =	swait.ge [sflag:s5], $0x1000  }
0x68: {  	[sflag:s5] =	ssyncset.done $0x0  }
0x69: {  	[sflag:s5] =	ssyncadd.s32 $0xFFFFF000  }
0x6a: {  	_ =	swait.ge [sflag:s5], $0x1000  }
0x6b: {  	[sflag:s5] =	ssyncset.done $0x0  }
0x6c: {  	[sflag:s5] =	ssyncadd.s32 $0xFFFFF000  }
0x6d: {  	_ =	swait.ge [sflag:s5], $0x1000  }
0x6e: {  	[sflag:s5] =	ssyncset.done $0x0  }
0x6f: {  	[sflag:s5] =	ssyncadd.s32 $0xFFFFF000  }
0x70: {  	_ =	swait.ge [sflag:s5], $0x1000  }
0x71: {  	[sflag:s5] =	ssyncset.done $0x0  }
0x72: {  	[sflag:s5] =	ssyncadd.s32 $0xFFFFF000  }
0x73: {  	_ =	swait.ge [sflag:s5], $0x1000  }
0x74: {  	[sflag:s5] =	ssyncset.done $0x0  }
0x75: {  	[sflag:s5] =	ssyncadd.s32 $0xFFFFF000  }
0x76: {  	_ =	swait.ge [sflag:s5], $0x1000  }
0x77: {  	[sflag:s5] =	ssyncset.done $0x0  }
0x78: {  	[sflag:s5] =	ssyncadd.s32 $0xFFFFF000  }
0x79: {  	_ =	swait.ge [sflag:s5], $0x1000  }
0x7a: {  	[sflag:s5] =	ssyncset.done $0x0  }
0x7b: {  	[sflag:s5] =	ssyncadd.s32 $0xFFFFF000  }
0x7c: {  	_ =	swait.ge [sflag:s5], $0x1000  }
0x7d: {  	[sflag:s5] =	ssyncset.done $0x0  }
0x7e: {  	[sflag:s5] =	ssyncadd.s32 $0xFFFFF000  }
0x7f: {  	_ =	swait.ge [sflag:s5], $0x1000  }
0x80: {  	[sflag:s5] =	ssyncset.done $0x0  }
0x81: {  	[sflag:s5] =	ssyncadd.s32 $0xFFFFF000  }
0x82: {  	_ =	swait.ge [sflag:s5], $0x1000  }
0x83: {  	[sflag:s5] =	ssyncset.done $0x0  }
0x84: {  	[sflag:s5] =	ssyncadd.s32 $0xFFFFF000  }
0x85: {  	_ =	swait.ge [sflag:s5], $0x1000  }
0x86: {  	[sflag:s5] =	ssyncset.done $0x0  }
0x87: {  	[sflag:s5] =	ssyncadd.s32 $0xFFFFF000  }
0x88: {  	_ =	swait.ge [sflag:s5], $0x1000  }
0x89: {  	[sflag:s5] =	ssyncset.done $0x0  }
0x8a: {  	[sflag:s5] =	ssyncadd.s32 $0xFFFFF000  }
0x8b: {  	_ =	swait.ge [sflag:s5], $0x1000  }
0x8c: {  	[sflag:s5] =	ssyncset.done $0x0  }
0x8d: {  	[sflag:s5] =	ssyncadd.s32 $0xFFFFF000  }
0x8e: {  	_ =	swait.ge [sflag:s5], $0x1000  }
0x8f: {  	[sflag:s5] =	ssyncset.done $0x0  }
0x90: {  	[sflag:s5] =	ssyncadd.s32 $0xFFFFF000  }
0x91: {  	_ =	swait.ge [sflag:s5], $0x1000  }
0x92: {  	[sflag:s5] =	ssyncset.done $0x0  }
0x93: {  	[sflag:s5] =	ssyncadd.s32 $0xFFFFF000  }
0x94: {  	_ =	swait.ge [sflag:s5], $0x1000  }
0x95: {  	[sflag:s5] =	ssyncset.done $0x0  }
0x96: {  	[sflag:s5] =	ssyncadd.s32 $0xFFFFF000  }
0x97: {  	_ =	swait.ge [sflag:s5], $0x1000  }
0x98: {  	[sflag:s5] =	ssyncset.done $0x0  }
0x99: {  	[sflag:s5] =	ssyncadd.s32 $0xFFFFF000  }
0x9a: {  	_ =	swait.ge [sflag:s5], $0x1000  }
0x9b: {  	[sflag:s5] =	ssyncset.done $0x0  }
0x9c: {  	[sflag:s5] =	ssyncadd.s32 $0xFFFFF000  }
0x9d: {  	_ =	swait.ge [sflag:s5], $0x1000  }
0x9e: {  	[sflag:s5] =	ssyncset.done $0x0  }
0x9f: {  	[sflag:s5] =	ssyncadd.s32 $0xFFFFF000  }
0xa0: {  	_ =	swait.ge [sflag:s6], $0x500  }
0xa1: {  	[sflag:s6] =	ssyncset.done $0x0  }
0xa2: {  	[sflag:s6] =	ssyncadd.s32 $0xFFFFFB00  }
0xa3: {  	_ =	swait.ge [sflag:s6], $0x500  }
0xa4: {  	[sflag:s6] =	ssyncset.done $0x0  }
0xa5: {  	[sflag:s6] =	ssyncadd.s32 $0xFFFFFB00  }
0xa6: {  	[tilespmem:s9], [sflag:$0x1] =	stream.indirect.gather [hbm4b:s4+s8], $0x80, s12, s8, $0xb8;
	[tilespmem:$0x1F000] =	vst v63  }
0xa7: {  	[bflag:$0x0] =	sbarrier.arrive $0xFFFF  }
0xa8: {  	s17 =	rddreg [dreg:$0x6]  }
0xa9: {  	s18 =	rddreg [dreg:$0x5];
	s12 =	sadd.s32 $0x0, s17  }
0xaa: {  	[tilespmem:s10], [sflag:$0x3] =	stream.linear.gather [hbm4b:s12+s3], $0x500, $0x38;
	[tilespmem:$0x1F000] =	vst v63  }
0xab: {  	s2 =	sadd.s32 $0x0, s18  }
0xac: {  	[tilespmem:s11], [sflag:$0x3] =	stream.linear.gather [hbm4b:s2+s3], $0x500, $0x38;
	[tilespmem:$0x1F000] =	vst v63  }
0xad: {  	s2 =	simm.s32 $0x80  }
0xae: {  	[tilespmem:s13], [sflag:$0x2] =	stream.indirect.gather [hbm4b:s4+s8], $0x80, s2, s8, $0xb8;
	[tilespmem:$0x1F000] =	vst v63  }
0xaf: {  	_ =	swait.ge [sflag:s5], $0x3E80  }
0xb0: {  	[sflag:s5] =	ssyncset.done $0x0  }
0xb1: {  	[sflag:s5] =	ssyncadd.s32 $0xFFFFC180  }
0xb2: {  	[spmem:s1] =	stream.indirect.scatter.add.f32 [tilespmem:s9], [sflag:$0x4], $0x80, s0, s8, $0xb8;
	[tilespmem:$0x1F000] =	vst v63  }
0xb3: {  	_ =	swait.ge [sflag:s14], $0x3E80  }
0xb4: {  	[sflag:s14] =	ssyncset.done $0x0  }
0xb5: {  	s7 =	simm.s32 $0x100;
	[sflag:s14] =	ssyncadd.s32 $0xFFFFC180  }
0xb6: {  	[tilespmem:s9], [sflag:$0x1] =	stream.indirect.gather [hbm4b:s4+s8], $0x80, s7, s8, $0xb8;
	[tilespmem:$0x1F000] =	vst v63  }
0xb7: {  	_ =	swait.ge [sflag:s16], $0x3E80  }
0xb8: {  	[sflag:s16] =	ssyncset.done $0x0  }
0xb9: {  	s12 =	simm.s32 $0x880;
	[sflag:s16] =	ssyncadd.s32 $0xFFFFC180  }
0xba: {  	[spmem:s1] =	stream.indirect.scatter.add.f32 [tilespmem:s13], [sflag:$0x4], $0x80, s12, s8, $0xb8;
	[tilespmem:$0x1F000] =	vst v63  }
0xbb: {  	_ =	swait.ge [sflag:s14], $0x3E80  }
0xbc: {  	[sflag:s14] =	ssyncset.done $0x0  }
0xbd: {  	s15 =	simm.s32 $0x180;
	[sflag:s14] =	ssyncadd.s32 $0xFFFFC180  }
0xbe: {  	[tilespmem:s13], [sflag:$0x2] =	stream.indirect.gather [hbm4b:s4+s8], $0x80, s15, s8, $0xb8;
	[tilespmem:$0x1F000] =	vst v63  }
0xbf: {  	_ =	swait.ge [sflag:s5], $0x3E80  }
0xc0: {  	[sflag:s5] =	ssyncset.done $0x0  }
0xc1: {  	s17 =	simm.s32 $0x900;
	[sflag:s5] =	ssyncadd.s32 $0xFFFFC180  }
0xc2: {  	[spmem:s1] =	stream.indirect.scatter.add.f32 [tilespmem:s9], [sflag:$0x4], $0x80, s17, s8, $0xb8;
	[tilespmem:$0x1F000] =	vst v63  }
0xc3: {  	_ =	swait.ge [sflag:s14], $0x3E80  }
0xc4: {  	[sflag:s14] =	ssyncset.done $0x0  }
0xc5: {  	s18 =	simm.s32 $0x200;
	[sflag:s14] =	ssyncadd.s32 $0xFFFFC180  }
0xc6: {  	[tilespmem:s9], [sflag:$0x1] =	stream.indirect.gather [hbm4b:s4+s8], $0x80, s18, s8, $0xb8;
	[tilespmem:$0x1F000] =	vst v63  }
0xc7: {  	_ =	swait.ge [sflag:s16], $0x3E80  }
0xc8: {  	[sflag:s16] =	ssyncset.done $0x0  }
0xc9: {  	s7 =	simm.s32 $0x980;
	[sflag:s16] =	ssyncadd.s32 $0xFFFFC180  }
0xca: {  	[spmem:s1] =	stream.indirect.scatter.add.f32 [tilespmem:s13], [sflag:$0x4], $0x80, s7, s8, $0xb8;
	[tilespmem:$0x1F000] =	vst v63  }
0xcb: {  	_ =	swait.ge [sflag:s14], $0x3E80  }
0xcc: {  	[sflag:s14] =	ssyncset.done $0x0  }
0xcd: {  	s12 =	simm.s32 $0x280;
	[sflag:s14] =	ssyncadd.s32 $0xFFFFC180  }
0xce: {  	[tilespmem:s13], [sflag:$0x2] =	stream.indirect.gather [hbm4b:s4+s8], $0x80, s12, s8, $0xb8;
	[tilespmem:$0x1F000] =	vst v63  }
0xcf: {  	_ =	swait.ge [sflag:s5], $0x3E80  }
0xd0: {  	[sflag:s5] =	ssyncset.done $0x0  }
0xd1: {  	s15 =	simm.s32 $0xA00;
	[sflag:s5] =	ssyncadd.s32 $0xFFFFC180  }
0xd2: {  	[spmem:s1] =	stream.indirect.scatter.add.f32 [tilespmem:s9], [sflag:$0x4], $0x80, s15, s8, $0xb8;
	[tilespmem:$0x1F000] =	vst v63  }
0xd3: {  	_ =	swait.ge [sflag:s14], $0x3E80  }
0xd4: {  	[sflag:s14] =	ssyncset.done $0x0  }
0xd5: {  	s17 =	simm.s32 $0x300;
	[sflag:s14] =	ssyncadd.s32 $0xFFFFC180  }
0xd6: {  	[tilespmem:s9], [sflag:$0x1] =	stream.indirect.gather [hbm4b:s4+s8], $0x80, s17, s8, $0xb8;
	[tilespmem:$0x1F000] =	vst v63  }
0xd7: {  	_ =	swait.ge [sflag:s16], $0x3E80  }
0xd8: {  	[sflag:s16] =	ssyncset.done $0x0  }
0xd9: {  	s18 =	simm.s32 $0xA80;
	[sflag:s16] =	ssyncadd.s32 $0xFFFFC180  }
0xda: {  	[spmem:s1] =	stream.indirect.scatter.add.f32 [tilespmem:s13], [sflag:$0x4], $0x80, s18, s8, $0xb8;
	[tilespmem:$0x1F000] =	vst v63  }
0xdb: {  	_ =	swait.ge [sflag:s14], $0x3E80  }
0xdc: {  	[sflag:s14] =	ssyncset.done $0x0  }
0xdd: {  	s7 =	simm.s32 $0x380;
	[sflag:s14] =	ssyncadd.s32 $0xFFFFC180  }
0xde: {  	[tilespmem:s13], [sflag:$0x2] =	stream.indirect.gather [hbm4b:s4+s8], $0x80, s7, s8, $0xb8;
	[tilespmem:$0x1F000] =	vst v63  }
0xdf: {  	_ =	swait.ge [sflag:s5], $0x3E80  }
0xe0: {  	[sflag:s5] =	ssyncset.done $0x0  }
0xe1: {  	s12 =	simm.s32 $0xB00;
	[sflag:s5] =	ssyncadd.s32 $0xFFFFC180  }
0xe2: {  	[spmem:s1] =	stream.indirect.scatter.add.f32 [tilespmem:s9], [sflag:$0x4], $0x80, s12, s8, $0xb8;
	[tilespmem:$0x1F000] =	vst v63  }
0xe3: {  	_ =	swait.ge [sflag:s14], $0x3E80  }
0xe4: {  	[sflag:s14] =	ssyncset.done $0x0  }
0xe5: {  	s15 =	simm.s32 $0x400;
	[sflag:s14] =	ssyncadd.s32 $0xFFFFC180  }
0xe6: {  	[tilespmem:s9], [sflag:$0x1] =	stream.indirect.gather [hbm4b:s4+s8], $0x80, s15, s8, $0xb8;
	[tilespmem:$0x1F000] =	vst v63  }
0xe7: {  	_ =	swait.ge [sflag:s16], $0x3E80  }
0xe8: {  	[sflag:s16] =	ssyncset.done $0x0  }
0xe9: {  	s17 =	simm.s32 $0xB80;
	[sflag:s16] =	ssyncadd.s32 $0xFFFFC180  }
0xea: {  	[spmem:s1] =	stream.indirect.scatter.add.f32 [tilespmem:s13], [sflag:$0x4], $0x80, s17, s8, $0xb8;
	[tilespmem:$0x1F000] =	vst v63  }
0xeb: {  	_ =	swait.ge [sflag:s14], $0x3E80  }
0xec: {  	[sflag:s14] =	ssyncset.done $0x0  }
0xed: {  	[sflag:s14] =	ssyncadd.s32 $0xFFFFC180  }
0xee: {  	_ =	swait.ge [sflag:s6], $0x500  }
0xef: {  	[sflag:s6] =	ssyncset.done $0x0  }
0xf0: {  	[sflag:s6] =	ssyncadd.s32 $0xFFFFFB00  }
0xf1: {  	_ =	swait.ge [sflag:s6], $0x500  }
0xf2: {  	[sflag:s6] =	ssyncset.done $0x0  }
0xf3: {  	s18 =	simm.s32 $0x480;
	[sflag:s6] =	ssyncadd.s32 $0xFFFFFB00  }
0xf4: {  	[tilespmem:s13], [sflag:$0x2] =	stream.indirect.gather [hbm4b:s4+s8], $0x80, s18, s8, $0xb8;
	[tilespmem:$0x1F000] =	vst v63  }
0xf5: {  	_ =	swait.ge [sflag:s5], $0x3E80  }
0xf6: {  	[sflag:s5] =	ssyncset.done $0x0  }
0xf7: {  	s7 =	simm.s32 $0xC00;
	[sflag:s5] =	ssyncadd.s32 $0xFFFFC180  }
0xf8: {  	[spmem:s1] =	stream.indirect.scatter.add.f32 [tilespmem:s9], [sflag:$0x4], $0x80, s7, s8, $0xb8;
	[tilespmem:$0x1F000] =	vst v63  }
0xf9: {  	_ =	swait.ge [sflag:s14], $0x3E80  }
0xfa: {  	[sflag:s14] =	ssyncset.done $0x0  }
0xfb: {  	[sflag:s14] =	ssyncadd.s32 $0xFFFFC180  }
0xfc: {  	[tilespmem:s9], [sflag:$0x1] =	stream.indirect.gather [hbm4b:s4+s8], $0x80, s10, s8, $0xb8;
	[tilespmem:$0x1F000] =	vst v63  }
0xfd: {  	_ =	swait.ge [sflag:s16], $0x3E80  }
0xfe: {  	[sflag:s16] =	ssyncset.done $0x0  }
0xff: {  	s12 =	simm.s32 $0xC80;
	[sflag:s16] =	ssyncadd.s32 $0xFFFFC180  }
0x100: {  	[spmem:s1] =	stream.indirect.scatter.add.f32 [tilespmem:s13], [sflag:$0x4], $0x80, s12, s8, $0xb8;
	[tilespmem:$0x1F000] =	vst v63  }
0x101: {  	_ =	swait.ge [sflag:s14], $0x3E80  }
0x102: {  	s15 =	rddreg [dreg:$0x4];
	[sflag:s14] =	ssyncset.done $0x0  }
0x103: {  	s17 =	rddreg [dreg:$0x3];
	[sflag:s14] =	ssyncadd.s32 $0xFFFFC180;
	s12 =	sadd.s32 $0x0, s15  }
0x104: {  	[tilespmem:s3], [sflag:$0x3] =	stream.linear.gather [hbm4b:s12+s3], $0x500, $0x38;
	[tilespmem:$0x1F000] =	vst v63  }
0x105: {  	s18 =	sadd.s32 $0x0, s17  }
0x106: {  	[tilespmem:s0], [sflag:$0x3] =	stream.linear.gather [hbm4b:s18+s3], $0x500, $0x38;
	[tilespmem:$0x1F000] =	vst v63  }
0x107: {  	s2 =	simm.s32 $0x1080  }
0x108: {  	[tilespmem:s13], [sflag:$0x2] =	stream.indirect.gather [hbm4b:s4+s8], $0x80, s2, s8, $0xb8;
	[tilespmem:$0x1F000] =	vst v63  }
0x109: {  	_ =	swait.ge [sflag:s5], $0x3E80  }
0x10a: {  	[sflag:s5] =	ssyncset.done $0x0  }
0x10b: {  	[sflag:s5] =	ssyncadd.s32 $0xFFFFC180  }
0x10c: {  	[spmem:s1] =	stream.indirect.scatter.add.f32 [tilespmem:s9], [sflag:$0x4], $0x80, s11, s8, $0xb8;
	[tilespmem:$0x1F000] =	vst v63  }
0x10d: {  	_ =	swait.ge [sflag:s14], $0x3E80  }
0x10e: {  	[sflag:s14] =	ssyncset.done $0x0  }
0x10f: {  	s7 =	simm.s32 $0x1100;
	[sflag:s14] =	ssyncadd.s32 $0xFFFFC180  }
0x110: {  	[tilespmem:s9], [sflag:$0x1] =	stream.indirect.gather [hbm4b:s4+s8], $0x80, s7, s8, $0xb8;
	[tilespmem:$0x1F000] =	vst v63  }
0x111: {  	_ =	swait.ge [sflag:s16], $0x3E80  }
0x112: {  	[sflag:s16] =	ssyncset.done $0x0  }
0x113: {  	s15 =	simm.s32 $0x1880;
	[sflag:s16] =	ssyncadd.s32 $0xFFFFC180  }
0x114: {  	[spmem:s1] =	stream.indirect.scatter.add.f32 [tilespmem:s13], [sflag:$0x4], $0x80, s15, s8, $0xb8;
	[tilespmem:$0x1F000] =	vst v63  }
0x115: {  	_ =	swait.ge [sflag:s14], $0x3E80  }
0x116: {  	[sflag:s14] =	ssyncset.done $0x0  }
0x117: {  	s17 =	simm.s32 $0x1180;
	[sflag:s14] =	ssyncadd.s32 $0xFFFFC180  }
0x118: {  	[tilespmem:s13], [sflag:$0x2] =	stream.indirect.gather [hbm4b:s4+s8], $0x80, s17, s8, $0xb8;
	[tilespmem:$0x1F000] =	vst v63  }
0x119: {  	_ =	swait.ge [sflag:s5], $0x3E80  }
0x11a: {  	[sflag:s5] =	ssyncset.done $0x0  }
0x11b: {  	s18 =	simm.s32 $0x1900;
	[sflag:s5] =	ssyncadd.s32 $0xFFFFC180  }
0x11c: {  	[spmem:s1] =	stream.indirect.scatter.add.f32 [tilespmem:s9], [sflag:$0x4], $0x80, s18, s8, $0xb8;
	[tilespmem:$0x1F000] =	vst v63  }
0x11d: {  	_ =	swait.ge [sflag:s14], $0x3E80  }
0x11e: {  	[sflag:s14] =	ssyncset.done $0x0  }
0x11f: {  	[sflag:s14] =	ssyncadd.s32 $0xFFFFC180  }
0x120: {  	[tilespmem:s9], [sflag:$0x1] =	stream.indirect.gather [hbm4b:s4+s8], $0x80, s19, s8, $0xb8;
	[tilespmem:$0x1F000] =	vst v63  }
0x121: {  	_ =	swait.ge [sflag:s16], $0x3E80  }
0x122: {  	[sflag:s16] =	ssyncset.done $0x0  }
0x123: {  	[sflag:s16] =	ssyncadd.s32 $0xFFFFC180  }
0x124: {  	[spmem:s1] =	stream.indirect.scatter.add.f32 [tilespmem:s13], [sflag:$0x4], $0x80, s20, s8, $0xb8;
	[tilespmem:$0x1F000] =	vst v63  }
0x125: {  	_ =	swait.ge [sflag:s14], $0x3E80  }
0x126: {  	[sflag:s14] =	ssyncset.done $0x0  }
0x127: {  	[sflag:s14] =	ssyncadd.s32 $0xFFFFC180  }
0x128: {  	[tilespmem:s13], [sflag:$0x2] =	stream.indirect.gather [hbm4b:s4+s8], $0x80, s21, s8, $0xb8;
	[tilespmem:$0x1F000] =	vst v63  }
0x129: {  	_ =	swait.ge [sflag:s5], $0x3E80  }
0x12a: {  	[sflag:s5] =	ssyncset.done $0x0  }
0x12b: {  	[sflag:s5] =	ssyncadd.s32 $0xFFFFC180  }
0x12c: {  	[spmem:s1] =	stream.indirect.scatter.add.f32 [tilespmem:s9], [sflag:$0x4], $0x80, s22, s8, $0xb8;
	[tilespmem:$0x1F000] =	vst v63  }
0x12d: {  	_ =	swait.ge [sflag:s14], $0x3E80  }
0x12e: {  	[sflag:s14] =	ssyncset.done $0x0  }
0x12f: {  	[sflag:s14] =	ssyncadd.s32 $0xFFFFC180  }
0x130: {  	[tilespmem:s9], [sflag:$0x1] =	stream.indirect.gather [hbm4b:s4+s8], $0x80, s23, s8, $0xb8;
	[tilespmem:$0x1F000] =	vst v63  }
0x131: {  	_ =	swait.ge [sflag:s16], $0x3E80  }
0x132: {  	[sflag:s16] =	ssyncset.done $0x0  }
0x133: {  	[sflag:s16] =	ssyncadd.s32 $0xFFFFC180  }
0x134: {  	[spmem:s1] =	stream.indirect.scatter.add.f32 [tilespmem:s13], [sflag:$0x4], $0x80, s24, s8, $0xb8;
	[tilespmem:$0x1F000] =	vst v63  }
0x135: {  	_ =	swait.ge [sflag:s14], $0x3E80  }
0x136: {  	[sflag:s14] =	ssyncset.done $0x0  }
0x137: {  	[sflag:s14] =	ssyncadd.s32 $0xFFFFC180  }
0x138: {  	[tilespmem:s13], [sflag:$0x2] =	stream.indirect.gather [hbm4b:s4+s8], $0x80, s25, s8, $0xb8;
	[tilespmem:$0x1F000] =	vst v63  }
0x139: {  	_ =	swait.ge [sflag:s5], $0x3E80  }
0x13a: {  	[sflag:s5] =	ssyncset.done $0x0  }
0x13b: {  	[sflag:s5] =	ssyncadd.s32 $0xFFFFC180  }
0x13c: {  	[spmem:s1] =	stream.indirect.scatter.add.f32 [tilespmem:s9], [sflag:$0x4], $0x80, s26, s8, $0xb8;
	[tilespmem:$0x1F000] =	vst v63  }
0x13d: {  	_ =	swait.ge [sflag:s14], $0x3E80  }
0x13e: {  	[sflag:s14] =	ssyncset.done $0x0  }
0x13f: {  	[sflag:s14] =	ssyncadd.s32 $0xFFFFC180  }
0x140: {  	[tilespmem:s9], [sflag:$0x1] =	stream.indirect.gather [hbm4b:s4+s8], $0x80, s28, s8, $0xb8;
	[tilespmem:$0x1F000] =	vst v63  }
0x141: {  	_ =	swait.ge [sflag:s16], $0x3E80  }
0x142: {  	[sflag:s16] =	ssyncset.done $0x0  }
0x143: {  	[sflag:s16] =	ssyncadd.s32 $0xFFFFC180  }
0x144: {  	[spmem:s1] =	stream.indirect.scatter.add.f32 [tilespmem:s13], [sflag:$0x4], $0x80, s29, s8, $0xb8;
	[tilespmem:$0x1F000] =	vst v63  }
0x145: {  	_ =	swait.ge [sflag:s14], $0x3E80  }
0x146: {  	[sflag:s14] =	ssyncset.done $0x0  }
0x147: {  	[sflag:s14] =	ssyncadd.s32 $0xFFFFC180  }
0x148: {  	_ =	swait.ge [sflag:s6], $0x500  }
0x149: {  	[sflag:s6] =	ssyncset.done $0x0  }
0x14a: {  	[sflag:s6] =	ssyncadd.s32 $0xFFFFFB00  }
0x14b: {  	_ =	swait.ge [sflag:s6], $0x500  }
0x14c: {  	[sflag:s6] =	ssyncset.done $0x0  }
0x14d: {  	[sflag:s6] =	ssyncadd.s32 $0xFFFFFB00  }
0x14e: {  	[tilespmem:s13], [sflag:$0x2] =	stream.indirect.gather [hbm4b:s4+s8], $0x80, s30, s8, $0xb8;
	[tilespmem:$0x1F000] =	vst v63  }
0x14f: {  	_ =	swait.ge [sflag:s5], $0x3E80  }
0x150: {  	[sflag:s5] =	ssyncset.done $0x0  }
0x151: {  	[sflag:s5] =	ssyncadd.s32 $0xFFFFC180  }
0x152: {  	[spmem:s1] =	stream.indirect.scatter.add.f32 [tilespmem:s9], [sflag:$0x4], $0x80, s31, s8, $0xb8;
	[tilespmem:$0x1F000] =	vst v63  }
0x153: {  	_ =	swait.ge [sflag:s14], $0x3E80  }
0x154: {  	[sflag:s14] =	ssyncset.done $0x0  }
0x155: {  	[sflag:s14] =	ssyncadd.s32 $0xFFFFC180  }
0x156: {  	[tilespmem:s9], [sflag:$0x1] =	stream.indirect.gather [hbm4b:s4+s8], $0x80, s3, s8, $0xb8;
	[tilespmem:$0x1F000] =	vst v63  }
0x157: {  	_ =	swait.ge [sflag:s16], $0x3E80  }
0x158: {  	[sflag:s16] =	ssyncset.done $0x0  }
0x159: {  	s2 =	simm.s32 $0x1C80;
	[sflag:s16] =	ssyncadd.s32 $0xFFFFC180  }
0x15a: {  	[spmem:s1] =	stream.indirect.scatter.add.f32 [tilespmem:s13], [sflag:$0x4], $0x80, s2, s8, $0xb8;
	[tilespmem:$0x1F000] =	vst v63  }
0x15b: {  	s12 =	simm.s32 $0x200;
	_ =	swait.ge [sflag:s14], $0x3E80  }
.LBB2_4:
0x15c: {  	s17 =	rddreg [dreg:$0x6];
	s15 =	smov.u32 s12;
	[sflag:s14] =	ssyncset.done $0x0  }
0x15d: {  	s18 =	rddreg [dreg:$0x5];
	s17 =	sadd.s32 s15, s17;
	[sflag:s14] =	ssyncadd.s32 $0xFFFFC180  }
0x15e: {  	[tilespmem:s10], [sflag:$0x3] =	stream.linear.gather [hbm4b:s17+s3], $0x500, $0x38;
	[tilespmem:$0x1F000] =	vst v63  }
0x15f: {  	s7 =	sadd.s32 s15, s18  }
0x160: {  	[tilespmem:s11], [sflag:$0x3] =	stream.linear.gather [hbm4b:s7+s3], $0x500, $0x38;
	[tilespmem:$0x1F000] =	vst v63  }
0x161: {  	s18 =	simm.s32 $0x80  }
0x162: {  	[tilespmem:s13], [sflag:$0x2] =	stream.indirect.gather [hbm4b:s4+s8], $0x80, s18, s8, $0xb8;
	[tilespmem:$0x1F000] =	vst v63  }
0x163: {  	_ =	swait.ge [sflag:s5], $0x3E80  }
0x164: {  	[sflag:s5] =	ssyncset.done $0x0  }
0x165: {  	[sflag:s5] =	ssyncadd.s32 $0xFFFFC180  }
0x166: {  	[spmem:s1] =	stream.indirect.scatter.add.f32 [tilespmem:s9], [sflag:$0x4], $0x80, s0, s8, $0xb8;
	[tilespmem:$0x1F000] =	vst v63  }
0x167: {  	_ =	swait.ge [sflag:s14], $0x3E80  }
0x168: {  	[sflag:s14] =	ssyncset.done $0x0  }
0x169: {  	s7 =	simm.s32 $0x100;
	[sflag:s14] =	ssyncadd.s32 $0xFFFFC180  }
0x16a: {  	[tilespmem:s9], [sflag:$0x1] =	stream.indirect.gather [hbm4b:s4+s8], $0x80, s7, s8, $0xb8;
	[tilespmem:$0x1F000] =	vst v63  }
0x16b: {  	_ =	swait.ge [sflag:s16], $0x3E80  }
0x16c: {  	[sflag:s16] =	ssyncset.done $0x0  }
0x16d: {  	s18 =	simm.s32 $0x880;
	[sflag:s16] =	ssyncadd.s32 $0xFFFFC180  }
0x16e: {  	[spmem:s1] =	stream.indirect.scatter.add.f32 [tilespmem:s13], [sflag:$0x4], $0x80, s18, s8, $0xb8;
	[tilespmem:$0x1F000] =	vst v63  }
0x16f: {  	_ =	swait.ge [sflag:s14], $0x3E80  }
0x170: {  	[sflag:s14] =	ssyncset.done $0x0  }
0x171: {  	s7 =	simm.s32 $0x180;
	[sflag:s14] =	ssyncadd.s32 $0xFFFFC180  }
0x172: {  	[tilespmem:s13], [sflag:$0x2] =	stream.indirect.gather [hbm4b:s4+s8], $0x80, s7, s8, $0xb8;
	[tilespmem:$0x1F000] =	vst v63  }
0x173: {  	_ =	swait.ge [sflag:s5], $0x3E80  }
0x174: {  	[sflag:s5] =	ssyncset.done $0x0  }
0x175: {  	s18 =	simm.s32 $0x900;
	[sflag:s5] =	ssyncadd.s32 $0xFFFFC180  }
0x176: {  	[spmem:s1] =	stream.indirect.scatter.add.f32 [tilespmem:s9], [sflag:$0x4], $0x80, s18, s8, $0xb8;
	[tilespmem:$0x1F000] =	vst v63  }
0x177: {  	_ =	swait.ge [sflag:s14], $0x3E80  }
0x178: {  	[sflag:s14] =	ssyncset.done $0x0  }
0x179: {  	s7 =	simm.s32 $0x200;
	[sflag:s14] =	ssyncadd.s32 $0xFFFFC180  }
0x17a: {  	[tilespmem:s9], [sflag:$0x1] =	stream.indirect.gather [hbm4b:s4+s8], $0x80, s7, s8, $0xb8;
	[tilespmem:$0x1F000] =	vst v63  }
0x17b: {  	_ =	swait.ge [sflag:s16], $0x3E80  }
0x17c: {  	[sflag:s16] =	ssyncset.done $0x0  }
0x17d: {  	s18 =	simm.s32 $0x980;
	[sflag:s16] =	ssyncadd.s32 $0xFFFFC180  }
0x17e: {  	[spmem:s1] =	stream.indirect.scatter.add.f32 [tilespmem:s13], [sflag:$0x4], $0x80, s18, s8, $0xb8;
	[tilespmem:$0x1F000] =	vst v63  }
0x17f: {  	_ =	swait.ge [sflag:s14], $0x3E80  }
0x180: {  	[sflag:s14] =	ssyncset.done $0x0  }
0x181: {  	s7 =	simm.s32 $0x280;
	[sflag:s14] =	ssyncadd.s32 $0xFFFFC180  }
0x182: {  	[tilespmem:s13], [sflag:$0x2] =	stream.indirect.gather [hbm4b:s4+s8], $0x80, s7, s8, $0xb8;
	[tilespmem:$0x1F000] =	vst v63  }
0x183: {  	_ =	swait.ge [sflag:s5], $0x3E80  }
0x184: {  	[sflag:s5] =	ssyncset.done $0x0  }
0x185: {  	s18 =	simm.s32 $0xA00;
	[sflag:s5] =	ssyncadd.s32 $0xFFFFC180  }
0x186: {  	[spmem:s1] =	stream.indirect.scatter.add.f32 [tilespmem:s9], [sflag:$0x4], $0x80, s18, s8, $0xb8;
	[tilespmem:$0x1F000] =	vst v63  }
0x187: {  	_ =	swait.ge [sflag:s14], $0x3E80  }
0x188: {  	[sflag:s14] =	ssyncset.done $0x0  }
0x189: {  	s7 =	simm.s32 $0x300;
	[sflag:s14] =	ssyncadd.s32 $0xFFFFC180  }
0x18a: {  	[tilespmem:s9], [sflag:$0x1] =	stream.indirect.gather [hbm4b:s4+s8], $0x80, s7, s8, $0xb8;
	[tilespmem:$0x1F000] =	vst v63  }
0x18b: {  	_ =	swait.ge [sflag:s16], $0x3E80  }
0x18c: {  	[sflag:s16] =	ssyncset.done $0x0  }
0x18d: {  	s18 =	simm.s32 $0xA80;
	[sflag:s16] =	ssyncadd.s32 $0xFFFFC180  }
0x18e: {  	[spmem:s1] =	stream.indirect.scatter.add.f32 [tilespmem:s13], [sflag:$0x4], $0x80, s18, s8, $0xb8;
	[tilespmem:$0x1F000] =	vst v63  }
0x18f: {  	_ =	swait.ge [sflag:s14], $0x3E80  }
0x190: {  	[sflag:s14] =	ssyncset.done $0x0  }
0x191: {  	s7 =	simm.s32 $0x380;
	[sflag:s14] =	ssyncadd.s32 $0xFFFFC180  }
0x192: {  	[tilespmem:s13], [sflag:$0x2] =	stream.indirect.gather [hbm4b:s4+s8], $0x80, s7, s8, $0xb8;
	[tilespmem:$0x1F000] =	vst v63  }
0x193: {  	_ =	swait.ge [sflag:s5], $0x3E80  }
0x194: {  	[sflag:s5] =	ssyncset.done $0x0  }
0x195: {  	s18 =	simm.s32 $0xB00;
	[sflag:s5] =	ssyncadd.s32 $0xFFFFC180  }
0x196: {  	[spmem:s1] =	stream.indirect.scatter.add.f32 [tilespmem:s9], [sflag:$0x4], $0x80, s18, s8, $0xb8;
	[tilespmem:$0x1F000] =	vst v63  }
0x197: {  	_ =	swait.ge [sflag:s14], $0x3E80  }
0x198: {  	[sflag:s14] =	ssyncset.done $0x0  }
0x199: {  	s7 =	simm.s32 $0x400;
	[sflag:s14] =	ssyncadd.s32 $0xFFFFC180  }
0x19a: {  	[tilespmem:s9], [sflag:$0x1] =	stream.indirect.gather [hbm4b:s4+s8], $0x80, s7, s8, $0xb8;
	[tilespmem:$0x1F000] =	vst v63  }
0x19b: {  	_ =	swait.ge [sflag:s16], $0x3E80  }
0x19c: {  	[sflag:s16] =	ssyncset.done $0x0  }
0x19d: {  	s18 =	simm.s32 $0xB80;
	[sflag:s16] =	ssyncadd.s32 $0xFFFFC180  }
0x19e: {  	[spmem:s1] =	stream.indirect.scatter.add.f32 [tilespmem:s13], [sflag:$0x4], $0x80, s18, s8, $0xb8;
	[tilespmem:$0x1F000] =	vst v63  }
0x19f: {  	_ =	swait.ge [sflag:s14], $0x3E80  }
0x1a0: {  	[sflag:s14] =	ssyncset.done $0x0  }
0x1a1: {  	[sflag:s14] =	ssyncadd.s32 $0xFFFFC180  }
0x1a2: {  	_ =	swait.ge [sflag:s6], $0x500  }
0x1a3: {  	[sflag:s6] =	ssyncset.done $0x0  }
0x1a4: {  	[sflag:s6] =	ssyncadd.s32 $0xFFFFFB00  }
0x1a5: {  	_ =	swait.ge [sflag:s6], $0x500  }
0x1a6: {  	[sflag:s6] =	ssyncset.done $0x0  }
0x1a7: {  	s7 =	simm.s32 $0x480;
	[sflag:s6] =	ssyncadd.s32 $0xFFFFFB00  }
0x1a8: {  	[tilespmem:s13], [sflag:$0x2] =	stream.indirect.gather [hbm4b:s4+s8], $0x80, s7, s8, $0xb8;
	[tilespmem:$0x1F000] =	vst v63  }
0x1a9: {  	_ =	swait.ge [sflag:s5], $0x3E80  }
0x1aa: {  	[sflag:s5] =	ssyncset.done $0x0  }
0x1ab: {  	s18 =	simm.s32 $0xC00;
	[sflag:s5] =	ssyncadd.s32 $0xFFFFC180  }
0x1ac: {  	[spmem:s1] =	stream.indirect.scatter.add.f32 [tilespmem:s9], [sflag:$0x4], $0x80, s18, s8, $0xb8;
	[tilespmem:$0x1F000] =	vst v63  }
0x1ad: {  	_ =	swait.ge [sflag:s14], $0x3E80  }
0x1ae: {  	[sflag:s14] =	ssyncset.done $0x0  }
0x1af: {  	[sflag:s14] =	ssyncadd.s32 $0xFFFFC180  }
0x1b0: {  	[tilespmem:s9], [sflag:$0x1] =	stream.indirect.gather [hbm4b:s4+s8], $0x80, s10, s8, $0xb8;
	[tilespmem:$0x1F000] =	vst v63  }
0x1b1: {  	_ =	swait.ge [sflag:s16], $0x3E80  }
0x1b2: {  	[sflag:s16] =	ssyncset.done $0x0  }
0x1b3: {  	s7 =	simm.s32 $0xC80;
	[sflag:s16] =	ssyncadd.s32 $0xFFFFC180  }
0x1b4: {  	[spmem:s1] =	stream.indirect.scatter.add.f32 [tilespmem:s13], [sflag:$0x4], $0x80, s7, s8, $0xb8;
	[tilespmem:$0x1F000] =	vst v63  }
0x1b5: {  	_ =	swait.ge [sflag:s14], $0x3E80  }
0x1b6: {  	s18 =	rddreg [dreg:$0x4];
	[sflag:s14] =	ssyncset.done $0x0  }
0x1b7: {  	s7 =	rddreg [dreg:$0x3];
	[sflag:s14] =	ssyncadd.s32 $0xFFFFC180;
	s17 =	sadd.s32 s15, s18  }
0x1b8: {  	[tilespmem:s3], [sflag:$0x3] =	stream.linear.gather [hbm4b:s17+s3], $0x500, $0x38;
	[tilespmem:$0x1F000] =	vst v63  }
0x1b9: {  	s15 =	sadd.s32 s15, s7  }
0x1ba: {  	[tilespmem:s0], [sflag:$0x3] =	stream.linear.gather [hbm4b:s15+s3], $0x500, $0x38;
	[tilespmem:$0x1F000] =	vst v63  }
0x1bb: {  	s15 =	simm.s32 $0x1080  }
0x1bc: {  	[tilespmem:s13], [sflag:$0x2] =	stream.indirect.gather [hbm4b:s4+s8], $0x80, s15, s8, $0xb8;
	[tilespmem:$0x1F000] =	vst v63  }
0x1bd: {  	_ =	swait.ge [sflag:s5], $0x3E80  }
0x1be: {  	[sflag:s5] =	ssyncset.done $0x0  }
0x1bf: {  	[sflag:s5] =	ssyncadd.s32 $0xFFFFC180  }
0x1c0: {  	[spmem:s1] =	stream.indirect.scatter.add.f32 [tilespmem:s9], [sflag:$0x4], $0x80, s11, s8, $0xb8;
	[tilespmem:$0x1F000] =	vst v63  }
0x1c1: {  	_ =	swait.ge [sflag:s14], $0x3E80  }
0x1c2: {  	[sflag:s14] =	ssyncset.done $0x0  }
0x1c3: {  	s17 =	simm.s32 $0x1100;
	[sflag:s14] =	ssyncadd.s32 $0xFFFFC180  }
0x1c4: {  	[tilespmem:s9], [sflag:$0x1] =	stream.indirect.gather [hbm4b:s4+s8], $0x80, s17, s8, $0xb8;
	[tilespmem:$0x1F000] =	vst v63  }
0x1c5: {  	_ =	swait.ge [sflag:s16], $0x3E80  }
0x1c6: {  	[sflag:s16] =	ssyncset.done $0x0  }
0x1c7: {  	s18 =	simm.s32 $0x1880;
	[sflag:s16] =	ssyncadd.s32 $0xFFFFC180  }
0x1c8: {  	[spmem:s1] =	stream.indirect.scatter.add.f32 [tilespmem:s13], [sflag:$0x4], $0x80, s18, s8, $0xb8;
	[tilespmem:$0x1F000] =	vst v63  }
0x1c9: {  	_ =	swait.ge [sflag:s14], $0x3E80  }
0x1ca: {  	[sflag:s14] =	ssyncset.done $0x0  }
0x1cb: {  	s7 =	simm.s32 $0x1180;
	[sflag:s14] =	ssyncadd.s32 $0xFFFFC180  }
0x1cc: {  	[tilespmem:s13], [sflag:$0x2] =	stream.indirect.gather [hbm4b:s4+s8], $0x80, s7, s8, $0xb8;
	[tilespmem:$0x1F000] =	vst v63  }
0x1cd: {  	_ =	swait.ge [sflag:s5], $0x3E80  }
0x1ce: {  	[sflag:s5] =	ssyncset.done $0x0  }
0x1cf: {  	s7 =	simm.s32 $0x1900;
	[sflag:s5] =	ssyncadd.s32 $0xFFFFC180  }
0x1d0: {  	[spmem:s1] =	stream.indirect.scatter.add.f32 [tilespmem:s9], [sflag:$0x4], $0x80, s7, s8, $0xb8;
	[tilespmem:$0x1F000] =	vst v63  }
0x1d1: {  	_ =	swait.ge [sflag:s14], $0x3E80  }
0x1d2: {  	[sflag:s14] =	ssyncset.done $0x0  }
0x1d3: {  	[sflag:s14] =	ssyncadd.s32 $0xFFFFC180  }
0x1d4: {  	[tilespmem:s9], [sflag:$0x1] =	stream.indirect.gather [hbm4b:s4+s8], $0x80, s19, s8, $0xb8;
	[tilespmem:$0x1F000] =	vst v63  }
0x1d5: {  	_ =	swait.ge [sflag:s16], $0x3E80  }
0x1d6: {  	[sflag:s16] =	ssyncset.done $0x0  }
0x1d7: {  	[sflag:s16] =	ssyncadd.s32 $0xFFFFC180  }
0x1d8: {  	[spmem:s1] =	stream.indirect.scatter.add.f32 [tilespmem:s13], [sflag:$0x4], $0x80, s20, s8, $0xb8;
	[tilespmem:$0x1F000] =	vst v63  }
0x1d9: {  	_ =	swait.ge [sflag:s14], $0x3E80  }
0x1da: {  	[sflag:s14] =	ssyncset.done $0x0  }
0x1db: {  	[sflag:s14] =	ssyncadd.s32 $0xFFFFC180  }
0x1dc: {  	[tilespmem:s13], [sflag:$0x2] =	stream.indirect.gather [hbm4b:s4+s8], $0x80, s21, s8, $0xb8;
	[tilespmem:$0x1F000] =	vst v63  }
0x1dd: {  	_ =	swait.ge [sflag:s5], $0x3E80  }
0x1de: {  	[sflag:s5] =	ssyncset.done $0x0  }
0x1df: {  	[sflag:s5] =	ssyncadd.s32 $0xFFFFC180  }
0x1e0: {  	[spmem:s1] =	stream.indirect.scatter.add.f32 [tilespmem:s9], [sflag:$0x4], $0x80, s22, s8, $0xb8;
	[tilespmem:$0x1F000] =	vst v63  }
0x1e1: {  	_ =	swait.ge [sflag:s14], $0x3E80  }
0x1e2: {  	[sflag:s14] =	ssyncset.done $0x0  }
0x1e3: {  	[sflag:s14] =	ssyncadd.s32 $0xFFFFC180  }
0x1e4: {  	[tilespmem:s9], [sflag:$0x1] =	stream.indirect.gather [hbm4b:s4+s8], $0x80, s23, s8, $0xb8;
	[tilespmem:$0x1F000] =	vst v63  }
0x1e5: {  	_ =	swait.ge [sflag:s16], $0x3E80  }
0x1e6: {  	[sflag:s16] =	ssyncset.done $0x0  }
0x1e7: {  	[sflag:s16] =	ssyncadd.s32 $0xFFFFC180  }
0x1e8: {  	[spmem:s1] =	stream.indirect.scatter.add.f32 [tilespmem:s13], [sflag:$0x4], $0x80, s24, s8, $0xb8;
	[tilespmem:$0x1F000] =	vst v63  }
0x1e9: {  	_ =	swait.ge [sflag:s14], $0x3E80  }
0x1ea: {  	[sflag:s14] =	ssyncset.done $0x0  }
0x1eb: {  	[sflag:s14] =	ssyncadd.s32 $0xFFFFC180  }
0x1ec: {  	[tilespmem:s13], [sflag:$0x2] =	stream.indirect.gather [hbm4b:s4+s8], $0x80, s25, s8, $0xb8;
	[tilespmem:$0x1F000] =	vst v63  }
0x1ed: {  	_ =	swait.ge [sflag:s5], $0x3E80  }
0x1ee: {  	[sflag:s5] =	ssyncset.done $0x0  }
0x1ef: {  	[sflag:s5] =	ssyncadd.s32 $0xFFFFC180  }
0x1f0: {  	[spmem:s1] =	stream.indirect.scatter.add.f32 [tilespmem:s9], [sflag:$0x4], $0x80, s26, s8, $0xb8;
	[tilespmem:$0x1F000] =	vst v63  }
0x1f1: {  	_ =	swait.ge [sflag:s14], $0x3E80  }
0x1f2: {  	[sflag:s14] =	ssyncset.done $0x0  }
0x1f3: {  	[sflag:s14] =	ssyncadd.s32 $0xFFFFC180  }
0x1f4: {  	[tilespmem:s9], [sflag:$0x1] =	stream.indirect.gather [hbm4b:s4+s8], $0x80, s28, s8, $0xb8;
	[tilespmem:$0x1F000] =	vst v63  }
0x1f5: {  	_ =	swait.ge [sflag:s16], $0x3E80  }
0x1f6: {  	[sflag:s16] =	ssyncset.done $0x0  }
0x1f7: {  	[sflag:s16] =	ssyncadd.s32 $0xFFFFC180  }
0x1f8: {  	[spmem:s1] =	stream.indirect.scatter.add.f32 [tilespmem:s13], [sflag:$0x4], $0x80, s29, s8, $0xb8;
	[tilespmem:$0x1F000] =	vst v63  }
0x1f9: {  	_ =	swait.ge [sflag:s14], $0x3E80  }
0x1fa: {  	[sflag:s14] =	ssyncset.done $0x0  }
0x1fb: {  	[sflag:s14] =	ssyncadd.s32 $0xFFFFC180  }
0x1fc: {  	_ =	swait.ge [sflag:s6], $0x500  }
0x1fd: {  	[sflag:s6] =	ssyncset.done $0x0  }
0x1fe: {  	[sflag:s6] =	ssyncadd.s32 $0xFFFFFB00  }
0x1ff: {  	_ =	swait.ge [sflag:s6], $0x500  }
0x200: {  	[sflag:s6] =	ssyncset.done $0x0  }
0x201: {  	[sflag:s6] =	ssyncadd.s32 $0xFFFFFB00  }
0x202: {  	[tilespmem:s13], [sflag:$0x2] =	stream.indirect.gather [hbm4b:s4+s8], $0x80, s30, s8, $0xb8;
	[tilespmem:$0x1F000] =	vst v63  }
0x203: {  	_ =	swait.ge [sflag:s5], $0x3E80  }
0x204: {  	[sflag:s5] =	ssyncset.done $0x0  }
0x205: {  	[sflag:s5] =	ssyncadd.s32 $0xFFFFC180  }
0x206: {  	[spmem:s1] =	stream.indirect.scatter.add.f32 [tilespmem:s9], [sflag:$0x4], $0x80, s31, s8, $0xb8;
	[tilespmem:$0x1F000] =	vst v63  }
0x207: {  	_ =	swait.ge [sflag:s14], $0x3E80  }
0x208: {  	[sflag:s14] =	ssyncset.done $0x0  }
0x209: {  	p0 =	sne.s32 s12, $0x400;
	[sflag:s14] =	ssyncadd.s32 $0xFFFFC180  }
0x20a: {  	[tilespmem:s9], [sflag:$0x1] =	stream.indirect.gather [hbm4b:s4+s8], $0x80, s3, s8, $0xb8;
	[tilespmem:$0x1F000] =	vst v63  }
.Ltmp1:
0x20b: {  	_ =	swait.ge [sflag:s16], $0x3E80;
	(pc) =	sbr.rel @p0 .LBB2_4-.Ltmp1, $4  }
0x20c: {  	[sflag:s16] =	ssyncset.done $0x0  }
0x20d: {  	[sflag:s16] =	ssyncadd.s32 $0xFFFFC180  }
0x20e: {  	[spmem:s1] =	stream.indirect.scatter.add.f32 [tilespmem:s13], [sflag:$0x4], $0x80, s2, s8, $0xb8;
	[tilespmem:$0x1F000] =	vst v63  }
0x20f: {  	s12 =	sadd.s32 $0x200, s12;
	_ =	swait.ge [sflag:s14], $0x3E80  }
0x210: {  	[sflag:s14] =	ssyncset.done $0x0  }
0x211: {  	s12 =	rddreg [dreg:$0xa];
	[sflag:s14] =	ssyncadd.s32 $0xFFFFC180  }
0x212: {  	[tilespmem:s10], [sflag:$0x3] =	stream.linear.gather [hbm4b:s12+s3], $0x500, $0x38;
	[tilespmem:$0x1F000] =	vst v63  }
0x213: {  	s7 =	rddreg [dreg:$0xb]  }
0x214: {  	[tilespmem:s11], [sflag:$0x3] =	stream.linear.gather [hbm4b:s7+s3], $0x500, $0x38;
	[tilespmem:$0x1F000] =	vst v63  }
0x215: {  	s7 =	simm.s32 $0x80  }
0x216: {  	[tilespmem:s13], [sflag:$0x2] =	stream.indirect.gather [hbm4b:s4+s8], $0x80, s7, s8, $0xb8;
	[tilespmem:$0x1F000] =	vst v63  }
0x217: {  	_ =	swait.ge [sflag:s5], $0x3E80  }
0x218: {  	[sflag:s5] =	ssyncset.done $0x0  }
0x219: {  	[sflag:s5] =	ssyncadd.s32 $0xFFFFC180  }
0x21a: {  	[spmem:s1] =	stream.indirect.scatter.add.f32 [tilespmem:s9], [sflag:$0x4], $0x80, s0, s8, $0xb8;
	[tilespmem:$0x1F000] =	vst v63  }
0x21b: {  	_ =	swait.ge [sflag:s14], $0x3E80  }
0x21c: {  	[sflag:s14] =	ssyncset.done $0x0  }
0x21d: {  	s7 =	simm.s32 $0x100;
	[sflag:s14] =	ssyncadd.s32 $0xFFFFC180  }
0x21e: {  	[tilespmem:s9], [sflag:$0x1] =	stream.indirect.gather [hbm4b:s4+s8], $0x80, s7, s8, $0xb8;
	[tilespmem:$0x1F000] =	vst v63  }
0x21f: {  	_ =	swait.ge [sflag:s16], $0x3E80  }
0x220: {  	[sflag:s16] =	ssyncset.done $0x0  }
0x221: {  	s7 =	simm.s32 $0x880;
	[sflag:s16] =	ssyncadd.s32 $0xFFFFC180  }
0x222: {  	[spmem:s1] =	stream.indirect.scatter.add.f32 [tilespmem:s13], [sflag:$0x4], $0x80, s7, s8, $0xb8;
	[tilespmem:$0x1F000] =	vst v63  }
0x223: {  	_ =	swait.ge [sflag:s14], $0x3E80  }
0x224: {  	[sflag:s14] =	ssyncset.done $0x0  }
0x225: {  	s7 =	simm.s32 $0x180;
	[sflag:s14] =	ssyncadd.s32 $0xFFFFC180  }
0x226: {  	[tilespmem:s13], [sflag:$0x2] =	stream.indirect.gather [hbm4b:s4+s8], $0x80, s7, s8, $0xb8;
	[tilespmem:$0x1F000] =	vst v63  }
0x227: {  	_ =	swait.ge [sflag:s5], $0x3E80  }
0x228: {  	[sflag:s5] =	ssyncset.done $0x0  }
0x229: {  	s7 =	simm.s32 $0x900;
	[sflag:s5] =	ssyncadd.s32 $0xFFFFC180  }
0x22a: {  	[spmem:s1] =	stream.indirect.scatter.add.f32 [tilespmem:s9], [sflag:$0x4], $0x80, s7, s8, $0xb8;
	[tilespmem:$0x1F000] =	vst v63  }
0x22b: {  	_ =	swait.ge [sflag:s14], $0x3E80  }
0x22c: {  	[sflag:s14] =	ssyncset.done $0x0  }
0x22d: {  	s7 =	simm.s32 $0x200;
	[sflag:s14] =	ssyncadd.s32 $0xFFFFC180  }
0x22e: {  	[tilespmem:s9], [sflag:$0x1] =	stream.indirect.gather [hbm4b:s4+s8], $0x80, s7, s8, $0xb8;
	[tilespmem:$0x1F000] =	vst v63  }
0x22f: {  	_ =	swait.ge [sflag:s16], $0x3E80  }
0x230: {  	[sflag:s16] =	ssyncset.done $0x0  }
0x231: {  	s7 =	simm.s32 $0x980;
	[sflag:s16] =	ssyncadd.s32 $0xFFFFC180  }
0x232: {  	[spmem:s1] =	stream.indirect.scatter.add.f32 [tilespmem:s13], [sflag:$0x4], $0x80, s7, s8, $0xb8;
	[tilespmem:$0x1F000] =	vst v63  }
0x233: {  	_ =	swait.ge [sflag:s14], $0x3E80  }
0x234: {  	[sflag:s14] =	ssyncset.done $0x0  }
0x235: {  	s7 =	simm.s32 $0x280;
	[sflag:s14] =	ssyncadd.s32 $0xFFFFC180  }
0x236: {  	[tilespmem:s13], [sflag:$0x2] =	stream.indirect.gather [hbm4b:s4+s8], $0x80, s7, s8, $0xb8;
	[tilespmem:$0x1F000] =	vst v63  }
0x237: {  	_ =	swait.ge [sflag:s5], $0x3E80  }
0x238: {  	[sflag:s5] =	ssyncset.done $0x0  }
0x239: {  	s7 =	simm.s32 $0xA00;
	[sflag:s5] =	ssyncadd.s32 $0xFFFFC180  }
0x23a: {  	[spmem:s1] =	stream.indirect.scatter.add.f32 [tilespmem:s9], [sflag:$0x4], $0x80, s7, s8, $0xb8;
	[tilespmem:$0x1F000] =	vst v63  }
0x23b: {  	_ =	swait.ge [sflag:s14], $0x3E80  }
0x23c: {  	[sflag:s14] =	ssyncset.done $0x0  }
0x23d: {  	s7 =	simm.s32 $0x300;
	[sflag:s14] =	ssyncadd.s32 $0xFFFFC180  }
0x23e: {  	[tilespmem:s9], [sflag:$0x1] =	stream.indirect.gather [hbm4b:s4+s8], $0x80, s7, s8, $0xb8;
	[tilespmem:$0x1F000] =	vst v63  }
0x23f: {  	_ =	swait.ge [sflag:s16], $0x3E80  }
0x240: {  	[sflag:s16] =	ssyncset.done $0x0  }
0x241: {  	s7 =	simm.s32 $0xA80;
	[sflag:s16] =	ssyncadd.s32 $0xFFFFC180  }
0x242: {  	[spmem:s1] =	stream.indirect.scatter.add.f32 [tilespmem:s13], [sflag:$0x4], $0x80, s7, s8, $0xb8;
	[tilespmem:$0x1F000] =	vst v63  }
0x243: {  	_ =	swait.ge [sflag:s14], $0x3E80  }
0x244: {  	[sflag:s14] =	ssyncset.done $0x0  }
0x245: {  	s7 =	simm.s32 $0x380;
	[sflag:s14] =	ssyncadd.s32 $0xFFFFC180  }
0x246: {  	[tilespmem:s13], [sflag:$0x2] =	stream.indirect.gather [hbm4b:s4+s8], $0x80, s7, s8, $0xb8;
	[tilespmem:$0x1F000] =	vst v63  }
0x247: {  	_ =	swait.ge [sflag:s5], $0x3E80  }
0x248: {  	[sflag:s5] =	ssyncset.done $0x0  }
0x249: {  	s7 =	simm.s32 $0xB00;
	[sflag:s5] =	ssyncadd.s32 $0xFFFFC180  }
0x24a: {  	[spmem:s1] =	stream.indirect.scatter.add.f32 [tilespmem:s9], [sflag:$0x4], $0x80, s7, s8, $0xb8;
	[tilespmem:$0x1F000] =	vst v63  }
0x24b: {  	_ =	swait.ge [sflag:s14], $0x3E80  }
0x24c: {  	[sflag:s14] =	ssyncset.done $0x0  }
0x24d: {  	s7 =	simm.s32 $0x400;
	[sflag:s14] =	ssyncadd.s32 $0xFFFFC180  }
0x24e: {  	[tilespmem:s9], [sflag:$0x1] =	stream.indirect.gather [hbm4b:s4+s8], $0x80, s7, s8, $0xb8;
	[tilespmem:$0x1F000] =	vst v63  }
0x24f: {  	_ =	swait.ge [sflag:s16], $0x3E80  }
0x250: {  	[sflag:s16] =	ssyncset.done $0x0  }
0x251: {  	s7 =	simm.s32 $0xB80;
	[sflag:s16] =	ssyncadd.s32 $0xFFFFC180  }
0x252: {  	[spmem:s1] =	stream.indirect.scatter.add.f32 [tilespmem:s13], [sflag:$0x4], $0x80, s7, s8, $0xb8;
	[tilespmem:$0x1F000] =	vst v63  }
0x253: {  	_ =	swait.ge [sflag:s14], $0x3E80  }
0x254: {  	[sflag:s14] =	ssyncset.done $0x0  }
0x255: {  	[sflag:s14] =	ssyncadd.s32 $0xFFFFC180  }
0x256: {  	_ =	swait.ge [sflag:s6], $0x500  }
0x257: {  	[sflag:s6] =	ssyncset.done $0x0  }
0x258: {  	[sflag:s6] =	ssyncadd.s32 $0xFFFFFB00  }
0x259: {  	_ =	swait.ge [sflag:s6], $0x500  }
0x25a: {  	[sflag:s6] =	ssyncset.done $0x0  }
0x25b: {  	s7 =	simm.s32 $0x480;
	[sflag:s6] =	ssyncadd.s32 $0xFFFFFB00  }
0x25c: {  	[tilespmem:s13], [sflag:$0x2] =	stream.indirect.gather [hbm4b:s4+s8], $0x80, s7, s8, $0xb8;
	[tilespmem:$0x1F000] =	vst v63  }
0x25d: {  	_ =	swait.ge [sflag:s5], $0x3E80  }
0x25e: {  	[sflag:s5] =	ssyncset.done $0x0  }
0x25f: {  	s7 =	simm.s32 $0xC00;
	[sflag:s5] =	ssyncadd.s32 $0xFFFFC180  }
0x260: {  	[spmem:s1] =	stream.indirect.scatter.add.f32 [tilespmem:s9], [sflag:$0x4], $0x80, s7, s8, $0xb8;
	[tilespmem:$0x1F000] =	vst v63  }
0x261: {  	_ =	swait.ge [sflag:s14], $0x3E80  }
0x262: {  	[sflag:s14] =	ssyncset.done $0x0  }
0x263: {  	[sflag:s14] =	ssyncadd.s32 $0xFFFFC180  }
0x264: {  	[tilespmem:s9], [sflag:$0x1] =	stream.indirect.gather [hbm4b:s4+s8], $0x80, s10, s8, $0xb8;
	[tilespmem:$0x1F000] =	vst v63  }
0x265: {  	_ =	swait.ge [sflag:s16], $0x3E80  }
0x266: {  	[sflag:s16] =	ssyncset.done $0x0  }
0x267: {  	s7 =	simm.s32 $0xC80;
	[sflag:s16] =	ssyncadd.s32 $0xFFFFC180  }
0x268: {  	[spmem:s1] =	stream.indirect.scatter.add.f32 [tilespmem:s13], [sflag:$0x4], $0x80, s7, s8, $0xb8;
	[tilespmem:$0x1F000] =	vst v63  }
0x269: {  	_ =	swait.ge [sflag:s14], $0x3E80  }
0x26a: {  	[sflag:s14] =	ssyncset.done $0x0  }
0x26b: {  	[sflag:s14] =	ssyncadd.s32 $0xFFFFC180  }
0x26c: {  	[tilespmem:s13], [sflag:$0x2] =	stream.indirect.gather [hbm4b:s4+s8], $0x80, s15, s8, $0xb8;
	[tilespmem:$0x1F000] =	vst v63  }
0x26d: {  	_ =	swait.ge [sflag:s5], $0x3E80  }
0x26e: {  	[sflag:s5] =	ssyncset.done $0x0  }
0x26f: {  	[sflag:s5] =	ssyncadd.s32 $0xFFFFC180  }
0x270: {  	[spmem:s1] =	stream.indirect.scatter.add.f32 [tilespmem:s9], [sflag:$0x4], $0x80, s11, s8, $0xb8;
	[tilespmem:$0x1F000] =	vst v63  }
0x271: {  	_ =	swait.ge [sflag:s14], $0x3E80  }
0x272: {  	[sflag:s14] =	ssyncset.done $0x0  }
0x273: {  	[sflag:s14] =	ssyncadd.s32 $0xFFFFC180  }
0x274: {  	[tilespmem:s9], [sflag:$0x1] =	stream.indirect.gather [hbm4b:s4+s8], $0x80, s17, s8, $0xb8;
	[tilespmem:$0x1F000] =	vst v63  }
0x275: {  	_ =	swait.ge [sflag:s16], $0x3E80  }
0x276: {  	[sflag:s16] =	ssyncset.done $0x0  }
0x277: {  	[sflag:s16] =	ssyncadd.s32 $0xFFFFC180  }
0x278: {  	[spmem:s1] =	stream.indirect.scatter.add.f32 [tilespmem:s13], [sflag:$0x4], $0x80, s18, s8, $0xb8;
	[tilespmem:$0x1F000] =	vst v63  }
0x279: {  	_ =	swait.ge [sflag:s14], $0x3E80  }
0x27a: {  	[sflag:s14] =	ssyncset.done $0x0  }
0x27b: {  	s17 =	simm.s32 $0x1180;
	[sflag:s14] =	ssyncadd.s32 $0xFFFFC180  }
0x27c: {  	[tilespmem:s13], [sflag:$0x2] =	stream.indirect.gather [hbm4b:s4+s8], $0x80, s17, s8, $0xb8;
	[tilespmem:$0x1F000] =	vst v63  }
0x27d: {  	_ =	swait.ge [sflag:s5], $0x3E80  }
0x27e: {  	[sflag:s5] =	ssyncset.done $0x0  }
0x27f: {  	s7 =	simm.s32 $0x1900;
	[sflag:s5] =	ssyncadd.s32 $0xFFFFC180  }
0x280: {  	[spmem:s1] =	stream.indirect.scatter.add.f32 [tilespmem:s9], [sflag:$0x4], $0x80, s7, s8, $0xb8;
	[tilespmem:$0x1F000] =	vst v63  }
0x281: {  	_ =	swait.ge [sflag:s14], $0x3E80  }
0x282: {  	[sflag:s14] =	ssyncset.done $0x0  }
0x283: {  	[sflag:s14] =	ssyncadd.s32 $0xFFFFC180  }
0x284: {  	[tilespmem:s9], [sflag:$0x1] =	stream.indirect.gather [hbm4b:s4+s8], $0x80, s19, s8, $0xb8;
	[tilespmem:$0x1F000] =	vst v63  }
0x285: {  	_ =	swait.ge [sflag:s16], $0x3E80  }
0x286: {  	[sflag:s16] =	ssyncset.done $0x0  }
0x287: {  	[sflag:s16] =	ssyncadd.s32 $0xFFFFC180  }
0x288: {  	[spmem:s1] =	stream.indirect.scatter.add.f32 [tilespmem:s13], [sflag:$0x4], $0x80, s20, s8, $0xb8;
	[tilespmem:$0x1F000] =	vst v63  }
0x289: {  	_ =	swait.ge [sflag:s14], $0x3E80  }
0x28a: {  	[sflag:s14] =	ssyncset.done $0x0  }
0x28b: {  	[sflag:s14] =	ssyncadd.s32 $0xFFFFC180  }
0x28c: {  	[tilespmem:s13], [sflag:$0x2] =	stream.indirect.gather [hbm4b:s4+s8], $0x80, s21, s8, $0xb8;
	[tilespmem:$0x1F000] =	vst v63  }
0x28d: {  	_ =	swait.ge [sflag:s5], $0x3E80  }
0x28e: {  	[sflag:s5] =	ssyncset.done $0x0  }
0x28f: {  	[sflag:s5] =	ssyncadd.s32 $0xFFFFC180  }
0x290: {  	[spmem:s1] =	stream.indirect.scatter.add.f32 [tilespmem:s9], [sflag:$0x4], $0x80, s22, s8, $0xb8;
	[tilespmem:$0x1F000] =	vst v63  }
0x291: {  	_ =	swait.ge [sflag:s14], $0x3E80  }
0x292: {  	[sflag:s14] =	ssyncset.done $0x0  }
0x293: {  	[sflag:s14] =	ssyncadd.s32 $0xFFFFC180  }
0x294: {  	[tilespmem:s9], [sflag:$0x1] =	stream.indirect.gather [hbm4b:s4+s8], $0x80, s23, s8, $0xb8;
	[tilespmem:$0x1F000] =	vst v63  }
0x295: {  	_ =	swait.ge [sflag:s16], $0x3E80  }
0x296: {  	[sflag:s16] =	ssyncset.done $0x0  }
0x297: {  	[sflag:s16] =	ssyncadd.s32 $0xFFFFC180  }
0x298: {  	[spmem:s1] =	stream.indirect.scatter.add.f32 [tilespmem:s13], [sflag:$0x4], $0x80, s24, s8, $0xb8;
	[tilespmem:$0x1F000] =	vst v63  }
0x299: {  	_ =	swait.ge [sflag:s14], $0x3E80  }
0x29a: {  	[sflag:s14] =	ssyncset.done $0x0  }
0x29b: {  	[sflag:s14] =	ssyncadd.s32 $0xFFFFC180  }
0x29c: {  	[tilespmem:s13], [sflag:$0x2] =	stream.indirect.gather [hbm4b:s4+s8], $0x80, s25, s8, $0xb8;
	[tilespmem:$0x1F000] =	vst v63  }
0x29d: {  	_ =	swait.ge [sflag:s5], $0x3E80  }
0x29e: {  	[sflag:s5] =	ssyncset.done $0x0  }
0x29f: {  	[sflag:s5] =	ssyncadd.s32 $0xFFFFC180  }
0x2a0: {  	[spmem:s1] =	stream.indirect.scatter.add.f32 [tilespmem:s9], [sflag:$0x4], $0x80, s26, s8, $0xb8;
	[tilespmem:$0x1F000] =	vst v63  }
0x2a1: {  	_ =	swait.ge [sflag:s14], $0x3E80  }
0x2a2: {  	[sflag:s14] =	ssyncset.done $0x0  }
0x2a3: {  	[sflag:s14] =	ssyncadd.s32 $0xFFFFC180  }
0x2a4: {  	[tilespmem:s9], [sflag:$0x1] =	stream.indirect.gather [hbm4b:s4+s8], $0x80, s28, s8, $0xb8;
	[tilespmem:$0x1F000] =	vst v63  }
0x2a5: {  	_ =	swait.ge [sflag:s16], $0x3E80  }
0x2a6: {  	[sflag:s16] =	ssyncset.done $0x0  }
0x2a7: {  	[sflag:s16] =	ssyncadd.s32 $0xFFFFC180  }
0x2a8: {  	[spmem:s1] =	stream.indirect.scatter.add.f32 [tilespmem:s13], [sflag:$0x4], $0x80, s29, s8, $0xb8;
	[tilespmem:$0x1F000] =	vst v63  }
0x2a9: {  	_ =	swait.ge [sflag:s14], $0x3E80  }
0x2aa: {  	[sflag:s14] =	ssyncset.done $0x0  }
0x2ab: {  	[sflag:s14] =	ssyncadd.s32 $0xFFFFC180  }
0x2ac: {  	[tilespmem:s13], [sflag:$0x2] =	stream.indirect.gather [hbm4b:s4+s8], $0x80, s30, s8, $0xb8;
	[tilespmem:$0x1F000] =	vst v63  }
0x2ad: {  	_ =	swait.ge [sflag:s5], $0x3E80  }
0x2ae: {  	[sflag:s5] =	ssyncset.done $0x0  }
0x2af: {  	[sflag:s5] =	ssyncadd.s32 $0xFFFFC180  }
0x2b0: {  	[spmem:s1] =	stream.indirect.scatter.add.f32 [tilespmem:s9], [sflag:$0x4], $0x80, s31, s8, $0xb8;
	[tilespmem:$0x1F000] =	vst v63  }
0x2b1: {  	_ =	swait.ge [sflag:s14], $0x3E80  }
0x2b2: {  	[sflag:s14] =	ssyncset.done $0x0  }
0x2b3: {  	[sflag:s14] =	ssyncadd.s32 $0xFFFFC180  }
0x2b4: {  	_ =	swait.ge [sflag:s16], $0x3E80  }
0x2b5: {  	[sflag:s16] =	ssyncset.done $0x0  }
0x2b6: {  	[sflag:s16] =	ssyncadd.s32 $0xFFFFC180  }
0x2b7: {  	[spmem:s1] =	stream.indirect.scatter.add.f32 [tilespmem:s13], [sflag:$0x4], $0x80, s2, s8, $0xb8;
	[tilespmem:$0x1F000] =	vst v63  }
0x2b8: {  	_ =	swait.ge [sflag:s14], $0x3E80  }
0x2b9: {  	[sflag:s14] =	ssyncset.done $0x0  }
0x2ba: {  	[sflag:s14] =	ssyncadd.s32 $0xFFFFC180  }
0x2bb: {  	s18 =	stileid.u32;
	[bflag:$0x0] =	sbarrier.arrive $0xFFFF  }
0x2bc: {  	s12 =	sshll.u32 s18, $0x6;
	s17 =	rddreg [dreg:$0x9]  }
0x2bd: {  	s12 =	sor.u32 $0x1C04, s12;
	s7 =	rddreg [dreg:$0xc];
	s2 =	sshrl.u32 s17, $0x3  }
0x2be: {  	[hbm:s7], [sflag:s12] =	dma.local [spmem:s2], $0x2800  }
0x2bf: {  	_ =	swait.ge [sflag:s14], $0x2800  }
0x2c0: {  	s15 =	sld [smem:$0x7FC];
	_ =	sdelay $0x2  }
0x2c1: {  	s18 =	rddreg [dreg:$0xd];
	s2 =	sadd.s32 $0x1, s15  }
0x2c2: {  	p0 =	sne.s32 s2, s18  }
.Ltmp2:
0x2c3: {  	_ = 	snop;
	(pc) =	sbr.rel @p0 .LBB2_1-.Ltmp2, $3  }
0x2c4: {  	_ =	sdelay $0x1  }
0x2c5: {  	[sflag:s14] =	ssyncset.done $0x0  }
0x2c6: {  	[sflag:s14] =	ssyncadd.s32 $0xFFFFD800  }
0x2c7: {  	_ =	sfence.sel $0x180000  }
0x2c8: {  	[bflag:$0x0] =	sbarrier.arrive $0xFFFF  }
0x2c9: {  	_ =	strace $0x9000004D  }
0x2ca: {  	s0 =	stileid.u32;
	[bflag:$0x2] =	sbarrier.arrive $0xFFFF  }
0x2cb: {  	p0 =	sne.s32 s0, $0x0;
	s0 =	rddreg [dreg:$0x2]  }
0x2cc: {  	s0 =	sadd.s32 @!p0 $0x100000, s0  }
0x2cd: {  	[sflag:s0] =	ssyncadd.tile.s32 @!p0 $0x1;
	_ =	shalt  }
.Lfunc_end2:
_tile_overlayer_lowered:
.L_overlay_start_2:
0x2ce: {  	(tag) =	ssettag $0x2  }
0x2cf: {  	s0 =	rddreg [dreg:$0x0];
	s2 =	stileid.u32  }
0x2d0: {  	s1 =	rddreg [dreg:$0x1];
	p0 =	sne.s32 s2, $0x0  }
0x2d1: {  	s3 =	rddreg [dreg:$0x2];
	[bflag:$0x3] =	sbarrier.arrive $0xFFFF;
	s2 =	simm.s32 @!p0 $0x1C04  }
0x2d2: {  	[timem:s3], [sflag:s2] =	dma.local @!p0 [hbm:s0], s1  }
0x2d3: {  	s0 =	simm.s32 @!p0 $0x4  }
0x2d4: {  	_ =	swait.ge @!p0 [sflag:s0], s1  }
0x2d5: {  	s1 =	ssub.s32 @!p0 $0x0, s1;
	[sflag:s0] =	ssyncset.done @!p0 $0x0  }
0x2d6: {  	[sflag:s0] =	ssyncadd.s32 @!p0 s1  }
0x2d7: {  	[bflag:$0x3] =	sbarrier.arrive $0xFFFF  }
0x2d8: {  	_ =	shalt  }

// kernel: kernel.8.cloned.1.call-start
scs
__scs_entry_jumppad:
0x0: {  	(pc) =	sbr.rel $0x88, $3  }
0x1: {  	(tag) =	ssettag $0x0;
	lr =	simm.s32 $0x1  }
0x2: {  	[smem:$0x3F99] =	sst lr;
	_ =	strace $0xD0000000  }
0x3: {  	_ = 	snop  }
0x4: {  	_ = 	snop  }
0x5: {  	_ = 	snop  }
0x6: {  	_ = 	snop  }
0x7: {  	_ = 	snop  }
__scs_overlays_trampoline_lowered:
0x8: {  	[smem:$0x3FA8] =	sst s0  }
0x9: {  	[smem:$0x3FA9] =	sst s1  }
0xa: {  	[smem:$0x3FAA] =	sst s2  }
0xb: {  	[smem:$0x3FAB] =	sst s3  }
0xc: {  	[smem:$0x3FAC] =	sst s4  }
0xd: {  	[smem:$0x3FAD] =	sst s5  }
0xe: {  	[smem:$0x3FAE] =	sst s6  }
0xf: {  	[smem:$0x3FAF] =	sst s7  }
0x10: {  	[smem:$0x3FB0] =	sst s8  }
0x11: {  	[smem:$0x3FB1] =	sst s9;
	s0 =	simm.s32 @!p0 $0x0  }
0x12: {  	s1 =	sld [smem:$0x3F97];
	s0 =	simm.s32 @p0 $0x1  }
0x13: {  	[smem:$0x3FB2] =	sst s0;
	s0 =	simm.s32 @!p1 $0x0  }
0x14: {  	s2 =	sld [smem:$0x3F96];
	s0 =	simm.s32 @p1 $0x1  }
0x15: {  	[smem:$0x3FB3] =	sst s0;
	s0 =	simm.s32 @!p2 $0x0  }
0x16: {  	s3 =	sld [smem:$0x3FDB];
	s0 =	simm.s32 @p2 $0x1  }
0x17: {  	s4 =	simm.s32 $0x1BF5;
	[smem:$0x3FB5] =	sst s0  }
0x18: {  	s0 =	sld [smem:$0x3F98];
	_ =	swait.ge [sflag:s4], $0x0  }
0x19: {  	s7 =	sld [smem:$0x3F99]  }
0x1a: {  	s8 =	sadd.s32 $0xFFFFE003, lr  }
0x1b: {  	s9 =	sadd.s32 $0xFFFFFEF7, lr;
	s5 =	simm.s32 $0xFFFFFFFF;
	p2 =	slt.u32 s8, $0xFFFFF086  }
0x1c: {  	p1 =	slt.u32 s9, $0xF7A;
	s5 =	simm.s32 @!p2 $0x0  }
0x1d: {  	s5 =	simm.s32 @p1 $0x1;
	p0 =	seq.s32 s7, s2  }
0x1e: {  	s7 =	smul.u32 @!p0 $0xF7A, s2;
	p2 =	seq.s32 @!p0 s5, $0x0  }
0x1f: {  	s9 =	smul.u32 $0xF7A, s1;
	s8 =	simm.s32 @!p0 $0x1BF5;
	p2 =	por !p2, p0  }
0x20: {  	[sflag:s8] =	ssyncset.s32 @!p0 $0xFFFFF086;
	s6 =	sadd.s32 @!p0 s3, s7;
	s7 =	simm.s32 @!p0 $0x108  }
0x21: {  	s3 =	sadd.s32 s3, s9;
	s6 =	sadd.s32 @!p0 $0x88, s6;
	s7 =	simm.s32 @p2 $0x1082  }
0x22: {  	[simem:s7], [sflag:s8] =	dma.local @!p0 [hbm:s6], $0xF7A  }
0x23: {  	s9 =	sor.u32 $0xD0000000, s2;
	s6 =	simm.s32 $0x108;
	_ =	swait.ge @!p0 [sflag:s8], $0x0  }
0x24: {  	s3 =	sadd.s32 $0x88, s3;
	s6 =	simm.s32 @!p1 $0x1082;
	[sflag:s4] =	ssyncset.s32 $0xFFFFF086  }
0x25: {  	[simem:s6], [sflag:s4] =	dma.local [hbm:s3], $0xF7A  }
0x26: {  	[smem:$0x3F99] =	sst s1;
	(tag) =	ssettag s2;
	_ =	strace s9  }
0x27: {  	s1 =	sld [smem:$0x3FA9]  }
0x28: {  	s2 =	sld [smem:$0x3FAA]  }
0x29: {  	s4 =	sld [smem:$0x3FAC]  }
0x2a: {  	p0 =	seq.s32 s5, $0x0;
	s5 =	sld [smem:$0x3FAD]  }
0x2b: {  	s6 =	sld [smem:$0x3FAE]  }
0x2c: {  	s7 =	sld [smem:$0x3FAF]  }
0x2d: {  	s3 =	simm.s32 $0x108;
	s8 =	sld [smem:$0x3FB0]  }
0x2e: {  	s3 =	simm.s32 @!p0 $0x1082;
	s9 =	sld [smem:$0x3FB1]  }
0x2f: {  	lr =	sadd.s32 s0, s3;
	s0 =	sld [smem:$0x3FA8]  }
0x30: {  	s3 =	sld [smem:$0x3FAB]  }
0x31: {  	[smem:$0x3FB4] =	sst s10  }
0x32: {  	s10 =	sld [smem:$0x3FB2];
	_ =	sdelay $0x3  }
0x33: {  	p0 =	seq.s32 s10, $0x1;
	s10 =	sld [smem:$0x3FB4];
	_ =	sdelay $0x3  }
0x34: {  	[smem:$0x3FB4] =	sst s10  }
0x35: {  	s10 =	sld [smem:$0x3FB3];
	_ =	sdelay $0x3  }
0x36: {  	p1 =	seq.s32 s10, $0x1;
	s10 =	sld [smem:$0x3FB4];
	_ =	sdelay $0x3  }
0x37: {  	[smem:$0x3FB4] =	sst s10  }
0x38: {  	s10 =	sld [smem:$0x3FB5]  }
0x39: {  	_ = 	snop;
	(pc) =	sbr.ind lr, $3  }
0x3a: {  	_ = 	snop  }
0x3b: {  	_ = 	snop  }
0x3c: {  	p2 =	seq.s32 s10, $0x1;
	s10 =	sld [smem:$0x3FB4]  }
0x3d: {  	_ =	shalt  }
0x3e: {  	_ =	shalt  }
0x3f: {  	_ =	shalt  }
0x40: {  	_ =	shalt  }
0x41: {  	_ =	shalt  }
0x42: {  	_ =	shalt  }
0x43: {  	_ =	shalt  }
0x44: {  	_ =	shalt  }
0x45: {  	_ =	shalt  }
0x46: {  	_ =	shalt  }
0x47: {  	_ =	shalt  }
0x48: {  	_ =	shalt  }
0x49: {  	_ =	shalt  }
0x4a: {  	_ =	shalt  }
0x4b: {  	_ =	shalt  }
0x4c: {  	_ =	shalt  }
0x4d: {  	_ =	shalt  }
0x4e: {  	_ =	shalt  }
0x4f: {  	_ =	shalt  }
0x50: {  	_ =	shalt  }
0x51: {  	_ =	shalt  }
0x52: {  	_ =	shalt  }
0x53: {  	_ =	shalt  }
0x54: {  	_ =	shalt  }
0x55: {  	_ =	shalt  }
0x56: {  	_ =	shalt  }
0x57: {  	_ =	shalt  }
0x58: {  	_ =	shalt  }
0x59: {  	_ =	shalt  }
0x5a: {  	_ =	shalt  }
0x5b: {  	_ =	shalt  }
0x5c: {  	_ =	shalt  }
0x5d: {  	_ =	shalt  }
0x5e: {  	_ =	shalt  }
0x5f: {  	_ =	shalt  }
0x60: {  	_ =	shalt  }
0x61: {  	_ =	shalt  }
0x62: {  	_ =	shalt  }
0x63: {  	_ =	shalt  }
0x64: {  	_ =	shalt  }
0x65: {  	_ =	shalt  }
0x66: {  	_ =	shalt  }
0x67: {  	_ =	shalt  }
0x68: {  	_ =	shalt  }
0x69: {  	_ =	shalt  }
0x6a: {  	_ =	shalt  }
0x6b: {  	_ =	shalt  }
0x6c: {  	_ =	shalt  }
0x6d: {  	_ =	shalt  }
0x6e: {  	_ =	shalt  }
0x6f: {  	_ =	shalt  }
0x70: {  	_ =	shalt  }
0x71: {  	_ =	shalt  }
0x72: {  	_ =	shalt  }
0x73: {  	_ =	shalt  }
0x74: {  	_ =	shalt  }
0x75: {  	_ =	shalt  }
0x76: {  	_ =	shalt  }
0x77: {  	_ =	shalt  }
0x78: {  	_ =	shalt  }
0x79: {  	_ =	shalt  }
0x7a: {  	_ =	shalt  }
0x7b: {  	_ =	shalt  }
0x7c: {  	_ =	shalt  }
0x7d: {  	_ =	shalt  }
0x7e: {  	_ =	shalt  }
0x7f: {  	_ =	shalt  }
0x80: {  	_ =	shalt  }
0x81: {  	_ =	shalt  }
0x82: {  	_ =	shalt  }
0x83: {  	_ =	shalt  }
0x84: {  	_ =	shalt  }
0x85: {  	_ =	shalt  }
0x86: {  	_ =	shalt  }
0x87: {  	_ =	shalt  }
.Lfunc_end0:
.L_simem_size_0:
called_computation_lowered:
.L_overlay_start_0:
0x88: {  	s2 =	sld [smem:$0x3FD9]  }
0x89: {  	s3 =	sld [smem:$0x3FFE];
	_ =	sdelay $0x1  }
0x8a: {  	s1 =	srdreg.scid  }
0x8b: {  	s0 =	sand.u32 $0x1, s1  }
0x8c: {  	s17 =	sshll.u32 s0, $0xA;
	s2 =	sadd.s32 s3, s2  }
0x8d: {  	s2 =	sadd.s32 s2, s17  }
0x8e: {  	[smem:$0x3FC0] =	sst s2  }
0x8f: {  	_ = 	snop  }
0x90: {  	s2 =	sld [smem:$0x3FD0];
	(tm) =	ssettm $0x1  }
0x91: {  	s18 =	sld [smem:$0x3FFB];
	_ =	sdelay $0x3  }
0x92: {  	_ =	strace s18  }
0x93: {  	s3 =	sld [smem:$0x3FFC];
	_ =	sdelay $0x3  }
0x94: {  	_ =	strace s3  }
0x95: {  	s3 =	sld [smem:$0x3FFD];
	_ =	sdelay $0x3  }
0x96: {  	_ =	strace s3  }
0x97: {  	_ =	strace $0x8FFFFFFF  }
0x98: {  	s19 =	sld [smem:$0x3FDB];
	_ =	sdelay $0x1  }
0x99: {  	s4 =	simm.s32 $_scs_section_size  }
0x9a: {  	s5 =	simm.s32 $_size__tile_overlayer_lowered;
	s6 =	simm.s32 $_tile_overlayer_lowered  }
0x9b: {  	s22 =	simm.s32 $0x1BFF;
	s21 =	sshll.u32 s6, $0x1;
	s3 =	sadd.s32 s4, s19  }
0x9c: {  	s7 =	simm.s32 $0x0;
	s20 =	sshll.u32 s5, $0x1;
	s5 =	sadd.s32 s21, s3  }
0x9d: {  	[timem:s7], [sflag:s22] =	dma.local [hbm:s5], s20  }
0x9e: {  	_ =	swait.ge [sflag:s22], s20  }
0x9f: {  	s4 =	ssub.s32 $0x0, s20;
	[sflag:s22] =	ssyncset.done $0x0  }
0xa0: {  	[sflag:s22] =	ssyncadd.s32 s4;
	_ =	sdelay $0x1  }
0xa1: {  	s23 =	simm.s32 $0x1B8B  }
0xa2: {  	_ =	swait.ge [sflag:s23], $0x1  }
0xa3: {  	[sflag:s23] =	ssyncset.done $0x0  }
0xa4: {  	s25 =	simm.s32 $0x1B8E;
	s24 =	sld [smem:$0x3FFE];
	[sflag:s23] =	ssyncadd.s32 $0xFFFFFFFF  }
0xa5: {  	s26 =	simm.s32 $execute0_lowered;
	[smem:$0x3FD2] =	sst s25  }
0xa6: {  	s5 =	sshll.u32 s26, $0x1;
	_ =	strace $0x80000046;
	[dreg:$0x1] =	wrdreg $0xFFFFFFFF  }
0xa7: {  	s28 =	simm.s32 $_size_execute0_lowered;
	s3 =	sadd.s32 s3, s5;
	[dreg:$0x0] =	wrdreg $0x0  }
0xa8: {  	s5 =	sshll.u32 s28, $0x1;
	[dreg:$0x2] =	wrdreg s3  }
0xa9: {  	[dreg:$0x3] =	wrdreg s5  }
0xaa: {  	[dreg:$0x4] =	wrdreg $0xC0  }
0xab: {  	_ =	task [dreg:s7], $0x5FFFF  }
0xac: {  	[dreg:$0x1] =	wrdreg $0xFFFFFFFF  }
0xad: {  	[dreg:$0x0] =	wrdreg $0x60  }
0xae: {  	[dreg:$0x2] =	wrdreg s24  }
0xaf: {  	[dreg:$0x3] =	wrdreg s2  }
0xb0: {  	[dreg:$0x4] =	wrdreg $0x50000  }
0xb1: {  	[dreg:$0x5] =	wrdreg $0x9  }
0xb2: {  	_ =	task.clear_ibuf [dreg:s7], $0x6FFFF;
	_ =	strace $0x90000046  }
0xb3: {  	s29 =	simm.s32 $0x9;
	_ =	strace $0x80000048  }
0xb4: {  	_ =	swait.ge [sflag:s29], $0x1  }
0xb5: {  	[sflag:s29] =	ssyncadd.s32 $0xFFFFFFFF  }
0xb6: {  	_ =	strace $0x90000048  }
0xb7: {  	_ =	sfence  }
0xb8: {  	s30 =	sld [smem:$0x0];
	_ =	sdelay $0x2  }
0xb9: {  	s31 =	sshll.u32 s1, $0xD;
	s1 =	sshrl.u32 s1, $0x2  }
0xba: {  	s3 =	sand.u32 $0x4000, s31;
	s1 =	sadd.s32 s1, s30  }
0xbb: {  	s0 =	sor.u32 s3, s0;
	s1 =	sshll.u32 s1, $0x11  }
0xbc: {  	s0 =	sor.u32 s1, s0  }
0xbd: {  	s0 =	sadd.s32 $0x8F2B, s0  }
0xbe: {  	[sflag:s0] =	ssyncadd.remote.s32 $0x1  }
0xbf: {  	_ =	sfence.sel $0xFFFF  }
0xc0: {  	[dreg:$0x0] =	wrdreg $0xFFFFFFFF;
	(pc) =	sbr.abs _section_cstart, $3  }
0xc1: {  	[dreg:$0x1] =	wrdreg $0xFFFFFFFF  }
0xc2: {  	_ =	task.clear_ibuf [dreg:s7], $0x2FFFF;
	_ =	strace $0x9FFFFFFF  }
0xc3: {  	(tm) =	ssettm $0x7FFFFFFF  }
tec
execute0_lowered:
.L_overlay_start_1:
0x0: {  	(tag) =	ssettag $0x1  }
0x1: {  	s4 =	rddreg [dreg:$0x0]  }
0x2: {  	s5 =	rddreg [dreg:$0x1]  }
0x3: {  	s0 =	srdreg.scid;
	s2 =	rddreg [dreg:$0x2]  }
0x4: {  	s1 =	stileid.u32;
	s3 =	simm.s32 $0x0;
	s11 =	simm.s32 $0x4F80  }
0x5: {  	s12 =	simm.s32 $0x0;
	s6 =	sand.u32 $0x1, s0;
	s0 =	rddreg [dreg:$0x3]  }
0x6: {  	[smem:$0x7FF] =	sst s3;
	s10 =	smul.u32 $0xA00, s1;
	s30 =	sshll.u32 s1, $0x7  }
0x7: {  	s7 =	sshll.u32 s6, $0x4;
	s8 =	ssub.s32 $0x2, s6;
	_ =	strace $0x80000047  }
0x8: {  	s6 =	sshll.u32 s6, $0xB;
	s7 =	sor.u32 s1, s7;
	s9 =	sshrl.u32 s8, $0x1  }
0x9: {  	s31 =	sshrl.u32 s10, $0x2;
	s10 =	simm.s32 $0x50;
	s7 =	smul.u32 $0x4F0, s7  }
0xa: {  	v0 =	vlaneseq.u32;
	s29 =	ssub.s32 s8, s9;
	s8 =	sadd.s32 s5, s30;
	s5 =	sadd.s32 s31, s2  }
0xb: {  	v1 =	vimm.f32 $0.0e+00;
	v6 =	vimm.f32 $1.000000000e+00;
	v2 =	vor.u32 $0x10, v0;
	s9 =	simm.s32 $0x2780;
	s6 =	sadd.s32 s6, s8;
	s4 =	sadd.s32 s7, s4  }
0xc: {  	v3 =	vor.u32 $0x20, v0;
	v4 =	vor.u32 $0x30, v0;
	v5 =	vor.u32 $0x40, v0;
	s8 =	simm.s32 $0x1;
	s7 =	smax.u32 s29, $0x1;
	s4 =	sadd.s32 $0x2600, s4  }
.LBB2_1:
0xd: {  	[tilespmem:s3], [sflag:$0x1] =	stream.linear.gather [hbm4b:s4+s3], $0x2780, $0x38;
	[tilespmem:$0x5280] =	vst v63  }
0xe: {  	_ =	swait.ge [sflag:s8], $0x2780  }
0xf: {  	[sflag:s8] =	ssyncset.done $0x0  }
0x10: {  	s13 =	simm.s32 $0x70;
	s14 =	simm.s32 $0x3C0;
	[sflag:s8] =	ssyncadd.s32 $0xFFFFD880  }
.LBB2_2:
0x11: {  	p0 =	sne.s32 s14, $0x9FC0;
	[tilespmem:s13+$0x2780] =	vst v1  }
0x12: {  	[tilespmem:s13+$0x2710] =	vst v1  }
0x13: {  	[tilespmem:s13+$0x2720] =	vst v1  }
.Ltmp0:
0x14: {  	[tilespmem:s13+$0x2730] =	vst v1;
	(pc) =	sbr.rel @p0 .LBB2_2-.Ltmp0, $4  }
0x15: {  	[tilespmem:s13+$0x2740] =	vst v1  }
0x16: {  	[tilespmem:s13+$0x2750] =	vst v1  }
0x17: {  	[tilespmem:s13+$0x2760] =	vst v1  }
0x18: {  	[tilespmem:s13+$0x2770] =	vst v1;
	s13 =	sshra.s32 s14, $0x2;
	s14 =	sadd.s32 $0x200, s14  }
0x19: {  	[tilespmem:s13+$0x2780] =	vst v1  }
0x1a: {  	[tilespmem:s13+$0x2710] =	vst v1  }
0x1b: {  	[tilespmem:s13+$0x2720] =	vst v1  }
0x1c: {  	[tilespmem:s13+$0x2730] =	vst v1  }
0x1d: {  	[tilespmem:s13+$0x2740] =	vst v1  }
0x1e: {  	[tilespmem:s13+$0x2750] =	vst v1  }
0x1f: {  	[tilespmem:s13+$0x2760] =	vst v1  }
0x20: {  	[tilespmem:s13+$0x2770] =	vst v1  }
0x21: {  	[tilespmem:$0x4F80] =	vst v0  }
0x22: {  	[tilespmem:$0x4F90] =	vst v2  }
0x23: {  	[tilespmem:$0x4FA0] =	vst v3  }
0x24: {  	[tilespmem:$0x4FB0] =	vst v4  }
0x25: {  	[tilespmem:$0x4FC0] =	vst v5  }
0x26: {  	[spmem:s5] =	stream.linear.scatter [tilespmem:s9], [sflag:$0x1], $0x280, $0x38;
	[tilespmem:$0x5280] =	vst v63  }
0x27: {  	_ =	swait.ge [sflag:s8], $0x280  }
0x28: {  	[sflag:s8] =	ssyncset.done $0x0  }
0x29: {  	[sflag:s8] =	ssyncadd.s32 $0xFFFFFD80  }
0x2a: {  	s14 =	simm.s32 $0x0;
	s13 =	simm.s32 $0x40;
	[bflag:$0x0] =	sbarrier.arrive $0xFFFF  }
.LBB2_4:
0x2b: {  	p0 =	sne.s32 s13, $0x9C00;
	v7 =	vld [tilespmem:s14+$0x0];
	_ =	sdelay $0x3  }
.Ltmp1:
0x2c: {  	(pc) =	sbr.rel @p0 .LBB2_4-.Ltmp1, $2  }
0x2d: {  	_ =	sdelay $0x2  }
0x2e: {  	s14 =	sshra.s32 s13, $0x2;
	s13 =	sadd.s32 $0x40, s13;
	[tilespmem:v7+s9+$0x0] =	vst.idx.add.f32.msk $0xffff, v6  }
0x2f: {  	v7 =	vld [tilespmem:s14+$0x0];
	_ =	sdelay $0x7  }
0x30: {  	[tilespmem:v7+s9+$0x0] =	vst.idx.add.f32.msk $0xffff, v6  }
0x31: {  	[spmem:s2] =	stream.indirect.scatter.add.f32 [tilespmem:s9], [sflag:$0x1], $0x80, s11, s10, $0xb8;
	[tilespmem:$0x5280] =	vst v63  }
0x32: {  	_ =	swait.ge [sflag:s8], $0x2800  }
0x33: {  	[sflag:s8] =	ssyncset.done $0x0  }
0x34: {  	[sflag:s8] =	ssyncadd.s32 $0xFFFFD800  }
0x35: {  	[bflag:$0x0] =	sbarrier.arrive $0xFFFF  }
0x36: {  	[tilespmem:s9], [sflag:$0x1] =	stream.linear.gather [spmem:s5], $0x280, $0x38;
	[tilespmem:$0x5280] =	vst v63  }
0x37: {  	s12 =	sadd.s32 $0x1, s12;
	_ =	swait.ge [sflag:s8], $0x280  }
0x38: {  	p0 =	sne.s32 s12, s7;
	[sflag:s8] =	ssyncset.done $0x0  }
.Ltmp2:
0x39: {  	[sflag:s8] =	ssyncadd.s32 $0xFFFFFD80;
	(pc) =	sbr.rel @p0 .LBB2_1-.Ltmp2, $4  }
0x3a: {  	[hbm4b:s6+s3] =	stream.linear.scatter [tilespmem:s9], [sflag:$0x1], $0x280, $0x38;
	[tilespmem:$0x5280] =	vst v63  }
0x3b: {  	_ =	swait.ge [sflag:s8], $0x280  }
0x3c: {  	[sflag:s8] =	ssyncset.done $0x0  }
0x3d: {  	[sflag:s8] =	ssyncadd.s32 $0xFFFFFD80  }
0x3e: {  	_ =	sfence.sel $0x180000  }
0x3f: {  	[bflag:$0x0] =	sbarrier.arrive $0xFFFF  }
0x40: {  	p0 =	sne.s32 s1, $0x0;
	_ =	strace $0x90000047  }
0x41: {  	s0 =	sadd.s32 @!p0 $0x100000, s0;
	[bflag:$0x2] =	sbarrier.arrive $0xFFFF  }
0x42: {  	[sflag:s0] =	ssyncadd.tile.s32 @!p0 $0x1;
	_ =	shalt  }
.Lfunc_end2:
_tile_overlayer_lowered:
.L_overlay_start_2:
0x43: {  	(tag) =	ssettag $0x2  }
0x44: {  	s0 =	rddreg [dreg:$0x0];
	s2 =	stileid.u32  }
0x45: {  	s1 =	rddreg [dreg:$0x1];
	p0 =	sne.s32 s2, $0x0  }
0x46: {  	s3 =	rddreg [dreg:$0x2];
	[bflag:$0x3] =	sbarrier.arrive $0xFFFF;
	s2 =	simm.s32 @!p0 $0x1C01  }
0x47: {  	[timem:s3], [sflag:s2] =	dma.local @!p0 [hbm:s0], s1  }
0x48: {  	s0 =	simm.s32 @!p0 $0x1  }
0x49: {  	_ =	swait.ge @!p0 [sflag:s0], s1  }
0x4a: {  	s1 =	ssub.s32 @!p0 $0x0, s1;
	[sflag:s0] =	ssyncset.done @!p0 $0x0  }
0x4b: {  	[sflag:s0] =	ssyncadd.s32 @!p0 s1  }
0x4c: {  	[bflag:$0x3] =	sbarrier.arrive $0xFFFF  }
0x4d: {  	_ =	shalt  }

</sc_bundles>
